<compile_context>
chip_gen: v7x
topology: tpu7x:2x2x1
jax: 0.10.2.dev20260603
libtpu: 0.0.44.dev20260713+nightly
codegen_flags: <defaults>
</compile_context>

<pallas_src>
import jax
import jax.numpy as jnp
from jax import lax
from jax.experimental import pallas as pl
from jax.experimental.pallas import tpu as pltpu
from jax.experimental.pallas import tpu_sc as plsc

N = 512
M = 64
K = 5
B = 16384
EPS = 1e-10

NC, NS, L = 2, 16, 16
NW = NC * NS
BPW = B // NW
P = 16
NGRP = BPW // P
NCHUNK = N // L


_HBLK = 2048


def _hbar_body(x_ref, dt_ref, o_ref, dnt_ref, g_ref):
    i = pl.program_id(0)
    Dt = dt_ref[...]
    nrm = jnp.sqrt(jnp.sum(Dt * Dt, axis=1, keepdims=True))
    Dnt = Dt / jnp.maximum(nrm, EPS)
    o_ref[...] = lax.dot_general(
        x_ref[...], Dnt, (((1,), (1,)), ((), ())),
        preferred_element_type=jnp.float32)

    @pl.when(i == 0)
    def _():
        dnt_ref[...] = Dnt
        g_ref[...] = lax.dot_general(
            Dnt, Dnt, (((1,), (1,)), ((), ())),
            preferred_element_type=jnp.float32)


def _hbar(xT, Dt):
    return pl.pallas_call(
        _hbar_body,
        grid=(B // _HBLK,),
        in_specs=[pl.BlockSpec((_HBLK, M), lambda i: (i, 0)),
                  pl.BlockSpec((N, M), lambda i: (0, 0))],
        out_specs=(pl.BlockSpec((_HBLK, N), lambda i: (i, 0)),
                   pl.BlockSpec((N, M), lambda i: (0, 0)),
                   pl.BlockSpec((N, N), lambda i: (0, 0))),
        out_shape=(jax.ShapeDtypeStruct((B, N), jnp.float32),
                   jax.ShapeDtypeStruct((N, M), jnp.float32),
                   jax.ShapeDtypeStruct((N, N), jnp.float32)),
    )(xT, Dt)


def _omp_body(g_hbm, hbar_hbm, sup_hbm, cf_hbm,
              hb_v, grows_v, sel_o, gam_o, sem_h, sem_g):
    cid = lax.axis_index("c")
    sid = lax.axis_index("s")
    wid = sid * NC + cid
    base0 = wid * BPW

    iota = lax.iota(jnp.int32, L)
    ones_f = jnp.ones((L,), jnp.float32)

    pltpu.async_copy(hbar_hbm.at[pl.ds(base0, P)], hb_v.at[0], sem_h)

    def group_body(grp, _):
        buf = grp % 2
        pltpu.make_async_copy(
            hbar_hbm.at[pl.ds(base0, P)], hb_v.at[buf], sem_h).wait()

        @pl.when(grp + 1 < NGRP)
        def _():
            pltpu.async_copy(hbar_hbm.at[pl.ds(base0 + (grp + 1) * P, P)],
                             hb_v.at[1 - buf], sem_h)

        hsels = []
        Lrows = []
        dvals = []
        gammas = []

        for k in range(1, K + 1):
            def px_body(p, idx_acc, k=k, grp=grp):
                gb = [plsc.load_gather(
                        gam_o, [jnp.full((L,), j, jnp.int32),
                                jnp.full((L,), grp * P + p, jnp.int32)])
                      for j in range(k - 1)]

                def chunk(c, car, k=k, gb=gb, p=p):
                    maxv, argc = car
                    for u in range(8):
                        cc = c * 8 + u
                        off = cc * L
                        hb = hb_v[buf, p, pl.ds(off, L)]
                        if k > 1:
                            beta = gb[0] * grows_v[0, p, pl.ds(off, L)]
                            for j in range(1, k - 1):
                                beta = beta + gb[j] * grows_v[j, p, pl.ds(off, L)]
                            a = jnp.abs(hb - beta)
                        else:
                            a = jnp.abs(hb)
                        pred = a > maxv
                        maxv = jnp.where(pred, a, maxv)
                        argc = jnp.where(pred, cc, argc)
                    return (maxv, argc)

                maxv, argc = lax.fori_loop(
                    0, NCHUNK // 8, chunk,
                    (jnp.full((L,), -1.0, jnp.float32),
                     jnp.zeros((L,), jnp.int32)))
                m = jnp.max(maxv)
                cand = jnp.where(maxv == m, argc * L + iota, N)
                idx_p = jnp.min(cand)
                if k < K:
                    pltpu.async_copy(g_hbm.at[idx_p], grows_v.at[k - 1, p], sem_g)
                return jnp.where(iota == p, idx_p, idx_acc)

            idx_vec = plsc.parallel_loop(
                0, P, unroll=2, carry=jnp.zeros((L,), jnp.int32))(px_body)

            hsels.append(plsc.load_gather(
                hb_v, [jnp.full((L,), buf, jnp.int32), iota, idx_vec]))
            sel_o[k - 1, pl.ds(grp * P, P)] = idx_vec

            if k == 1:
                Lrows = [[ones_f]]
                dvals = [ones_f]
                gammas = [hsels[0]]
            else:
                g = [plsc.load_gather(
                        grows_v, [jnp.full((L,), j, jnp.int32), iota, idx_vec])
                     for j in range(k - 1)]
                lnew = []
                for j in range(k - 1):
                    s = g[j]
                    for t in range(j):
                        s = s - lnew[t] * dvals[t] * Lrows[j][t]
                    lnew.append(s / dvals[j])
                ssq = lnew[0] * lnew[0] * dvals[0]
                for j in range(1, k - 1):
                    ssq = ssq + lnew[j] * lnew[j] * dvals[j]
                dnew = jnp.maximum(1.0 - ssq, 1e-12)
                lnew.append(ones_f)
                Lrows.append(lnew)
                dvals.append(dnew)
                y = []
                for i in range(k):
                    s = hsels[i]
                    for t in range(i):
                        s = s - Lrows[i][t] * y[t]
                    y.append(s)
                z = [y[i] / dvals[i] for i in range(k)]
                gam = [None] * k
                for i in range(k - 1, -1, -1):
                    s = z[i]
                    for t in range(i + 1, k):
                        s = s - Lrows[t][i] * gam[t]
                    gam[i] = s
                gammas = gam
            for j in range(k):
                gam_o[j, pl.ds(grp * P, P)] = gammas[j]

            if k < K:
                pltpu.make_async_copy(
                    g_hbm.at[pl.ds(0, P)], grows_v.at[k - 1], sem_g).wait()
        return 0

    lax.fori_loop(0, NGRP, group_body, 0)
    pltpu.async_copy(sel_o, sup_hbm.at[wid], sem_h).wait()
    pltpu.async_copy(gam_o, cf_hbm.at[wid], sem_h).wait()


def _omp(G, hbar):
    mesh = plsc.VectorSubcoreMesh(
        core_axis_name="c", subcore_axis_name="s",
        num_cores=NC, num_subcores=NS)
    f = pl.kernel(
        _omp_body,
        out_type=(jax.ShapeDtypeStruct((NW, K, BPW), jnp.int32),
                  jax.ShapeDtypeStruct((NW, K, BPW), jnp.float32)),
        mesh=mesh,
        compiler_params=pltpu.CompilerParams(needs_layout_passes=False),
        scratch_types=[
            pltpu.VMEM((2, P, N), jnp.float32),
            pltpu.VMEM((K, P, N), jnp.float32),
            pltpu.VMEM((K, BPW), jnp.int32),
            pltpu.VMEM((K, BPW), jnp.float32),
            pltpu.SemaphoreType.DMA,
            pltpu.SemaphoreType.DMA,
        ],
    )
    return f(G, hbar)


_RBLK = 2048


def _recon_body(x_ref, dnt_ref, sup_ref, cf_ref, o_ref, loss_ref):
    i = pl.program_id(0)
    x = x_ref[...]
    sv = jnp.zeros((_RBLK, N), jnp.float32)
    col = lax.broadcasted_iota(jnp.int32, (_RBLK, N), 1)
    for j in range(K):
        sup_j = sup_ref[j, 0, :][:, None]
        cf_j = cf_ref[j, 0, :][:, None]
        sv = sv + jnp.where(col == sup_j, cf_j, 0.0)
    recon = lax.dot_general(
        sv, dnt_ref[...], (((1,), (0,)), ((), ())),
        preferred_element_type=jnp.float32)
    err = recon - x
    o_ref[...] = x + err

    @pl.when(i == 0)
    def _():
        loss_ref[...] = jnp.zeros((1, 1), jnp.float32)
    loss_ref[...] += jnp.full((1, 1), jnp.sum(err * err), jnp.float32)

    @pl.when(i == B // _RBLK - 1)
    def _():
        dl = loss_ref[...] / (B * M)
        loss_ref[...] = dl + 0.25 * dl


def _recon(xT, Dnt, supT, cfT):
    return pl.pallas_call(
        _recon_body,
        grid=(B // _RBLK,),
        in_specs=[pl.BlockSpec((_RBLK, M), lambda i: (i, 0)),
                  pl.BlockSpec((N, M), lambda i: (0, 0)),
                  pl.BlockSpec((K, 1, _RBLK), lambda i: (0, 0, i)),
                  pl.BlockSpec((K, 1, _RBLK), lambda i: (0, 0, i))],
        out_specs=(pl.BlockSpec((_RBLK, M), lambda i: (i, 0)),
                   pl.BlockSpec((1, 1), lambda i: (0, 0))),
        out_shape=(jax.ShapeDtypeStruct((B, M), jnp.float32),
                   jax.ShapeDtypeStruct((1, 1), jnp.float32)),
    )(xT, Dnt, supT.reshape(K, 1, B), cfT.reshape(K, 1, B))


@jax.jit
def kernel(z_e, dictionary):
    Bz, C, H, W = z_e.shape
    xT = jnp.transpose(z_e, (0, 2, 3, 1)).reshape(-1, C)
    hbar, Dnt, G = _hbar(xT, dictionary.T)
    sup_w, cf_w = _omp(G, hbar)
    supT = jnp.transpose(sup_w, (1, 0, 2)).reshape(K, B)
    cfT = jnp.transpose(cf_w, (1, 0, 2)).reshape(K, B)
    out_flat, loss11 = _recon(xT, Dnt, supT, cfT)
    z_dl_ste = jnp.transpose(out_flat.reshape(Bz, H, W, C), (0, 3, 1, 2))
    loss = loss11[0, 0]
    support = supT.T.reshape(Bz, H, W, K)
    coeffs = cfT.T.reshape(Bz, H, W, K)
    return (z_dl_ste, loss, support, coeffs)

# --- scband reference (transcript-rebuilt; emitter-appended) ---
"""Pipeline reference for scband-dictionary-learning-10617159156151 (READ-ONLY COPY).

The authoritative reference and input builder live on the scoring server;
editing this copy changes nothing except your own understanding.
"""

import jax, jax.numpy as jnp
import numpy as np

NUM_EMBEDDINGS = 512
EMBEDDING_DIM = 64
SPARSITY = 5
COMMIT = 0.25
EPS = 1e-10


def setup_inputs(seed: int = 0) -> dict:
    key = jax.random.key(seed)
    k1, k2 = jax.random.split(key)
    z_e = jax.random.normal(k1, (16, 64, 32, 32), dtype=jnp.float32)
    dictionary = jax.random.normal(k2, (EMBEDDING_DIM, NUM_EMBEDDINGS), dtype=jnp.float32)
    return {"z_e": z_e, "dictionary": dictionary}


def _normalize_cols(D):
    norm = jnp.linalg.norm(D, axis=0, keepdims=True)
    return D / jnp.maximum(norm, EPS)


def batch_omp(X, D):
    # X: [M, B] signals, D: [M, N] dictionary with L2-normalized columns
    G = D.T @ D                       # [N, N]
    h_bar = (D.T @ X).T               # [B, N]
    h = h_bar
    Bn = h_bar.shape[0]
    L = jnp.ones((Bn, 1, 1), dtype=X.dtype)
    I = jnp.zeros((Bn, 0), dtype=jnp.int32)
    mask = jnp.ones_like(h_bar, dtype=bool)
    gamma = jnp.zeros_like(h_bar)
    batch_idx = jnp.arange(Bn)
    for k in range(1, SPARSITY + 1):
        idx = jnp.argmax(jnp.abs(h) * mask.astype(h.dtype), axis=1)
        mask = mask.at[batch_idx, idx].set(False)
        if k > 1:
            G_col = G[I, idx[:, None]].reshape(Bn, k - 1, 1)
            w = jax.scipy.linalg.solve_triangular(L, G_col, lower=True).reshape(Bn, 1, k - 1)
            w_corner = jnp.sqrt(jnp.clip(1.0 - jnp.sum(w ** 2, axis=2, keepdims=True), 1e-12, None))
            zeros = jnp.zeros((Bn, k - 1, 1), dtype=X.dtype)
            top = jnp.concatenate([L, zeros], axis=2)
            bot = jnp.concatenate([w, w_corner], axis=2)
            L = jnp.concatenate([top, bot], axis=1)
        I = jnp.concatenate([I, idx[:, None].astype(jnp.int32)], axis=1)
        h_stack = jnp.take_along_axis(h_bar, I, axis=1)[:, :, None]
        # cholesky_solve: L L^T gamma = h_stack
        y = jax.scipy.linalg.solve_triangular(L, h_stack, lower=True)
        gamma_stack = jax.scipy.linalg.solve_triangular(L, y, lower=True, trans=1)
        gamma = gamma.at[batch_idx[:, None], I].set(gamma_stack[..., 0])
        gamma_sel = jnp.take_along_axis(gamma, I, axis=1)   # [B, k]
        G_sel = G[I]                                        # [B, k, N]
        beta = jnp.einsum('bk,bkn->bn', gamma_sel, G_sel)
        h = h_bar - beta
    coeffs = jnp.take_along_axis(gamma, I, axis=1)
    return I, coeffs


def reference(z_e, dictionary):
    B, C, H, W = z_e.shape
    signals = jnp.transpose(z_e, (0, 2, 3, 1)).reshape(-1, C).T   # [C, B*H*W]
    D = _normalize_cols(dictionary)
    support, coeffs = batch_omp(signals, D)
    support = jax.lax.stop_gradient(support)
    coeffs = jax.lax.stop_gradient(coeffs)
    atoms = D.T[support]                                   # [B*H*W, K, C]
    recon = jnp.sum(atoms * coeffs[..., None], axis=-2)    # [B*H*W, C]
    z_dl = jnp.transpose(recon.reshape(B, H, W, C), (0, 3, 1, 2))
    dl_latent_loss = jnp.mean((z_dl - jax.lax.stop_gradient(z_e)) ** 2)
    e_latent_loss = jnp.mean((jax.lax.stop_gradient(z_dl) - z_e) ** 2)
    loss = dl_latent_loss + COMMIT * e_latent_loss
    z_dl_ste = z_e + jax.lax.stop_gradient(z_dl - z_e)
    K = SPARSITY
    return (z_dl_ste, loss, support.reshape(B, H, W, K), coeffs.reshape(B, H, W, K))

if __name__ == "__main__":
    import jax
    _d = setup_inputs()
    print(jax.jit(kernel)(*tuple(_d.values())))

</pallas_src>

<mosaic_0001>
#map = affine_map<(d0, d1) -> (0, 0)>
#map1 = affine_map<(d0, d1) -> (0, 0, 0)>
module attributes {stable_mosaic.version = 14 : i64} {
  func.func @_omp_body(%arg0: i32, %arg1: i32, %arg2: memref<512x512xf32, #tpu.memory_space<hbm>>, %arg3: memref<16384x512xf32, #tpu.memory_space<hbm>>, %arg4: memref<32x5x512xi32, #tpu.memory_space<hbm>>, %arg5: memref<32x5x512xf32, #tpu.memory_space<hbm>>, %arg6: memref<2x16x512xf32, #tpu.memory_space<vmem>>, %arg7: memref<5x16x512xf32, #tpu.memory_space<vmem>>, %arg8: memref<5x512xi32, #tpu.memory_space<vmem>>, %arg9: memref<5x512xf32, #tpu.memory_space<vmem>>, %arg10: memref<!tpu.dma_semaphore, #tpu.memory_space<semaphore_mem>>, %arg11: memref<!tpu.dma_semaphore, #tpu.memory_space<semaphore_mem>>) attributes {dimension_semantics = [#tpu.dimension_semantics<core_parallel>, #tpu.dimension_semantics<subcore_parallel>], iteration_bounds = array<i64: 2, 16>, scalar_prefetch = 0 : i64, scratch_operands = 6 : i64, tpu.core_type = #tpu.core_type<sc_vector_subcore>, window_params = [{transform_indices = #map}, {transform_indices = #map}, {transform_indices = #map1}, {transform_indices = #map1}]} {
    %mul3A = arith.constant 2 : i32
    %mul3A_0 = arith.muli %arg1, %mul3A : i32
    %add3A = arith.addi %mul3A_0, %arg0 : i32
    %mul3A_1 = arith.constant 512 : i32
    %mul3A_2 = arith.muli %add3A, %mul3A_1 : i32
    %iota3A = tpu.iota {dimensions = array<i32: 0>} : vector<16xi32>
    %broadcast_in_dim3A = arith.constant 1.000000e+00 : f32
    %broadcast_in_dim3A_3 = vector.broadcast %broadcast_in_dim3A : f32 to vector<16xf32>
    %dma_start3A = arith.constant 0 : i32
    %dma_start3A_4 = arith.constant 0 : i32
    %dma_start3A_5 = arith.constant 0 : i32
    %dma_start3A_6 = tpu.memref_slice %arg6[%dma_start3A, %dma_start3A_4, %dma_start3A_5] : memref<2x16x512xf32, #tpu.memory_space<vmem>> -> memref<1x16x512xf32, #tpu.memory_space<vmem>>
    %dma_start3A_7 = tpu.memref_squeeze %dma_start3A_6 : memref<1x16x512xf32, #tpu.memory_space<vmem>> -> memref<16x512xf32, #tpu.memory_space<vmem>>
    %dma_start3A_8 = arith.constant 0 : i32
    %dma_start3A_9 = tpu.memref_slice %arg3[%mul3A_2, %dma_start3A_8] : memref<16384x512xf32, #tpu.memory_space<hbm>> -> memref<16x512xf32, #tpu.memory_space<hbm>>
    %dma_start3A_10 = arith.constant 0 : i32
    %dma_start3A_11 = arith.constant 0 : i32
    %dma_start3A_12 = tpu.memref_slice %arg6[%dma_start3A, %dma_start3A_10, %dma_start3A_11] : memref<2x16x512xf32, #tpu.memory_space<vmem>> -> memref<1x16x512xf32, #tpu.memory_space<vmem>>
    %dma_start3A_13 = tpu.memref_squeeze %dma_start3A_12 : memref<1x16x512xf32, #tpu.memory_space<vmem>> -> memref<16x512xf32, #tpu.memory_space<vmem>>
    %dma_start3A_14 = arith.constant 0 : i32
    %dma_start3A_15 = tpu.memref_slice %arg3[%mul3A_2, %dma_start3A_14] : memref<16384x512xf32, #tpu.memory_space<hbm>> -> memref<16x512xf32, #tpu.memory_space<hbm>>
    tpu.enqueue_dma source(%dma_start3A_15 : memref<16x512xf32, #tpu.memory_space<hbm>>) target(%dma_start3A_13 : memref<16x512xf32, #tpu.memory_space<vmem>>) target_semaphore(%arg10 : memref<!tpu.dma_semaphore, #tpu.memory_space<semaphore_mem>>)
    %scan3A = arith.constant 0 : i32
    %scan3A_16 = arith.constant 0 : i32
    %scan3A_17 = arith.constant 32 : i32
    %scan3A_18 = arith.addi %scan3A_16, %scan3A_17 : i32
    %scan3A_19 = arith.constant 1 : i32
    %scan3A_20 = scf.for %scan3A_53 = %scan3A_16 to %scan3A_18 step %scan3A_19 iter_args(%scan3A_54 = %scan3A) -> (i32)  : i32 {
      %jit3A = arith.constant 2 : i32
      %eq3A = arith.constant 0 : i32
      %eq3A_55 = arith.cmpi eq, %jit3A, %eq3A : i32
      %jit3A_56 = arith.constant 1 : i32
      %select_n3A = arith.select %eq3A_55, %jit3A_56, %jit3A : i32
      %rem3A = arith.remsi %scan3A_53, %select_n3A : i32
      %ne3A = arith.constant 0 : i32
      %ne3A_57 = arith.cmpi ne, %rem3A, %ne3A : i32
      %lt3A = arith.constant 0 : i32
      %lt3A_58 = arith.cmpi slt, %rem3A, %lt3A : i32
      %lt3A_59 = arith.constant 0 : i32
      %lt3A_60 = arith.cmpi slt, %select_n3A, %lt3A_59 : i32
      %ne3A_61 = arith.xori %lt3A_58, %lt3A_60 : i1
      %and3A = arith.andi %ne3A_61, %ne3A_57 : i1
      %add3A_62 = arith.addi %rem3A, %select_n3A : i32
      %select_n3A_63 = arith.select %and3A, %add3A_62, %rem3A : i32
      %dma_wait3A_64 = arith.constant 0 : i32
      %dma_wait3A_65 = arith.constant 0 : i32
      %dma_wait3A_66 = tpu.memref_slice %arg6[%select_n3A_63, %dma_wait3A_64, %dma_wait3A_65] : memref<2x16x512xf32, #tpu.memory_space<vmem>> -> memref<1x16x512xf32, #tpu.memory_space<vmem>>
      %dma_wait3A_67 = tpu.memref_squeeze %dma_wait3A_66 : memref<1x16x512xf32, #tpu.memory_space<vmem>> -> memref<16x512xf32, #tpu.memory_space<vmem>>
      %dma_wait3A_68 = arith.constant 0 : i32
      %dma_wait3A_69 = tpu.memref_slice %arg3[%mul3A_2, %dma_wait3A_68] : memref<16384x512xf32, #tpu.memory_space<hbm>> -> memref<16x512xf32, #tpu.memory_space<hbm>>
      %dma_wait3A_70 = arith.constant 0 : i32
      %dma_wait3A_71 = arith.constant 0 : i32
      %dma_wait3A_72 = tpu.memref_slice %arg6[%select_n3A_63, %dma_wait3A_70, %dma_wait3A_71] : memref<2x16x512xf32, #tpu.memory_space<vmem>> -> memref<1x16x512xf32, #tpu.memory_space<vmem>>
      %dma_wait3A_73 = tpu.memref_squeeze %dma_wait3A_72 : memref<1x16x512xf32, #tpu.memory_space<vmem>> -> memref<16x512xf32, #tpu.memory_space<vmem>>
      %dma_wait3A_74 = arith.constant 0 : i32
      %dma_wait3A_75 = tpu.memref_slice %arg3[%mul3A_2, %dma_wait3A_74] : memref<16384x512xf32, #tpu.memory_space<hbm>> -> memref<16x512xf32, #tpu.memory_space<hbm>>
      tpu.wait_dma2 semaphore(%arg10 : memref<!tpu.dma_semaphore, #tpu.memory_space<semaphore_mem>>) src(%dma_wait3A_75 : memref<16x512xf32, #tpu.memory_space<hbm>>) dst(%dma_wait3A_73 : memref<16x512xf32, #tpu.memory_space<vmem>>)
      %add3A_76 = arith.constant 1 : i32
      %add3A_77 = arith.addi %scan3A_53, %add3A_76 : i32
      %lt3A_78 = arith.constant 32 : i32
      %lt3A_79 = arith.cmpi slt, %add3A_77, %lt3A_78 : i32
      %convert_element_type3A = arith.extui %lt3A_79 : i1 to i32
      %cond3A = arith.constant 0 : i32
      %cond3A_80 = arith.cmpi ne, %convert_element_type3A, %cond3A : i32
      scf.if %cond3A_80 {
        %add3A_510 = arith.constant 1 : i32
        %add3A_511 = arith.addi %scan3A_53, %add3A_510 : i32
        %mul3A_512 = arith.constant 16 : i32
        %mul3A_513 = arith.muli %add3A_511, %mul3A_512 : i32
        %add3A_514 = arith.addi %mul3A_2, %mul3A_513 : i32
        %sub3A_515 = arith.constant 1 : i32
        %sub3A_516 = arith.subi %sub3A_515, %select_n3A_63 : i32
        %dma_start3A_517 = arith.constant 0 : i32
        %dma_start3A_518 = arith.constant 0 : i32
        %dma_start3A_519 = tpu.memref_slice %arg6[%sub3A_516, %dma_start3A_517, %dma_start3A_518] : memref<2x16x512xf32, #tpu.memory_space<vmem>> -> memref<1x16x512xf32, #tpu.memory_space<vmem>>
        %dma_start3A_520 = tpu.memref_squeeze %dma_start3A_519 : memref<1x16x512xf32, #tpu.memory_space<vmem>> -> memref<16x512xf32, #tpu.memory_space<vmem>>
        %dma_start3A_521 = arith.constant 0 : i32
        %dma_start3A_522 = tpu.memref_slice %arg3[%add3A_514, %dma_start3A_521] : memref<16384x512xf32, #tpu.memory_space<hbm>> -> memref<16x512xf32, #tpu.memory_space<hbm>>
        %dma_start3A_523 = arith.constant 0 : i32
        %dma_start3A_524 = arith.constant 0 : i32
        %dma_start3A_525 = tpu.memref_slice %arg6[%sub3A_516, %dma_start3A_523, %dma_start3A_524] : memref<2x16x512xf32, #tpu.memory_space<vmem>> -> memref<1x16x512xf32, #tpu.memory_space<vmem>>
        %dma_start3A_526 = tpu.memref_squeeze %dma_start3A_525 : memref<1x16x512xf32, #tpu.memory_space<vmem>> -> memref<16x512xf32, #tpu.memory_space<vmem>>
        %dma_start3A_527 = arith.constant 0 : i32
        %dma_start3A_528 = tpu.memref_slice %arg3[%add3A_514, %dma_start3A_527] : memref<16384x512xf32, #tpu.memory_space<hbm>> -> memref<16x512xf32, #tpu.memory_space<hbm>>
        tpu.enqueue_dma source(%dma_start3A_528 : memref<16x512xf32, #tpu.memory_space<hbm>>) target(%dma_start3A_526 : memref<16x512xf32, #tpu.memory_space<vmem>>) target_semaphore(%arg10 : memref<!tpu.dma_semaphore, #tpu.memory_space<semaphore_mem>>)
      } else {
      }
      %broadcast_in_dim3A_81 = arith.constant 0 : i32
      %broadcast_in_dim3A_82 = vector.broadcast %broadcast_in_dim3A_81 : i32 to vector<16xi32>
      %parallel_loop3A = arith.constant 0 : i32
      %parallel_loop3A_83 = arith.constant 16 : i32
      %parallel_loop3A_84 = arith.constant 1 : i32
      %parallel_loop3A_85 = scf.for %parallel_loop3A_510 = %parallel_loop3A to %parallel_loop3A_83 step %parallel_loop3A_84 iter_args(%parallel_loop3A_511 = %broadcast_in_dim3A_82) -> (vector<16xi32>)  : i32 {
        %parallel_loop3A_512 = arith.constant -1.000000e+00 : f32
        %parallel_loop3A_513 = vector.broadcast %parallel_loop3A_512 : f32 to vector<16xf32>
        %parallel_loop3A_514 = arith.constant 0 : i32
        %parallel_loop3A_515 = vector.broadcast %parallel_loop3A_514 : i32 to vector<16xi32>
        %parallel_loop3A_516 = arith.constant 0 : i32
        %parallel_loop3A_517 = arith.constant 4 : i32
        %parallel_loop3A_518 = arith.addi %parallel_loop3A_516, %parallel_loop3A_517 : i32
        %parallel_loop3A_519 = arith.constant 1 : i32
        %parallel_loop3A_520:2 = scf.for %scan3A_560 = %parallel_loop3A_516 to %parallel_loop3A_518 step %parallel_loop3A_519 iter_args(%scan3A_561 = %parallel_loop3A_513, %scan3A_562 = %parallel_loop3A_515) -> (vector<16xf32>, vector<16xi32>)  : i32 {
          %parallel_loop3A_563 = arith.constant 8 : i32
          %parallel_loop3A_564 = arith.muli %scan3A_560, %parallel_loop3A_563 : i32
          %parallel_loop3A_565 = arith.constant 0 : i32
          %parallel_loop3A_566 = arith.addi %parallel_loop3A_564, %parallel_loop3A_565 : i32
          %parallel_loop3A_567 = arith.constant 16 : i32
          %parallel_loop3A_568 = arith.muli %parallel_loop3A_566, %parallel_loop3A_567 : i32
          %parallel_loop3A_569 = arith.index_cast %select_n3A_63 : i32 to index
          %parallel_loop3A_570 = arith.index_cast %parallel_loop3A_510 : i32 to index
          %parallel_loop3A_571 = arith.index_cast %parallel_loop3A_568 : i32 to index
          %parallel_loop3A_572 = tpu.vector_load %arg6[%parallel_loop3A_569, %parallel_loop3A_570, %parallel_loop3A_571] {strides = array<i32>} : memref<2x16x512xf32, #tpu.memory_space<vmem>>, vector<16xf32>,
          %parallel_loop3A_573 = math.absf %parallel_loop3A_572 : vector<16xf32>
          %parallel_loop3A_574 = arith.cmpf ogt, %parallel_loop3A_573, %scan3A_561 : vector<16xf32>
          %parallel_loop3A_575 = arith.select %parallel_loop3A_574, %parallel_loop3A_573, %scan3A_561 : vector<16xi1>, vector<16xf32>
          %parallel_loop3A_576 = vector.broadcast %parallel_loop3A_566 : i32 to vector<16xi32>
          %parallel_loop3A_577 = arith.select %parallel_loop3A_574, %parallel_loop3A_576, %scan3A_562 : vector<16xi1>, vector<16xi32>
          %parallel_loop3A_578 = arith.constant 8 : i32
          %parallel_loop3A_579 = arith.muli %scan3A_560, %parallel_loop3A_578 : i32
          %parallel_loop3A_580 = arith.constant 1 : i32
          %parallel_loop3A_581 = arith.addi %parallel_loop3A_579, %parallel_loop3A_580 : i32
          %parallel_loop3A_582 = arith.constant 16 : i32
          %parallel_loop3A_583 = arith.muli %parallel_loop3A_581, %parallel_loop3A_582 : i32
          %parallel_loop3A_584 = arith.index_cast %select_n3A_63 : i32 to index
          %parallel_loop3A_585 = arith.index_cast %parallel_loop3A_510 : i32 to index
          %parallel_loop3A_586 = arith.index_cast %parallel_loop3A_583 : i32 to index
          %parallel_loop3A_587 = tpu.vector_load %arg6[%parallel_loop3A_584, %parallel_loop3A_585, %parallel_loop3A_586] {strides = array<i32>} : memref<2x16x512xf32, #tpu.memory_space<vmem>>, vector<16xf32>,
          %parallel_loop3A_588 = math.absf %parallel_loop3A_587 : vector<16xf32>
          %parallel_loop3A_589 = arith.cmpf ogt, %parallel_loop3A_588, %parallel_loop3A_575 : vector<16xf32>
          %parallel_loop3A_590 = arith.select %parallel_loop3A_589, %parallel_loop3A_588, %parallel_loop3A_575 : vector<16xi1>, vector<16xf32>
          %parallel_loop3A_591 = vector.broadcast %parallel_loop3A_581 : i32 to vector<16xi32>
          %parallel_loop3A_592 = arith.select %parallel_loop3A_589, %parallel_loop3A_591, %parallel_loop3A_577 : vector<16xi1>, vector<16xi32>
          %parallel_loop3A_593 = arith.constant 8 : i32
          %parallel_loop3A_594 = arith.muli %scan3A_560, %parallel_loop3A_593 : i32
          %parallel_loop3A_595 = arith.constant 2 : i32
          %parallel_loop3A_596 = arith.addi %parallel_loop3A_594, %parallel_loop3A_595 : i32
          %parallel_loop3A_597 = arith.constant 16 : i32
          %parallel_loop3A_598 = arith.muli %parallel_loop3A_596, %parallel_loop3A_597 : i32
          %parallel_loop3A_599 = arith.index_cast %select_n3A_63 : i32 to index
          %parallel_loop3A_600 = arith.index_cast %parallel_loop3A_510 : i32 to index
          %parallel_loop3A_601 = arith.index_cast %parallel_loop3A_598 : i32 to index
          %parallel_loop3A_602 = tpu.vector_load %arg6[%parallel_loop3A_599, %parallel_loop3A_600, %parallel_loop3A_601] {strides = array<i32>} : memref<2x16x512xf32, #tpu.memory_space<vmem>>, vector<16xf32>,
          %parallel_loop3A_603 = math.absf %parallel_loop3A_602 : vector<16xf32>
          %parallel_loop3A_604 = arith.cmpf ogt, %parallel_loop3A_603, %parallel_loop3A_590 : vector<16xf32>
          %parallel_loop3A_605 = arith.select %parallel_loop3A_604, %parallel_loop3A_603, %parallel_loop3A_590 : vector<16xi1>, vector<16xf32>
          %parallel_loop3A_606 = vector.broadcast %parallel_loop3A_596 : i32 to vector<16xi32>
          %parallel_loop3A_607 = arith.select %parallel_loop3A_604, %parallel_loop3A_606, %parallel_loop3A_592 : vector<16xi1>, vector<16xi32>
          %parallel_loop3A_608 = arith.constant 8 : i32
          %parallel_loop3A_609 = arith.muli %scan3A_560, %parallel_loop3A_608 : i32
          %parallel_loop3A_610 = arith.constant 3 : i32
          %parallel_loop3A_611 = arith.addi %parallel_loop3A_609, %parallel_loop3A_610 : i32
          %parallel_loop3A_612 = arith.constant 16 : i32
          %parallel_loop3A_613 = arith.muli %parallel_loop3A_611, %parallel_loop3A_612 : i32
          %parallel_loop3A_614 = arith.index_cast %select_n3A_63 : i32 to index
          %parallel_loop3A_615 = arith.index_cast %parallel_loop3A_510 : i32 to index
          %parallel_loop3A_616 = arith.index_cast %parallel_loop3A_613 : i32 to index
          %parallel_loop3A_617 = tpu.vector_load %arg6[%parallel_loop3A_614, %parallel_loop3A_615, %parallel_loop3A_616] {strides = array<i32>} : memref<2x16x512xf32, #tpu.memory_space<vmem>>, vector<16xf32>,
          %parallel_loop3A_618 = math.absf %parallel_loop3A_617 : vector<16xf32>
          %parallel_loop3A_619 = arith.cmpf ogt, %parallel_loop3A_618, %parallel_loop3A_605 : vector<16xf32>
          %parallel_loop3A_620 = arith.select %parallel_loop3A_619, %parallel_loop3A_618, %parallel_loop3A_605 : vector<16xi1>, vector<16xf32>
          %parallel_loop3A_621 = vector.broadcast %parallel_loop3A_611 : i32 to vector<16xi32>
          %parallel_loop3A_622 = arith.select %parallel_loop3A_619, %parallel_loop3A_621, %parallel_loop3A_607 : vector<16xi1>, vector<16xi32>
          %parallel_loop3A_623 = arith.constant 8 : i32
          %parallel_loop3A_624 = arith.muli %scan3A_560, %parallel_loop3A_623 : i32
          %parallel_loop3A_625 = arith.constant 4 : i32
          %parallel_loop3A_626 = arith.addi %parallel_loop3A_624, %parallel_loop3A_625 : i32
          %parallel_loop3A_627 = arith.constant 16 : i32
          %parallel_loop3A_628 = arith.muli %parallel_loop3A_626, %parallel_loop3A_627 : i32
          %parallel_loop3A_629 = arith.index_cast %select_n3A_63 : i32 to index
          %parallel_loop3A_630 = arith.index_cast %parallel_loop3A_510 : i32 to index
          %parallel_loop3A_631 = arith.index_cast %parallel_loop3A_628 : i32 to index
          %parallel_loop3A_632 = tpu.vector_load %arg6[%parallel_loop3A_629, %parallel_loop3A_630, %parallel_loop3A_631] {strides = array<i32>} : memref<2x16x512xf32, #tpu.memory_space<vmem>>, vector<16xf32>,
          %parallel_loop3A_633 = math.absf %parallel_loop3A_632 : vector<16xf32>
          %parallel_loop3A_634 = arith.cmpf ogt, %parallel_loop3A_633, %parallel_loop3A_620 : vector<16xf32>
          %parallel_loop3A_635 = arith.select %parallel_loop3A_634, %parallel_loop3A_633, %parallel_loop3A_620 : vector<16xi1>, vector<16xf32>
          %parallel_loop3A_636 = vector.broadcast %parallel_loop3A_626 : i32 to vector<16xi32>
          %parallel_loop3A_637 = arith.select %parallel_loop3A_634, %parallel_loop3A_636, %parallel_loop3A_622 : vector<16xi1>, vector<16xi32>
          %parallel_loop3A_638 = arith.constant 8 : i32
          %parallel_loop3A_639 = arith.muli %scan3A_560, %parallel_loop3A_638 : i32
          %parallel_loop3A_640 = arith.constant 5 : i32
          %parallel_loop3A_641 = arith.addi %parallel_loop3A_639, %parallel_loop3A_640 : i32
          %parallel_loop3A_642 = arith.constant 16 : i32
          %parallel_loop3A_643 = arith.muli %parallel_loop3A_641, %parallel_loop3A_642 : i32
          %parallel_loop3A_644 = arith.index_cast %select_n3A_63 : i32 to index
          %parallel_loop3A_645 = arith.index_cast %parallel_loop3A_510 : i32 to index
          %parallel_loop3A_646 = arith.index_cast %parallel_loop3A_643 : i32 to index
          %parallel_loop3A_647 = tpu.vector_load %arg6[%parallel_loop3A_644, %parallel_loop3A_645, %parallel_loop3A_646] {strides = array<i32>} : memref<2x16x512xf32, #tpu.memory_space<vmem>>, vector<16xf32>,
          %parallel_loop3A_648 = math.absf %parallel_loop3A_647 : vector<16xf32>
          %parallel_loop3A_649 = arith.cmpf ogt, %parallel_loop3A_648, %parallel_loop3A_635 : vector<16xf32>
          %parallel_loop3A_650 = arith.select %parallel_loop3A_649, %parallel_loop3A_648, %parallel_loop3A_635 : vector<16xi1>, vector<16xf32>
          %parallel_loop3A_651 = vector.broadcast %parallel_loop3A_641 : i32 to vector<16xi32>
          %parallel_loop3A_652 = arith.select %parallel_loop3A_649, %parallel_loop3A_651, %parallel_loop3A_637 : vector<16xi1>, vector<16xi32>
          %parallel_loop3A_653 = arith.constant 8 : i32
          %parallel_loop3A_654 = arith.muli %scan3A_560, %parallel_loop3A_653 : i32
          %parallel_loop3A_655 = arith.constant 6 : i32
          %parallel_loop3A_656 = arith.addi %parallel_loop3A_654, %parallel_loop3A_655 : i32
          %parallel_loop3A_657 = arith.constant 16 : i32
          %parallel_loop3A_658 = arith.muli %parallel_loop3A_656, %parallel_loop3A_657 : i32
          %parallel_loop3A_659 = arith.index_cast %select_n3A_63 : i32 to index
          %parallel_loop3A_660 = arith.index_cast %parallel_loop3A_510 : i32 to index
          %parallel_loop3A_661 = arith.index_cast %parallel_loop3A_658 : i32 to index
          %parallel_loop3A_662 = tpu.vector_load %arg6[%parallel_loop3A_659, %parallel_loop3A_660, %parallel_loop3A_661] {strides = array<i32>} : memref<2x16x512xf32, #tpu.memory_space<vmem>>, vector<16xf32>,
          %parallel_loop3A_663 = math.absf %parallel_loop3A_662 : vector<16xf32>
          %parallel_loop3A_664 = arith.cmpf ogt, %parallel_loop3A_663, %parallel_loop3A_650 : vector<16xf32>
          %parallel_loop3A_665 = arith.select %parallel_loop3A_664, %parallel_loop3A_663, %parallel_loop3A_650 : vector<16xi1>, vector<16xf32>
          %parallel_loop3A_666 = vector.broadcast %parallel_loop3A_656 : i32 to vector<16xi32>
          %parallel_loop3A_667 = arith.select %parallel_loop3A_664, %parallel_loop3A_666, %parallel_loop3A_652 : vector<16xi1>, vector<16xi32>
          %parallel_loop3A_668 = arith.constant 8 : i32
          %parallel_loop3A_669 = arith.muli %scan3A_560, %parallel_loop3A_668 : i32
          %parallel_loop3A_670 = arith.constant 7 : i32
          %parallel_loop3A_671 = arith.addi %parallel_loop3A_669, %parallel_loop3A_670 : i32
          %parallel_loop3A_672 = arith.constant 16 : i32
          %parallel_loop3A_673 = arith.muli %parallel_loop3A_671, %parallel_loop3A_672 : i32
          %parallel_loop3A_674 = arith.index_cast %select_n3A_63 : i32 to index
          %parallel_loop3A_675 = arith.index_cast %parallel_loop3A_510 : i32 to index
          %parallel_loop3A_676 = arith.index_cast %parallel_loop3A_673 : i32 to index
          %parallel_loop3A_677 = tpu.vector_load %arg6[%parallel_loop3A_674, %parallel_loop3A_675, %parallel_loop3A_676] {strides = array<i32>} : memref<2x16x512xf32, #tpu.memory_space<vmem>>, vector<16xf32>,
          %parallel_loop3A_678 = math.absf %parallel_loop3A_677 : vector<16xf32>
          %parallel_loop3A_679 = arith.cmpf ogt, %parallel_loop3A_678, %parallel_loop3A_665 : vector<16xf32>
          %parallel_loop3A_680 = arith.select %parallel_loop3A_679, %parallel_loop3A_678, %parallel_loop3A_665 : vector<16xi1>, vector<16xf32>
          %parallel_loop3A_681 = vector.broadcast %parallel_loop3A_671 : i32 to vector<16xi32>
          %parallel_loop3A_682 = arith.select %parallel_loop3A_679, %parallel_loop3A_681, %parallel_loop3A_667 : vector<16xi1>, vector<16xi32>
          scf.yield %parallel_loop3A_680, %parallel_loop3A_682 : vector<16xf32>, vector<16xi32>
        }
        %parallel_loop3A_521 = arith.constant 4 : i32
        %parallel_loop3A_522 = arith.constant true
        %parallel_loop3A_523 = vector.broadcast %parallel_loop3A_522 : i1 to vector<16xi1>
        %parallel_loop3A_524 = tpu.scan <max>, %parallel_loop3A_520#0 masked %parallel_loop3A_523 : vector<16xf32>, vector<16xi1> -> vector<16xf32>
        %parallel_loop3A_525 = vector.extract %parallel_loop3A_524[15] : f32 from vector<16xf32>
        %parallel_loop3A_526 = vector.broadcast %parallel_loop3A_525 : f32 to vector<16xf32>
        %parallel_loop3A_527 = arith.cmpf oeq, %parallel_loop3A_520#0, %parallel_loop3A_526 : vector<16xf32>
        %parallel_loop3A_528 = arith.constant 16 : i32
        %parallel_loop3A_529 = vector.broadcast %parallel_loop3A_528 : i32 to vector<16xi32>
        %parallel_loop3A_530 = arith.muli %parallel_loop3A_520#1, %parallel_loop3A_529 : vector<16xi32>
        %parallel_loop3A_531 = arith.addi %parallel_loop3A_530, %iota3A : vector<16xi32>
        %parallel_loop3A_532 = arith.constant 512 : i32
        %parallel_loop3A_533 = vector.broadcast %parallel_loop3A_532 : i32 to vector<16xi32>
        %parallel_loop3A_534 = arith.select %parallel_loop3A_527, %parallel_loop3A_531, %parallel_loop3A_533 : vector<16xi1>, vector<16xi32>
        %parallel_loop3A_535 = arith.constant true
        %parallel_loop3A_536 = vector.broadcast %parallel_loop3A_535 : i1 to vector<16xi1>
        %parallel_loop3A_537 = arith.constant -2147483648 : i32
        %parallel_loop3A_538 = vector.broadcast %parallel_loop3A_537 : i32 to vector<16xi32>
        %parallel_loop3A_539 = arith.xori %parallel_loop3A_534, %parallel_loop3A_538 : vector<16xi32>
        %parallel_loop3A_540 = tpu.scan <min>, %parallel_loop3A_539 masked %parallel_loop3A_536 : vector<16xi32>, vector<16xi1> -> vector<16xi32>
        %parallel_loop3A_541 = arith.xori %parallel_loop3A_540, %parallel_loop3A_538 : vector<16xi32>
        %parallel_loop3A_542 = vector.extract %parallel_loop3A_541[15] : i32 from vector<16xi32>
        %parallel_loop3A_543 = arith.constant 0 : i32
        %parallel_loop3A_544 = arith.constant 0 : i32
        %parallel_loop3A_545 = tpu.memref_slice %arg7[%parallel_loop3A_543, %parallel_loop3A_510, %parallel_loop3A_544] : memref<5x16x512xf32, #tpu.memory_space<vmem>> -> memref<1x1x512xf32, #tpu.memory_space<vmem>>
        %parallel_loop3A_546 = tpu.memref_squeeze %parallel_loop3A_545 : memref<1x1x512xf32, #tpu.memory_space<vmem>> -> memref<512xf32, #tpu.memory_space<vmem>>
        %parallel_loop3A_547 = arith.constant 0 : i32
        %parallel_loop3A_548 = tpu.memref_slice %arg2[%parallel_loop3A_542, %parallel_loop3A_547] : memref<512x512xf32, #tpu.memory_space<hbm>> -> memref<1x512xf32, #tpu.memory_space<hbm>>
        %parallel_loop3A_549 = tpu.memref_squeeze %parallel_loop3A_548 : memref<1x512xf32, #tpu.memory_space<hbm>> -> memref<512xf32, #tpu.memory_space<hbm>>
        %parallel_loop3A_550 = arith.constant 0 : i32
        %parallel_loop3A_551 = tpu.memref_slice %arg7[%parallel_loop3A_543, %parallel_loop3A_510, %parallel_loop3A_550] : memref<5x16x512xf32, #tpu.memory_space<vmem>> -> memref<1x1x512xf32, #tpu.memory_space<vmem>>
        %parallel_loop3A_552 = tpu.memref_squeeze %parallel_loop3A_551 : memref<1x1x512xf32, #tpu.memory_space<vmem>> -> memref<512xf32, #tpu.memory_space<vmem>>
        %parallel_loop3A_553 = arith.constant 0 : i32
        %parallel_loop3A_554 = tpu.memref_slice %arg2[%parallel_loop3A_542, %parallel_loop3A_553] : memref<512x512xf32, #tpu.memory_space<hbm>> -> memref<1x512xf32, #tpu.memory_space<hbm>>
        %parallel_loop3A_555 = tpu.memref_squeeze %parallel_loop3A_554 : memref<1x512xf32, #tpu.memory_space<hbm>> -> memref<512xf32, #tpu.memory_space<hbm>>
        tpu.enqueue_dma source(%parallel_loop3A_555 : memref<512xf32, #tpu.memory_space<hbm>>) target(%parallel_loop3A_552 : memref<512xf32, #tpu.memory_space<vmem>>) target_semaphore(%arg11 : memref<!tpu.dma_semaphore, #tpu.memory_space<semaphore_mem>>)
        %parallel_loop3A_556 = vector.broadcast %parallel_loop3A_510 : i32 to vector<16xi32>
        %parallel_loop3A_557 = arith.cmpi eq, %iota3A, %parallel_loop3A_556 : vector<16xi32>
        %parallel_loop3A_558 = vector.broadcast %parallel_loop3A_542 : i32 to vector<16xi32>
        %parallel_loop3A_559 = arith.select %parallel_loop3A_557, %parallel_loop3A_558, %parallel_loop3A_511 : vector<16xi1>, vector<16xi32>
        scf.yield %parallel_loop3A_559 : vector<16xi32>
      } {sc.loop_unroll_factor = 2 : i64, sc.parallel_access}
      %broadcast_in_dim3A_86 = vector.broadcast %select_n3A_63 : i32 to vector<16xi32>
      %gather3A = tpu.vector_load_idx %arg6[%broadcast_in_dim3A_86, %iota3A, %parallel_loop3A_85] : memref<2x16x512xf32, #tpu.memory_space<vmem>>[vector<16xi32>, vector<16xi32>, vector<16xi32>], vector<16xf32>,
      %mul3A_87 = arith.constant 16 : i32
      %mul3A_88 = arith.muli %scan3A_53, %mul3A_87 : i32
      %swap3A = arith.constant 0 : i32
      %swap3A_89 = arith.index_cast %swap3A : i32 to index
      %swap3A_90 = arith.index_cast %mul3A_88 : i32 to index
      %swap3A_91 = tpu.vector_load %arg8[%swap3A_89, %swap3A_90] {strides = array<i32>} : memref<5x512xi32, #tpu.memory_space<vmem>>, vector<16xi32>,
      tpu.vector_store %arg8[%swap3A_89, %swap3A_90], %parallel_loop3A_85 {strides = array<i32>} : memref<5x512xi32, #tpu.memory_space<vmem>>, vector<16xi32>,
      %mul3A_92 = arith.constant 16 : i32
      %mul3A_93 = arith.muli %scan3A_53, %mul3A_92 : i32
      %swap3A_94 = arith.constant 0 : i32
      %swap3A_95 = arith.index_cast %swap3A_94 : i32 to index
      %swap3A_96 = arith.index_cast %mul3A_93 : i32 to index
      %swap3A_97 = tpu.vector_load %arg9[%swap3A_95, %swap3A_96] {strides = array<i32>} : memref<5x512xf32, #tpu.memory_space<vmem>>, vector<16xf32>,
      tpu.vector_store %arg9[%swap3A_95, %swap3A_96], %gather3A {strides = array<i32>} : memref<5x512xf32, #tpu.memory_space<vmem>>, vector<16xf32>,
      %dma_wait3A_98 = arith.constant 0 : i32
      %dma_wait3A_99 = arith.constant 0 : i32
      %dma_wait3A_100 = arith.constant 0 : i32
      %dma_wait3A_101 = tpu.memref_slice %arg7[%dma_wait3A_98, %dma_wait3A_99, %dma_wait3A_100] : memref<5x16x512xf32, #tpu.memory_space<vmem>> -> memref<1x16x512xf32, #tpu.memory_space<vmem>>
      %dma_wait3A_102 = tpu.memref_squeeze %dma_wait3A_101 : memref<1x16x512xf32, #tpu.memory_space<vmem>> -> memref<16x512xf32, #tpu.memory_space<vmem>>
      %dma_wait3A_103 = arith.constant 0 : i32
      %dma_wait3A_104 = arith.constant 0 : i32
      %dma_wait3A_105 = tpu.memref_slice %arg2[%dma_wait3A_103, %dma_wait3A_104] : memref<512x512xf32, #tpu.memory_space<hbm>> -> memref<16x512xf32, #tpu.memory_space<hbm>>
      %dma_wait3A_106 = arith.constant 0 : i32
      %dma_wait3A_107 = arith.constant 0 : i32
      %dma_wait3A_108 = tpu.memref_slice %arg7[%dma_wait3A_98, %dma_wait3A_106, %dma_wait3A_107] : memref<5x16x512xf32, #tpu.memory_space<vmem>> -> memref<1x16x512xf32, #tpu.memory_space<vmem>>
      %dma_wait3A_109 = tpu.memref_squeeze %dma_wait3A_108 : memref<1x16x512xf32, #tpu.memory_space<vmem>> -> memref<16x512xf32, #tpu.memory_space<vmem>>
      %dma_wait3A_110 = arith.constant 0 : i32
      %dma_wait3A_111 = arith.constant 0 : i32
      %dma_wait3A_112 = tpu.memref_slice %arg2[%dma_wait3A_110, %dma_wait3A_111] : memref<512x512xf32, #tpu.memory_space<hbm>> -> memref<16x512xf32, #tpu.memory_space<hbm>>
      tpu.wait_dma2 semaphore(%arg11 : memref<!tpu.dma_semaphore, #tpu.memory_space<semaphore_mem>>) src(%dma_wait3A_112 : memref<16x512xf32, #tpu.memory_space<hbm>>) dst(%dma_wait3A_109 : memref<16x512xf32, #tpu.memory_space<vmem>>)
      %broadcast_in_dim3A_113 = arith.constant 0 : i32
      %broadcast_in_dim3A_114 = vector.broadcast %broadcast_in_dim3A_113 : i32 to vector<16xi32>
      %parallel_loop3A_115 = arith.constant 0 : i32
      %parallel_loop3A_116 = arith.constant 16 : i32
      %parallel_loop3A_117 = arith.constant 1 : i32
      %parallel_loop3A_118 = scf.for %parallel_loop3A_510 = %parallel_loop3A_115 to %parallel_loop3A_116 step %parallel_loop3A_117 iter_args(%parallel_loop3A_511 = %broadcast_in_dim3A_114) -> (vector<16xi32>)  : i32 {
        %parallel_loop3A_512 = arith.constant 0 : i32
        %parallel_loop3A_513 = vector.broadcast %parallel_loop3A_512 : i32 to vector<16xi32>
        %parallel_loop3A_514 = arith.constant 16 : i32
        %parallel_loop3A_515 = arith.muli %scan3A_53, %parallel_loop3A_514 : i32
        %parallel_loop3A_516 = arith.addi %parallel_loop3A_515, %parallel_loop3A_510 : i32
        %parallel_loop3A_517 = vector.broadcast %parallel_loop3A_516 : i32 to vector<16xi32>
        %parallel_loop3A_518 = tpu.vector_load_idx %arg9[%parallel_loop3A_513, %parallel_loop3A_517] : memref<5x512xf32, #tpu.memory_space<vmem>>[vector<16xi32>, vector<16xi32>], vector<16xf32>,
        %parallel_loop3A_519 = arith.constant -1.000000e+00 : f32
        %parallel_loop3A_520 = vector.broadcast %parallel_loop3A_519 : f32 to vector<16xf32>
        %parallel_loop3A_521 = arith.constant 0 : i32
        %parallel_loop3A_522 = vector.broadcast %parallel_loop3A_521 : i32 to vector<16xi32>
        %parallel_loop3A_523 = arith.constant 0 : i32
        %parallel_loop3A_524 = arith.constant 4 : i32
        %parallel_loop3A_525 = arith.addi %parallel_loop3A_523, %parallel_loop3A_524 : i32
        %parallel_loop3A_526 = arith.constant 1 : i32
        %parallel_loop3A_527:2 = scf.for %scan3A_567 = %parallel_loop3A_523 to %parallel_loop3A_525 step %parallel_loop3A_526 iter_args(%scan3A_568 = %parallel_loop3A_520, %scan3A_569 = %parallel_loop3A_522) -> (vector<16xf32>, vector<16xi32>)  : i32 {
          %parallel_loop3A_570 = arith.constant 8 : i32
          %parallel_loop3A_571 = arith.muli %scan3A_567, %parallel_loop3A_570 : i32
          %parallel_loop3A_572 = arith.constant 0 : i32
          %parallel_loop3A_573 = arith.addi %parallel_loop3A_571, %parallel_loop3A_572 : i32
          %parallel_loop3A_574 = arith.constant 16 : i32
          %parallel_loop3A_575 = arith.muli %parallel_loop3A_573, %parallel_loop3A_574 : i32
          %parallel_loop3A_576 = arith.index_cast %select_n3A_63 : i32 to index
          %parallel_loop3A_577 = arith.index_cast %parallel_loop3A_510 : i32 to index
          %parallel_loop3A_578 = arith.index_cast %parallel_loop3A_575 : i32 to index
          %parallel_loop3A_579 = tpu.vector_load %arg6[%parallel_loop3A_576, %parallel_loop3A_577, %parallel_loop3A_578] {strides = array<i32>} : memref<2x16x512xf32, #tpu.memory_space<vmem>>, vector<16xf32>,
          %parallel_loop3A_580 = arith.constant 0 : i32
          %parallel_loop3A_581 = arith.index_cast %parallel_loop3A_580 : i32 to index
          %parallel_loop3A_582 = arith.index_cast %parallel_loop3A_510 : i32 to index
          %parallel_loop3A_583 = arith.index_cast %parallel_loop3A_575 : i32 to index
          %parallel_loop3A_584 = tpu.vector_load %arg7[%parallel_loop3A_581, %parallel_loop3A_582, %parallel_loop3A_583] {strides = array<i32>} : memref<5x16x512xf32, #tpu.memory_space<vmem>>, vector<16xf32>,
          %parallel_loop3A_585 = arith.mulf %parallel_loop3A_518, %parallel_loop3A_584 : vector<16xf32>
          %parallel_loop3A_586 = arith.subf %parallel_loop3A_579, %parallel_loop3A_585 : vector<16xf32>
          %parallel_loop3A_587 = math.absf %parallel_loop3A_586 : vector<16xf32>
          %parallel_loop3A_588 = arith.cmpf ogt, %parallel_loop3A_587, %scan3A_568 : vector<16xf32>
          %parallel_loop3A_589 = arith.select %parallel_loop3A_588, %parallel_loop3A_587, %scan3A_568 : vector<16xi1>, vector<16xf32>
          %parallel_loop3A_590 = vector.broadcast %parallel_loop3A_573 : i32 to vector<16xi32>
          %parallel_loop3A_591 = arith.select %parallel_loop3A_588, %parallel_loop3A_590, %scan3A_569 : vector<16xi1>, vector<16xi32>
          %parallel_loop3A_592 = arith.constant 8 : i32
          %parallel_loop3A_593 = arith.muli %scan3A_567, %parallel_loop3A_592 : i32
          %parallel_loop3A_594 = arith.constant 1 : i32
          %parallel_loop3A_595 = arith.addi %parallel_loop3A_593, %parallel_loop3A_594 : i32
          %parallel_loop3A_596 = arith.constant 16 : i32
          %parallel_loop3A_597 = arith.muli %parallel_loop3A_595, %parallel_loop3A_596 : i32
          %parallel_loop3A_598 = arith.index_cast %select_n3A_63 : i32 to index
          %parallel_loop3A_599 = arith.index_cast %parallel_loop3A_510 : i32 to index
          %parallel_loop3A_600 = arith.index_cast %parallel_loop3A_597 : i32 to index
          %parallel_loop3A_601 = tpu.vector_load %arg6[%parallel_loop3A_598, %parallel_loop3A_599, %parallel_loop3A_600] {strides = array<i32>} : memref<2x16x512xf32, #tpu.memory_space<vmem>>, vector<16xf32>,
          %parallel_loop3A_602 = arith.constant 0 : i32
          %parallel_loop3A_603 = arith.index_cast %parallel_loop3A_602 : i32 to index
          %parallel_loop3A_604 = arith.index_cast %parallel_loop3A_510 : i32 to index
          %parallel_loop3A_605 = arith.index_cast %parallel_loop3A_597 : i32 to index
          %parallel_loop3A_606 = tpu.vector_load %arg7[%parallel_loop3A_603, %parallel_loop3A_604, %parallel_loop3A_605] {strides = array<i32>} : memref<5x16x512xf32, #tpu.memory_space<vmem>>, vector<16xf32>,
          %parallel_loop3A_607 = arith.mulf %parallel_loop3A_518, %parallel_loop3A_606 : vector<16xf32>
          %parallel_loop3A_608 = arith.subf %parallel_loop3A_601, %parallel_loop3A_607 : vector<16xf32>
          %parallel_loop3A_609 = math.absf %parallel_loop3A_608 : vector<16xf32>
          %parallel_loop3A_610 = arith.cmpf ogt, %parallel_loop3A_609, %parallel_loop3A_589 : vector<16xf32>
          %parallel_loop3A_611 = arith.select %parallel_loop3A_610, %parallel_loop3A_609, %parallel_loop3A_589 : vector<16xi1>, vector<16xf32>
          %parallel_loop3A_612 = vector.broadcast %parallel_loop3A_595 : i32 to vector<16xi32>
          %parallel_loop3A_613 = arith.select %parallel_loop3A_610, %parallel_loop3A_612, %parallel_loop3A_591 : vector<16xi1>, vector<16xi32>
          %parallel_loop3A_614 = arith.constant 8 : i32
          %parallel_loop3A_615 = arith.muli %scan3A_567, %parallel_loop3A_614 : i32
          %parallel_loop3A_616 = arith.constant 2 : i32
          %parallel_loop3A_617 = arith.addi %parallel_loop3A_615, %parallel_loop3A_616 : i32
          %parallel_loop3A_618 = arith.constant 16 : i32
          %parallel_loop3A_619 = arith.muli %parallel_loop3A_617, %parallel_loop3A_618 : i32
          %parallel_loop3A_620 = arith.index_cast %select_n3A_63 : i32 to index
          %parallel_loop3A_621 = arith.index_cast %parallel_loop3A_510 : i32 to index
          %parallel_loop3A_622 = arith.index_cast %parallel_loop3A_619 : i32 to index
          %parallel_loop3A_623 = tpu.vector_load %arg6[%parallel_loop3A_620, %parallel_loop3A_621, %parallel_loop3A_622] {strides = array<i32>} : memref<2x16x512xf32, #tpu.memory_space<vmem>>, vector<16xf32>,
          %parallel_loop3A_624 = arith.constant 0 : i32
          %parallel_loop3A_625 = arith.index_cast %parallel_loop3A_624 : i32 to index
          %parallel_loop3A_626 = arith.index_cast %parallel_loop3A_510 : i32 to index
          %parallel_loop3A_627 = arith.index_cast %parallel_loop3A_619 : i32 to index
          %parallel_loop3A_628 = tpu.vector_load %arg7[%parallel_loop3A_625, %parallel_loop3A_626, %parallel_loop3A_627] {strides = array<i32>} : memref<5x16x512xf32, #tpu.memory_space<vmem>>, vector<16xf32>,
          %parallel_loop3A_629 = arith.mulf %parallel_loop3A_518, %parallel_loop3A_628 : vector<16xf32>
          %parallel_loop3A_630 = arith.subf %parallel_loop3A_623, %parallel_loop3A_629 : vector<16xf32>
          %parallel_loop3A_631 = math.absf %parallel_loop3A_630 : vector<16xf32>
          %parallel_loop3A_632 = arith.cmpf ogt, %parallel_loop3A_631, %parallel_loop3A_611 : vector<16xf32>
          %parallel_loop3A_633 = arith.select %parallel_loop3A_632, %parallel_loop3A_631, %parallel_loop3A_611 : vector<16xi1>, vector<16xf32>
          %parallel_loop3A_634 = vector.broadcast %parallel_loop3A_617 : i32 to vector<16xi32>
          %parallel_loop3A_635 = arith.select %parallel_loop3A_632, %parallel_loop3A_634, %parallel_loop3A_613 : vector<16xi1>, vector<16xi32>
          %parallel_loop3A_636 = arith.constant 8 : i32
          %parallel_loop3A_637 = arith.muli %scan3A_567, %parallel_loop3A_636 : i32
          %parallel_loop3A_638 = arith.constant 3 : i32
          %parallel_loop3A_639 = arith.addi %parallel_loop3A_637, %parallel_loop3A_638 : i32
          %parallel_loop3A_640 = arith.constant 16 : i32
          %parallel_loop3A_641 = arith.muli %parallel_loop3A_639, %parallel_loop3A_640 : i32
          %parallel_loop3A_642 = arith.index_cast %select_n3A_63 : i32 to index
          %parallel_loop3A_643 = arith.index_cast %parallel_loop3A_510 : i32 to index
          %parallel_loop3A_644 = arith.index_cast %parallel_loop3A_641 : i32 to index
          %parallel_loop3A_645 = tpu.vector_load %arg6[%parallel_loop3A_642, %parallel_loop3A_643, %parallel_loop3A_644] {strides = array<i32>} : memref<2x16x512xf32, #tpu.memory_space<vmem>>, vector<16xf32>,
          %parallel_loop3A_646 = arith.constant 0 : i32
          %parallel_loop3A_647 = arith.index_cast %parallel_loop3A_646 : i32 to index
          %parallel_loop3A_648 = arith.index_cast %parallel_loop3A_510 : i32 to index
          %parallel_loop3A_649 = arith.index_cast %parallel_loop3A_641 : i32 to index
          %parallel_loop3A_650 = tpu.vector_load %arg7[%parallel_loop3A_647, %parallel_loop3A_648, %parallel_loop3A_649] {strides = array<i32>} : memref<5x16x512xf32, #tpu.memory_space<vmem>>, vector<16xf32>,
          %parallel_loop3A_651 = arith.mulf %parallel_loop3A_518, %parallel_loop3A_650 : vector<16xf32>
          %parallel_loop3A_652 = arith.subf %parallel_loop3A_645, %parallel_loop3A_651 : vector<16xf32>
          %parallel_loop3A_653 = math.absf %parallel_loop3A_652 : vector<16xf32>
          %parallel_loop3A_654 = arith.cmpf ogt, %parallel_loop3A_653, %parallel_loop3A_633 : vector<16xf32>
          %parallel_loop3A_655 = arith.select %parallel_loop3A_654, %parallel_loop3A_653, %parallel_loop3A_633 : vector<16xi1>, vector<16xf32>
          %parallel_loop3A_656 = vector.broadcast %parallel_loop3A_639 : i32 to vector<16xi32>
          %parallel_loop3A_657 = arith.select %parallel_loop3A_654, %parallel_loop3A_656, %parallel_loop3A_635 : vector<16xi1>, vector<16xi32>
          %parallel_loop3A_658 = arith.constant 8 : i32
          %parallel_loop3A_659 = arith.muli %scan3A_567, %parallel_loop3A_658 : i32
          %parallel_loop3A_660 = arith.constant 4 : i32
          %parallel_loop3A_661 = arith.addi %parallel_loop3A_659, %parallel_loop3A_660 : i32
          %parallel_loop3A_662 = arith.constant 16 : i32
          %parallel_loop3A_663 = arith.muli %parallel_loop3A_661, %parallel_loop3A_662 : i32
          %parallel_loop3A_664 = arith.index_cast %select_n3A_63 : i32 to index
          %parallel_loop3A_665 = arith.index_cast %parallel_loop3A_510 : i32 to index
          %parallel_loop3A_666 = arith.index_cast %parallel_loop3A_663 : i32 to index
          %parallel_loop3A_667 = tpu.vector_load %arg6[%parallel_loop3A_664, %parallel_loop3A_665, %parallel_loop3A_666] {strides = array<i32>} : memref<2x16x512xf32, #tpu.memory_space<vmem>>, vector<16xf32>,
          %parallel_loop3A_668 = arith.constant 0 : i32
          %parallel_loop3A_669 = arith.index_cast %parallel_loop3A_668 : i32 to index
          %parallel_loop3A_670 = arith.index_cast %parallel_loop3A_510 : i32 to index
          %parallel_loop3A_671 = arith.index_cast %parallel_loop3A_663 : i32 to index
          %parallel_loop3A_672 = tpu.vector_load %arg7[%parallel_loop3A_669, %parallel_loop3A_670, %parallel_loop3A_671] {strides = array<i32>} : memref<5x16x512xf32, #tpu.memory_space<vmem>>, vector<16xf32>,
          %parallel_loop3A_673 = arith.mulf %parallel_loop3A_518, %parallel_loop3A_672 : vector<16xf32>
          %parallel_loop3A_674 = arith.subf %parallel_loop3A_667, %parallel_loop3A_673 : vector<16xf32>
          %parallel_loop3A_675 = math.absf %parallel_loop3A_674 : vector<16xf32>
          %parallel_loop3A_676 = arith.cmpf ogt, %parallel_loop3A_675, %parallel_loop3A_655 : vector<16xf32>
          %parallel_loop3A_677 = arith.select %parallel_loop3A_676, %parallel_loop3A_675, %parallel_loop3A_655 : vector<16xi1>, vector<16xf32>
          %parallel_loop3A_678 = vector.broadcast %parallel_loop3A_661 : i32 to vector<16xi32>
          %parallel_loop3A_679 = arith.select %parallel_loop3A_676, %parallel_loop3A_678, %parallel_loop3A_657 : vector<16xi1>, vector<16xi32>
          %parallel_loop3A_680 = arith.constant 8 : i32
          %parallel_loop3A_681 = arith.muli %scan3A_567, %parallel_loop3A_680 : i32
          %parallel_loop3A_682 = arith.constant 5 : i32
          %parallel_loop3A_683 = arith.addi %parallel_loop3A_681, %parallel_loop3A_682 : i32
          %parallel_loop3A_684 = arith.constant 16 : i32
          %parallel_loop3A_685 = arith.muli %parallel_loop3A_683, %parallel_loop3A_684 : i32
          %parallel_loop3A_686 = arith.index_cast %select_n3A_63 : i32 to index
          %parallel_loop3A_687 = arith.index_cast %parallel_loop3A_510 : i32 to index
          %parallel_loop3A_688 = arith.index_cast %parallel_loop3A_685 : i32 to index
          %parallel_loop3A_689 = tpu.vector_load %arg6[%parallel_loop3A_686, %parallel_loop3A_687, %parallel_loop3A_688] {strides = array<i32>} : memref<2x16x512xf32, #tpu.memory_space<vmem>>, vector<16xf32>,
          %parallel_loop3A_690 = arith.constant 0 : i32
          %parallel_loop3A_691 = arith.index_cast %parallel_loop3A_690 : i32 to index
          %parallel_loop3A_692 = arith.index_cast %parallel_loop3A_510 : i32 to index
          %parallel_loop3A_693 = arith.index_cast %parallel_loop3A_685 : i32 to index
          %parallel_loop3A_694 = tpu.vector_load %arg7[%parallel_loop3A_691, %parallel_loop3A_692, %parallel_loop3A_693] {strides = array<i32>} : memref<5x16x512xf32, #tpu.memory_space<vmem>>, vector<16xf32>,
          %parallel_loop3A_695 = arith.mulf %parallel_loop3A_518, %parallel_loop3A_694 : vector<16xf32>
          %parallel_loop3A_696 = arith.subf %parallel_loop3A_689, %parallel_loop3A_695 : vector<16xf32>
          %parallel_loop3A_697 = math.absf %parallel_loop3A_696 : vector<16xf32>
          %parallel_loop3A_698 = arith.cmpf ogt, %parallel_loop3A_697, %parallel_loop3A_677 : vector<16xf32>
          %parallel_loop3A_699 = arith.select %parallel_loop3A_698, %parallel_loop3A_697, %parallel_loop3A_677 : vector<16xi1>, vector<16xf32>
          %parallel_loop3A_700 = vector.broadcast %parallel_loop3A_683 : i32 to vector<16xi32>
          %parallel_loop3A_701 = arith.select %parallel_loop3A_698, %parallel_loop3A_700, %parallel_loop3A_679 : vector<16xi1>, vector<16xi32>
          %parallel_loop3A_702 = arith.constant 8 : i32
          %parallel_loop3A_703 = arith.muli %scan3A_567, %parallel_loop3A_702 : i32
          %parallel_loop3A_704 = arith.constant 6 : i32
          %parallel_loop3A_705 = arith.addi %parallel_loop3A_703, %parallel_loop3A_704 : i32
          %parallel_loop3A_706 = arith.constant 16 : i32
          %parallel_loop3A_707 = arith.muli %parallel_loop3A_705, %parallel_loop3A_706 : i32
          %parallel_loop3A_708 = arith.index_cast %select_n3A_63 : i32 to index
          %parallel_loop3A_709 = arith.index_cast %parallel_loop3A_510 : i32 to index
          %parallel_loop3A_710 = arith.index_cast %parallel_loop3A_707 : i32 to index
          %parallel_loop3A_711 = tpu.vector_load %arg6[%parallel_loop3A_708, %parallel_loop3A_709, %parallel_loop3A_710] {strides = array<i32>} : memref<2x16x512xf32, #tpu.memory_space<vmem>>, vector<16xf32>,
          %parallel_loop3A_712 = arith.constant 0 : i32
          %parallel_loop3A_713 = arith.index_cast %parallel_loop3A_712 : i32 to index
          %parallel_loop3A_714 = arith.index_cast %parallel_loop3A_510 : i32 to index
          %parallel_loop3A_715 = arith.index_cast %parallel_loop3A_707 : i32 to index
          %parallel_loop3A_716 = tpu.vector_load %arg7[%parallel_loop3A_713, %parallel_loop3A_714, %parallel_loop3A_715] {strides = array<i32>} : memref<5x16x512xf32, #tpu.memory_space<vmem>>, vector<16xf32>,
          %parallel_loop3A_717 = arith.mulf %parallel_loop3A_518, %parallel_loop3A_716 : vector<16xf32>
          %parallel_loop3A_718 = arith.subf %parallel_loop3A_711, %parallel_loop3A_717 : vector<16xf32>
          %parallel_loop3A_719 = math.absf %parallel_loop3A_718 : vector<16xf32>
          %parallel_loop3A_720 = arith.cmpf ogt, %parallel_loop3A_719, %parallel_loop3A_699 : vector<16xf32>
          %parallel_loop3A_721 = arith.select %parallel_loop3A_720, %parallel_loop3A_719, %parallel_loop3A_699 : vector<16xi1>, vector<16xf32>
          %parallel_loop3A_722 = vector.broadcast %parallel_loop3A_705 : i32 to vector<16xi32>
          %parallel_loop3A_723 = arith.select %parallel_loop3A_720, %parallel_loop3A_722, %parallel_loop3A_701 : vector<16xi1>, vector<16xi32>
          %parallel_loop3A_724 = arith.constant 8 : i32
          %parallel_loop3A_725 = arith.muli %scan3A_567, %parallel_loop3A_724 : i32
          %parallel_loop3A_726 = arith.constant 7 : i32
          %parallel_loop3A_727 = arith.addi %parallel_loop3A_725, %parallel_loop3A_726 : i32
          %parallel_loop3A_728 = arith.constant 16 : i32
          %parallel_loop3A_729 = arith.muli %parallel_loop3A_727, %parallel_loop3A_728 : i32
          %parallel_loop3A_730 = arith.index_cast %select_n3A_63 : i32 to index
          %parallel_loop3A_731 = arith.index_cast %parallel_loop3A_510 : i32 to index
          %parallel_loop3A_732 = arith.index_cast %parallel_loop3A_729 : i32 to index
          %parallel_loop3A_733 = tpu.vector_load %arg6[%parallel_loop3A_730, %parallel_loop3A_731, %parallel_loop3A_732] {strides = array<i32>} : memref<2x16x512xf32, #tpu.memory_space<vmem>>, vector<16xf32>,
          %parallel_loop3A_734 = arith.constant 0 : i32
          %parallel_loop3A_735 = arith.index_cast %parallel_loop3A_734 : i32 to index
          %parallel_loop3A_736 = arith.index_cast %parallel_loop3A_510 : i32 to index
          %parallel_loop3A_737 = arith.index_cast %parallel_loop3A_729 : i32 to index
          %parallel_loop3A_738 = tpu.vector_load %arg7[%parallel_loop3A_735, %parallel_loop3A_736, %parallel_loop3A_737] {strides = array<i32>} : memref<5x16x512xf32, #tpu.memory_space<vmem>>, vector<16xf32>,
          %parallel_loop3A_739 = arith.mulf %parallel_loop3A_518, %parallel_loop3A_738 : vector<16xf32>
          %parallel_loop3A_740 = arith.subf %parallel_loop3A_733, %parallel_loop3A_739 : vector<16xf32>
          %parallel_loop3A_741 = math.absf %parallel_loop3A_740 : vector<16xf32>
          %parallel_loop3A_742 = arith.cmpf ogt, %parallel_loop3A_741, %parallel_loop3A_721 : vector<16xf32>
          %parallel_loop3A_743 = arith.select %parallel_loop3A_742, %parallel_loop3A_741, %parallel_loop3A_721 : vector<16xi1>, vector<16xf32>
          %parallel_loop3A_744 = vector.broadcast %parallel_loop3A_727 : i32 to vector<16xi32>
          %parallel_loop3A_745 = arith.select %parallel_loop3A_742, %parallel_loop3A_744, %parallel_loop3A_723 : vector<16xi1>, vector<16xi32>
          scf.yield %parallel_loop3A_743, %parallel_loop3A_745 : vector<16xf32>, vector<16xi32>
        }
        %parallel_loop3A_528 = arith.constant 4 : i32
        %parallel_loop3A_529 = arith.constant true
        %parallel_loop3A_530 = vector.broadcast %parallel_loop3A_529 : i1 to vector<16xi1>
        %parallel_loop3A_531 = tpu.scan <max>, %parallel_loop3A_527#0 masked %parallel_loop3A_530 : vector<16xf32>, vector<16xi1> -> vector<16xf32>
        %parallel_loop3A_532 = vector.extract %parallel_loop3A_531[15] : f32 from vector<16xf32>
        %parallel_loop3A_533 = vector.broadcast %parallel_loop3A_532 : f32 to vector<16xf32>
        %parallel_loop3A_534 = arith.cmpf oeq, %parallel_loop3A_527#0, %parallel_loop3A_533 : vector<16xf32>
        %parallel_loop3A_535 = arith.constant 16 : i32
        %parallel_loop3A_536 = vector.broadcast %parallel_loop3A_535 : i32 to vector<16xi32>
        %parallel_loop3A_537 = arith.muli %parallel_loop3A_527#1, %parallel_loop3A_536 : vector<16xi32>
        %parallel_loop3A_538 = arith.addi %parallel_loop3A_537, %iota3A : vector<16xi32>
        %parallel_loop3A_539 = arith.constant 512 : i32
        %parallel_loop3A_540 = vector.broadcast %parallel_loop3A_539 : i32 to vector<16xi32>
        %parallel_loop3A_541 = arith.select %parallel_loop3A_534, %parallel_loop3A_538, %parallel_loop3A_540 : vector<16xi1>, vector<16xi32>
        %parallel_loop3A_542 = arith.constant true
        %parallel_loop3A_543 = vector.broadcast %parallel_loop3A_542 : i1 to vector<16xi1>
        %parallel_loop3A_544 = arith.constant -2147483648 : i32
        %parallel_loop3A_545 = vector.broadcast %parallel_loop3A_544 : i32 to vector<16xi32>
        %parallel_loop3A_546 = arith.xori %parallel_loop3A_541, %parallel_loop3A_545 : vector<16xi32>
        %parallel_loop3A_547 = tpu.scan <min>, %parallel_loop3A_546 masked %parallel_loop3A_543 : vector<16xi32>, vector<16xi1> -> vector<16xi32>
        %parallel_loop3A_548 = arith.xori %parallel_loop3A_547, %parallel_loop3A_545 : vector<16xi32>
        %parallel_loop3A_549 = vector.extract %parallel_loop3A_548[15] : i32 from vector<16xi32>
        %parallel_loop3A_550 = arith.constant 1 : i32
        %parallel_loop3A_551 = arith.constant 0 : i32
        %parallel_loop3A_552 = tpu.memref_slice %arg7[%parallel_loop3A_550, %parallel_loop3A_510, %parallel_loop3A_551] : memref<5x16x512xf32, #tpu.memory_space<vmem>> -> memref<1x1x512xf32, #tpu.memory_space<vmem>>
        %parallel_loop3A_553 = tpu.memref_squeeze %parallel_loop3A_552 : memref<1x1x512xf32, #tpu.memory_space<vmem>> -> memref<512xf32, #tpu.memory_space<vmem>>
        %parallel_loop3A_554 = arith.constant 0 : i32
        %parallel_loop3A_555 = tpu.memref_slice %arg2[%parallel_loop3A_549, %parallel_loop3A_554] : memref<512x512xf32, #tpu.memory_space<hbm>> -> memref<1x512xf32, #tpu.memory_space<hbm>>
        %parallel_loop3A_556 = tpu.memref_squeeze %parallel_loop3A_555 : memref<1x512xf32, #tpu.memory_space<hbm>> -> memref<512xf32, #tpu.memory_space<hbm>>
        %parallel_loop3A_557 = arith.constant 0 : i32
        %parallel_loop3A_558 = tpu.memref_slice %arg7[%parallel_loop3A_550, %parallel_loop3A_510, %parallel_loop3A_557] : memref<5x16x512xf32, #tpu.memory_space<vmem>> -> memref<1x1x512xf32, #tpu.memory_space<vmem>>
        %parallel_loop3A_559 = tpu.memref_squeeze %parallel_loop3A_558 : memref<1x1x512xf32, #tpu.memory_space<vmem>> -> memref<512xf32, #tpu.memory_space<vmem>>
        %parallel_loop3A_560 = arith.constant 0 : i32
        %parallel_loop3A_561 = tpu.memref_slice %arg2[%parallel_loop3A_549, %parallel_loop3A_560] : memref<512x512xf32, #tpu.memory_space<hbm>> -> memref<1x512xf32, #tpu.memory_space<hbm>>
        %parallel_loop3A_562 = tpu.memref_squeeze %parallel_loop3A_561 : memref<1x512xf32, #tpu.memory_space<hbm>> -> memref<512xf32, #tpu.memory_space<hbm>>
        tpu.enqueue_dma source(%parallel_loop3A_562 : memref<512xf32, #tpu.memory_space<hbm>>) target(%parallel_loop3A_559 : memref<512xf32, #tpu.memory_space<vmem>>) target_semaphore(%arg11 : memref<!tpu.dma_semaphore, #tpu.memory_space<semaphore_mem>>)
        %parallel_loop3A_563 = vector.broadcast %parallel_loop3A_510 : i32 to vector<16xi32>
        %parallel_loop3A_564 = arith.cmpi eq, %iota3A, %parallel_loop3A_563 : vector<16xi32>
        %parallel_loop3A_565 = vector.broadcast %parallel_loop3A_549 : i32 to vector<16xi32>
        %parallel_loop3A_566 = arith.select %parallel_loop3A_564, %parallel_loop3A_565, %parallel_loop3A_511 : vector<16xi1>, vector<16xi32>
        scf.yield %parallel_loop3A_566 : vector<16xi32>
      } {sc.loop_unroll_factor = 2 : i64, sc.parallel_access}
      %broadcast_in_dim3A_119 = vector.broadcast %select_n3A_63 : i32 to vector<16xi32>
      %gather3A_120 = tpu.vector_load_idx %arg6[%broadcast_in_dim3A_119, %iota3A, %parallel_loop3A_118] : memref<2x16x512xf32, #tpu.memory_space<vmem>>[vector<16xi32>, vector<16xi32>, vector<16xi32>], vector<16xf32>,
      %mul3A_121 = arith.constant 16 : i32
      %mul3A_122 = arith.muli %scan3A_53, %mul3A_121 : i32
      %swap3A_123 = arith.constant 1 : i32
      %swap3A_124 = arith.index_cast %swap3A_123 : i32 to index
      %swap3A_125 = arith.index_cast %mul3A_122 : i32 to index
      %swap3A_126 = tpu.vector_load %arg8[%swap3A_124, %swap3A_125] {strides = array<i32>} : memref<5x512xi32, #tpu.memory_space<vmem>>, vector<16xi32>,
      tpu.vector_store %arg8[%swap3A_124, %swap3A_125], %parallel_loop3A_118 {strides = array<i32>} : memref<5x512xi32, #tpu.memory_space<vmem>>, vector<16xi32>,
      %broadcast_in_dim3A_127 = arith.constant 0 : i32
      %broadcast_in_dim3A_128 = vector.broadcast %broadcast_in_dim3A_127 : i32 to vector<16xi32>
      %gather3A_129 = tpu.vector_load_idx %arg7[%broadcast_in_dim3A_128, %iota3A, %parallel_loop3A_118] : memref<5x16x512xf32, #tpu.memory_space<vmem>>[vector<16xi32>, vector<16xi32>, vector<16xi32>], vector<16xf32>,
      %div3A = arith.divf %gather3A_129, %broadcast_in_dim3A_3 : vector<16xf32>
      %mul3A_130 = arith.mulf %div3A, %div3A : vector<16xf32>
      %mul3A_131 = arith.mulf %mul3A_130, %broadcast_in_dim3A_3 : vector<16xf32>
      %sub3A = arith.constant 1.000000e+00 : f32
      %sub3A_132 = vector.broadcast %sub3A : f32 to vector<16xf32>
      %sub3A_133 = arith.subf %sub3A_132, %mul3A_131 : vector<16xf32>
      %max3A = arith.constant 9.99999996E-13 : f32
      %max3A_134 = vector.broadcast %max3A : f32 to vector<16xf32>
      %max3A_135 = arith.maximumf %sub3A_133, %max3A_134 : vector<16xf32>
      %mul3A_136 = arith.mulf %div3A, %gather3A : vector<16xf32>
      %sub3A_137 = arith.subf %gather3A_120, %mul3A_136 : vector<16xf32>
      %div3A_138 = arith.divf %gather3A, %broadcast_in_dim3A_3 : vector<16xf32>
      %div3A_139 = arith.divf %sub3A_137, %max3A_135 : vector<16xf32>
      %mul3A_140 = arith.mulf %div3A, %div3A_139 : vector<16xf32>
      %sub3A_141 = arith.subf %div3A_138, %mul3A_140 : vector<16xf32>
      %mul3A_142 = arith.constant 16 : i32
      %mul3A_143 = arith.muli %scan3A_53, %mul3A_142 : i32
      %swap3A_144 = arith.constant 0 : i32
      %swap3A_145 = arith.index_cast %swap3A_144 : i32 to index
      %swap3A_146 = arith.index_cast %mul3A_143 : i32 to index
      %swap3A_147 = tpu.vector_load %arg9[%swap3A_145, %swap3A_146] {strides = array<i32>} : memref<5x512xf32, #tpu.memory_space<vmem>>, vector<16xf32>,
      tpu.vector_store %arg9[%swap3A_145, %swap3A_146], %sub3A_141 {strides = array<i32>} : memref<5x512xf32, #tpu.memory_space<vmem>>, vector<16xf32>,
      %mul3A_148 = arith.constant 16 : i32
      %mul3A_149 = arith.muli %scan3A_53, %mul3A_148 : i32
      %swap3A_150 = arith.constant 1 : i32
      %swap3A_151 = arith.index_cast %swap3A_150 : i32 to index
      %swap3A_152 = arith.index_cast %mul3A_149 : i32 to index
      %swap3A_153 = tpu.vector_load %arg9[%swap3A_151, %swap3A_152] {strides = array<i32>} : memref<5x512xf32, #tpu.memory_space<vmem>>, vector<16xf32>,
      tpu.vector_store %arg9[%swap3A_151, %swap3A_152], %div3A_139 {strides = array<i32>} : memref<5x512xf32, #tpu.memory_space<vmem>>, vector<16xf32>,
      %dma_wait3A_154 = arith.constant 1 : i32
      %dma_wait3A_155 = arith.constant 0 : i32
      %dma_wait3A_156 = arith.constant 0 : i32
      %dma_wait3A_157 = tpu.memref_slice %arg7[%dma_wait3A_154, %dma_wait3A_155, %dma_wait3A_156] : memref<5x16x512xf32, #tpu.memory_space<vmem>> -> memref<1x16x512xf32, #tpu.memory_space<vmem>>
      %dma_wait3A_158 = tpu.memref_squeeze %dma_wait3A_157 : memref<1x16x512xf32, #tpu.memory_space<vmem>> -> memref<16x512xf32, #tpu.memory_space<vmem>>
      %dma_wait3A_159 = arith.constant 0 : i32
      %dma_wait3A_160 = arith.constant 0 : i32
      %dma_wait3A_161 = tpu.memref_slice %arg2[%dma_wait3A_159, %dma_wait3A_160] : memref<512x512xf32, #tpu.memory_space<hbm>> -> memref<16x512xf32, #tpu.memory_space<hbm>>
      %dma_wait3A_162 = arith.constant 0 : i32
      %dma_wait3A_163 = arith.constant 0 : i32
      %dma_wait3A_164 = tpu.memref_slice %arg7[%dma_wait3A_154, %dma_wait3A_162, %dma_wait3A_163] : memref<5x16x512xf32, #tpu.memory_space<vmem>> -> memref<1x16x512xf32, #tpu.memory_space<vmem>>
      %dma_wait3A_165 = tpu.memref_squeeze %dma_wait3A_164 : memref<1x16x512xf32, #tpu.memory_space<vmem>> -> memref<16x512xf32, #tpu.memory_space<vmem>>
      %dma_wait3A_166 = arith.constant 0 : i32
      %dma_wait3A_167 = arith.constant 0 : i32
      %dma_wait3A_168 = tpu.memref_slice %arg2[%dma_wait3A_166, %dma_wait3A_167] : memref<512x512xf32, #tpu.memory_space<hbm>> -> memref<16x512xf32, #tpu.memory_space<hbm>>
      tpu.wait_dma2 semaphore(%arg11 : memref<!tpu.dma_semaphore, #tpu.memory_space<semaphore_mem>>) src(%dma_wait3A_168 : memref<16x512xf32, #tpu.memory_space<hbm>>) dst(%dma_wait3A_165 : memref<16x512xf32, #tpu.memory_space<vmem>>)
      %broadcast_in_dim3A_169 = arith.constant 0 : i32
      %broadcast_in_dim3A_170 = vector.broadcast %broadcast_in_dim3A_169 : i32 to vector<16xi32>
      %parallel_loop3A_171 = arith.constant 0 : i32
      %parallel_loop3A_172 = arith.constant 16 : i32
      %parallel_loop3A_173 = arith.constant 1 : i32
      %parallel_loop3A_174 = scf.for %parallel_loop3A_510 = %parallel_loop3A_171 to %parallel_loop3A_172 step %parallel_loop3A_173 iter_args(%parallel_loop3A_511 = %broadcast_in_dim3A_170) -> (vector<16xi32>)  : i32 {
        %parallel_loop3A_512 = arith.constant 0 : i32
        %parallel_loop3A_513 = vector.broadcast %parallel_loop3A_512 : i32 to vector<16xi32>
        %parallel_loop3A_514 = arith.constant 16 : i32
        %parallel_loop3A_515 = arith.muli %scan3A_53, %parallel_loop3A_514 : i32
        %parallel_loop3A_516 = arith.addi %parallel_loop3A_515, %parallel_loop3A_510 : i32
        %parallel_loop3A_517 = vector.broadcast %parallel_loop3A_516 : i32 to vector<16xi32>
        %parallel_loop3A_518 = tpu.vector_load_idx %arg9[%parallel_loop3A_513, %parallel_loop3A_517] : memref<5x512xf32, #tpu.memory_space<vmem>>[vector<16xi32>, vector<16xi32>], vector<16xf32>,
        %parallel_loop3A_519 = arith.constant 1 : i32
        %parallel_loop3A_520 = vector.broadcast %parallel_loop3A_519 : i32 to vector<16xi32>
        %parallel_loop3A_521 = arith.constant 16 : i32
        %parallel_loop3A_522 = arith.muli %scan3A_53, %parallel_loop3A_521 : i32
        %parallel_loop3A_523 = arith.addi %parallel_loop3A_522, %parallel_loop3A_510 : i32
        %parallel_loop3A_524 = vector.broadcast %parallel_loop3A_523 : i32 to vector<16xi32>
        %parallel_loop3A_525 = tpu.vector_load_idx %arg9[%parallel_loop3A_520, %parallel_loop3A_524] : memref<5x512xf32, #tpu.memory_space<vmem>>[vector<16xi32>, vector<16xi32>], vector<16xf32>,
        %parallel_loop3A_526 = arith.constant -1.000000e+00 : f32
        %parallel_loop3A_527 = vector.broadcast %parallel_loop3A_526 : f32 to vector<16xf32>
        %parallel_loop3A_528 = arith.constant 0 : i32
        %parallel_loop3A_529 = vector.broadcast %parallel_loop3A_528 : i32 to vector<16xi32>
        %parallel_loop3A_530 = arith.constant 0 : i32
        %parallel_loop3A_531 = arith.constant 4 : i32
        %parallel_loop3A_532 = arith.addi %parallel_loop3A_530, %parallel_loop3A_531 : i32
        %parallel_loop3A_533 = arith.constant 1 : i32
        %parallel_loop3A_534:2 = scf.for %scan3A_574 = %parallel_loop3A_530 to %parallel_loop3A_532 step %parallel_loop3A_533 iter_args(%scan3A_575 = %parallel_loop3A_527, %scan3A_576 = %parallel_loop3A_529) -> (vector<16xf32>, vector<16xi32>)  : i32 {
          %parallel_loop3A_577 = arith.constant 8 : i32
          %parallel_loop3A_578 = arith.muli %scan3A_574, %parallel_loop3A_577 : i32
          %parallel_loop3A_579 = arith.constant 0 : i32
          %parallel_loop3A_580 = arith.addi %parallel_loop3A_578, %parallel_loop3A_579 : i32
          %parallel_loop3A_581 = arith.constant 16 : i32
          %parallel_loop3A_582 = arith.muli %parallel_loop3A_580, %parallel_loop3A_581 : i32
          %parallel_loop3A_583 = arith.index_cast %select_n3A_63 : i32 to index
          %parallel_loop3A_584 = arith.index_cast %parallel_loop3A_510 : i32 to index
          %parallel_loop3A_585 = arith.index_cast %parallel_loop3A_582 : i32 to index
          %parallel_loop3A_586 = tpu.vector_load %arg6[%parallel_loop3A_583, %parallel_loop3A_584, %parallel_loop3A_585] {strides = array<i32>} : memref<2x16x512xf32, #tpu.memory_space<vmem>>, vector<16xf32>,
          %parallel_loop3A_587 = arith.constant 0 : i32
          %parallel_loop3A_588 = arith.index_cast %parallel_loop3A_587 : i32 to index
          %parallel_loop3A_589 = arith.index_cast %parallel_loop3A_510 : i32 to index
          %parallel_loop3A_590 = arith.index_cast %parallel_loop3A_582 : i32 to index
          %parallel_loop3A_591 = tpu.vector_load %arg7[%parallel_loop3A_588, %parallel_loop3A_589, %parallel_loop3A_590] {strides = array<i32>} : memref<5x16x512xf32, #tpu.memory_space<vmem>>, vector<16xf32>,
          %parallel_loop3A_592 = arith.mulf %parallel_loop3A_518, %parallel_loop3A_591 : vector<16xf32>
          %parallel_loop3A_593 = arith.constant 1 : i32
          %parallel_loop3A_594 = arith.index_cast %parallel_loop3A_593 : i32 to index
          %parallel_loop3A_595 = arith.index_cast %parallel_loop3A_510 : i32 to index
          %parallel_loop3A_596 = arith.index_cast %parallel_loop3A_582 : i32 to index
          %parallel_loop3A_597 = tpu.vector_load %arg7[%parallel_loop3A_594, %parallel_loop3A_595, %parallel_loop3A_596] {strides = array<i32>} : memref<5x16x512xf32, #tpu.memory_space<vmem>>, vector<16xf32>,
          %parallel_loop3A_598 = arith.mulf %parallel_loop3A_525, %parallel_loop3A_597 : vector<16xf32>
          %parallel_loop3A_599 = arith.addf %parallel_loop3A_592, %parallel_loop3A_598 : vector<16xf32>
          %parallel_loop3A_600 = arith.subf %parallel_loop3A_586, %parallel_loop3A_599 : vector<16xf32>
          %parallel_loop3A_601 = math.absf %parallel_loop3A_600 : vector<16xf32>
          %parallel_loop3A_602 = arith.cmpf ogt, %parallel_loop3A_601, %scan3A_575 : vector<16xf32>
          %parallel_loop3A_603 = arith.select %parallel_loop3A_602, %parallel_loop3A_601, %scan3A_575 : vector<16xi1>, vector<16xf32>
          %parallel_loop3A_604 = vector.broadcast %parallel_loop3A_580 : i32 to vector<16xi32>
          %parallel_loop3A_605 = arith.select %parallel_loop3A_602, %parallel_loop3A_604, %scan3A_576 : vector<16xi1>, vector<16xi32>
          %parallel_loop3A_606 = arith.constant 8 : i32
          %parallel_loop3A_607 = arith.muli %scan3A_574, %parallel_loop3A_606 : i32
          %parallel_loop3A_608 = arith.constant 1 : i32
          %parallel_loop3A_609 = arith.addi %parallel_loop3A_607, %parallel_loop3A_608 : i32
          %parallel_loop3A_610 = arith.constant 16 : i32
          %parallel_loop3A_611 = arith.muli %parallel_loop3A_609, %parallel_loop3A_610 : i32
          %parallel_loop3A_612 = arith.index_cast %select_n3A_63 : i32 to index
          %parallel_loop3A_613 = arith.index_cast %parallel_loop3A_510 : i32 to index
          %parallel_loop3A_614 = arith.index_cast %parallel_loop3A_611 : i32 to index
          %parallel_loop3A_615 = tpu.vector_load %arg6[%parallel_loop3A_612, %parallel_loop3A_613, %parallel_loop3A_614] {strides = array<i32>} : memref<2x16x512xf32, #tpu.memory_space<vmem>>, vector<16xf32>,
          %parallel_loop3A_616 = arith.constant 0 : i32
          %parallel_loop3A_617 = arith.index_cast %parallel_loop3A_616 : i32 to index
          %parallel_loop3A_618 = arith.index_cast %parallel_loop3A_510 : i32 to index
          %parallel_loop3A_619 = arith.index_cast %parallel_loop3A_611 : i32 to index
          %parallel_loop3A_620 = tpu.vector_load %arg7[%parallel_loop3A_617, %parallel_loop3A_618, %parallel_loop3A_619] {strides = array<i32>} : memref<5x16x512xf32, #tpu.memory_space<vmem>>, vector<16xf32>,
          %parallel_loop3A_621 = arith.mulf %parallel_loop3A_518, %parallel_loop3A_620 : vector<16xf32>
          %parallel_loop3A_622 = arith.constant 1 : i32
          %parallel_loop3A_623 = arith.index_cast %parallel_loop3A_622 : i32 to index
          %parallel_loop3A_624 = arith.index_cast %parallel_loop3A_510 : i32 to index
          %parallel_loop3A_625 = arith.index_cast %parallel_loop3A_611 : i32 to index
          %parallel_loop3A_626 = tpu.vector_load %arg7[%parallel_loop3A_623, %parallel_loop3A_624, %parallel_loop3A_625] {strides = array<i32>} : memref<5x16x512xf32, #tpu.memory_space<vmem>>, vector<16xf32>,
          %parallel_loop3A_627 = arith.mulf %parallel_loop3A_525, %parallel_loop3A_626 : vector<16xf32>
          %parallel_loop3A_628 = arith.addf %parallel_loop3A_621, %parallel_loop3A_627 : vector<16xf32>
          %parallel_loop3A_629 = arith.subf %parallel_loop3A_615, %parallel_loop3A_628 : vector<16xf32>
          %parallel_loop3A_630 = math.absf %parallel_loop3A_629 : vector<16xf32>
          %parallel_loop3A_631 = arith.cmpf ogt, %parallel_loop3A_630, %parallel_loop3A_603 : vector<16xf32>
          %parallel_loop3A_632 = arith.select %parallel_loop3A_631, %parallel_loop3A_630, %parallel_loop3A_603 : vector<16xi1>, vector<16xf32>
          %parallel_loop3A_633 = vector.broadcast %parallel_loop3A_609 : i32 to vector<16xi32>
          %parallel_loop3A_634 = arith.select %parallel_loop3A_631, %parallel_loop3A_633, %parallel_loop3A_605 : vector<16xi1>, vector<16xi32>
          %parallel_loop3A_635 = arith.constant 8 : i32
          %parallel_loop3A_636 = arith.muli %scan3A_574, %parallel_loop3A_635 : i32
          %parallel_loop3A_637 = arith.constant 2 : i32
          %parallel_loop3A_638 = arith.addi %parallel_loop3A_636, %parallel_loop3A_637 : i32
          %parallel_loop3A_639 = arith.constant 16 : i32
          %parallel_loop3A_640 = arith.muli %parallel_loop3A_638, %parallel_loop3A_639 : i32
          %parallel_loop3A_641 = arith.index_cast %select_n3A_63 : i32 to index
          %parallel_loop3A_642 = arith.index_cast %parallel_loop3A_510 : i32 to index
          %parallel_loop3A_643 = arith.index_cast %parallel_loop3A_640 : i32 to index
          %parallel_loop3A_644 = tpu.vector_load %arg6[%parallel_loop3A_641, %parallel_loop3A_642, %parallel_loop3A_643] {strides = array<i32>} : memref<2x16x512xf32, #tpu.memory_space<vmem>>, vector<16xf32>,
          %parallel_loop3A_645 = arith.constant 0 : i32
          %parallel_loop3A_646 = arith.index_cast %parallel_loop3A_645 : i32 to index
          %parallel_loop3A_647 = arith.index_cast %parallel_loop3A_510 : i32 to index
          %parallel_loop3A_648 = arith.index_cast %parallel_loop3A_640 : i32 to index
          %parallel_loop3A_649 = tpu.vector_load %arg7[%parallel_loop3A_646, %parallel_loop3A_647, %parallel_loop3A_648] {strides = array<i32>} : memref<5x16x512xf32, #tpu.memory_space<vmem>>, vector<16xf32>,
          %parallel_loop3A_650 = arith.mulf %parallel_loop3A_518, %parallel_loop3A_649 : vector<16xf32>
          %parallel_loop3A_651 = arith.constant 1 : i32
          %parallel_loop3A_652 = arith.index_cast %parallel_loop3A_651 : i32 to index
          %parallel_loop3A_653 = arith.index_cast %parallel_loop3A_510 : i32 to index
          %parallel_loop3A_654 = arith.index_cast %parallel_loop3A_640 : i32 to index
          %parallel_loop3A_655 = tpu.vector_load %arg7[%parallel_loop3A_652, %parallel_loop3A_653, %parallel_loop3A_654] {strides = array<i32>} : memref<5x16x512xf32, #tpu.memory_space<vmem>>, vector<16xf32>,
          %parallel_loop3A_656 = arith.mulf %parallel_loop3A_525, %parallel_loop3A_655 : vector<16xf32>
          %parallel_loop3A_657 = arith.addf %parallel_loop3A_650, %parallel_loop3A_656 : vector<16xf32>
          %parallel_loop3A_658 = arith.subf %parallel_loop3A_644, %parallel_loop3A_657 : vector<16xf32>
          %parallel_loop3A_659 = math.absf %parallel_loop3A_658 : vector<16xf32>
          %parallel_loop3A_660 = arith.cmpf ogt, %parallel_loop3A_659, %parallel_loop3A_632 : vector<16xf32>
          %parallel_loop3A_661 = arith.select %parallel_loop3A_660, %parallel_loop3A_659, %parallel_loop3A_632 : vector<16xi1>, vector<16xf32>
          %parallel_loop3A_662 = vector.broadcast %parallel_loop3A_638 : i32 to vector<16xi32>
          %parallel_loop3A_663 = arith.select %parallel_loop3A_660, %parallel_loop3A_662, %parallel_loop3A_634 : vector<16xi1>, vector<16xi32>
          %parallel_loop3A_664 = arith.constant 8 : i32
          %parallel_loop3A_665 = arith.muli %scan3A_574, %parallel_loop3A_664 : i32
          %parallel_loop3A_666 = arith.constant 3 : i32
          %parallel_loop3A_667 = arith.addi %parallel_loop3A_665, %parallel_loop3A_666 : i32
          %parallel_loop3A_668 = arith.constant 16 : i32
          %parallel_loop3A_669 = arith.muli %parallel_loop3A_667, %parallel_loop3A_668 : i32
          %parallel_loop3A_670 = arith.index_cast %select_n3A_63 : i32 to index
          %parallel_loop3A_671 = arith.index_cast %parallel_loop3A_510 : i32 to index
          %parallel_loop3A_672 = arith.index_cast %parallel_loop3A_669 : i32 to index
          %parallel_loop3A_673 = tpu.vector_load %arg6[%parallel_loop3A_670, %parallel_loop3A_671, %parallel_loop3A_672] {strides = array<i32>} : memref<2x16x512xf32, #tpu.memory_space<vmem>>, vector<16xf32>,
          %parallel_loop3A_674 = arith.constant 0 : i32
          %parallel_loop3A_675 = arith.index_cast %parallel_loop3A_674 : i32 to index
          %parallel_loop3A_676 = arith.index_cast %parallel_loop3A_510 : i32 to index
          %parallel_loop3A_677 = arith.index_cast %parallel_loop3A_669 : i32 to index
          %parallel_loop3A_678 = tpu.vector_load %arg7[%parallel_loop3A_675, %parallel_loop3A_676, %parallel_loop3A_677] {strides = array<i32>} : memref<5x16x512xf32, #tpu.memory_space<vmem>>, vector<16xf32>,
          %parallel_loop3A_679 = arith.mulf %parallel_loop3A_518, %parallel_loop3A_678 : vector<16xf32>
          %parallel_loop3A_680 = arith.constant 1 : i32
          %parallel_loop3A_681 = arith.index_cast %parallel_loop3A_680 : i32 to index
          %parallel_loop3A_682 = arith.index_cast %parallel_loop3A_510 : i32 to index
          %parallel_loop3A_683 = arith.index_cast %parallel_loop3A_669 : i32 to index
          %parallel_loop3A_684 = tpu.vector_load %arg7[%parallel_loop3A_681, %parallel_loop3A_682, %parallel_loop3A_683] {strides = array<i32>} : memref<5x16x512xf32, #tpu.memory_space<vmem>>, vector<16xf32>,
          %parallel_loop3A_685 = arith.mulf %parallel_loop3A_525, %parallel_loop3A_684 : vector<16xf32>
          %parallel_loop3A_686 = arith.addf %parallel_loop3A_679, %parallel_loop3A_685 : vector<16xf32>
          %parallel_loop3A_687 = arith.subf %parallel_loop3A_673, %parallel_loop3A_686 : vector<16xf32>
          %parallel_loop3A_688 = math.absf %parallel_loop3A_687 : vector<16xf32>
          %parallel_loop3A_689 = arith.cmpf ogt, %parallel_loop3A_688, %parallel_loop3A_661 : vector<16xf32>
          %parallel_loop3A_690 = arith.select %parallel_loop3A_689, %parallel_loop3A_688, %parallel_loop3A_661 : vector<16xi1>, vector<16xf32>
          %parallel_loop3A_691 = vector.broadcast %parallel_loop3A_667 : i32 to vector<16xi32>
          %parallel_loop3A_692 = arith.select %parallel_loop3A_689, %parallel_loop3A_691, %parallel_loop3A_663 : vector<16xi1>, vector<16xi32>
          %parallel_loop3A_693 = arith.constant 8 : i32
          %parallel_loop3A_694 = arith.muli %scan3A_574, %parallel_loop3A_693 : i32
          %parallel_loop3A_695 = arith.constant 4 : i32
          %parallel_loop3A_696 = arith.addi %parallel_loop3A_694, %parallel_loop3A_695 : i32
          %parallel_loop3A_697 = arith.constant 16 : i32
          %parallel_loop3A_698 = arith.muli %parallel_loop3A_696, %parallel_loop3A_697 : i32
          %parallel_loop3A_699 = arith.index_cast %select_n3A_63 : i32 to index
          %parallel_loop3A_700 = arith.index_cast %parallel_loop3A_510 : i32 to index
          %parallel_loop3A_701 = arith.index_cast %parallel_loop3A_698 : i32 to index
          %parallel_loop3A_702 = tpu.vector_load %arg6[%parallel_loop3A_699, %parallel_loop3A_700, %parallel_loop3A_701] {strides = array<i32>} : memref<2x16x512xf32, #tpu.memory_space<vmem>>, vector<16xf32>,
          %parallel_loop3A_703 = arith.constant 0 : i32
          %parallel_loop3A_704 = arith.index_cast %parallel_loop3A_703 : i32 to index
          %parallel_loop3A_705 = arith.index_cast %parallel_loop3A_510 : i32 to index
          %parallel_loop3A_706 = arith.index_cast %parallel_loop3A_698 : i32 to index
          %parallel_loop3A_707 = tpu.vector_load %arg7[%parallel_loop3A_704, %parallel_loop3A_705, %parallel_loop3A_706] {strides = array<i32>} : memref<5x16x512xf32, #tpu.memory_space<vmem>>, vector<16xf32>,
          %parallel_loop3A_708 = arith.mulf %parallel_loop3A_518, %parallel_loop3A_707 : vector<16xf32>
          %parallel_loop3A_709 = arith.constant 1 : i32
          %parallel_loop3A_710 = arith.index_cast %parallel_loop3A_709 : i32 to index
          %parallel_loop3A_711 = arith.index_cast %parallel_loop3A_510 : i32 to index
          %parallel_loop3A_712 = arith.index_cast %parallel_loop3A_698 : i32 to index
          %parallel_loop3A_713 = tpu.vector_load %arg7[%parallel_loop3A_710, %parallel_loop3A_711, %parallel_loop3A_712] {strides = array<i32>} : memref<5x16x512xf32, #tpu.memory_space<vmem>>, vector<16xf32>,
          %parallel_loop3A_714 = arith.mulf %parallel_loop3A_525, %parallel_loop3A_713 : vector<16xf32>
          %parallel_loop3A_715 = arith.addf %parallel_loop3A_708, %parallel_loop3A_714 : vector<16xf32>
          %parallel_loop3A_716 = arith.subf %parallel_loop3A_702, %parallel_loop3A_715 : vector<16xf32>
          %parallel_loop3A_717 = math.absf %parallel_loop3A_716 : vector<16xf32>
          %parallel_loop3A_718 = arith.cmpf ogt, %parallel_loop3A_717, %parallel_loop3A_690 : vector<16xf32>
          %parallel_loop3A_719 = arith.select %parallel_loop3A_718, %parallel_loop3A_717, %parallel_loop3A_690 : vector<16xi1>, vector<16xf32>
          %parallel_loop3A_720 = vector.broadcast %parallel_loop3A_696 : i32 to vector<16xi32>
          %parallel_loop3A_721 = arith.select %parallel_loop3A_718, %parallel_loop3A_720, %parallel_loop3A_692 : vector<16xi1>, vector<16xi32>
          %parallel_loop3A_722 = arith.constant 8 : i32
          %parallel_loop3A_723 = arith.muli %scan3A_574, %parallel_loop3A_722 : i32
          %parallel_loop3A_724 = arith.constant 5 : i32
          %parallel_loop3A_725 = arith.addi %parallel_loop3A_723, %parallel_loop3A_724 : i32
          %parallel_loop3A_726 = arith.constant 16 : i32
          %parallel_loop3A_727 = arith.muli %parallel_loop3A_725, %parallel_loop3A_726 : i32
          %parallel_loop3A_728 = arith.index_cast %select_n3A_63 : i32 to index
          %parallel_loop3A_729 = arith.index_cast %parallel_loop3A_510 : i32 to index
          %parallel_loop3A_730 = arith.index_cast %parallel_loop3A_727 : i32 to index
          %parallel_loop3A_731 = tpu.vector_load %arg6[%parallel_loop3A_728, %parallel_loop3A_729, %parallel_loop3A_730] {strides = array<i32>} : memref<2x16x512xf32, #tpu.memory_space<vmem>>, vector<16xf32>,
          %parallel_loop3A_732 = arith.constant 0 : i32
          %parallel_loop3A_733 = arith.index_cast %parallel_loop3A_732 : i32 to index
          %parallel_loop3A_734 = arith.index_cast %parallel_loop3A_510 : i32 to index
          %parallel_loop3A_735 = arith.index_cast %parallel_loop3A_727 : i32 to index
          %parallel_loop3A_736 = tpu.vector_load %arg7[%parallel_loop3A_733, %parallel_loop3A_734, %parallel_loop3A_735] {strides = array<i32>} : memref<5x16x512xf32, #tpu.memory_space<vmem>>, vector<16xf32>,
          %parallel_loop3A_737 = arith.mulf %parallel_loop3A_518, %parallel_loop3A_736 : vector<16xf32>
          %parallel_loop3A_738 = arith.constant 1 : i32
          %parallel_loop3A_739 = arith.index_cast %parallel_loop3A_738 : i32 to index
          %parallel_loop3A_740 = arith.index_cast %parallel_loop3A_510 : i32 to index
          %parallel_loop3A_741 = arith.index_cast %parallel_loop3A_727 : i32 to index
          %parallel_loop3A_742 = tpu.vector_load %arg7[%parallel_loop3A_739, %parallel_loop3A_740, %parallel_loop3A_741] {strides = array<i32>} : memref<5x16x512xf32, #tpu.memory_space<vmem>>, vector<16xf32>,
          %parallel_loop3A_743 = arith.mulf %parallel_loop3A_525, %parallel_loop3A_742 : vector<16xf32>
          %parallel_loop3A_744 = arith.addf %parallel_loop3A_737, %parallel_loop3A_743 : vector<16xf32>
          %parallel_loop3A_745 = arith.subf %parallel_loop3A_731, %parallel_loop3A_744 : vector<16xf32>
          %parallel_loop3A_746 = math.absf %parallel_loop3A_745 : vector<16xf32>
          %parallel_loop3A_747 = arith.cmpf ogt, %parallel_loop3A_746, %parallel_loop3A_719 : vector<16xf32>
          %parallel_loop3A_748 = arith.select %parallel_loop3A_747, %parallel_loop3A_746, %parallel_loop3A_719 : vector<16xi1>, vector<16xf32>
          %parallel_loop3A_749 = vector.broadcast %parallel_loop3A_725 : i32 to vector<16xi32>
          %parallel_loop3A_750 = arith.select %parallel_loop3A_747, %parallel_loop3A_749, %parallel_loop3A_721 : vector<16xi1>, vector<16xi32>
          %parallel_loop3A_751 = arith.constant 8 : i32
          %parallel_loop3A_752 = arith.muli %scan3A_574, %parallel_loop3A_751 : i32
          %parallel_loop3A_753 = arith.constant 6 : i32
          %parallel_loop3A_754 = arith.addi %parallel_loop3A_752, %parallel_loop3A_753 : i32
          %parallel_loop3A_755 = arith.constant 16 : i32
          %parallel_loop3A_756 = arith.muli %parallel_loop3A_754, %parallel_loop3A_755 : i32
          %parallel_loop3A_757 = arith.index_cast %select_n3A_63 : i32 to index
          %parallel_loop3A_758 = arith.index_cast %parallel_loop3A_510 : i32 to index
          %parallel_loop3A_759 = arith.index_cast %parallel_loop3A_756 : i32 to index
          %parallel_loop3A_760 = tpu.vector_load %arg6[%parallel_loop3A_757, %parallel_loop3A_758, %parallel_loop3A_759] {strides = array<i32>} : memref<2x16x512xf32, #tpu.memory_space<vmem>>, vector<16xf32>,
          %parallel_loop3A_761 = arith.constant 0 : i32
          %parallel_loop3A_762 = arith.index_cast %parallel_loop3A_761 : i32 to index
          %parallel_loop3A_763 = arith.index_cast %parallel_loop3A_510 : i32 to index
          %parallel_loop3A_764 = arith.index_cast %parallel_loop3A_756 : i32 to index
          %parallel_loop3A_765 = tpu.vector_load %arg7[%parallel_loop3A_762, %parallel_loop3A_763, %parallel_loop3A_764] {strides = array<i32>} : memref<5x16x512xf32, #tpu.memory_space<vmem>>, vector<16xf32>,
          %parallel_loop3A_766 = arith.mulf %parallel_loop3A_518, %parallel_loop3A_765 : vector<16xf32>
          %parallel_loop3A_767 = arith.constant 1 : i32
          %parallel_loop3A_768 = arith.index_cast %parallel_loop3A_767 : i32 to index
          %parallel_loop3A_769 = arith.index_cast %parallel_loop3A_510 : i32 to index
          %parallel_loop3A_770 = arith.index_cast %parallel_loop3A_756 : i32 to index
          %parallel_loop3A_771 = tpu.vector_load %arg7[%parallel_loop3A_768, %parallel_loop3A_769, %parallel_loop3A_770] {strides = array<i32>} : memref<5x16x512xf32, #tpu.memory_space<vmem>>, vector<16xf32>,
          %parallel_loop3A_772 = arith.mulf %parallel_loop3A_525, %parallel_loop3A_771 : vector<16xf32>
          %parallel_loop3A_773 = arith.addf %parallel_loop3A_766, %parallel_loop3A_772 : vector<16xf32>
          %parallel_loop3A_774 = arith.subf %parallel_loop3A_760, %parallel_loop3A_773 : vector<16xf32>
          %parallel_loop3A_775 = math.absf %parallel_loop3A_774 : vector<16xf32>
          %parallel_loop3A_776 = arith.cmpf ogt, %parallel_loop3A_775, %parallel_loop3A_748 : vector<16xf32>
          %parallel_loop3A_777 = arith.select %parallel_loop3A_776, %parallel_loop3A_775, %parallel_loop3A_748 : vector<16xi1>, vector<16xf32>
          %parallel_loop3A_778 = vector.broadcast %parallel_loop3A_754 : i32 to vector<16xi32>
          %parallel_loop3A_779 = arith.select %parallel_loop3A_776, %parallel_loop3A_778, %parallel_loop3A_750 : vector<16xi1>, vector<16xi32>
          %parallel_loop3A_780 = arith.constant 8 : i32
          %parallel_loop3A_781 = arith.muli %scan3A_574, %parallel_loop3A_780 : i32
          %parallel_loop3A_782 = arith.constant 7 : i32
          %parallel_loop3A_783 = arith.addi %parallel_loop3A_781, %parallel_loop3A_782 : i32
          %parallel_loop3A_784 = arith.constant 16 : i32
          %parallel_loop3A_785 = arith.muli %parallel_loop3A_783, %parallel_loop3A_784 : i32
          %parallel_loop3A_786 = arith.index_cast %select_n3A_63 : i32 to index
          %parallel_loop3A_787 = arith.index_cast %parallel_loop3A_510 : i32 to index
          %parallel_loop3A_788 = arith.index_cast %parallel_loop3A_785 : i32 to index
          %parallel_loop3A_789 = tpu.vector_load %arg6[%parallel_loop3A_786, %parallel_loop3A_787, %parallel_loop3A_788] {strides = array<i32>} : memref<2x16x512xf32, #tpu.memory_space<vmem>>, vector<16xf32>,
          %parallel_loop3A_790 = arith.constant 0 : i32
          %parallel_loop3A_791 = arith.index_cast %parallel_loop3A_790 : i32 to index
          %parallel_loop3A_792 = arith.index_cast %parallel_loop3A_510 : i32 to index
          %parallel_loop3A_793 = arith.index_cast %parallel_loop3A_785 : i32 to index
          %parallel_loop3A_794 = tpu.vector_load %arg7[%parallel_loop3A_791, %parallel_loop3A_792, %parallel_loop3A_793] {strides = array<i32>} : memref<5x16x512xf32, #tpu.memory_space<vmem>>, vector<16xf32>,
          %parallel_loop3A_795 = arith.mulf %parallel_loop3A_518, %parallel_loop3A_794 : vector<16xf32>
          %parallel_loop3A_796 = arith.constant 1 : i32
          %parallel_loop3A_797 = arith.index_cast %parallel_loop3A_796 : i32 to index
          %parallel_loop3A_798 = arith.index_cast %parallel_loop3A_510 : i32 to index
          %parallel_loop3A_799 = arith.index_cast %parallel_loop3A_785 : i32 to index
          %parallel_loop3A_800 = tpu.vector_load %arg7[%parallel_loop3A_797, %parallel_loop3A_798, %parallel_loop3A_799] {strides = array<i32>} : memref<5x16x512xf32, #tpu.memory_space<vmem>>, vector<16xf32>,
          %parallel_loop3A_801 = arith.mulf %parallel_loop3A_525, %parallel_loop3A_800 : vector<16xf32>
          %parallel_loop3A_802 = arith.addf %parallel_loop3A_795, %parallel_loop3A_801 : vector<16xf32>
          %parallel_loop3A_803 = arith.subf %parallel_loop3A_789, %parallel_loop3A_802 : vector<16xf32>
          %parallel_loop3A_804 = math.absf %parallel_loop3A_803 : vector<16xf32>
          %parallel_loop3A_805 = arith.cmpf ogt, %parallel_loop3A_804, %parallel_loop3A_777 : vector<16xf32>
          %parallel_loop3A_806 = arith.select %parallel_loop3A_805, %parallel_loop3A_804, %parallel_loop3A_777 : vector<16xi1>, vector<16xf32>
          %parallel_loop3A_807 = vector.broadcast %parallel_loop3A_783 : i32 to vector<16xi32>
          %parallel_loop3A_808 = arith.select %parallel_loop3A_805, %parallel_loop3A_807, %parallel_loop3A_779 : vector<16xi1>, vector<16xi32>
          scf.yield %parallel_loop3A_806, %parallel_loop3A_808 : vector<16xf32>, vector<16xi32>
        }
        %parallel_loop3A_535 = arith.constant 4 : i32
        %parallel_loop3A_536 = arith.constant true
        %parallel_loop3A_537 = vector.broadcast %parallel_loop3A_536 : i1 to vector<16xi1>
        %parallel_loop3A_538 = tpu.scan <max>, %parallel_loop3A_534#0 masked %parallel_loop3A_537 : vector<16xf32>, vector<16xi1> -> vector<16xf32>
        %parallel_loop3A_539 = vector.extract %parallel_loop3A_538[15] : f32 from vector<16xf32>
        %parallel_loop3A_540 = vector.broadcast %parallel_loop3A_539 : f32 to vector<16xf32>
        %parallel_loop3A_541 = arith.cmpf oeq, %parallel_loop3A_534#0, %parallel_loop3A_540 : vector<16xf32>
        %parallel_loop3A_542 = arith.constant 16 : i32
        %parallel_loop3A_543 = vector.broadcast %parallel_loop3A_542 : i32 to vector<16xi32>
        %parallel_loop3A_544 = arith.muli %parallel_loop3A_534#1, %parallel_loop3A_543 : vector<16xi32>
        %parallel_loop3A_545 = arith.addi %parallel_loop3A_544, %iota3A : vector<16xi32>
        %parallel_loop3A_546 = arith.constant 512 : i32
        %parallel_loop3A_547 = vector.broadcast %parallel_loop3A_546 : i32 to vector<16xi32>
        %parallel_loop3A_548 = arith.select %parallel_loop3A_541, %parallel_loop3A_545, %parallel_loop3A_547 : vector<16xi1>, vector<16xi32>
        %parallel_loop3A_549 = arith.constant true
        %parallel_loop3A_550 = vector.broadcast %parallel_loop3A_549 : i1 to vector<16xi1>
        %parallel_loop3A_551 = arith.constant -2147483648 : i32
        %parallel_loop3A_552 = vector.broadcast %parallel_loop3A_551 : i32 to vector<16xi32>
        %parallel_loop3A_553 = arith.xori %parallel_loop3A_548, %parallel_loop3A_552 : vector<16xi32>
        %parallel_loop3A_554 = tpu.scan <min>, %parallel_loop3A_553 masked %parallel_loop3A_550 : vector<16xi32>, vector<16xi1> -> vector<16xi32>
        %parallel_loop3A_555 = arith.xori %parallel_loop3A_554, %parallel_loop3A_552 : vector<16xi32>
        %parallel_loop3A_556 = vector.extract %parallel_loop3A_555[15] : i32 from vector<16xi32>
        %parallel_loop3A_557 = arith.constant 2 : i32
        %parallel_loop3A_558 = arith.constant 0 : i32
        %parallel_loop3A_559 = tpu.memref_slice %arg7[%parallel_loop3A_557, %parallel_loop3A_510, %parallel_loop3A_558] : memref<5x16x512xf32, #tpu.memory_space<vmem>> -> memref<1x1x512xf32, #tpu.memory_space<vmem>>
        %parallel_loop3A_560 = tpu.memref_squeeze %parallel_loop3A_559 : memref<1x1x512xf32, #tpu.memory_space<vmem>> -> memref<512xf32, #tpu.memory_space<vmem>>
        %parallel_loop3A_561 = arith.constant 0 : i32
        %parallel_loop3A_562 = tpu.memref_slice %arg2[%parallel_loop3A_556, %parallel_loop3A_561] : memref<512x512xf32, #tpu.memory_space<hbm>> -> memref<1x512xf32, #tpu.memory_space<hbm>>
        %parallel_loop3A_563 = tpu.memref_squeeze %parallel_loop3A_562 : memref<1x512xf32, #tpu.memory_space<hbm>> -> memref<512xf32, #tpu.memory_space<hbm>>
        %parallel_loop3A_564 = arith.constant 0 : i32
        %parallel_loop3A_565 = tpu.memref_slice %arg7[%parallel_loop3A_557, %parallel_loop3A_510, %parallel_loop3A_564] : memref<5x16x512xf32, #tpu.memory_space<vmem>> -> memref<1x1x512xf32, #tpu.memory_space<vmem>>
        %parallel_loop3A_566 = tpu.memref_squeeze %parallel_loop3A_565 : memref<1x1x512xf32, #tpu.memory_space<vmem>> -> memref<512xf32, #tpu.memory_space<vmem>>
        %parallel_loop3A_567 = arith.constant 0 : i32
        %parallel_loop3A_568 = tpu.memref_slice %arg2[%parallel_loop3A_556, %parallel_loop3A_567] : memref<512x512xf32, #tpu.memory_space<hbm>> -> memref<1x512xf32, #tpu.memory_space<hbm>>
        %parallel_loop3A_569 = tpu.memref_squeeze %parallel_loop3A_568 : memref<1x512xf32, #tpu.memory_space<hbm>> -> memref<512xf32, #tpu.memory_space<hbm>>
        tpu.enqueue_dma source(%parallel_loop3A_569 : memref<512xf32, #tpu.memory_space<hbm>>) target(%parallel_loop3A_566 : memref<512xf32, #tpu.memory_space<vmem>>) target_semaphore(%arg11 : memref<!tpu.dma_semaphore, #tpu.memory_space<semaphore_mem>>)
        %parallel_loop3A_570 = vector.broadcast %parallel_loop3A_510 : i32 to vector<16xi32>
        %parallel_loop3A_571 = arith.cmpi eq, %iota3A, %parallel_loop3A_570 : vector<16xi32>
        %parallel_loop3A_572 = vector.broadcast %parallel_loop3A_556 : i32 to vector<16xi32>
        %parallel_loop3A_573 = arith.select %parallel_loop3A_571, %parallel_loop3A_572, %parallel_loop3A_511 : vector<16xi1>, vector<16xi32>
        scf.yield %parallel_loop3A_573 : vector<16xi32>
      } {sc.loop_unroll_factor = 2 : i64, sc.parallel_access}
      %broadcast_in_dim3A_175 = vector.broadcast %select_n3A_63 : i32 to vector<16xi32>
      %gather3A_176 = tpu.vector_load_idx %arg6[%broadcast_in_dim3A_175, %iota3A, %parallel_loop3A_174] : memref<2x16x512xf32, #tpu.memory_space<vmem>>[vector<16xi32>, vector<16xi32>, vector<16xi32>], vector<16xf32>,
      %mul3A_177 = arith.constant 16 : i32
      %mul3A_178 = arith.muli %scan3A_53, %mul3A_177 : i32
      %swap3A_179 = arith.constant 2 : i32
      %swap3A_180 = arith.index_cast %swap3A_179 : i32 to index
      %swap3A_181 = arith.index_cast %mul3A_178 : i32 to index
      %swap3A_182 = tpu.vector_load %arg8[%swap3A_180, %swap3A_181] {strides = array<i32>} : memref<5x512xi32, #tpu.memory_space<vmem>>, vector<16xi32>,
      tpu.vector_store %arg8[%swap3A_180, %swap3A_181], %parallel_loop3A_174 {strides = array<i32>} : memref<5x512xi32, #tpu.memory_space<vmem>>, vector<16xi32>,
      %broadcast_in_dim3A_183 = arith.constant 0 : i32
      %broadcast_in_dim3A_184 = vector.broadcast %broadcast_in_dim3A_183 : i32 to vector<16xi32>
      %gather3A_185 = tpu.vector_load_idx %arg7[%broadcast_in_dim3A_184, %iota3A, %parallel_loop3A_174] : memref<5x16x512xf32, #tpu.memory_space<vmem>>[vector<16xi32>, vector<16xi32>, vector<16xi32>], vector<16xf32>,
      %broadcast_in_dim3A_186 = arith.constant 1 : i32
      %broadcast_in_dim3A_187 = vector.broadcast %broadcast_in_dim3A_186 : i32 to vector<16xi32>
      %gather3A_188 = tpu.vector_load_idx %arg7[%broadcast_in_dim3A_187, %iota3A, %parallel_loop3A_174] : memref<5x16x512xf32, #tpu.memory_space<vmem>>[vector<16xi32>, vector<16xi32>, vector<16xi32>], vector<16xf32>,
      %div3A_189 = arith.divf %gather3A_185, %broadcast_in_dim3A_3 : vector<16xf32>
      %mul3A_190 = arith.mulf %div3A_189, %broadcast_in_dim3A_3 : vector<16xf32>
      %mul3A_191 = arith.mulf %mul3A_190, %div3A : vector<16xf32>
      %sub3A_192 = arith.subf %gather3A_188, %mul3A_191 : vector<16xf32>
      %div3A_193 = arith.divf %sub3A_192, %max3A_135 : vector<16xf32>
      %mul3A_194 = arith.mulf %div3A_189, %div3A_189 : vector<16xf32>
      %mul3A_195 = arith.mulf %mul3A_194, %broadcast_in_dim3A_3 : vector<16xf32>
      %mul3A_196 = arith.mulf %div3A_193, %div3A_193 : vector<16xf32>
      %mul3A_197 = arith.mulf %mul3A_196, %max3A_135 : vector<16xf32>
      %add3A_198 = arith.addf %mul3A_195, %mul3A_197 : vector<16xf32>
      %sub3A_199 = arith.constant 1.000000e+00 : f32
      %sub3A_200 = vector.broadcast %sub3A_199 : f32 to vector<16xf32>
      %sub3A_201 = arith.subf %sub3A_200, %add3A_198 : vector<16xf32>
      %max3A_202 = arith.constant 9.99999996E-13 : f32
      %max3A_203 = vector.broadcast %max3A_202 : f32 to vector<16xf32>
      %max3A_204 = arith.maximumf %sub3A_201, %max3A_203 : vector<16xf32>
      %mul3A_205 = arith.mulf %div3A, %gather3A : vector<16xf32>
      %sub3A_206 = arith.subf %gather3A_120, %mul3A_205 : vector<16xf32>
      %mul3A_207 = arith.mulf %div3A_189, %gather3A : vector<16xf32>
      %sub3A_208 = arith.subf %gather3A_176, %mul3A_207 : vector<16xf32>
      %mul3A_209 = arith.mulf %div3A_193, %sub3A_206 : vector<16xf32>
      %sub3A_210 = arith.subf %sub3A_208, %mul3A_209 : vector<16xf32>
      %div3A_211 = arith.divf %gather3A, %broadcast_in_dim3A_3 : vector<16xf32>
      %div3A_212 = arith.divf %sub3A_206, %max3A_135 : vector<16xf32>
      %div3A_213 = arith.divf %sub3A_210, %max3A_204 : vector<16xf32>
      %mul3A_214 = arith.mulf %div3A_193, %div3A_213 : vector<16xf32>
      %sub3A_215 = arith.subf %div3A_212, %mul3A_214 : vector<16xf32>
      %mul3A_216 = arith.mulf %div3A, %sub3A_215 : vector<16xf32>
      %sub3A_217 = arith.subf %div3A_211, %mul3A_216 : vector<16xf32>
      %mul3A_218 = arith.mulf %div3A_189, %div3A_213 : vector<16xf32>
      %sub3A_219 = arith.subf %sub3A_217, %mul3A_218 : vector<16xf32>
      %mul3A_220 = arith.constant 16 : i32
      %mul3A_221 = arith.muli %scan3A_53, %mul3A_220 : i32
      %swap3A_222 = arith.constant 0 : i32
      %swap3A_223 = arith.index_cast %swap3A_222 : i32 to index
      %swap3A_224 = arith.index_cast %mul3A_221 : i32 to index
      %swap3A_225 = tpu.vector_load %arg9[%swap3A_223, %swap3A_224] {strides = array<i32>} : memref<5x512xf32, #tpu.memory_space<vmem>>, vector<16xf32>,
      tpu.vector_store %arg9[%swap3A_223, %swap3A_224], %sub3A_219 {strides = array<i32>} : memref<5x512xf32, #tpu.memory_space<vmem>>, vector<16xf32>,
      %mul3A_226 = arith.constant 16 : i32
      %mul3A_227 = arith.muli %scan3A_53, %mul3A_226 : i32
      %swap3A_228 = arith.constant 1 : i32
      %swap3A_229 = arith.index_cast %swap3A_228 : i32 to index
      %swap3A_230 = arith.index_cast %mul3A_227 : i32 to index
      %swap3A_231 = tpu.vector_load %arg9[%swap3A_229, %swap3A_230] {strides = array<i32>} : memref<5x512xf32, #tpu.memory_space<vmem>>, vector<16xf32>,
      tpu.vector_store %arg9[%swap3A_229, %swap3A_230], %sub3A_215 {strides = array<i32>} : memref<5x512xf32, #tpu.memory_space<vmem>>, vector<16xf32>,
      %mul3A_232 = arith.constant 16 : i32
      %mul3A_233 = arith.muli %scan3A_53, %mul3A_232 : i32
      %swap3A_234 = arith.constant 2 : i32
      %swap3A_235 = arith.index_cast %swap3A_234 : i32 to index
      %swap3A_236 = arith.index_cast %mul3A_233 : i32 to index
      %swap3A_237 = tpu.vector_load %arg9[%swap3A_235, %swap3A_236] {strides = array<i32>} : memref<5x512xf32, #tpu.memory_space<vmem>>, vector<16xf32>,
      tpu.vector_store %arg9[%swap3A_235, %swap3A_236], %div3A_213 {strides = array<i32>} : memref<5x512xf32, #tpu.memory_space<vmem>>, vector<16xf32>,
      %dma_wait3A_238 = arith.constant 2 : i32
      %dma_wait3A_239 = arith.constant 0 : i32
      %dma_wait3A_240 = arith.constant 0 : i32
      %dma_wait3A_241 = tpu.memref_slice %arg7[%dma_wait3A_238, %dma_wait3A_239, %dma_wait3A_240] : memref<5x16x512xf32, #tpu.memory_space<vmem>> -> memref<1x16x512xf32, #tpu.memory_space<vmem>>
      %dma_wait3A_242 = tpu.memref_squeeze %dma_wait3A_241 : memref<1x16x512xf32, #tpu.memory_space<vmem>> -> memref<16x512xf32, #tpu.memory_space<vmem>>
      %dma_wait3A_243 = arith.constant 0 : i32
      %dma_wait3A_244 = arith.constant 0 : i32
      %dma_wait3A_245 = tpu.memref_slice %arg2[%dma_wait3A_243, %dma_wait3A_244] : memref<512x512xf32, #tpu.memory_space<hbm>> -> memref<16x512xf32, #tpu.memory_space<hbm>>
      %dma_wait3A_246 = arith.constant 0 : i32
      %dma_wait3A_247 = arith.constant 0 : i32
      %dma_wait3A_248 = tpu.memref_slice %arg7[%dma_wait3A_238, %dma_wait3A_246, %dma_wait3A_247] : memref<5x16x512xf32, #tpu.memory_space<vmem>> -> memref<1x16x512xf32, #tpu.memory_space<vmem>>
      %dma_wait3A_249 = tpu.memref_squeeze %dma_wait3A_248 : memref<1x16x512xf32, #tpu.memory_space<vmem>> -> memref<16x512xf32, #tpu.memory_space<vmem>>
      %dma_wait3A_250 = arith.constant 0 : i32
      %dma_wait3A_251 = arith.constant 0 : i32
      %dma_wait3A_252 = tpu.memref_slice %arg2[%dma_wait3A_250, %dma_wait3A_251] : memref<512x512xf32, #tpu.memory_space<hbm>> -> memref<16x512xf32, #tpu.memory_space<hbm>>
      tpu.wait_dma2 semaphore(%arg11 : memref<!tpu.dma_semaphore, #tpu.memory_space<semaphore_mem>>) src(%dma_wait3A_252 : memref<16x512xf32, #tpu.memory_space<hbm>>) dst(%dma_wait3A_249 : memref<16x512xf32, #tpu.memory_space<vmem>>)
      %broadcast_in_dim3A_253 = arith.constant 0 : i32
      %broadcast_in_dim3A_254 = vector.broadcast %broadcast_in_dim3A_253 : i32 to vector<16xi32>
      %parallel_loop3A_255 = arith.constant 0 : i32
      %parallel_loop3A_256 = arith.constant 16 : i32
      %parallel_loop3A_257 = arith.constant 1 : i32
      %parallel_loop3A_258 = scf.for %parallel_loop3A_510 = %parallel_loop3A_255 to %parallel_loop3A_256 step %parallel_loop3A_257 iter_args(%parallel_loop3A_511 = %broadcast_in_dim3A_254) -> (vector<16xi32>)  : i32 {
        %parallel_loop3A_512 = arith.constant 0 : i32
        %parallel_loop3A_513 = vector.broadcast %parallel_loop3A_512 : i32 to vector<16xi32>
        %parallel_loop3A_514 = arith.constant 16 : i32
        %parallel_loop3A_515 = arith.muli %scan3A_53, %parallel_loop3A_514 : i32
        %parallel_loop3A_516 = arith.addi %parallel_loop3A_515, %parallel_loop3A_510 : i32
        %parallel_loop3A_517 = vector.broadcast %parallel_loop3A_516 : i32 to vector<16xi32>
        %parallel_loop3A_518 = tpu.vector_load_idx %arg9[%parallel_loop3A_513, %parallel_loop3A_517] : memref<5x512xf32, #tpu.memory_space<vmem>>[vector<16xi32>, vector<16xi32>], vector<16xf32>,
        %parallel_loop3A_519 = arith.constant 1 : i32
        %parallel_loop3A_520 = vector.broadcast %parallel_loop3A_519 : i32 to vector<16xi32>
        %parallel_loop3A_521 = arith.constant 16 : i32
        %parallel_loop3A_522 = arith.muli %scan3A_53, %parallel_loop3A_521 : i32
        %parallel_loop3A_523 = arith.addi %parallel_loop3A_522, %parallel_loop3A_510 : i32
        %parallel_loop3A_524 = vector.broadcast %parallel_loop3A_523 : i32 to vector<16xi32>
        %parallel_loop3A_525 = tpu.vector_load_idx %arg9[%parallel_loop3A_520, %parallel_loop3A_524] : memref<5x512xf32, #tpu.memory_space<vmem>>[vector<16xi32>, vector<16xi32>], vector<16xf32>,
        %parallel_loop3A_526 = arith.constant 2 : i32
        %parallel_loop3A_527 = vector.broadcast %parallel_loop3A_526 : i32 to vector<16xi32>
        %parallel_loop3A_528 = arith.constant 16 : i32
        %parallel_loop3A_529 = arith.muli %scan3A_53, %parallel_loop3A_528 : i32
        %parallel_loop3A_530 = arith.addi %parallel_loop3A_529, %parallel_loop3A_510 : i32
        %parallel_loop3A_531 = vector.broadcast %parallel_loop3A_530 : i32 to vector<16xi32>
        %parallel_loop3A_532 = tpu.vector_load_idx %arg9[%parallel_loop3A_527, %parallel_loop3A_531] : memref<5x512xf32, #tpu.memory_space<vmem>>[vector<16xi32>, vector<16xi32>], vector<16xf32>,
        %parallel_loop3A_533 = arith.constant -1.000000e+00 : f32
        %parallel_loop3A_534 = vector.broadcast %parallel_loop3A_533 : f32 to vector<16xf32>
        %parallel_loop3A_535 = arith.constant 0 : i32
        %parallel_loop3A_536 = vector.broadcast %parallel_loop3A_535 : i32 to vector<16xi32>
        %parallel_loop3A_537 = arith.constant 0 : i32
        %parallel_loop3A_538 = arith.constant 4 : i32
        %parallel_loop3A_539 = arith.addi %parallel_loop3A_537, %parallel_loop3A_538 : i32
        %parallel_loop3A_540 = arith.constant 1 : i32
        %parallel_loop3A_541:2 = scf.for %scan3A_581 = %parallel_loop3A_537 to %parallel_loop3A_539 step %parallel_loop3A_540 iter_args(%scan3A_582 = %parallel_loop3A_534, %scan3A_583 = %parallel_loop3A_536) -> (vector<16xf32>, vector<16xi32>)  : i32 {
          %parallel_loop3A_584 = arith.constant 8 : i32
          %parallel_loop3A_585 = arith.muli %scan3A_581, %parallel_loop3A_584 : i32
          %parallel_loop3A_586 = arith.constant 0 : i32
          %parallel_loop3A_587 = arith.addi %parallel_loop3A_585, %parallel_loop3A_586 : i32
          %parallel_loop3A_588 = arith.constant 16 : i32
          %parallel_loop3A_589 = arith.muli %parallel_loop3A_587, %parallel_loop3A_588 : i32
          %parallel_loop3A_590 = arith.index_cast %select_n3A_63 : i32 to index
          %parallel_loop3A_591 = arith.index_cast %parallel_loop3A_510 : i32 to index
          %parallel_loop3A_592 = arith.index_cast %parallel_loop3A_589 : i32 to index
          %parallel_loop3A_593 = tpu.vector_load %arg6[%parallel_loop3A_590, %parallel_loop3A_591, %parallel_loop3A_592] {strides = array<i32>} : memref<2x16x512xf32, #tpu.memory_space<vmem>>, vector<16xf32>,
          %parallel_loop3A_594 = arith.constant 0 : i32
          %parallel_loop3A_595 = arith.index_cast %parallel_loop3A_594 : i32 to index
          %parallel_loop3A_596 = arith.index_cast %parallel_loop3A_510 : i32 to index
          %parallel_loop3A_597 = arith.index_cast %parallel_loop3A_589 : i32 to index
          %parallel_loop3A_598 = tpu.vector_load %arg7[%parallel_loop3A_595, %parallel_loop3A_596, %parallel_loop3A_597] {strides = array<i32>} : memref<5x16x512xf32, #tpu.memory_space<vmem>>, vector<16xf32>,
          %parallel_loop3A_599 = arith.mulf %parallel_loop3A_518, %parallel_loop3A_598 : vector<16xf32>
          %parallel_loop3A_600 = arith.constant 1 : i32
          %parallel_loop3A_601 = arith.index_cast %parallel_loop3A_600 : i32 to index
          %parallel_loop3A_602 = arith.index_cast %parallel_loop3A_510 : i32 to index
          %parallel_loop3A_603 = arith.index_cast %parallel_loop3A_589 : i32 to index
          %parallel_loop3A_604 = tpu.vector_load %arg7[%parallel_loop3A_601, %parallel_loop3A_602, %parallel_loop3A_603] {strides = array<i32>} : memref<5x16x512xf32, #tpu.memory_space<vmem>>, vector<16xf32>,
          %parallel_loop3A_605 = arith.mulf %parallel_loop3A_525, %parallel_loop3A_604 : vector<16xf32>
          %parallel_loop3A_606 = arith.addf %parallel_loop3A_599, %parallel_loop3A_605 : vector<16xf32>
          %parallel_loop3A_607 = arith.constant 2 : i32
          %parallel_loop3A_608 = arith.index_cast %parallel_loop3A_607 : i32 to index
          %parallel_loop3A_609 = arith.index_cast %parallel_loop3A_510 : i32 to index
          %parallel_loop3A_610 = arith.index_cast %parallel_loop3A_589 : i32 to index
          %parallel_loop3A_611 = tpu.vector_load %arg7[%parallel_loop3A_608, %parallel_loop3A_609, %parallel_loop3A_610] {strides = array<i32>} : memref<5x16x512xf32, #tpu.memory_space<vmem>>, vector<16xf32>,
          %parallel_loop3A_612 = arith.mulf %parallel_loop3A_532, %parallel_loop3A_611 : vector<16xf32>
          %parallel_loop3A_613 = arith.addf %parallel_loop3A_606, %parallel_loop3A_612 : vector<16xf32>
          %parallel_loop3A_614 = arith.subf %parallel_loop3A_593, %parallel_loop3A_613 : vector<16xf32>
          %parallel_loop3A_615 = math.absf %parallel_loop3A_614 : vector<16xf32>
          %parallel_loop3A_616 = arith.cmpf ogt, %parallel_loop3A_615, %scan3A_582 : vector<16xf32>
          %parallel_loop3A_617 = arith.select %parallel_loop3A_616, %parallel_loop3A_615, %scan3A_582 : vector<16xi1>, vector<16xf32>
          %parallel_loop3A_618 = vector.broadcast %parallel_loop3A_587 : i32 to vector<16xi32>
          %parallel_loop3A_619 = arith.select %parallel_loop3A_616, %parallel_loop3A_618, %scan3A_583 : vector<16xi1>, vector<16xi32>
          %parallel_loop3A_620 = arith.constant 8 : i32
          %parallel_loop3A_621 = arith.muli %scan3A_581, %parallel_loop3A_620 : i32
          %parallel_loop3A_622 = arith.constant 1 : i32
          %parallel_loop3A_623 = arith.addi %parallel_loop3A_621, %parallel_loop3A_622 : i32
          %parallel_loop3A_624 = arith.constant 16 : i32
          %parallel_loop3A_625 = arith.muli %parallel_loop3A_623, %parallel_loop3A_624 : i32
          %parallel_loop3A_626 = arith.index_cast %select_n3A_63 : i32 to index
          %parallel_loop3A_627 = arith.index_cast %parallel_loop3A_510 : i32 to index
          %parallel_loop3A_628 = arith.index_cast %parallel_loop3A_625 : i32 to index
          %parallel_loop3A_629 = tpu.vector_load %arg6[%parallel_loop3A_626, %parallel_loop3A_627, %parallel_loop3A_628] {strides = array<i32>} : memref<2x16x512xf32, #tpu.memory_space<vmem>>, vector<16xf32>,
          %parallel_loop3A_630 = arith.constant 0 : i32
          %parallel_loop3A_631 = arith.index_cast %parallel_loop3A_630 : i32 to index
          %parallel_loop3A_632 = arith.index_cast %parallel_loop3A_510 : i32 to index
          %parallel_loop3A_633 = arith.index_cast %parallel_loop3A_625 : i32 to index
          %parallel_loop3A_634 = tpu.vector_load %arg7[%parallel_loop3A_631, %parallel_loop3A_632, %parallel_loop3A_633] {strides = array<i32>} : memref<5x16x512xf32, #tpu.memory_space<vmem>>, vector<16xf32>,
          %parallel_loop3A_635 = arith.mulf %parallel_loop3A_518, %parallel_loop3A_634 : vector<16xf32>
          %parallel_loop3A_636 = arith.constant 1 : i32
          %parallel_loop3A_637 = arith.index_cast %parallel_loop3A_636 : i32 to index
          %parallel_loop3A_638 = arith.index_cast %parallel_loop3A_510 : i32 to index
          %parallel_loop3A_639 = arith.index_cast %parallel_loop3A_625 : i32 to index
          %parallel_loop3A_640 = tpu.vector_load %arg7[%parallel_loop3A_637, %parallel_loop3A_638, %parallel_loop3A_639] {strides = array<i32>} : memref<5x16x512xf32, #tpu.memory_space<vmem>>, vector<16xf32>,
          %parallel_loop3A_641 = arith.mulf %parallel_loop3A_525, %parallel_loop3A_640 : vector<16xf32>
          %parallel_loop3A_642 = arith.addf %parallel_loop3A_635, %parallel_loop3A_641 : vector<16xf32>
          %parallel_loop3A_643 = arith.constant 2 : i32
          %parallel_loop3A_644 = arith.index_cast %parallel_loop3A_643 : i32 to index
          %parallel_loop3A_645 = arith.index_cast %parallel_loop3A_510 : i32 to index
          %parallel_loop3A_646 = arith.index_cast %parallel_loop3A_625 : i32 to index
          %parallel_loop3A_647 = tpu.vector_load %arg7[%parallel_loop3A_644, %parallel_loop3A_645, %parallel_loop3A_646] {strides = array<i32>} : memref<5x16x512xf32, #tpu.memory_space<vmem>>, vector<16xf32>,
          %parallel_loop3A_648 = arith.mulf %parallel_loop3A_532, %parallel_loop3A_647 : vector<16xf32>
          %parallel_loop3A_649 = arith.addf %parallel_loop3A_642, %parallel_loop3A_648 : vector<16xf32>
          %parallel_loop3A_650 = arith.subf %parallel_loop3A_629, %parallel_loop3A_649 : vector<16xf32>
          %parallel_loop3A_651 = math.absf %parallel_loop3A_650 : vector<16xf32>
          %parallel_loop3A_652 = arith.cmpf ogt, %parallel_loop3A_651, %parallel_loop3A_617 : vector<16xf32>
          %parallel_loop3A_653 = arith.select %parallel_loop3A_652, %parallel_loop3A_651, %parallel_loop3A_617 : vector<16xi1>, vector<16xf32>
          %parallel_loop3A_654 = vector.broadcast %parallel_loop3A_623 : i32 to vector<16xi32>
          %parallel_loop3A_655 = arith.select %parallel_loop3A_652, %parallel_loop3A_654, %parallel_loop3A_619 : vector<16xi1>, vector<16xi32>
          %parallel_loop3A_656 = arith.constant 8 : i32
          %parallel_loop3A_657 = arith.muli %scan3A_581, %parallel_loop3A_656 : i32
          %parallel_loop3A_658 = arith.constant 2 : i32
          %parallel_loop3A_659 = arith.addi %parallel_loop3A_657, %parallel_loop3A_658 : i32
          %parallel_loop3A_660 = arith.constant 16 : i32
          %parallel_loop3A_661 = arith.muli %parallel_loop3A_659, %parallel_loop3A_660 : i32
          %parallel_loop3A_662 = arith.index_cast %select_n3A_63 : i32 to index
          %parallel_loop3A_663 = arith.index_cast %parallel_loop3A_510 : i32 to index
          %parallel_loop3A_664 = arith.index_cast %parallel_loop3A_661 : i32 to index
          %parallel_loop3A_665 = tpu.vector_load %arg6[%parallel_loop3A_662, %parallel_loop3A_663, %parallel_loop3A_664] {strides = array<i32>} : memref<2x16x512xf32, #tpu.memory_space<vmem>>, vector<16xf32>,
          %parallel_loop3A_666 = arith.constant 0 : i32
          %parallel_loop3A_667 = arith.index_cast %parallel_loop3A_666 : i32 to index
          %parallel_loop3A_668 = arith.index_cast %parallel_loop3A_510 : i32 to index
          %parallel_loop3A_669 = arith.index_cast %parallel_loop3A_661 : i32 to index
          %parallel_loop3A_670 = tpu.vector_load %arg7[%parallel_loop3A_667, %parallel_loop3A_668, %parallel_loop3A_669] {strides = array<i32>} : memref<5x16x512xf32, #tpu.memory_space<vmem>>, vector<16xf32>,
          %parallel_loop3A_671 = arith.mulf %parallel_loop3A_518, %parallel_loop3A_670 : vector<16xf32>
          %parallel_loop3A_672 = arith.constant 1 : i32
          %parallel_loop3A_673 = arith.index_cast %parallel_loop3A_672 : i32 to index
          %parallel_loop3A_674 = arith.index_cast %parallel_loop3A_510 : i32 to index
          %parallel_loop3A_675 = arith.index_cast %parallel_loop3A_661 : i32 to index
          %parallel_loop3A_676 = tpu.vector_load %arg7[%parallel_loop3A_673, %parallel_loop3A_674, %parallel_loop3A_675] {strides = array<i32>} : memref<5x16x512xf32, #tpu.memory_space<vmem>>, vector<16xf32>,
          %parallel_loop3A_677 = arith.mulf %parallel_loop3A_525, %parallel_loop3A_676 : vector<16xf32>
          %parallel_loop3A_678 = arith.addf %parallel_loop3A_671, %parallel_loop3A_677 : vector<16xf32>
          %parallel_loop3A_679 = arith.constant 2 : i32
          %parallel_loop3A_680 = arith.index_cast %parallel_loop3A_679 : i32 to index
          %parallel_loop3A_681 = arith.index_cast %parallel_loop3A_510 : i32 to index
          %parallel_loop3A_682 = arith.index_cast %parallel_loop3A_661 : i32 to index
          %parallel_loop3A_683 = tpu.vector_load %arg7[%parallel_loop3A_680, %parallel_loop3A_681, %parallel_loop3A_682] {strides = array<i32>} : memref<5x16x512xf32, #tpu.memory_space<vmem>>, vector<16xf32>,
          %parallel_loop3A_684 = arith.mulf %parallel_loop3A_532, %parallel_loop3A_683 : vector<16xf32>
          %parallel_loop3A_685 = arith.addf %parallel_loop3A_678, %parallel_loop3A_684 : vector<16xf32>
          %parallel_loop3A_686 = arith.subf %parallel_loop3A_665, %parallel_loop3A_685 : vector<16xf32>
          %parallel_loop3A_687 = math.absf %parallel_loop3A_686 : vector<16xf32>
          %parallel_loop3A_688 = arith.cmpf ogt, %parallel_loop3A_687, %parallel_loop3A_653 : vector<16xf32>
          %parallel_loop3A_689 = arith.select %parallel_loop3A_688, %parallel_loop3A_687, %parallel_loop3A_653 : vector<16xi1>, vector<16xf32>
          %parallel_loop3A_690 = vector.broadcast %parallel_loop3A_659 : i32 to vector<16xi32>
          %parallel_loop3A_691 = arith.select %parallel_loop3A_688, %parallel_loop3A_690, %parallel_loop3A_655 : vector<16xi1>, vector<16xi32>
          %parallel_loop3A_692 = arith.constant 8 : i32
          %parallel_loop3A_693 = arith.muli %scan3A_581, %parallel_loop3A_692 : i32
          %parallel_loop3A_694 = arith.constant 3 : i32
          %parallel_loop3A_695 = arith.addi %parallel_loop3A_693, %parallel_loop3A_694 : i32
          %parallel_loop3A_696 = arith.constant 16 : i32
          %parallel_loop3A_697 = arith.muli %parallel_loop3A_695, %parallel_loop3A_696 : i32
          %parallel_loop3A_698 = arith.index_cast %select_n3A_63 : i32 to index
          %parallel_loop3A_699 = arith.index_cast %parallel_loop3A_510 : i32 to index
          %parallel_loop3A_700 = arith.index_cast %parallel_loop3A_697 : i32 to index
          %parallel_loop3A_701 = tpu.vector_load %arg6[%parallel_loop3A_698, %parallel_loop3A_699, %parallel_loop3A_700] {strides = array<i32>} : memref<2x16x512xf32, #tpu.memory_space<vmem>>, vector<16xf32>,
          %parallel_loop3A_702 = arith.constant 0 : i32
          %parallel_loop3A_703 = arith.index_cast %parallel_loop3A_702 : i32 to index
          %parallel_loop3A_704 = arith.index_cast %parallel_loop3A_510 : i32 to index
          %parallel_loop3A_705 = arith.index_cast %parallel_loop3A_697 : i32 to index
          %parallel_loop3A_706 = tpu.vector_load %arg7[%parallel_loop3A_703, %parallel_loop3A_704, %parallel_loop3A_705] {strides = array<i32>} : memref<5x16x512xf32, #tpu.memory_space<vmem>>, vector<16xf32>,
          %parallel_loop3A_707 = arith.mulf %parallel_loop3A_518, %parallel_loop3A_706 : vector<16xf32>
          %parallel_loop3A_708 = arith.constant 1 : i32
          %parallel_loop3A_709 = arith.index_cast %parallel_loop3A_708 : i32 to index
          %parallel_loop3A_710 = arith.index_cast %parallel_loop3A_510 : i32 to index
          %parallel_loop3A_711 = arith.index_cast %parallel_loop3A_697 : i32 to index
          %parallel_loop3A_712 = tpu.vector_load %arg7[%parallel_loop3A_709, %parallel_loop3A_710, %parallel_loop3A_711] {strides = array<i32>} : memref<5x16x512xf32, #tpu.memory_space<vmem>>, vector<16xf32>,
          %parallel_loop3A_713 = arith.mulf %parallel_loop3A_525, %parallel_loop3A_712 : vector<16xf32>
          %parallel_loop3A_714 = arith.addf %parallel_loop3A_707, %parallel_loop3A_713 : vector<16xf32>
          %parallel_loop3A_715 = arith.constant 2 : i32
          %parallel_loop3A_716 = arith.index_cast %parallel_loop3A_715 : i32 to index
          %parallel_loop3A_717 = arith.index_cast %parallel_loop3A_510 : i32 to index
          %parallel_loop3A_718 = arith.index_cast %parallel_loop3A_697 : i32 to index
          %parallel_loop3A_719 = tpu.vector_load %arg7[%parallel_loop3A_716, %parallel_loop3A_717, %parallel_loop3A_718] {strides = array<i32>} : memref<5x16x512xf32, #tpu.memory_space<vmem>>, vector<16xf32>,
          %parallel_loop3A_720 = arith.mulf %parallel_loop3A_532, %parallel_loop3A_719 : vector<16xf32>
          %parallel_loop3A_721 = arith.addf %parallel_loop3A_714, %parallel_loop3A_720 : vector<16xf32>
          %parallel_loop3A_722 = arith.subf %parallel_loop3A_701, %parallel_loop3A_721 : vector<16xf32>
          %parallel_loop3A_723 = math.absf %parallel_loop3A_722 : vector<16xf32>
          %parallel_loop3A_724 = arith.cmpf ogt, %parallel_loop3A_723, %parallel_loop3A_689 : vector<16xf32>
          %parallel_loop3A_725 = arith.select %parallel_loop3A_724, %parallel_loop3A_723, %parallel_loop3A_689 : vector<16xi1>, vector<16xf32>
          %parallel_loop3A_726 = vector.broadcast %parallel_loop3A_695 : i32 to vector<16xi32>
          %parallel_loop3A_727 = arith.select %parallel_loop3A_724, %parallel_loop3A_726, %parallel_loop3A_691 : vector<16xi1>, vector<16xi32>
          %parallel_loop3A_728 = arith.constant 8 : i32
          %parallel_loop3A_729 = arith.muli %scan3A_581, %parallel_loop3A_728 : i32
          %parallel_loop3A_730 = arith.constant 4 : i32
          %parallel_loop3A_731 = arith.addi %parallel_loop3A_729, %parallel_loop3A_730 : i32
          %parallel_loop3A_732 = arith.constant 16 : i32
          %parallel_loop3A_733 = arith.muli %parallel_loop3A_731, %parallel_loop3A_732 : i32
          %parallel_loop3A_734 = arith.index_cast %select_n3A_63 : i32 to index
          %parallel_loop3A_735 = arith.index_cast %parallel_loop3A_510 : i32 to index
          %parallel_loop3A_736 = arith.index_cast %parallel_loop3A_733 : i32 to index
          %parallel_loop3A_737 = tpu.vector_load %arg6[%parallel_loop3A_734, %parallel_loop3A_735, %parallel_loop3A_736] {strides = array<i32>} : memref<2x16x512xf32, #tpu.memory_space<vmem>>, vector<16xf32>,
          %parallel_loop3A_738 = arith.constant 0 : i32
          %parallel_loop3A_739 = arith.index_cast %parallel_loop3A_738 : i32 to index
          %parallel_loop3A_740 = arith.index_cast %parallel_loop3A_510 : i32 to index
          %parallel_loop3A_741 = arith.index_cast %parallel_loop3A_733 : i32 to index
          %parallel_loop3A_742 = tpu.vector_load %arg7[%parallel_loop3A_739, %parallel_loop3A_740, %parallel_loop3A_741] {strides = array<i32>} : memref<5x16x512xf32, #tpu.memory_space<vmem>>, vector<16xf32>,
          %parallel_loop3A_743 = arith.mulf %parallel_loop3A_518, %parallel_loop3A_742 : vector<16xf32>
          %parallel_loop3A_744 = arith.constant 1 : i32
          %parallel_loop3A_745 = arith.index_cast %parallel_loop3A_744 : i32 to index
          %parallel_loop3A_746 = arith.index_cast %parallel_loop3A_510 : i32 to index
          %parallel_loop3A_747 = arith.index_cast %parallel_loop3A_733 : i32 to index
          %parallel_loop3A_748 = tpu.vector_load %arg7[%parallel_loop3A_745, %parallel_loop3A_746, %parallel_loop3A_747] {strides = array<i32>} : memref<5x16x512xf32, #tpu.memory_space<vmem>>, vector<16xf32>,
          %parallel_loop3A_749 = arith.mulf %parallel_loop3A_525, %parallel_loop3A_748 : vector<16xf32>
          %parallel_loop3A_750 = arith.addf %parallel_loop3A_743, %parallel_loop3A_749 : vector<16xf32>
          %parallel_loop3A_751 = arith.constant 2 : i32
          %parallel_loop3A_752 = arith.index_cast %parallel_loop3A_751 : i32 to index
          %parallel_loop3A_753 = arith.index_cast %parallel_loop3A_510 : i32 to index
          %parallel_loop3A_754 = arith.index_cast %parallel_loop3A_733 : i32 to index
          %parallel_loop3A_755 = tpu.vector_load %arg7[%parallel_loop3A_752, %parallel_loop3A_753, %parallel_loop3A_754] {strides = array<i32>} : memref<5x16x512xf32, #tpu.memory_space<vmem>>, vector<16xf32>,
          %parallel_loop3A_756 = arith.mulf %parallel_loop3A_532, %parallel_loop3A_755 : vector<16xf32>
          %parallel_loop3A_757 = arith.addf %parallel_loop3A_750, %parallel_loop3A_756 : vector<16xf32>
          %parallel_loop3A_758 = arith.subf %parallel_loop3A_737, %parallel_loop3A_757 : vector<16xf32>
          %parallel_loop3A_759 = math.absf %parallel_loop3A_758 : vector<16xf32>
          %parallel_loop3A_760 = arith.cmpf ogt, %parallel_loop3A_759, %parallel_loop3A_725 : vector<16xf32>
          %parallel_loop3A_761 = arith.select %parallel_loop3A_760, %parallel_loop3A_759, %parallel_loop3A_725 : vector<16xi1>, vector<16xf32>
          %parallel_loop3A_762 = vector.broadcast %parallel_loop3A_731 : i32 to vector<16xi32>
          %parallel_loop3A_763 = arith.select %parallel_loop3A_760, %parallel_loop3A_762, %parallel_loop3A_727 : vector<16xi1>, vector<16xi32>
          %parallel_loop3A_764 = arith.constant 8 : i32
          %parallel_loop3A_765 = arith.muli %scan3A_581, %parallel_loop3A_764 : i32
          %parallel_loop3A_766 = arith.constant 5 : i32
          %parallel_loop3A_767 = arith.addi %parallel_loop3A_765, %parallel_loop3A_766 : i32
          %parallel_loop3A_768 = arith.constant 16 : i32
          %parallel_loop3A_769 = arith.muli %parallel_loop3A_767, %parallel_loop3A_768 : i32
          %parallel_loop3A_770 = arith.index_cast %select_n3A_63 : i32 to index
          %parallel_loop3A_771 = arith.index_cast %parallel_loop3A_510 : i32 to index
          %parallel_loop3A_772 = arith.index_cast %parallel_loop3A_769 : i32 to index
          %parallel_loop3A_773 = tpu.vector_load %arg6[%parallel_loop3A_770, %parallel_loop3A_771, %parallel_loop3A_772] {strides = array<i32>} : memref<2x16x512xf32, #tpu.memory_space<vmem>>, vector<16xf32>,
          %parallel_loop3A_774 = arith.constant 0 : i32
          %parallel_loop3A_775 = arith.index_cast %parallel_loop3A_774 : i32 to index
          %parallel_loop3A_776 = arith.index_cast %parallel_loop3A_510 : i32 to index
          %parallel_loop3A_777 = arith.index_cast %parallel_loop3A_769 : i32 to index
          %parallel_loop3A_778 = tpu.vector_load %arg7[%parallel_loop3A_775, %parallel_loop3A_776, %parallel_loop3A_777] {strides = array<i32>} : memref<5x16x512xf32, #tpu.memory_space<vmem>>, vector<16xf32>,
          %parallel_loop3A_779 = arith.mulf %parallel_loop3A_518, %parallel_loop3A_778 : vector<16xf32>
          %parallel_loop3A_780 = arith.constant 1 : i32
          %parallel_loop3A_781 = arith.index_cast %parallel_loop3A_780 : i32 to index
          %parallel_loop3A_782 = arith.index_cast %parallel_loop3A_510 : i32 to index
          %parallel_loop3A_783 = arith.index_cast %parallel_loop3A_769 : i32 to index
          %parallel_loop3A_784 = tpu.vector_load %arg7[%parallel_loop3A_781, %parallel_loop3A_782, %parallel_loop3A_783] {strides = array<i32>} : memref<5x16x512xf32, #tpu.memory_space<vmem>>, vector<16xf32>,
          %parallel_loop3A_785 = arith.mulf %parallel_loop3A_525, %parallel_loop3A_784 : vector<16xf32>
          %parallel_loop3A_786 = arith.addf %parallel_loop3A_779, %parallel_loop3A_785 : vector<16xf32>
          %parallel_loop3A_787 = arith.constant 2 : i32
          %parallel_loop3A_788 = arith.index_cast %parallel_loop3A_787 : i32 to index
          %parallel_loop3A_789 = arith.index_cast %parallel_loop3A_510 : i32 to index
          %parallel_loop3A_790 = arith.index_cast %parallel_loop3A_769 : i32 to index
          %parallel_loop3A_791 = tpu.vector_load %arg7[%parallel_loop3A_788, %parallel_loop3A_789, %parallel_loop3A_790] {strides = array<i32>} : memref<5x16x512xf32, #tpu.memory_space<vmem>>, vector<16xf32>,
          %parallel_loop3A_792 = arith.mulf %parallel_loop3A_532, %parallel_loop3A_791 : vector<16xf32>
          %parallel_loop3A_793 = arith.addf %parallel_loop3A_786, %parallel_loop3A_792 : vector<16xf32>
          %parallel_loop3A_794 = arith.subf %parallel_loop3A_773, %parallel_loop3A_793 : vector<16xf32>
          %parallel_loop3A_795 = math.absf %parallel_loop3A_794 : vector<16xf32>
          %parallel_loop3A_796 = arith.cmpf ogt, %parallel_loop3A_795, %parallel_loop3A_761 : vector<16xf32>
          %parallel_loop3A_797 = arith.select %parallel_loop3A_796, %parallel_loop3A_795, %parallel_loop3A_761 : vector<16xi1>, vector<16xf32>
          %parallel_loop3A_798 = vector.broadcast %parallel_loop3A_767 : i32 to vector<16xi32>
          %parallel_loop3A_799 = arith.select %parallel_loop3A_796, %parallel_loop3A_798, %parallel_loop3A_763 : vector<16xi1>, vector<16xi32>
          %parallel_loop3A_800 = arith.constant 8 : i32
          %parallel_loop3A_801 = arith.muli %scan3A_581, %parallel_loop3A_800 : i32
          %parallel_loop3A_802 = arith.constant 6 : i32
          %parallel_loop3A_803 = arith.addi %parallel_loop3A_801, %parallel_loop3A_802 : i32
          %parallel_loop3A_804 = arith.constant 16 : i32
          %parallel_loop3A_805 = arith.muli %parallel_loop3A_803, %parallel_loop3A_804 : i32
          %parallel_loop3A_806 = arith.index_cast %select_n3A_63 : i32 to index
          %parallel_loop3A_807 = arith.index_cast %parallel_loop3A_510 : i32 to index
          %parallel_loop3A_808 = arith.index_cast %parallel_loop3A_805 : i32 to index
          %parallel_loop3A_809 = tpu.vector_load %arg6[%parallel_loop3A_806, %parallel_loop3A_807, %parallel_loop3A_808] {strides = array<i32>} : memref<2x16x512xf32, #tpu.memory_space<vmem>>, vector<16xf32>,
          %parallel_loop3A_810 = arith.constant 0 : i32
          %parallel_loop3A_811 = arith.index_cast %parallel_loop3A_810 : i32 to index
          %parallel_loop3A_812 = arith.index_cast %parallel_loop3A_510 : i32 to index
          %parallel_loop3A_813 = arith.index_cast %parallel_loop3A_805 : i32 to index
          %parallel_loop3A_814 = tpu.vector_load %arg7[%parallel_loop3A_811, %parallel_loop3A_812, %parallel_loop3A_813] {strides = array<i32>} : memref<5x16x512xf32, #tpu.memory_space<vmem>>, vector<16xf32>,
          %parallel_loop3A_815 = arith.mulf %parallel_loop3A_518, %parallel_loop3A_814 : vector<16xf32>
          %parallel_loop3A_816 = arith.constant 1 : i32
          %parallel_loop3A_817 = arith.index_cast %parallel_loop3A_816 : i32 to index
          %parallel_loop3A_818 = arith.index_cast %parallel_loop3A_510 : i32 to index
          %parallel_loop3A_819 = arith.index_cast %parallel_loop3A_805 : i32 to index
          %parallel_loop3A_820 = tpu.vector_load %arg7[%parallel_loop3A_817, %parallel_loop3A_818, %parallel_loop3A_819] {strides = array<i32>} : memref<5x16x512xf32, #tpu.memory_space<vmem>>, vector<16xf32>,
          %parallel_loop3A_821 = arith.mulf %parallel_loop3A_525, %parallel_loop3A_820 : vector<16xf32>
          %parallel_loop3A_822 = arith.addf %parallel_loop3A_815, %parallel_loop3A_821 : vector<16xf32>
          %parallel_loop3A_823 = arith.constant 2 : i32
          %parallel_loop3A_824 = arith.index_cast %parallel_loop3A_823 : i32 to index
          %parallel_loop3A_825 = arith.index_cast %parallel_loop3A_510 : i32 to index
          %parallel_loop3A_826 = arith.index_cast %parallel_loop3A_805 : i32 to index
          %parallel_loop3A_827 = tpu.vector_load %arg7[%parallel_loop3A_824, %parallel_loop3A_825, %parallel_loop3A_826] {strides = array<i32>} : memref<5x16x512xf32, #tpu.memory_space<vmem>>, vector<16xf32>,
          %parallel_loop3A_828 = arith.mulf %parallel_loop3A_532, %parallel_loop3A_827 : vector<16xf32>
          %parallel_loop3A_829 = arith.addf %parallel_loop3A_822, %parallel_loop3A_828 : vector<16xf32>
          %parallel_loop3A_830 = arith.subf %parallel_loop3A_809, %parallel_loop3A_829 : vector<16xf32>
          %parallel_loop3A_831 = math.absf %parallel_loop3A_830 : vector<16xf32>
          %parallel_loop3A_832 = arith.cmpf ogt, %parallel_loop3A_831, %parallel_loop3A_797 : vector<16xf32>
          %parallel_loop3A_833 = arith.select %parallel_loop3A_832, %parallel_loop3A_831, %parallel_loop3A_797 : vector<16xi1>, vector<16xf32>
          %parallel_loop3A_834 = vector.broadcast %parallel_loop3A_803 : i32 to vector<16xi32>
          %parallel_loop3A_835 = arith.select %parallel_loop3A_832, %parallel_loop3A_834, %parallel_loop3A_799 : vector<16xi1>, vector<16xi32>
          %parallel_loop3A_836 = arith.constant 8 : i32
          %parallel_loop3A_837 = arith.muli %scan3A_581, %parallel_loop3A_836 : i32
          %parallel_loop3A_838 = arith.constant 7 : i32
          %parallel_loop3A_839 = arith.addi %parallel_loop3A_837, %parallel_loop3A_838 : i32
          %parallel_loop3A_840 = arith.constant 16 : i32
          %parallel_loop3A_841 = arith.muli %parallel_loop3A_839, %parallel_loop3A_840 : i32
          %parallel_loop3A_842 = arith.index_cast %select_n3A_63 : i32 to index
          %parallel_loop3A_843 = arith.index_cast %parallel_loop3A_510 : i32 to index
          %parallel_loop3A_844 = arith.index_cast %parallel_loop3A_841 : i32 to index
          %parallel_loop3A_845 = tpu.vector_load %arg6[%parallel_loop3A_842, %parallel_loop3A_843, %parallel_loop3A_844] {strides = array<i32>} : memref<2x16x512xf32, #tpu.memory_space<vmem>>, vector<16xf32>,
          %parallel_loop3A_846 = arith.constant 0 : i32
          %parallel_loop3A_847 = arith.index_cast %parallel_loop3A_846 : i32 to index
          %parallel_loop3A_848 = arith.index_cast %parallel_loop3A_510 : i32 to index
          %parallel_loop3A_849 = arith.index_cast %parallel_loop3A_841 : i32 to index
          %parallel_loop3A_850 = tpu.vector_load %arg7[%parallel_loop3A_847, %parallel_loop3A_848, %parallel_loop3A_849] {strides = array<i32>} : memref<5x16x512xf32, #tpu.memory_space<vmem>>, vector<16xf32>,
          %parallel_loop3A_851 = arith.mulf %parallel_loop3A_518, %parallel_loop3A_850 : vector<16xf32>
          %parallel_loop3A_852 = arith.constant 1 : i32
          %parallel_loop3A_853 = arith.index_cast %parallel_loop3A_852 : i32 to index
          %parallel_loop3A_854 = arith.index_cast %parallel_loop3A_510 : i32 to index
          %parallel_loop3A_855 = arith.index_cast %parallel_loop3A_841 : i32 to index
          %parallel_loop3A_856 = tpu.vector_load %arg7[%parallel_loop3A_853, %parallel_loop3A_854, %parallel_loop3A_855] {strides = array<i32>} : memref<5x16x512xf32, #tpu.memory_space<vmem>>, vector<16xf32>,
          %parallel_loop3A_857 = arith.mulf %parallel_loop3A_525, %parallel_loop3A_856 : vector<16xf32>
          %parallel_loop3A_858 = arith.addf %parallel_loop3A_851, %parallel_loop3A_857 : vector<16xf32>
          %parallel_loop3A_859 = arith.constant 2 : i32
          %parallel_loop3A_860 = arith.index_cast %parallel_loop3A_859 : i32 to index
          %parallel_loop3A_861 = arith.index_cast %parallel_loop3A_510 : i32 to index
          %parallel_loop3A_862 = arith.index_cast %parallel_loop3A_841 : i32 to index
          %parallel_loop3A_863 = tpu.vector_load %arg7[%parallel_loop3A_860, %parallel_loop3A_861, %parallel_loop3A_862] {strides = array<i32>} : memref<5x16x512xf32, #tpu.memory_space<vmem>>, vector<16xf32>,
          %parallel_loop3A_864 = arith.mulf %parallel_loop3A_532, %parallel_loop3A_863 : vector<16xf32>
          %parallel_loop3A_865 = arith.addf %parallel_loop3A_858, %parallel_loop3A_864 : vector<16xf32>
          %parallel_loop3A_866 = arith.subf %parallel_loop3A_845, %parallel_loop3A_865 : vector<16xf32>
          %parallel_loop3A_867 = math.absf %parallel_loop3A_866 : vector<16xf32>
          %parallel_loop3A_868 = arith.cmpf ogt, %parallel_loop3A_867, %parallel_loop3A_833 : vector<16xf32>
          %parallel_loop3A_869 = arith.select %parallel_loop3A_868, %parallel_loop3A_867, %parallel_loop3A_833 : vector<16xi1>, vector<16xf32>
          %parallel_loop3A_870 = vector.broadcast %parallel_loop3A_839 : i32 to vector<16xi32>
          %parallel_loop3A_871 = arith.select %parallel_loop3A_868, %parallel_loop3A_870, %parallel_loop3A_835 : vector<16xi1>, vector<16xi32>
          scf.yield %parallel_loop3A_869, %parallel_loop3A_871 : vector<16xf32>, vector<16xi32>
        }
        %parallel_loop3A_542 = arith.constant 4 : i32
        %parallel_loop3A_543 = arith.constant true
        %parallel_loop3A_544 = vector.broadcast %parallel_loop3A_543 : i1 to vector<16xi1>
        %parallel_loop3A_545 = tpu.scan <max>, %parallel_loop3A_541#0 masked %parallel_loop3A_544 : vector<16xf32>, vector<16xi1> -> vector<16xf32>
        %parallel_loop3A_546 = vector.extract %parallel_loop3A_545[15] : f32 from vector<16xf32>
        %parallel_loop3A_547 = vector.broadcast %parallel_loop3A_546 : f32 to vector<16xf32>
        %parallel_loop3A_548 = arith.cmpf oeq, %parallel_loop3A_541#0, %parallel_loop3A_547 : vector<16xf32>
        %parallel_loop3A_549 = arith.constant 16 : i32
        %parallel_loop3A_550 = vector.broadcast %parallel_loop3A_549 : i32 to vector<16xi32>
        %parallel_loop3A_551 = arith.muli %parallel_loop3A_541#1, %parallel_loop3A_550 : vector<16xi32>
        %parallel_loop3A_552 = arith.addi %parallel_loop3A_551, %iota3A : vector<16xi32>
        %parallel_loop3A_553 = arith.constant 512 : i32
        %parallel_loop3A_554 = vector.broadcast %parallel_loop3A_553 : i32 to vector<16xi32>
        %parallel_loop3A_555 = arith.select %parallel_loop3A_548, %parallel_loop3A_552, %parallel_loop3A_554 : vector<16xi1>, vector<16xi32>
        %parallel_loop3A_556 = arith.constant true
        %parallel_loop3A_557 = vector.broadcast %parallel_loop3A_556 : i1 to vector<16xi1>
        %parallel_loop3A_558 = arith.constant -2147483648 : i32
        %parallel_loop3A_559 = vector.broadcast %parallel_loop3A_558 : i32 to vector<16xi32>
        %parallel_loop3A_560 = arith.xori %parallel_loop3A_555, %parallel_loop3A_559 : vector<16xi32>
        %parallel_loop3A_561 = tpu.scan <min>, %parallel_loop3A_560 masked %parallel_loop3A_557 : vector<16xi32>, vector<16xi1> -> vector<16xi32>
        %parallel_loop3A_562 = arith.xori %parallel_loop3A_561, %parallel_loop3A_559 : vector<16xi32>
        %parallel_loop3A_563 = vector.extract %parallel_loop3A_562[15] : i32 from vector<16xi32>
        %parallel_loop3A_564 = arith.constant 3 : i32
        %parallel_loop3A_565 = arith.constant 0 : i32
        %parallel_loop3A_566 = tpu.memref_slice %arg7[%parallel_loop3A_564, %parallel_loop3A_510, %parallel_loop3A_565] : memref<5x16x512xf32, #tpu.memory_space<vmem>> -> memref<1x1x512xf32, #tpu.memory_space<vmem>>
        %parallel_loop3A_567 = tpu.memref_squeeze %parallel_loop3A_566 : memref<1x1x512xf32, #tpu.memory_space<vmem>> -> memref<512xf32, #tpu.memory_space<vmem>>
        %parallel_loop3A_568 = arith.constant 0 : i32
        %parallel_loop3A_569 = tpu.memref_slice %arg2[%parallel_loop3A_563, %parallel_loop3A_568] : memref<512x512xf32, #tpu.memory_space<hbm>> -> memref<1x512xf32, #tpu.memory_space<hbm>>
        %parallel_loop3A_570 = tpu.memref_squeeze %parallel_loop3A_569 : memref<1x512xf32, #tpu.memory_space<hbm>> -> memref<512xf32, #tpu.memory_space<hbm>>
        %parallel_loop3A_571 = arith.constant 0 : i32
        %parallel_loop3A_572 = tpu.memref_slice %arg7[%parallel_loop3A_564, %parallel_loop3A_510, %parallel_loop3A_571] : memref<5x16x512xf32, #tpu.memory_space<vmem>> -> memref<1x1x512xf32, #tpu.memory_space<vmem>>
        %parallel_loop3A_573 = tpu.memref_squeeze %parallel_loop3A_572 : memref<1x1x512xf32, #tpu.memory_space<vmem>> -> memref<512xf32, #tpu.memory_space<vmem>>
        %parallel_loop3A_574 = arith.constant 0 : i32
        %parallel_loop3A_575 = tpu.memref_slice %arg2[%parallel_loop3A_563, %parallel_loop3A_574] : memref<512x512xf32, #tpu.memory_space<hbm>> -> memref<1x512xf32, #tpu.memory_space<hbm>>
        %parallel_loop3A_576 = tpu.memref_squeeze %parallel_loop3A_575 : memref<1x512xf32, #tpu.memory_space<hbm>> -> memref<512xf32, #tpu.memory_space<hbm>>
        tpu.enqueue_dma source(%parallel_loop3A_576 : memref<512xf32, #tpu.memory_space<hbm>>) target(%parallel_loop3A_573 : memref<512xf32, #tpu.memory_space<vmem>>) target_semaphore(%arg11 : memref<!tpu.dma_semaphore, #tpu.memory_space<semaphore_mem>>)
        %parallel_loop3A_577 = vector.broadcast %parallel_loop3A_510 : i32 to vector<16xi32>
        %parallel_loop3A_578 = arith.cmpi eq, %iota3A, %parallel_loop3A_577 : vector<16xi32>
        %parallel_loop3A_579 = vector.broadcast %parallel_loop3A_563 : i32 to vector<16xi32>
        %parallel_loop3A_580 = arith.select %parallel_loop3A_578, %parallel_loop3A_579, %parallel_loop3A_511 : vector<16xi1>, vector<16xi32>
        scf.yield %parallel_loop3A_580 : vector<16xi32>
      } {sc.loop_unroll_factor = 2 : i64, sc.parallel_access}
      %broadcast_in_dim3A_259 = vector.broadcast %select_n3A_63 : i32 to vector<16xi32>
      %gather3A_260 = tpu.vector_load_idx %arg6[%broadcast_in_dim3A_259, %iota3A, %parallel_loop3A_258] : memref<2x16x512xf32, #tpu.memory_space<vmem>>[vector<16xi32>, vector<16xi32>, vector<16xi32>], vector<16xf32>,
      %mul3A_261 = arith.constant 16 : i32
      %mul3A_262 = arith.muli %scan3A_53, %mul3A_261 : i32
      %swap3A_263 = arith.constant 3 : i32
      %swap3A_264 = arith.index_cast %swap3A_263 : i32 to index
      %swap3A_265 = arith.index_cast %mul3A_262 : i32 to index
      %swap3A_266 = tpu.vector_load %arg8[%swap3A_264, %swap3A_265] {strides = array<i32>} : memref<5x512xi32, #tpu.memory_space<vmem>>, vector<16xi32>,
      tpu.vector_store %arg8[%swap3A_264, %swap3A_265], %parallel_loop3A_258 {strides = array<i32>} : memref<5x512xi32, #tpu.memory_space<vmem>>, vector<16xi32>,
      %broadcast_in_dim3A_267 = arith.constant 0 : i32
      %broadcast_in_dim3A_268 = vector.broadcast %broadcast_in_dim3A_267 : i32 to vector<16xi32>
      %gather3A_269 = tpu.vector_load_idx %arg7[%broadcast_in_dim3A_268, %iota3A, %parallel_loop3A_258] : memref<5x16x512xf32, #tpu.memory_space<vmem>>[vector<16xi32>, vector<16xi32>, vector<16xi32>], vector<16xf32>,
      %broadcast_in_dim3A_270 = arith.constant 1 : i32
      %broadcast_in_dim3A_271 = vector.broadcast %broadcast_in_dim3A_270 : i32 to vector<16xi32>
      %gather3A_272 = tpu.vector_load_idx %arg7[%broadcast_in_dim3A_271, %iota3A, %parallel_loop3A_258] : memref<5x16x512xf32, #tpu.memory_space<vmem>>[vector<16xi32>, vector<16xi32>, vector<16xi32>], vector<16xf32>,
      %broadcast_in_dim3A_273 = arith.constant 2 : i32
      %broadcast_in_dim3A_274 = vector.broadcast %broadcast_in_dim3A_273 : i32 to vector<16xi32>
      %gather3A_275 = tpu.vector_load_idx %arg7[%broadcast_in_dim3A_274, %iota3A, %parallel_loop3A_258] : memref<5x16x512xf32, #tpu.memory_space<vmem>>[vector<16xi32>, vector<16xi32>, vector<16xi32>], vector<16xf32>,
      %div3A_276 = arith.divf %gather3A_269, %broadcast_in_dim3A_3 : vector<16xf32>
      %mul3A_277 = arith.mulf %div3A_276, %broadcast_in_dim3A_3 : vector<16xf32>
      %mul3A_278 = arith.mulf %mul3A_277, %div3A : vector<16xf32>
      %sub3A_279 = arith.subf %gather3A_272, %mul3A_278 : vector<16xf32>
      %div3A_280 = arith.divf %sub3A_279, %max3A_135 : vector<16xf32>
      %mul3A_281 = arith.mulf %div3A_276, %broadcast_in_dim3A_3 : vector<16xf32>
      %mul3A_282 = arith.mulf %mul3A_281, %div3A_189 : vector<16xf32>
      %sub3A_283 = arith.subf %gather3A_275, %mul3A_282 : vector<16xf32>
      %mul3A_284 = arith.mulf %div3A_280, %max3A_135 : vector<16xf32>
      %mul3A_285 = arith.mulf %mul3A_284, %div3A_193 : vector<16xf32>
      %sub3A_286 = arith.subf %sub3A_283, %mul3A_285 : vector<16xf32>
      %div3A_287 = arith.divf %sub3A_286, %max3A_204 : vector<16xf32>
      %mul3A_288 = arith.mulf %div3A_276, %div3A_276 : vector<16xf32>
      %mul3A_289 = arith.mulf %mul3A_288, %broadcast_in_dim3A_3 : vector<16xf32>
      %mul3A_290 = arith.mulf %div3A_280, %div3A_280 : vector<16xf32>
      %mul3A_291 = arith.mulf %mul3A_290, %max3A_135 : vector<16xf32>
      %add3A_292 = arith.addf %mul3A_289, %mul3A_291 : vector<16xf32>
      %mul3A_293 = arith.mulf %div3A_287, %div3A_287 : vector<16xf32>
      %mul3A_294 = arith.mulf %mul3A_293, %max3A_204 : vector<16xf32>
      %add3A_295 = arith.addf %add3A_292, %mul3A_294 : vector<16xf32>
      %sub3A_296 = arith.constant 1.000000e+00 : f32
      %sub3A_297 = vector.broadcast %sub3A_296 : f32 to vector<16xf32>
      %sub3A_298 = arith.subf %sub3A_297, %add3A_295 : vector<16xf32>
      %max3A_299 = arith.constant 9.99999996E-13 : f32
      %max3A_300 = vector.broadcast %max3A_299 : f32 to vector<16xf32>
      %max3A_301 = arith.maximumf %sub3A_298, %max3A_300 : vector<16xf32>
      %mul3A_302 = arith.mulf %div3A, %gather3A : vector<16xf32>
      %sub3A_303 = arith.subf %gather3A_120, %mul3A_302 : vector<16xf32>
      %mul3A_304 = arith.mulf %div3A_189, %gather3A : vector<16xf32>
      %sub3A_305 = arith.subf %gather3A_176, %mul3A_304 : vector<16xf32>
      %mul3A_306 = arith.mulf %div3A_193, %sub3A_303 : vector<16xf32>
      %sub3A_307 = arith.subf %sub3A_305, %mul3A_306 : vector<16xf32>
      %mul3A_308 = arith.mulf %div3A_276, %gather3A : vector<16xf32>
      %sub3A_309 = arith.subf %gather3A_260, %mul3A_308 : vector<16xf32>
      %mul3A_310 = arith.mulf %div3A_280, %sub3A_303 : vector<16xf32>
      %sub3A_311 = arith.subf %sub3A_309, %mul3A_310 : vector<16xf32>
      %mul3A_312 = arith.mulf %div3A_287, %sub3A_307 : vector<16xf32>
      %sub3A_313 = arith.subf %sub3A_311, %mul3A_312 : vector<16xf32>
      %div3A_314 = arith.divf %gather3A, %broadcast_in_dim3A_3 : vector<16xf32>
      %div3A_315 = arith.divf %sub3A_303, %max3A_135 : vector<16xf32>
      %div3A_316 = arith.divf %sub3A_307, %max3A_204 : vector<16xf32>
      %div3A_317 = arith.divf %sub3A_313, %max3A_301 : vector<16xf32>
      %mul3A_318 = arith.mulf %div3A_287, %div3A_317 : vector<16xf32>
      %sub3A_319 = arith.subf %div3A_316, %mul3A_318 : vector<16xf32>
      %mul3A_320 = arith.mulf %div3A_193, %sub3A_319 : vector<16xf32>
      %sub3A_321 = arith.subf %div3A_315, %mul3A_320 : vector<16xf32>
      %mul3A_322 = arith.mulf %div3A_280, %div3A_317 : vector<16xf32>
      %sub3A_323 = arith.subf %sub3A_321, %mul3A_322 : vector<16xf32>
      %mul3A_324 = arith.mulf %div3A, %sub3A_323 : vector<16xf32>
      %sub3A_325 = arith.subf %div3A_314, %mul3A_324 : vector<16xf32>
      %mul3A_326 = arith.mulf %div3A_189, %sub3A_319 : vector<16xf32>
      %sub3A_327 = arith.subf %sub3A_325, %mul3A_326 : vector<16xf32>
      %mul3A_328 = arith.mulf %div3A_276, %div3A_317 : vector<16xf32>
      %sub3A_329 = arith.subf %sub3A_327, %mul3A_328 : vector<16xf32>
      %mul3A_330 = arith.constant 16 : i32
      %mul3A_331 = arith.muli %scan3A_53, %mul3A_330 : i32
      %swap3A_332 = arith.constant 0 : i32
      %swap3A_333 = arith.index_cast %swap3A_332 : i32 to index
      %swap3A_334 = arith.index_cast %mul3A_331 : i32 to index
      %swap3A_335 = tpu.vector_load %arg9[%swap3A_333, %swap3A_334] {strides = array<i32>} : memref<5x512xf32, #tpu.memory_space<vmem>>, vector<16xf32>,
      tpu.vector_store %arg9[%swap3A_333, %swap3A_334], %sub3A_329 {strides = array<i32>} : memref<5x512xf32, #tpu.memory_space<vmem>>, vector<16xf32>,
      %mul3A_336 = arith.constant 16 : i32
      %mul3A_337 = arith.muli %scan3A_53, %mul3A_336 : i32
      %swap3A_338 = arith.constant 1 : i32
      %swap3A_339 = arith.index_cast %swap3A_338 : i32 to index
      %swap3A_340 = arith.index_cast %mul3A_337 : i32 to index
      %swap3A_341 = tpu.vector_load %arg9[%swap3A_339, %swap3A_340] {strides = array<i32>} : memref<5x512xf32, #tpu.memory_space<vmem>>, vector<16xf32>,
      tpu.vector_store %arg9[%swap3A_339, %swap3A_340], %sub3A_323 {strides = array<i32>} : memref<5x512xf32, #tpu.memory_space<vmem>>, vector<16xf32>,
      %mul3A_342 = arith.constant 16 : i32
      %mul3A_343 = arith.muli %scan3A_53, %mul3A_342 : i32
      %swap3A_344 = arith.constant 2 : i32
      %swap3A_345 = arith.index_cast %swap3A_344 : i32 to index
      %swap3A_346 = arith.index_cast %mul3A_343 : i32 to index
      %swap3A_347 = tpu.vector_load %arg9[%swap3A_345, %swap3A_346] {strides = array<i32>} : memref<5x512xf32, #tpu.memory_space<vmem>>, vector<16xf32>,
      tpu.vector_store %arg9[%swap3A_345, %swap3A_346], %sub3A_319 {strides = array<i32>} : memref<5x512xf32, #tpu.memory_space<vmem>>, vector<16xf32>,
      %mul3A_348 = arith.constant 16 : i32
      %mul3A_349 = arith.muli %scan3A_53, %mul3A_348 : i32
      %swap3A_350 = arith.constant 3 : i32
      %swap3A_351 = arith.index_cast %swap3A_350 : i32 to index
      %swap3A_352 = arith.index_cast %mul3A_349 : i32 to index
      %swap3A_353 = tpu.vector_load %arg9[%swap3A_351, %swap3A_352] {strides = array<i32>} : memref<5x512xf32, #tpu.memory_space<vmem>>, vector<16xf32>,
      tpu.vector_store %arg9[%swap3A_351, %swap3A_352], %div3A_317 {strides = array<i32>} : memref<5x512xf32, #tpu.memory_space<vmem>>, vector<16xf32>,
      %dma_wait3A_354 = arith.constant 3 : i32
      %dma_wait3A_355 = arith.constant 0 : i32
      %dma_wait3A_356 = arith.constant 0 : i32
      %dma_wait3A_357 = tpu.memref_slice %arg7[%dma_wait3A_354, %dma_wait3A_355, %dma_wait3A_356] : memref<5x16x512xf32, #tpu.memory_space<vmem>> -> memref<1x16x512xf32, #tpu.memory_space<vmem>>
      %dma_wait3A_358 = tpu.memref_squeeze %dma_wait3A_357 : memref<1x16x512xf32, #tpu.memory_space<vmem>> -> memref<16x512xf32, #tpu.memory_space<vmem>>
      %dma_wait3A_359 = arith.constant 0 : i32
      %dma_wait3A_360 = arith.constant 0 : i32
      %dma_wait3A_361 = tpu.memref_slice %arg2[%dma_wait3A_359, %dma_wait3A_360] : memref<512x512xf32, #tpu.memory_space<hbm>> -> memref<16x512xf32, #tpu.memory_space<hbm>>
      %dma_wait3A_362 = arith.constant 0 : i32
      %dma_wait3A_363 = arith.constant 0 : i32
      %dma_wait3A_364 = tpu.memref_slice %arg7[%dma_wait3A_354, %dma_wait3A_362, %dma_wait3A_363] : memref<5x16x512xf32, #tpu.memory_space<vmem>> -> memref<1x16x512xf32, #tpu.memory_space<vmem>>
      %dma_wait3A_365 = tpu.memref_squeeze %dma_wait3A_364 : memref<1x16x512xf32, #tpu.memory_space<vmem>> -> memref<16x512xf32, #tpu.memory_space<vmem>>
      %dma_wait3A_366 = arith.constant 0 : i32
      %dma_wait3A_367 = arith.constant 0 : i32
      %dma_wait3A_368 = tpu.memref_slice %arg2[%dma_wait3A_366, %dma_wait3A_367] : memref<512x512xf32, #tpu.memory_space<hbm>> -> memref<16x512xf32, #tpu.memory_space<hbm>>
      tpu.wait_dma2 semaphore(%arg11 : memref<!tpu.dma_semaphore, #tpu.memory_space<semaphore_mem>>) src(%dma_wait3A_368 : memref<16x512xf32, #tpu.memory_space<hbm>>) dst(%dma_wait3A_365 : memref<16x512xf32, #tpu.memory_space<vmem>>)
      %broadcast_in_dim3A_369 = arith.constant 0 : i32
      %broadcast_in_dim3A_370 = vector.broadcast %broadcast_in_dim3A_369 : i32 to vector<16xi32>
      %parallel_loop3A_371 = arith.constant 0 : i32
      %parallel_loop3A_372 = arith.constant 16 : i32
      %parallel_loop3A_373 = arith.constant 1 : i32
      %parallel_loop3A_374 = scf.for %parallel_loop3A_510 = %parallel_loop3A_371 to %parallel_loop3A_372 step %parallel_loop3A_373 iter_args(%parallel_loop3A_511 = %broadcast_in_dim3A_370) -> (vector<16xi32>)  : i32 {
        %parallel_loop3A_512 = arith.constant 0 : i32
        %parallel_loop3A_513 = vector.broadcast %parallel_loop3A_512 : i32 to vector<16xi32>
        %parallel_loop3A_514 = arith.constant 16 : i32
        %parallel_loop3A_515 = arith.muli %scan3A_53, %parallel_loop3A_514 : i32
        %parallel_loop3A_516 = arith.addi %parallel_loop3A_515, %parallel_loop3A_510 : i32
        %parallel_loop3A_517 = vector.broadcast %parallel_loop3A_516 : i32 to vector<16xi32>
        %parallel_loop3A_518 = tpu.vector_load_idx %arg9[%parallel_loop3A_513, %parallel_loop3A_517] : memref<5x512xf32, #tpu.memory_space<vmem>>[vector<16xi32>, vector<16xi32>], vector<16xf32>,
        %parallel_loop3A_519 = arith.constant 1 : i32
        %parallel_loop3A_520 = vector.broadcast %parallel_loop3A_519 : i32 to vector<16xi32>
        %parallel_loop3A_521 = arith.constant 16 : i32
        %parallel_loop3A_522 = arith.muli %scan3A_53, %parallel_loop3A_521 : i32
        %parallel_loop3A_523 = arith.addi %parallel_loop3A_522, %parallel_loop3A_510 : i32
        %parallel_loop3A_524 = vector.broadcast %parallel_loop3A_523 : i32 to vector<16xi32>
        %parallel_loop3A_525 = tpu.vector_load_idx %arg9[%parallel_loop3A_520, %parallel_loop3A_524] : memref<5x512xf32, #tpu.memory_space<vmem>>[vector<16xi32>, vector<16xi32>], vector<16xf32>,
        %parallel_loop3A_526 = arith.constant 2 : i32
        %parallel_loop3A_527 = vector.broadcast %parallel_loop3A_526 : i32 to vector<16xi32>
        %parallel_loop3A_528 = arith.constant 16 : i32
        %parallel_loop3A_529 = arith.muli %scan3A_53, %parallel_loop3A_528 : i32
        %parallel_loop3A_530 = arith.addi %parallel_loop3A_529, %parallel_loop3A_510 : i32
        %parallel_loop3A_531 = vector.broadcast %parallel_loop3A_530 : i32 to vector<16xi32>
        %parallel_loop3A_532 = tpu.vector_load_idx %arg9[%parallel_loop3A_527, %parallel_loop3A_531] : memref<5x512xf32, #tpu.memory_space<vmem>>[vector<16xi32>, vector<16xi32>], vector<16xf32>,
        %parallel_loop3A_533 = arith.constant 3 : i32
        %parallel_loop3A_534 = vector.broadcast %parallel_loop3A_533 : i32 to vector<16xi32>
        %parallel_loop3A_535 = arith.constant 16 : i32
        %parallel_loop3A_536 = arith.muli %scan3A_53, %parallel_loop3A_535 : i32
        %parallel_loop3A_537 = arith.addi %parallel_loop3A_536, %parallel_loop3A_510 : i32
        %parallel_loop3A_538 = vector.broadcast %parallel_loop3A_537 : i32 to vector<16xi32>
        %parallel_loop3A_539 = tpu.vector_load_idx %arg9[%parallel_loop3A_534, %parallel_loop3A_538] : memref<5x512xf32, #tpu.memory_space<vmem>>[vector<16xi32>, vector<16xi32>], vector<16xf32>,
        %parallel_loop3A_540 = arith.constant -1.000000e+00 : f32
        %parallel_loop3A_541 = vector.broadcast %parallel_loop3A_540 : f32 to vector<16xf32>
        %parallel_loop3A_542 = arith.constant 0 : i32
        %parallel_loop3A_543 = vector.broadcast %parallel_loop3A_542 : i32 to vector<16xi32>
        %parallel_loop3A_544 = arith.constant 0 : i32
        %parallel_loop3A_545 = arith.constant 4 : i32
        %parallel_loop3A_546 = arith.addi %parallel_loop3A_544, %parallel_loop3A_545 : i32
        %parallel_loop3A_547 = arith.constant 1 : i32
        %parallel_loop3A_548:2 = scf.for %scan3A_575 = %parallel_loop3A_544 to %parallel_loop3A_546 step %parallel_loop3A_547 iter_args(%scan3A_576 = %parallel_loop3A_541, %scan3A_577 = %parallel_loop3A_543) -> (vector<16xf32>, vector<16xi32>)  : i32 {
          %parallel_loop3A_578 = arith.constant 8 : i32
          %parallel_loop3A_579 = arith.muli %scan3A_575, %parallel_loop3A_578 : i32
          %parallel_loop3A_580 = arith.constant 0 : i32
          %parallel_loop3A_581 = arith.addi %parallel_loop3A_579, %parallel_loop3A_580 : i32
          %parallel_loop3A_582 = arith.constant 16 : i32
          %parallel_loop3A_583 = arith.muli %parallel_loop3A_581, %parallel_loop3A_582 : i32
          %parallel_loop3A_584 = arith.index_cast %select_n3A_63 : i32 to index
          %parallel_loop3A_585 = arith.index_cast %parallel_loop3A_510 : i32 to index
          %parallel_loop3A_586 = arith.index_cast %parallel_loop3A_583 : i32 to index
          %parallel_loop3A_587 = tpu.vector_load %arg6[%parallel_loop3A_584, %parallel_loop3A_585, %parallel_loop3A_586] {strides = array<i32>} : memref<2x16x512xf32, #tpu.memory_space<vmem>>, vector<16xf32>,
          %parallel_loop3A_588 = arith.constant 0 : i32
          %parallel_loop3A_589 = arith.index_cast %parallel_loop3A_588 : i32 to index
          %parallel_loop3A_590 = arith.index_cast %parallel_loop3A_510 : i32 to index
          %parallel_loop3A_591 = arith.index_cast %parallel_loop3A_583 : i32 to index
          %parallel_loop3A_592 = tpu.vector_load %arg7[%parallel_loop3A_589, %parallel_loop3A_590, %parallel_loop3A_591] {strides = array<i32>} : memref<5x16x512xf32, #tpu.memory_space<vmem>>, vector<16xf32>,
          %parallel_loop3A_593 = arith.mulf %parallel_loop3A_518, %parallel_loop3A_592 : vector<16xf32>
          %parallel_loop3A_594 = arith.constant 1 : i32
          %parallel_loop3A_595 = arith.index_cast %parallel_loop3A_594 : i32 to index
          %parallel_loop3A_596 = arith.index_cast %parallel_loop3A_510 : i32 to index
          %parallel_loop3A_597 = arith.index_cast %parallel_loop3A_583 : i32 to index
          %parallel_loop3A_598 = tpu.vector_load %arg7[%parallel_loop3A_595, %parallel_loop3A_596, %parallel_loop3A_597] {strides = array<i32>} : memref<5x16x512xf32, #tpu.memory_space<vmem>>, vector<16xf32>,
          %parallel_loop3A_599 = arith.mulf %parallel_loop3A_525, %parallel_loop3A_598 : vector<16xf32>
          %parallel_loop3A_600 = arith.addf %parallel_loop3A_593, %parallel_loop3A_599 : vector<16xf32>
          %parallel_loop3A_601 = arith.constant 2 : i32
          %parallel_loop3A_602 = arith.index_cast %parallel_loop3A_601 : i32 to index
          %parallel_loop3A_603 = arith.index_cast %parallel_loop3A_510 : i32 to index
          %parallel_loop3A_604 = arith.index_cast %parallel_loop3A_583 : i32 to index
          %parallel_loop3A_605 = tpu.vector_load %arg7[%parallel_loop3A_602, %parallel_loop3A_603, %parallel_loop3A_604] {strides = array<i32>} : memref<5x16x512xf32, #tpu.memory_space<vmem>>, vector<16xf32>,
          %parallel_loop3A_606 = arith.mulf %parallel_loop3A_532, %parallel_loop3A_605 : vector<16xf32>
          %parallel_loop3A_607 = arith.addf %parallel_loop3A_600, %parallel_loop3A_606 : vector<16xf32>
          %parallel_loop3A_608 = arith.constant 3 : i32
          %parallel_loop3A_609 = arith.index_cast %parallel_loop3A_608 : i32 to index
          %parallel_loop3A_610 = arith.index_cast %parallel_loop3A_510 : i32 to index
          %parallel_loop3A_611 = arith.index_cast %parallel_loop3A_583 : i32 to index
          %parallel_loop3A_612 = tpu.vector_load %arg7[%parallel_loop3A_609, %parallel_loop3A_610, %parallel_loop3A_611] {strides = array<i32>} : memref<5x16x512xf32, #tpu.memory_space<vmem>>, vector<16xf32>,
          %parallel_loop3A_613 = arith.mulf %parallel_loop3A_539, %parallel_loop3A_612 : vector<16xf32>
          %parallel_loop3A_614 = arith.addf %parallel_loop3A_607, %parallel_loop3A_613 : vector<16xf32>
          %parallel_loop3A_615 = arith.subf %parallel_loop3A_587, %parallel_loop3A_614 : vector<16xf32>
          %parallel_loop3A_616 = math.absf %parallel_loop3A_615 : vector<16xf32>
          %parallel_loop3A_617 = arith.cmpf ogt, %parallel_loop3A_616, %scan3A_576 : vector<16xf32>
          %parallel_loop3A_618 = arith.select %parallel_loop3A_617, %parallel_loop3A_616, %scan3A_576 : vector<16xi1>, vector<16xf32>
          %parallel_loop3A_619 = vector.broadcast %parallel_loop3A_581 : i32 to vector<16xi32>
          %parallel_loop3A_620 = arith.select %parallel_loop3A_617, %parallel_loop3A_619, %scan3A_577 : vector<16xi1>, vector<16xi32>
          %parallel_loop3A_621 = arith.constant 8 : i32
          %parallel_loop3A_622 = arith.muli %scan3A_575, %parallel_loop3A_621 : i32
          %parallel_loop3A_623 = arith.constant 1 : i32
          %parallel_loop3A_624 = arith.addi %parallel_loop3A_622, %parallel_loop3A_623 : i32
          %parallel_loop3A_625 = arith.constant 16 : i32
          %parallel_loop3A_626 = arith.muli %parallel_loop3A_624, %parallel_loop3A_625 : i32
          %parallel_loop3A_627 = arith.index_cast %select_n3A_63 : i32 to index
          %parallel_loop3A_628 = arith.index_cast %parallel_loop3A_510 : i32 to index
          %parallel_loop3A_629 = arith.index_cast %parallel_loop3A_626 : i32 to index
          %parallel_loop3A_630 = tpu.vector_load %arg6[%parallel_loop3A_627, %parallel_loop3A_628, %parallel_loop3A_629] {strides = array<i32>} : memref<2x16x512xf32, #tpu.memory_space<vmem>>, vector<16xf32>,
          %parallel_loop3A_631 = arith.constant 0 : i32
          %parallel_loop3A_632 = arith.index_cast %parallel_loop3A_631 : i32 to index
          %parallel_loop3A_633 = arith.index_cast %parallel_loop3A_510 : i32 to index
          %parallel_loop3A_634 = arith.index_cast %parallel_loop3A_626 : i32 to index
          %parallel_loop3A_635 = tpu.vector_load %arg7[%parallel_loop3A_632, %parallel_loop3A_633, %parallel_loop3A_634] {strides = array<i32>} : memref<5x16x512xf32, #tpu.memory_space<vmem>>, vector<16xf32>,
          %parallel_loop3A_636 = arith.mulf %parallel_loop3A_518, %parallel_loop3A_635 : vector<16xf32>
          %parallel_loop3A_637 = arith.constant 1 : i32
          %parallel_loop3A_638 = arith.index_cast %parallel_loop3A_637 : i32 to index
          %parallel_loop3A_639 = arith.index_cast %parallel_loop3A_510 : i32 to index
          %parallel_loop3A_640 = arith.index_cast %parallel_loop3A_626 : i32 to index
          %parallel_loop3A_641 = tpu.vector_load %arg7[%parallel_loop3A_638, %parallel_loop3A_639, %parallel_loop3A_640] {strides = array<i32>} : memref<5x16x512xf32, #tpu.memory_space<vmem>>, vector<16xf32>,
          %parallel_loop3A_642 = arith.mulf %parallel_loop3A_525, %parallel_loop3A_641 : vector<16xf32>
          %parallel_loop3A_643 = arith.addf %parallel_loop3A_636, %parallel_loop3A_642 : vector<16xf32>
          %parallel_loop3A_644 = arith.constant 2 : i32
          %parallel_loop3A_645 = arith.index_cast %parallel_loop3A_644 : i32 to index
          %parallel_loop3A_646 = arith.index_cast %parallel_loop3A_510 : i32 to index
          %parallel_loop3A_647 = arith.index_cast %parallel_loop3A_626 : i32 to index
          %parallel_loop3A_648 = tpu.vector_load %arg7[%parallel_loop3A_645, %parallel_loop3A_646, %parallel_loop3A_647] {strides = array<i32>} : memref<5x16x512xf32, #tpu.memory_space<vmem>>, vector<16xf32>,
          %parallel_loop3A_649 = arith.mulf %parallel_loop3A_532, %parallel_loop3A_648 : vector<16xf32>
          %parallel_loop3A_650 = arith.addf %parallel_loop3A_643, %parallel_loop3A_649 : vector<16xf32>
          %parallel_loop3A_651 = arith.constant 3 : i32
          %parallel_loop3A_652 = arith.index_cast %parallel_loop3A_651 : i32 to index
          %parallel_loop3A_653 = arith.index_cast %parallel_loop3A_510 : i32 to index
          %parallel_loop3A_654 = arith.index_cast %parallel_loop3A_626 : i32 to index
          %parallel_loop3A_655 = tpu.vector_load %arg7[%parallel_loop3A_652, %parallel_loop3A_653, %parallel_loop3A_654] {strides = array<i32>} : memref<5x16x512xf32, #tpu.memory_space<vmem>>, vector<16xf32>,
          %parallel_loop3A_656 = arith.mulf %parallel_loop3A_539, %parallel_loop3A_655 : vector<16xf32>
          %parallel_loop3A_657 = arith.addf %parallel_loop3A_650, %parallel_loop3A_656 : vector<16xf32>
          %parallel_loop3A_658 = arith.subf %parallel_loop3A_630, %parallel_loop3A_657 : vector<16xf32>
          %parallel_loop3A_659 = math.absf %parallel_loop3A_658 : vector<16xf32>
          %parallel_loop3A_660 = arith.cmpf ogt, %parallel_loop3A_659, %parallel_loop3A_618 : vector<16xf32>
          %parallel_loop3A_661 = arith.select %parallel_loop3A_660, %parallel_loop3A_659, %parallel_loop3A_618 : vector<16xi1>, vector<16xf32>
          %parallel_loop3A_662 = vector.broadcast %parallel_loop3A_624 : i32 to vector<16xi32>
          %parallel_loop3A_663 = arith.select %parallel_loop3A_660, %parallel_loop3A_662, %parallel_loop3A_620 : vector<16xi1>, vector<16xi32>
          %parallel_loop3A_664 = arith.constant 8 : i32
          %parallel_loop3A_665 = arith.muli %scan3A_575, %parallel_loop3A_664 : i32
          %parallel_loop3A_666 = arith.constant 2 : i32
          %parallel_loop3A_667 = arith.addi %parallel_loop3A_665, %parallel_loop3A_666 : i32
          %parallel_loop3A_668 = arith.constant 16 : i32
          %parallel_loop3A_669 = arith.muli %parallel_loop3A_667, %parallel_loop3A_668 : i32
          %parallel_loop3A_670 = arith.index_cast %select_n3A_63 : i32 to index
          %parallel_loop3A_671 = arith.index_cast %parallel_loop3A_510 : i32 to index
          %parallel_loop3A_672 = arith.index_cast %parallel_loop3A_669 : i32 to index
          %parallel_loop3A_673 = tpu.vector_load %arg6[%parallel_loop3A_670, %parallel_loop3A_671, %parallel_loop3A_672] {strides = array<i32>} : memref<2x16x512xf32, #tpu.memory_space<vmem>>, vector<16xf32>,
          %parallel_loop3A_674 = arith.constant 0 : i32
          %parallel_loop3A_675 = arith.index_cast %parallel_loop3A_674 : i32 to index
          %parallel_loop3A_676 = arith.index_cast %parallel_loop3A_510 : i32 to index
          %parallel_loop3A_677 = arith.index_cast %parallel_loop3A_669 : i32 to index
          %parallel_loop3A_678 = tpu.vector_load %arg7[%parallel_loop3A_675, %parallel_loop3A_676, %parallel_loop3A_677] {strides = array<i32>} : memref<5x16x512xf32, #tpu.memory_space<vmem>>, vector<16xf32>,
          %parallel_loop3A_679 = arith.mulf %parallel_loop3A_518, %parallel_loop3A_678 : vector<16xf32>
          %parallel_loop3A_680 = arith.constant 1 : i32
          %parallel_loop3A_681 = arith.index_cast %parallel_loop3A_680 : i32 to index
          %parallel_loop3A_682 = arith.index_cast %parallel_loop3A_510 : i32 to index
          %parallel_loop3A_683 = arith.index_cast %parallel_loop3A_669 : i32 to index
          %parallel_loop3A_684 = tpu.vector_load %arg7[%parallel_loop3A_681, %parallel_loop3A_682, %parallel_loop3A_683] {strides = array<i32>} : memref<5x16x512xf32, #tpu.memory_space<vmem>>, vector<16xf32>,
          %parallel_loop3A_685 = arith.mulf %parallel_loop3A_525, %parallel_loop3A_684 : vector<16xf32>
          %parallel_loop3A_686 = arith.addf %parallel_loop3A_679, %parallel_loop3A_685 : vector<16xf32>
          %parallel_loop3A_687 = arith.constant 2 : i32
          %parallel_loop3A_688 = arith.index_cast %parallel_loop3A_687 : i32 to index
          %parallel_loop3A_689 = arith.index_cast %parallel_loop3A_510 : i32 to index
          %parallel_loop3A_690 = arith.index_cast %parallel_loop3A_669 : i32 to index
          %parallel_loop3A_691 = tpu.vector_load %arg7[%parallel_loop3A_688, %parallel_loop3A_689, %parallel_loop3A_690] {strides = array<i32>} : memref<5x16x512xf32, #tpu.memory_space<vmem>>, vector<16xf32>,
          %parallel_loop3A_692 = arith.mulf %parallel_loop3A_532, %parallel_loop3A_691 : vector<16xf32>
          %parallel_loop3A_693 = arith.addf %parallel_loop3A_686, %parallel_loop3A_692 : vector<16xf32>
          %parallel_loop3A_694 = arith.constant 3 : i32
          %parallel_loop3A_695 = arith.index_cast %parallel_loop3A_694 : i32 to index
          %parallel_loop3A_696 = arith.index_cast %parallel_loop3A_510 : i32 to index
          %parallel_loop3A_697 = arith.index_cast %parallel_loop3A_669 : i32 to index
          %parallel_loop3A_698 = tpu.vector_load %arg7[%parallel_loop3A_695, %parallel_loop3A_696, %parallel_loop3A_697] {strides = array<i32>} : memref<5x16x512xf32, #tpu.memory_space<vmem>>, vector<16xf32>,
          %parallel_loop3A_699 = arith.mulf %parallel_loop3A_539, %parallel_loop3A_698 : vector<16xf32>
          %parallel_loop3A_700 = arith.addf %parallel_loop3A_693, %parallel_loop3A_699 : vector<16xf32>
          %parallel_loop3A_701 = arith.subf %parallel_loop3A_673, %parallel_loop3A_700 : vector<16xf32>
          %parallel_loop3A_702 = math.absf %parallel_loop3A_701 : vector<16xf32>
          %parallel_loop3A_703 = arith.cmpf ogt, %parallel_loop3A_702, %parallel_loop3A_661 : vector<16xf32>
          %parallel_loop3A_704 = arith.select %parallel_loop3A_703, %parallel_loop3A_702, %parallel_loop3A_661 : vector<16xi1>, vector<16xf32>
          %parallel_loop3A_705 = vector.broadcast %parallel_loop3A_667 : i32 to vector<16xi32>
          %parallel_loop3A_706 = arith.select %parallel_loop3A_703, %parallel_loop3A_705, %parallel_loop3A_663 : vector<16xi1>, vector<16xi32>
          %parallel_loop3A_707 = arith.constant 8 : i32
          %parallel_loop3A_708 = arith.muli %scan3A_575, %parallel_loop3A_707 : i32
          %parallel_loop3A_709 = arith.constant 3 : i32
          %parallel_loop3A_710 = arith.addi %parallel_loop3A_708, %parallel_loop3A_709 : i32
          %parallel_loop3A_711 = arith.constant 16 : i32
          %parallel_loop3A_712 = arith.muli %parallel_loop3A_710, %parallel_loop3A_711 : i32
          %parallel_loop3A_713 = arith.index_cast %select_n3A_63 : i32 to index
          %parallel_loop3A_714 = arith.index_cast %parallel_loop3A_510 : i32 to index
          %parallel_loop3A_715 = arith.index_cast %parallel_loop3A_712 : i32 to index
          %parallel_loop3A_716 = tpu.vector_load %arg6[%parallel_loop3A_713, %parallel_loop3A_714, %parallel_loop3A_715] {strides = array<i32>} : memref<2x16x512xf32, #tpu.memory_space<vmem>>, vector<16xf32>,
          %parallel_loop3A_717 = arith.constant 0 : i32
          %parallel_loop3A_718 = arith.index_cast %parallel_loop3A_717 : i32 to index
          %parallel_loop3A_719 = arith.index_cast %parallel_loop3A_510 : i32 to index
          %parallel_loop3A_720 = arith.index_cast %parallel_loop3A_712 : i32 to index
          %parallel_loop3A_721 = tpu.vector_load %arg7[%parallel_loop3A_718, %parallel_loop3A_719, %parallel_loop3A_720] {strides = array<i32>} : memref<5x16x512xf32, #tpu.memory_space<vmem>>, vector<16xf32>,
          %parallel_loop3A_722 = arith.mulf %parallel_loop3A_518, %parallel_loop3A_721 : vector<16xf32>
          %parallel_loop3A_723 = arith.constant 1 : i32
          %parallel_loop3A_724 = arith.index_cast %parallel_loop3A_723 : i32 to index
          %parallel_loop3A_725 = arith.index_cast %parallel_loop3A_510 : i32 to index
          %parallel_loop3A_726 = arith.index_cast %parallel_loop3A_712 : i32 to index
          %parallel_loop3A_727 = tpu.vector_load %arg7[%parallel_loop3A_724, %parallel_loop3A_725, %parallel_loop3A_726] {strides = array<i32>} : memref<5x16x512xf32, #tpu.memory_space<vmem>>, vector<16xf32>,
          %parallel_loop3A_728 = arith.mulf %parallel_loop3A_525, %parallel_loop3A_727 : vector<16xf32>
          %parallel_loop3A_729 = arith.addf %parallel_loop3A_722, %parallel_loop3A_728 : vector<16xf32>
          %parallel_loop3A_730 = arith.constant 2 : i32
          %parallel_loop3A_731 = arith.index_cast %parallel_loop3A_730 : i32 to index
          %parallel_loop3A_732 = arith.index_cast %parallel_loop3A_510 : i32 to index
          %parallel_loop3A_733 = arith.index_cast %parallel_loop3A_712 : i32 to index
          %parallel_loop3A_734 = tpu.vector_load %arg7[%parallel_loop3A_731, %parallel_loop3A_732, %parallel_loop3A_733] {strides = array<i32>} : memref<5x16x512xf32, #tpu.memory_space<vmem>>, vector<16xf32>,
          %parallel_loop3A_735 = arith.mulf %parallel_loop3A_532, %parallel_loop3A_734 : vector<16xf32>
          %parallel_loop3A_736 = arith.addf %parallel_loop3A_729, %parallel_loop3A_735 : vector<16xf32>
          %parallel_loop3A_737 = arith.constant 3 : i32
          %parallel_loop3A_738 = arith.index_cast %parallel_loop3A_737 : i32 to index
          %parallel_loop3A_739 = arith.index_cast %parallel_loop3A_510 : i32 to index
          %parallel_loop3A_740 = arith.index_cast %parallel_loop3A_712 : i32 to index
          %parallel_loop3A_741 = tpu.vector_load %arg7[%parallel_loop3A_738, %parallel_loop3A_739, %parallel_loop3A_740] {strides = array<i32>} : memref<5x16x512xf32, #tpu.memory_space<vmem>>, vector<16xf32>,
          %parallel_loop3A_742 = arith.mulf %parallel_loop3A_539, %parallel_loop3A_741 : vector<16xf32>
          %parallel_loop3A_743 = arith.addf %parallel_loop3A_736, %parallel_loop3A_742 : vector<16xf32>
          %parallel_loop3A_744 = arith.subf %parallel_loop3A_716, %parallel_loop3A_743 : vector<16xf32>
          %parallel_loop3A_745 = math.absf %parallel_loop3A_744 : vector<16xf32>
          %parallel_loop3A_746 = arith.cmpf ogt, %parallel_loop3A_745, %parallel_loop3A_704 : vector<16xf32>
          %parallel_loop3A_747 = arith.select %parallel_loop3A_746, %parallel_loop3A_745, %parallel_loop3A_704 : vector<16xi1>, vector<16xf32>
          %parallel_loop3A_748 = vector.broadcast %parallel_loop3A_710 : i32 to vector<16xi32>
          %parallel_loop3A_749 = arith.select %parallel_loop3A_746, %parallel_loop3A_748, %parallel_loop3A_706 : vector<16xi1>, vector<16xi32>
          %parallel_loop3A_750 = arith.constant 8 : i32
          %parallel_loop3A_751 = arith.muli %scan3A_575, %parallel_loop3A_750 : i32
          %parallel_loop3A_752 = arith.constant 4 : i32
          %parallel_loop3A_753 = arith.addi %parallel_loop3A_751, %parallel_loop3A_752 : i32
          %parallel_loop3A_754 = arith.constant 16 : i32
          %parallel_loop3A_755 = arith.muli %parallel_loop3A_753, %parallel_loop3A_754 : i32
          %parallel_loop3A_756 = arith.index_cast %select_n3A_63 : i32 to index
          %parallel_loop3A_757 = arith.index_cast %parallel_loop3A_510 : i32 to index
          %parallel_loop3A_758 = arith.index_cast %parallel_loop3A_755 : i32 to index
          %parallel_loop3A_759 = tpu.vector_load %arg6[%parallel_loop3A_756, %parallel_loop3A_757, %parallel_loop3A_758] {strides = array<i32>} : memref<2x16x512xf32, #tpu.memory_space<vmem>>, vector<16xf32>,
          %parallel_loop3A_760 = arith.constant 0 : i32
          %parallel_loop3A_761 = arith.index_cast %parallel_loop3A_760 : i32 to index
          %parallel_loop3A_762 = arith.index_cast %parallel_loop3A_510 : i32 to index
          %parallel_loop3A_763 = arith.index_cast %parallel_loop3A_755 : i32 to index
          %parallel_loop3A_764 = tpu.vector_load %arg7[%parallel_loop3A_761, %parallel_loop3A_762, %parallel_loop3A_763] {strides = array<i32>} : memref<5x16x512xf32, #tpu.memory_space<vmem>>, vector<16xf32>,
          %parallel_loop3A_765 = arith.mulf %parallel_loop3A_518, %parallel_loop3A_764 : vector<16xf32>
          %parallel_loop3A_766 = arith.constant 1 : i32
          %parallel_loop3A_767 = arith.index_cast %parallel_loop3A_766 : i32 to index
          %parallel_loop3A_768 = arith.index_cast %parallel_loop3A_510 : i32 to index
          %parallel_loop3A_769 = arith.index_cast %parallel_loop3A_755 : i32 to index
          %parallel_loop3A_770 = tpu.vector_load %arg7[%parallel_loop3A_767, %parallel_loop3A_768, %parallel_loop3A_769] {strides = array<i32>} : memref<5x16x512xf32, #tpu.memory_space<vmem>>, vector<16xf32>,
          %parallel_loop3A_771 = arith.mulf %parallel_loop3A_525, %parallel_loop3A_770 : vector<16xf32>
          %parallel_loop3A_772 = arith.addf %parallel_loop3A_765, %parallel_loop3A_771 : vector<16xf32>
          %parallel_loop3A_773 = arith.constant 2 : i32
          %parallel_loop3A_774 = arith.index_cast %parallel_loop3A_773 : i32 to index
          %parallel_loop3A_775 = arith.index_cast %parallel_loop3A_510 : i32 to index
          %parallel_loop3A_776 = arith.index_cast %parallel_loop3A_755 : i32 to index
          %parallel_loop3A_777 = tpu.vector_load %arg7[%parallel_loop3A_774, %parallel_loop3A_775, %parallel_loop3A_776] {strides = array<i32>} : memref<5x16x512xf32, #tpu.memory_space<vmem>>, vector<16xf32>,
          %parallel_loop3A_778 = arith.mulf %parallel_loop3A_532, %parallel_loop3A_777 : vector<16xf32>
          %parallel_loop3A_779 = arith.addf %parallel_loop3A_772, %parallel_loop3A_778 : vector<16xf32>
          %parallel_loop3A_780 = arith.constant 3 : i32
          %parallel_loop3A_781 = arith.index_cast %parallel_loop3A_780 : i32 to index
          %parallel_loop3A_782 = arith.index_cast %parallel_loop3A_510 : i32 to index
          %parallel_loop3A_783 = arith.index_cast %parallel_loop3A_755 : i32 to index
          %parallel_loop3A_784 = tpu.vector_load %arg7[%parallel_loop3A_781, %parallel_loop3A_782, %parallel_loop3A_783] {strides = array<i32>} : memref<5x16x512xf32, #tpu.memory_space<vmem>>, vector<16xf32>,
          %parallel_loop3A_785 = arith.mulf %parallel_loop3A_539, %parallel_loop3A_784 : vector<16xf32>
          %parallel_loop3A_786 = arith.addf %parallel_loop3A_779, %parallel_loop3A_785 : vector<16xf32>
          %parallel_loop3A_787 = arith.subf %parallel_loop3A_759, %parallel_loop3A_786 : vector<16xf32>
          %parallel_loop3A_788 = math.absf %parallel_loop3A_787 : vector<16xf32>
          %parallel_loop3A_789 = arith.cmpf ogt, %parallel_loop3A_788, %parallel_loop3A_747 : vector<16xf32>
          %parallel_loop3A_790 = arith.select %parallel_loop3A_789, %parallel_loop3A_788, %parallel_loop3A_747 : vector<16xi1>, vector<16xf32>
          %parallel_loop3A_791 = vector.broadcast %parallel_loop3A_753 : i32 to vector<16xi32>
          %parallel_loop3A_792 = arith.select %parallel_loop3A_789, %parallel_loop3A_791, %parallel_loop3A_749 : vector<16xi1>, vector<16xi32>
          %parallel_loop3A_793 = arith.constant 8 : i32
          %parallel_loop3A_794 = arith.muli %scan3A_575, %parallel_loop3A_793 : i32
          %parallel_loop3A_795 = arith.constant 5 : i32
          %parallel_loop3A_796 = arith.addi %parallel_loop3A_794, %parallel_loop3A_795 : i32
          %parallel_loop3A_797 = arith.constant 16 : i32
          %parallel_loop3A_798 = arith.muli %parallel_loop3A_796, %parallel_loop3A_797 : i32
          %parallel_loop3A_799 = arith.index_cast %select_n3A_63 : i32 to index
          %parallel_loop3A_800 = arith.index_cast %parallel_loop3A_510 : i32 to index
          %parallel_loop3A_801 = arith.index_cast %parallel_loop3A_798 : i32 to index
          %parallel_loop3A_802 = tpu.vector_load %arg6[%parallel_loop3A_799, %parallel_loop3A_800, %parallel_loop3A_801] {strides = array<i32>} : memref<2x16x512xf32, #tpu.memory_space<vmem>>, vector<16xf32>,
          %parallel_loop3A_803 = arith.constant 0 : i32
          %parallel_loop3A_804 = arith.index_cast %parallel_loop3A_803 : i32 to index
          %parallel_loop3A_805 = arith.index_cast %parallel_loop3A_510 : i32 to index
          %parallel_loop3A_806 = arith.index_cast %parallel_loop3A_798 : i32 to index
          %parallel_loop3A_807 = tpu.vector_load %arg7[%parallel_loop3A_804, %parallel_loop3A_805, %parallel_loop3A_806] {strides = array<i32>} : memref<5x16x512xf32, #tpu.memory_space<vmem>>, vector<16xf32>,
          %parallel_loop3A_808 = arith.mulf %parallel_loop3A_518, %parallel_loop3A_807 : vector<16xf32>
          %parallel_loop3A_809 = arith.constant 1 : i32
          %parallel_loop3A_810 = arith.index_cast %parallel_loop3A_809 : i32 to index
          %parallel_loop3A_811 = arith.index_cast %parallel_loop3A_510 : i32 to index
          %parallel_loop3A_812 = arith.index_cast %parallel_loop3A_798 : i32 to index
          %parallel_loop3A_813 = tpu.vector_load %arg7[%parallel_loop3A_810, %parallel_loop3A_811, %parallel_loop3A_812] {strides = array<i32>} : memref<5x16x512xf32, #tpu.memory_space<vmem>>, vector<16xf32>,
          %parallel_loop3A_814 = arith.mulf %parallel_loop3A_525, %parallel_loop3A_813 : vector<16xf32>
          %parallel_loop3A_815 = arith.addf %parallel_loop3A_808, %parallel_loop3A_814 : vector<16xf32>
          %parallel_loop3A_816 = arith.constant 2 : i32
          %parallel_loop3A_817 = arith.index_cast %parallel_loop3A_816 : i32 to index
          %parallel_loop3A_818 = arith.index_cast %parallel_loop3A_510 : i32 to index
          %parallel_loop3A_819 = arith.index_cast %parallel_loop3A_798 : i32 to index
          %parallel_loop3A_820 = tpu.vector_load %arg7[%parallel_loop3A_817, %parallel_loop3A_818, %parallel_loop3A_819] {strides = array<i32>} : memref<5x16x512xf32, #tpu.memory_space<vmem>>, vector<16xf32>,
          %parallel_loop3A_821 = arith.mulf %parallel_loop3A_532, %parallel_loop3A_820 : vector<16xf32>
          %parallel_loop3A_822 = arith.addf %parallel_loop3A_815, %parallel_loop3A_821 : vector<16xf32>
          %parallel_loop3A_823 = arith.constant 3 : i32
          %parallel_loop3A_824 = arith.index_cast %parallel_loop3A_823 : i32 to index
          %parallel_loop3A_825 = arith.index_cast %parallel_loop3A_510 : i32 to index
          %parallel_loop3A_826 = arith.index_cast %parallel_loop3A_798 : i32 to index
          %parallel_loop3A_827 = tpu.vector_load %arg7[%parallel_loop3A_824, %parallel_loop3A_825, %parallel_loop3A_826] {strides = array<i32>} : memref<5x16x512xf32, #tpu.memory_space<vmem>>, vector<16xf32>,
          %parallel_loop3A_828 = arith.mulf %parallel_loop3A_539, %parallel_loop3A_827 : vector<16xf32>
          %parallel_loop3A_829 = arith.addf %parallel_loop3A_822, %parallel_loop3A_828 : vector<16xf32>
          %parallel_loop3A_830 = arith.subf %parallel_loop3A_802, %parallel_loop3A_829 : vector<16xf32>
          %parallel_loop3A_831 = math.absf %parallel_loop3A_830 : vector<16xf32>
          %parallel_loop3A_832 = arith.cmpf ogt, %parallel_loop3A_831, %parallel_loop3A_790 : vector<16xf32>
          %parallel_loop3A_833 = arith.select %parallel_loop3A_832, %parallel_loop3A_831, %parallel_loop3A_790 : vector<16xi1>, vector<16xf32>
          %parallel_loop3A_834 = vector.broadcast %parallel_loop3A_796 : i32 to vector<16xi32>
          %parallel_loop3A_835 = arith.select %parallel_loop3A_832, %parallel_loop3A_834, %parallel_loop3A_792 : vector<16xi1>, vector<16xi32>
          %parallel_loop3A_836 = arith.constant 8 : i32
          %parallel_loop3A_837 = arith.muli %scan3A_575, %parallel_loop3A_836 : i32
          %parallel_loop3A_838 = arith.constant 6 : i32
          %parallel_loop3A_839 = arith.addi %parallel_loop3A_837, %parallel_loop3A_838 : i32
          %parallel_loop3A_840 = arith.constant 16 : i32
          %parallel_loop3A_841 = arith.muli %parallel_loop3A_839, %parallel_loop3A_840 : i32
          %parallel_loop3A_842 = arith.index_cast %select_n3A_63 : i32 to index
          %parallel_loop3A_843 = arith.index_cast %parallel_loop3A_510 : i32 to index
          %parallel_loop3A_844 = arith.index_cast %parallel_loop3A_841 : i32 to index
          %parallel_loop3A_845 = tpu.vector_load %arg6[%parallel_loop3A_842, %parallel_loop3A_843, %parallel_loop3A_844] {strides = array<i32>} : memref<2x16x512xf32, #tpu.memory_space<vmem>>, vector<16xf32>,
          %parallel_loop3A_846 = arith.constant 0 : i32
          %parallel_loop3A_847 = arith.index_cast %parallel_loop3A_846 : i32 to index
          %parallel_loop3A_848 = arith.index_cast %parallel_loop3A_510 : i32 to index
          %parallel_loop3A_849 = arith.index_cast %parallel_loop3A_841 : i32 to index
          %parallel_loop3A_850 = tpu.vector_load %arg7[%parallel_loop3A_847, %parallel_loop3A_848, %parallel_loop3A_849] {strides = array<i32>} : memref<5x16x512xf32, #tpu.memory_space<vmem>>, vector<16xf32>,
          %parallel_loop3A_851 = arith.mulf %parallel_loop3A_518, %parallel_loop3A_850 : vector<16xf32>
          %parallel_loop3A_852 = arith.constant 1 : i32
          %parallel_loop3A_853 = arith.index_cast %parallel_loop3A_852 : i32 to index
          %parallel_loop3A_854 = arith.index_cast %parallel_loop3A_510 : i32 to index
          %parallel_loop3A_855 = arith.index_cast %parallel_loop3A_841 : i32 to index
          %parallel_loop3A_856 = tpu.vector_load %arg7[%parallel_loop3A_853, %parallel_loop3A_854, %parallel_loop3A_855] {strides = array<i32>} : memref<5x16x512xf32, #tpu.memory_space<vmem>>, vector<16xf32>,
          %parallel_loop3A_857 = arith.mulf %parallel_loop3A_525, %parallel_loop3A_856 : vector<16xf32>
          %parallel_loop3A_858 = arith.addf %parallel_loop3A_851, %parallel_loop3A_857 : vector<16xf32>
          %parallel_loop3A_859 = arith.constant 2 : i32
          %parallel_loop3A_860 = arith.index_cast %parallel_loop3A_859 : i32 to index
          %parallel_loop3A_861 = arith.index_cast %parallel_loop3A_510 : i32 to index
          %parallel_loop3A_862 = arith.index_cast %parallel_loop3A_841 : i32 to index
          %parallel_loop3A_863 = tpu.vector_load %arg7[%parallel_loop3A_860, %parallel_loop3A_861, %parallel_loop3A_862] {strides = array<i32>} : memref<5x16x512xf32, #tpu.memory_space<vmem>>, vector<16xf32>,
          %parallel_loop3A_864 = arith.mulf %parallel_loop3A_532, %parallel_loop3A_863 : vector<16xf32>
          %parallel_loop3A_865 = arith.addf %parallel_loop3A_858, %parallel_loop3A_864 : vector<16xf32>
          %parallel_loop3A_866 = arith.constant 3 : i32
          %parallel_loop3A_867 = arith.index_cast %parallel_loop3A_866 : i32 to index
          %parallel_loop3A_868 = arith.index_cast %parallel_loop3A_510 : i32 to index
          %parallel_loop3A_869 = arith.index_cast %parallel_loop3A_841 : i32 to index
          %parallel_loop3A_870 = tpu.vector_load %arg7[%parallel_loop3A_867, %parallel_loop3A_868, %parallel_loop3A_869] {strides = array<i32>} : memref<5x16x512xf32, #tpu.memory_space<vmem>>, vector<16xf32>,
          %parallel_loop3A_871 = arith.mulf %parallel_loop3A_539, %parallel_loop3A_870 : vector<16xf32>
          %parallel_loop3A_872 = arith.addf %parallel_loop3A_865, %parallel_loop3A_871 : vector<16xf32>
          %parallel_loop3A_873 = arith.subf %parallel_loop3A_845, %parallel_loop3A_872 : vector<16xf32>
          %parallel_loop3A_874 = math.absf %parallel_loop3A_873 : vector<16xf32>
          %parallel_loop3A_875 = arith.cmpf ogt, %parallel_loop3A_874, %parallel_loop3A_833 : vector<16xf32>
          %parallel_loop3A_876 = arith.select %parallel_loop3A_875, %parallel_loop3A_874, %parallel_loop3A_833 : vector<16xi1>, vector<16xf32>
          %parallel_loop3A_877 = vector.broadcast %parallel_loop3A_839 : i32 to vector<16xi32>
          %parallel_loop3A_878 = arith.select %parallel_loop3A_875, %parallel_loop3A_877, %parallel_loop3A_835 : vector<16xi1>, vector<16xi32>
          %parallel_loop3A_879 = arith.constant 8 : i32
          %parallel_loop3A_880 = arith.muli %scan3A_575, %parallel_loop3A_879 : i32
          %parallel_loop3A_881 = arith.constant 7 : i32
          %parallel_loop3A_882 = arith.addi %parallel_loop3A_880, %parallel_loop3A_881 : i32
          %parallel_loop3A_883 = arith.constant 16 : i32
          %parallel_loop3A_884 = arith.muli %parallel_loop3A_882, %parallel_loop3A_883 : i32
          %parallel_loop3A_885 = arith.index_cast %select_n3A_63 : i32 to index
          %parallel_loop3A_886 = arith.index_cast %parallel_loop3A_510 : i32 to index
          %parallel_loop3A_887 = arith.index_cast %parallel_loop3A_884 : i32 to index
          %parallel_loop3A_888 = tpu.vector_load %arg6[%parallel_loop3A_885, %parallel_loop3A_886, %parallel_loop3A_887] {strides = array<i32>} : memref<2x16x512xf32, #tpu.memory_space<vmem>>, vector<16xf32>,
          %parallel_loop3A_889 = arith.constant 0 : i32
          %parallel_loop3A_890 = arith.index_cast %parallel_loop3A_889 : i32 to index
          %parallel_loop3A_891 = arith.index_cast %parallel_loop3A_510 : i32 to index
          %parallel_loop3A_892 = arith.index_cast %parallel_loop3A_884 : i32 to index
          %parallel_loop3A_893 = tpu.vector_load %arg7[%parallel_loop3A_890, %parallel_loop3A_891, %parallel_loop3A_892] {strides = array<i32>} : memref<5x16x512xf32, #tpu.memory_space<vmem>>, vector<16xf32>,
          %parallel_loop3A_894 = arith.mulf %parallel_loop3A_518, %parallel_loop3A_893 : vector<16xf32>
          %parallel_loop3A_895 = arith.constant 1 : i32
          %parallel_loop3A_896 = arith.index_cast %parallel_loop3A_895 : i32 to index
          %parallel_loop3A_897 = arith.index_cast %parallel_loop3A_510 : i32 to index
          %parallel_loop3A_898 = arith.index_cast %parallel_loop3A_884 : i32 to index
          %parallel_loop3A_899 = tpu.vector_load %arg7[%parallel_loop3A_896, %parallel_loop3A_897, %parallel_loop3A_898] {strides = array<i32>} : memref<5x16x512xf32, #tpu.memory_space<vmem>>, vector<16xf32>,
          %parallel_loop3A_900 = arith.mulf %parallel_loop3A_525, %parallel_loop3A_899 : vector<16xf32>
          %parallel_loop3A_901 = arith.addf %parallel_loop3A_894, %parallel_loop3A_900 : vector<16xf32>
          %parallel_loop3A_902 = arith.constant 2 : i32
          %parallel_loop3A_903 = arith.index_cast %parallel_loop3A_902 : i32 to index
          %parallel_loop3A_904 = arith.index_cast %parallel_loop3A_510 : i32 to index
          %parallel_loop3A_905 = arith.index_cast %parallel_loop3A_884 : i32 to index
          %parallel_loop3A_906 = tpu.vector_load %arg7[%parallel_loop3A_903, %parallel_loop3A_904, %parallel_loop3A_905] {strides = array<i32>} : memref<5x16x512xf32, #tpu.memory_space<vmem>>, vector<16xf32>,
          %parallel_loop3A_907 = arith.mulf %parallel_loop3A_532, %parallel_loop3A_906 : vector<16xf32>
          %parallel_loop3A_908 = arith.addf %parallel_loop3A_901, %parallel_loop3A_907 : vector<16xf32>
          %parallel_loop3A_909 = arith.constant 3 : i32
          %parallel_loop3A_910 = arith.index_cast %parallel_loop3A_909 : i32 to index
          %parallel_loop3A_911 = arith.index_cast %parallel_loop3A_510 : i32 to index
          %parallel_loop3A_912 = arith.index_cast %parallel_loop3A_884 : i32 to index
          %parallel_loop3A_913 = tpu.vector_load %arg7[%parallel_loop3A_910, %parallel_loop3A_911, %parallel_loop3A_912] {strides = array<i32>} : memref<5x16x512xf32, #tpu.memory_space<vmem>>, vector<16xf32>,
          %parallel_loop3A_914 = arith.mulf %parallel_loop3A_539, %parallel_loop3A_913 : vector<16xf32>
          %parallel_loop3A_915 = arith.addf %parallel_loop3A_908, %parallel_loop3A_914 : vector<16xf32>
          %parallel_loop3A_916 = arith.subf %parallel_loop3A_888, %parallel_loop3A_915 : vector<16xf32>
          %parallel_loop3A_917 = math.absf %parallel_loop3A_916 : vector<16xf32>
          %parallel_loop3A_918 = arith.cmpf ogt, %parallel_loop3A_917, %parallel_loop3A_876 : vector<16xf32>
          %parallel_loop3A_919 = arith.select %parallel_loop3A_918, %parallel_loop3A_917, %parallel_loop3A_876 : vector<16xi1>, vector<16xf32>
          %parallel_loop3A_920 = vector.broadcast %parallel_loop3A_882 : i32 to vector<16xi32>
          %parallel_loop3A_921 = arith.select %parallel_loop3A_918, %parallel_loop3A_920, %parallel_loop3A_878 : vector<16xi1>, vector<16xi32>
          scf.yield %parallel_loop3A_919, %parallel_loop3A_921 : vector<16xf32>, vector<16xi32>
        }
        %parallel_loop3A_549 = arith.constant 4 : i32
        %parallel_loop3A_550 = arith.constant true
        %parallel_loop3A_551 = vector.broadcast %parallel_loop3A_550 : i1 to vector<16xi1>
        %parallel_loop3A_552 = tpu.scan <max>, %parallel_loop3A_548#0 masked %parallel_loop3A_551 : vector<16xf32>, vector<16xi1> -> vector<16xf32>
        %parallel_loop3A_553 = vector.extract %parallel_loop3A_552[15] : f32 from vector<16xf32>
        %parallel_loop3A_554 = vector.broadcast %parallel_loop3A_553 : f32 to vector<16xf32>
        %parallel_loop3A_555 = arith.cmpf oeq, %parallel_loop3A_548#0, %parallel_loop3A_554 : vector<16xf32>
        %parallel_loop3A_556 = arith.constant 16 : i32
        %parallel_loop3A_557 = vector.broadcast %parallel_loop3A_556 : i32 to vector<16xi32>
        %parallel_loop3A_558 = arith.muli %parallel_loop3A_548#1, %parallel_loop3A_557 : vector<16xi32>
        %parallel_loop3A_559 = arith.addi %parallel_loop3A_558, %iota3A : vector<16xi32>
        %parallel_loop3A_560 = arith.constant 512 : i32
        %parallel_loop3A_561 = vector.broadcast %parallel_loop3A_560 : i32 to vector<16xi32>
        %parallel_loop3A_562 = arith.select %parallel_loop3A_555, %parallel_loop3A_559, %parallel_loop3A_561 : vector<16xi1>, vector<16xi32>
        %parallel_loop3A_563 = arith.constant true
        %parallel_loop3A_564 = vector.broadcast %parallel_loop3A_563 : i1 to vector<16xi1>
        %parallel_loop3A_565 = arith.constant -2147483648 : i32
        %parallel_loop3A_566 = vector.broadcast %parallel_loop3A_565 : i32 to vector<16xi32>
        %parallel_loop3A_567 = arith.xori %parallel_loop3A_562, %parallel_loop3A_566 : vector<16xi32>
        %parallel_loop3A_568 = tpu.scan <min>, %parallel_loop3A_567 masked %parallel_loop3A_564 : vector<16xi32>, vector<16xi1> -> vector<16xi32>
        %parallel_loop3A_569 = arith.xori %parallel_loop3A_568, %parallel_loop3A_566 : vector<16xi32>
        %parallel_loop3A_570 = vector.extract %parallel_loop3A_569[15] : i32 from vector<16xi32>
        %parallel_loop3A_571 = vector.broadcast %parallel_loop3A_510 : i32 to vector<16xi32>
        %parallel_loop3A_572 = arith.cmpi eq, %iota3A, %parallel_loop3A_571 : vector<16xi32>
        %parallel_loop3A_573 = vector.broadcast %parallel_loop3A_570 : i32 to vector<16xi32>
        %parallel_loop3A_574 = arith.select %parallel_loop3A_572, %parallel_loop3A_573, %parallel_loop3A_511 : vector<16xi1>, vector<16xi32>
        scf.yield %parallel_loop3A_574 : vector<16xi32>
      } {sc.loop_unroll_factor = 2 : i64, sc.parallel_access}
      %broadcast_in_dim3A_375 = vector.broadcast %select_n3A_63 : i32 to vector<16xi32>
      %gather3A_376 = tpu.vector_load_idx %arg6[%broadcast_in_dim3A_375, %iota3A, %parallel_loop3A_374] : memref<2x16x512xf32, #tpu.memory_space<vmem>>[vector<16xi32>, vector<16xi32>, vector<16xi32>], vector<16xf32>,
      %mul3A_377 = arith.constant 16 : i32
      %mul3A_378 = arith.muli %scan3A_53, %mul3A_377 : i32
      %swap3A_379 = arith.constant 4 : i32
      %swap3A_380 = arith.index_cast %swap3A_379 : i32 to index
      %swap3A_381 = arith.index_cast %mul3A_378 : i32 to index
      %swap3A_382 = tpu.vector_load %arg8[%swap3A_380, %swap3A_381] {strides = array<i32>} : memref<5x512xi32, #tpu.memory_space<vmem>>, vector<16xi32>,
      tpu.vector_store %arg8[%swap3A_380, %swap3A_381], %parallel_loop3A_374 {strides = array<i32>} : memref<5x512xi32, #tpu.memory_space<vmem>>, vector<16xi32>,
      %broadcast_in_dim3A_383 = arith.constant 0 : i32
      %broadcast_in_dim3A_384 = vector.broadcast %broadcast_in_dim3A_383 : i32 to vector<16xi32>
      %gather3A_385 = tpu.vector_load_idx %arg7[%broadcast_in_dim3A_384, %iota3A, %parallel_loop3A_374] : memref<5x16x512xf32, #tpu.memory_space<vmem>>[vector<16xi32>, vector<16xi32>, vector<16xi32>], vector<16xf32>,
      %broadcast_in_dim3A_386 = arith.constant 1 : i32
      %broadcast_in_dim3A_387 = vector.broadcast %broadcast_in_dim3A_386 : i32 to vector<16xi32>
      %gather3A_388 = tpu.vector_load_idx %arg7[%broadcast_in_dim3A_387, %iota3A, %parallel_loop3A_374] : memref<5x16x512xf32, #tpu.memory_space<vmem>>[vector<16xi32>, vector<16xi32>, vector<16xi32>], vector<16xf32>,
      %broadcast_in_dim3A_389 = arith.constant 2 : i32
      %broadcast_in_dim3A_390 = vector.broadcast %broadcast_in_dim3A_389 : i32 to vector<16xi32>
      %gather3A_391 = tpu.vector_load_idx %arg7[%broadcast_in_dim3A_390, %iota3A, %parallel_loop3A_374] : memref<5x16x512xf32, #tpu.memory_space<vmem>>[vector<16xi32>, vector<16xi32>, vector<16xi32>], vector<16xf32>,
      %broadcast_in_dim3A_392 = arith.constant 3 : i32
      %broadcast_in_dim3A_393 = vector.broadcast %broadcast_in_dim3A_392 : i32 to vector<16xi32>
      %gather3A_394 = tpu.vector_load_idx %arg7[%broadcast_in_dim3A_393, %iota3A, %parallel_loop3A_374] : memref<5x16x512xf32, #tpu.memory_space<vmem>>[vector<16xi32>, vector<16xi32>, vector<16xi32>], vector<16xf32>,
      %div3A_395 = arith.divf %gather3A_385, %broadcast_in_dim3A_3 : vector<16xf32>
      %mul3A_396 = arith.mulf %div3A_395, %broadcast_in_dim3A_3 : vector<16xf32>
      %mul3A_397 = arith.mulf %mul3A_396, %div3A : vector<16xf32>
      %sub3A_398 = arith.subf %gather3A_388, %mul3A_397 : vector<16xf32>
      %div3A_399 = arith.divf %sub3A_398, %max3A_135 : vector<16xf32>
      %mul3A_400 = arith.mulf %div3A_395, %broadcast_in_dim3A_3 : vector<16xf32>
      %mul3A_401 = arith.mulf %mul3A_400, %div3A_189 : vector<16xf32>
      %sub3A_402 = arith.subf %gather3A_391, %mul3A_401 : vector<16xf32>
      %mul3A_403 = arith.mulf %div3A_399, %max3A_135 : vector<16xf32>
      %mul3A_404 = arith.mulf %mul3A_403, %div3A_193 : vector<16xf32>
      %sub3A_405 = arith.subf %sub3A_402, %mul3A_404 : vector<16xf32>
      %div3A_406 = arith.divf %sub3A_405, %max3A_204 : vector<16xf32>
      %mul3A_407 = arith.mulf %div3A_395, %broadcast_in_dim3A_3 : vector<16xf32>
      %mul3A_408 = arith.mulf %mul3A_407, %div3A_276 : vector<16xf32>
      %sub3A_409 = arith.subf %gather3A_394, %mul3A_408 : vector<16xf32>
      %mul3A_410 = arith.mulf %div3A_399, %max3A_135 : vector<16xf32>
      %mul3A_411 = arith.mulf %mul3A_410, %div3A_280 : vector<16xf32>
      %sub3A_412 = arith.subf %sub3A_409, %mul3A_411 : vector<16xf32>
      %mul3A_413 = arith.mulf %div3A_406, %max3A_204 : vector<16xf32>
      %mul3A_414 = arith.mulf %mul3A_413, %div3A_287 : vector<16xf32>
      %sub3A_415 = arith.subf %sub3A_412, %mul3A_414 : vector<16xf32>
      %div3A_416 = arith.divf %sub3A_415, %max3A_301 : vector<16xf32>
      %mul3A_417 = arith.mulf %div3A_395, %div3A_395 : vector<16xf32>
      %mul3A_418 = arith.mulf %mul3A_417, %broadcast_in_dim3A_3 : vector<16xf32>
      %mul3A_419 = arith.mulf %div3A_399, %div3A_399 : vector<16xf32>
      %mul3A_420 = arith.mulf %mul3A_419, %max3A_135 : vector<16xf32>
      %add3A_421 = arith.addf %mul3A_418, %mul3A_420 : vector<16xf32>
      %mul3A_422 = arith.mulf %div3A_406, %div3A_406 : vector<16xf32>
      %mul3A_423 = arith.mulf %mul3A_422, %max3A_204 : vector<16xf32>
      %add3A_424 = arith.addf %add3A_421, %mul3A_423 : vector<16xf32>
      %mul3A_425 = arith.mulf %div3A_416, %div3A_416 : vector<16xf32>
      %mul3A_426 = arith.mulf %mul3A_425, %max3A_301 : vector<16xf32>
      %add3A_427 = arith.addf %add3A_424, %mul3A_426 : vector<16xf32>
      %sub3A_428 = arith.constant 1.000000e+00 : f32
      %sub3A_429 = vector.broadcast %sub3A_428 : f32 to vector<16xf32>
      %sub3A_430 = arith.subf %sub3A_429, %add3A_427 : vector<16xf32>
      %max3A_431 = arith.constant 9.99999996E-13 : f32
      %max3A_432 = vector.broadcast %max3A_431 : f32 to vector<16xf32>
      %max3A_433 = arith.maximumf %sub3A_430, %max3A_432 : vector<16xf32>
      %mul3A_434 = arith.mulf %div3A, %gather3A : vector<16xf32>
      %sub3A_435 = arith.subf %gather3A_120, %mul3A_434 : vector<16xf32>
      %mul3A_436 = arith.mulf %div3A_189, %gather3A : vector<16xf32>
      %sub3A_437 = arith.subf %gather3A_176, %mul3A_436 : vector<16xf32>
      %mul3A_438 = arith.mulf %div3A_193, %sub3A_435 : vector<16xf32>
      %sub3A_439 = arith.subf %sub3A_437, %mul3A_438 : vector<16xf32>
      %mul3A_440 = arith.mulf %div3A_276, %gather3A : vector<16xf32>
      %sub3A_441 = arith.subf %gather3A_260, %mul3A_440 : vector<16xf32>
      %mul3A_442 = arith.mulf %div3A_280, %sub3A_435 : vector<16xf32>
      %sub3A_443 = arith.subf %sub3A_441, %mul3A_442 : vector<16xf32>
      %mul3A_444 = arith.mulf %div3A_287, %sub3A_439 : vector<16xf32>
      %sub3A_445 = arith.subf %sub3A_443, %mul3A_444 : vector<16xf32>
      %mul3A_446 = arith.mulf %div3A_395, %gather3A : vector<16xf32>
      %sub3A_447 = arith.subf %gather3A_376, %mul3A_446 : vector<16xf32>
      %mul3A_448 = arith.mulf %div3A_399, %sub3A_435 : vector<16xf32>
      %sub3A_449 = arith.subf %sub3A_447, %mul3A_448 : vector<16xf32>
      %mul3A_450 = arith.mulf %div3A_406, %sub3A_439 : vector<16xf32>
      %sub3A_451 = arith.subf %sub3A_449, %mul3A_450 : vector<16xf32>
      %mul3A_452 = arith.mulf %div3A_416, %sub3A_445 : vector<16xf32>
      %sub3A_453 = arith.subf %sub3A_451, %mul3A_452 : vector<16xf32>
      %div3A_454 = arith.divf %gather3A, %broadcast_in_dim3A_3 : vector<16xf32>
      %div3A_455 = arith.divf %sub3A_435, %max3A_135 : vector<16xf32>
      %div3A_456 = arith.divf %sub3A_439, %max3A_204 : vector<16xf32>
      %div3A_457 = arith.divf %sub3A_445, %max3A_301 : vector<16xf32>
      %div3A_458 = arith.divf %sub3A_453, %max3A_433 : vector<16xf32>
      %mul3A_459 = arith.mulf %div3A_416, %div3A_458 : vector<16xf32>
      %sub3A_460 = arith.subf %div3A_457, %mul3A_459 : vector<16xf32>
      %mul3A_461 = arith.mulf %div3A_287, %sub3A_460 : vector<16xf32>
      %sub3A_462 = arith.subf %div3A_456, %mul3A_461 : vector<16xf32>
      %mul3A_463 = arith.mulf %div3A_406, %div3A_458 : vector<16xf32>
      %sub3A_464 = arith.subf %sub3A_462, %mul3A_463 : vector<16xf32>
      %mul3A_465 = arith.mulf %div3A_193, %sub3A_464 : vector<16xf32>
      %sub3A_466 = arith.subf %div3A_455, %mul3A_465 : vector<16xf32>
      %mul3A_467 = arith.mulf %div3A_280, %sub3A_460 : vector<16xf32>
      %sub3A_468 = arith.subf %sub3A_466, %mul3A_467 : vector<16xf32>
      %mul3A_469 = arith.mulf %div3A_399, %div3A_458 : vector<16xf32>
      %sub3A_470 = arith.subf %sub3A_468, %mul3A_469 : vector<16xf32>
      %mul3A_471 = arith.mulf %div3A, %sub3A_470 : vector<16xf32>
      %sub3A_472 = arith.subf %div3A_454, %mul3A_471 : vector<16xf32>
      %mul3A_473 = arith.mulf %div3A_189, %sub3A_464 : vector<16xf32>
      %sub3A_474 = arith.subf %sub3A_472, %mul3A_473 : vector<16xf32>
      %mul3A_475 = arith.mulf %div3A_276, %sub3A_460 : vector<16xf32>
      %sub3A_476 = arith.subf %sub3A_474, %mul3A_475 : vector<16xf32>
      %mul3A_477 = arith.mulf %div3A_395, %div3A_458 : vector<16xf32>
      %sub3A_478 = arith.subf %sub3A_476, %mul3A_477 : vector<16xf32>
      %mul3A_479 = arith.constant 16 : i32
      %mul3A_480 = arith.muli %scan3A_53, %mul3A_479 : i32
      %swap3A_481 = arith.constant 0 : i32
      %swap3A_482 = arith.index_cast %swap3A_481 : i32 to index
      %swap3A_483 = arith.index_cast %mul3A_480 : i32 to index
      %swap3A_484 = tpu.vector_load %arg9[%swap3A_482, %swap3A_483] {strides = array<i32>} : memref<5x512xf32, #tpu.memory_space<vmem>>, vector<16xf32>,
      tpu.vector_store %arg9[%swap3A_482, %swap3A_483], %sub3A_478 {strides = array<i32>} : memref<5x512xf32, #tpu.memory_space<vmem>>, vector<16xf32>,
      %mul3A_485 = arith.constant 16 : i32
      %mul3A_486 = arith.muli %scan3A_53, %mul3A_485 : i32
      %swap3A_487 = arith.constant 1 : i32
      %swap3A_488 = arith.index_cast %swap3A_487 : i32 to index
      %swap3A_489 = arith.index_cast %mul3A_486 : i32 to index
      %swap3A_490 = tpu.vector_load %arg9[%swap3A_488, %swap3A_489] {strides = array<i32>} : memref<5x512xf32, #tpu.memory_space<vmem>>, vector<16xf32>,
      tpu.vector_store %arg9[%swap3A_488, %swap3A_489], %sub3A_470 {strides = array<i32>} : memref<5x512xf32, #tpu.memory_space<vmem>>, vector<16xf32>,
      %mul3A_491 = arith.constant 16 : i32
      %mul3A_492 = arith.muli %scan3A_53, %mul3A_491 : i32
      %swap3A_493 = arith.constant 2 : i32
      %swap3A_494 = arith.index_cast %swap3A_493 : i32 to index
      %swap3A_495 = arith.index_cast %mul3A_492 : i32 to index
      %swap3A_496 = tpu.vector_load %arg9[%swap3A_494, %swap3A_495] {strides = array<i32>} : memref<5x512xf32, #tpu.memory_space<vmem>>, vector<16xf32>,
      tpu.vector_store %arg9[%swap3A_494, %swap3A_495], %sub3A_464 {strides = array<i32>} : memref<5x512xf32, #tpu.memory_space<vmem>>, vector<16xf32>,
      %mul3A_497 = arith.constant 16 : i32
      %mul3A_498 = arith.muli %scan3A_53, %mul3A_497 : i32
      %swap3A_499 = arith.constant 3 : i32
      %swap3A_500 = arith.index_cast %swap3A_499 : i32 to index
      %swap3A_501 = arith.index_cast %mul3A_498 : i32 to index
      %swap3A_502 = tpu.vector_load %arg9[%swap3A_500, %swap3A_501] {strides = array<i32>} : memref<5x512xf32, #tpu.memory_space<vmem>>, vector<16xf32>,
      tpu.vector_store %arg9[%swap3A_500, %swap3A_501], %sub3A_460 {strides = array<i32>} : memref<5x512xf32, #tpu.memory_space<vmem>>, vector<16xf32>,
      %mul3A_503 = arith.constant 16 : i32
      %mul3A_504 = arith.muli %scan3A_53, %mul3A_503 : i32
      %swap3A_505 = arith.constant 4 : i32
      %swap3A_506 = arith.index_cast %swap3A_505 : i32 to index
      %swap3A_507 = arith.index_cast %mul3A_504 : i32 to index
      %swap3A_508 = tpu.vector_load %arg9[%swap3A_506, %swap3A_507] {strides = array<i32>} : memref<5x512xf32, #tpu.memory_space<vmem>>, vector<16xf32>,
      tpu.vector_store %arg9[%swap3A_506, %swap3A_507], %div3A_458 {strides = array<i32>} : memref<5x512xf32, #tpu.memory_space<vmem>>, vector<16xf32>,
      %scan3A_509 = arith.constant 0 : i32
      scf.yield %scan3A_509 : i32
    }
    %scan3A_21 = arith.constant 32 : i32
    %dma_start3A_22 = arith.constant 0 : i32
    %dma_start3A_23 = arith.constant 0 : i32
    %dma_start3A_24 = tpu.memref_slice %arg4[%add3A, %dma_start3A_22, %dma_start3A_23] : memref<32x5x512xi32, #tpu.memory_space<hbm>> -> memref<1x5x512xi32, #tpu.memory_space<hbm>>
    %dma_start3A_25 = tpu.memref_squeeze %dma_start3A_24 : memref<1x5x512xi32, #tpu.memory_space<hbm>> -> memref<5x512xi32, #tpu.memory_space<hbm>>
    %dma_start3A_26 = arith.constant 0 : i32
    %dma_start3A_27 = arith.constant 0 : i32
    %dma_start3A_28 = tpu.memref_slice %arg4[%add3A, %dma_start3A_26, %dma_start3A_27] : memref<32x5x512xi32, #tpu.memory_space<hbm>> -> memref<1x5x512xi32, #tpu.memory_space<hbm>>
    %dma_start3A_29 = tpu.memref_squeeze %dma_start3A_28 : memref<1x5x512xi32, #tpu.memory_space<hbm>> -> memref<5x512xi32, #tpu.memory_space<hbm>>
    tpu.enqueue_dma source(%arg8 : memref<5x512xi32, #tpu.memory_space<vmem>>) target(%dma_start3A_29 : memref<5x512xi32, #tpu.memory_space<hbm>>) target_semaphore(%arg10 : memref<!tpu.dma_semaphore, #tpu.memory_space<semaphore_mem>>)
    %dma_wait3A = arith.constant 0 : i32
    %dma_wait3A_30 = arith.constant 0 : i32
    %dma_wait3A_31 = tpu.memref_slice %arg4[%add3A, %dma_wait3A, %dma_wait3A_30] : memref<32x5x512xi32, #tpu.memory_space<hbm>> -> memref<1x5x512xi32, #tpu.memory_space<hbm>>
    %dma_wait3A_32 = tpu.memref_squeeze %dma_wait3A_31 : memref<1x5x512xi32, #tpu.memory_space<hbm>> -> memref<5x512xi32, #tpu.memory_space<hbm>>
    %dma_wait3A_33 = arith.constant 0 : i32
    %dma_wait3A_34 = arith.constant 0 : i32
    %dma_wait3A_35 = tpu.memref_slice %arg4[%add3A, %dma_wait3A_33, %dma_wait3A_34] : memref<32x5x512xi32, #tpu.memory_space<hbm>> -> memref<1x5x512xi32, #tpu.memory_space<hbm>>
    %dma_wait3A_36 = tpu.memref_squeeze %dma_wait3A_35 : memref<1x5x512xi32, #tpu.memory_space<hbm>> -> memref<5x512xi32, #tpu.memory_space<hbm>>
    tpu.wait_dma2 semaphore(%arg10 : memref<!tpu.dma_semaphore, #tpu.memory_space<semaphore_mem>>) src(%arg8 : memref<5x512xi32, #tpu.memory_space<vmem>>) dst(%dma_wait3A_36 : memref<5x512xi32, #tpu.memory_space<hbm>>)
    %dma_start3A_37 = arith.constant 0 : i32
    %dma_start3A_38 = arith.constant 0 : i32
    %dma_start3A_39 = tpu.memref_slice %arg5[%add3A, %dma_start3A_37, %dma_start3A_38] : memref<32x5x512xf32, #tpu.memory_space<hbm>> -> memref<1x5x512xf32, #tpu.memory_space<hbm>>
    %dma_start3A_40 = tpu.memref_squeeze %dma_start3A_39 : memref<1x5x512xf32, #tpu.memory_space<hbm>> -> memref<5x512xf32, #tpu.memory_space<hbm>>
    %dma_start3A_41 = arith.constant 0 : i32
    %dma_start3A_42 = arith.constant 0 : i32
    %dma_start3A_43 = tpu.memref_slice %arg5[%add3A, %dma_start3A_41, %dma_start3A_42] : memref<32x5x512xf32, #tpu.memory_space<hbm>> -> memref<1x5x512xf32, #tpu.memory_space<hbm>>
    %dma_start3A_44 = tpu.memref_squeeze %dma_start3A_43 : memref<1x5x512xf32, #tpu.memory_space<hbm>> -> memref<5x512xf32, #tpu.memory_space<hbm>>
    tpu.enqueue_dma source(%arg9 : memref<5x512xf32, #tpu.memory_space<vmem>>) target(%dma_start3A_44 : memref<5x512xf32, #tpu.memory_space<hbm>>) target_semaphore(%arg10 : memref<!tpu.dma_semaphore, #tpu.memory_space<semaphore_mem>>)
    %dma_wait3A_45 = arith.constant 0 : i32
    %dma_wait3A_46 = arith.constant 0 : i32
    %dma_wait3A_47 = tpu.memref_slice %arg5[%add3A, %dma_wait3A_45, %dma_wait3A_46] : memref<32x5x512xf32, #tpu.memory_space<hbm>> -> memref<1x5x512xf32, #tpu.memory_space<hbm>>
    %dma_wait3A_48 = tpu.memref_squeeze %dma_wait3A_47 : memref<1x5x512xf32, #tpu.memory_space<hbm>> -> memref<5x512xf32, #tpu.memory_space<hbm>>
    %dma_wait3A_49 = arith.constant 0 : i32
    %dma_wait3A_50 = arith.constant 0 : i32
    %dma_wait3A_51 = tpu.memref_slice %arg5[%add3A, %dma_wait3A_49, %dma_wait3A_50] : memref<32x5x512xf32, #tpu.memory_space<hbm>> -> memref<1x5x512xf32, #tpu.memory_space<hbm>>
    %dma_wait3A_52 = tpu.memref_squeeze %dma_wait3A_51 : memref<1x5x512xf32, #tpu.memory_space<hbm>> -> memref<5x512xf32, #tpu.memory_space<hbm>>
    tpu.wait_dma2 semaphore(%arg10 : memref<!tpu.dma_semaphore, #tpu.memory_space<semaphore_mem>>) src(%arg9 : memref<5x512xf32, #tpu.memory_space<vmem>>) dst(%dma_wait3A_52 : memref<5x512xf32, #tpu.memory_space<hbm>>)
    return
  }
}

module attributes {stable_mosaic.version = 14 : i64} {
  func.func @_hbar_body(%arg0: i32, %arg1: memref<2048x64xf32, #tpu.memory_space<vmem>>, %arg2: memref<512x64xf32, #tpu.memory_space<vmem>>, %arg3: memref<2048x512xf32, #tpu.memory_space<vmem>>, %arg4: memref<512x64xf32, #tpu.memory_space<vmem>>, %arg5: memref<512x512xf32, #tpu.memory_space<vmem>>) attributes {dimension_semantics = [#tpu.dimension_semantics<arbitrary>], iteration_bounds = array<i64: 8>, scalar_prefetch = 0 : i64, scratch_operands = 0 : i64, tpu.core_type = #tpu.core_type<tc>, window_params = [{transform_indices = @transform_0, window_bounds = array<i64: 2048, 64>}, {pipeline_mode = #tpu.pipeline_mode<synchronous>, transform_indices = @transform_1, window_bounds = array<i64: 512, 64>}, {transform_indices = @transform_2, window_bounds = array<i64: 2048, 512>}, {pipeline_mode = #tpu.pipeline_mode<synchronous>, transform_indices = @transform_3, window_bounds = array<i64: 512, 64>}, {pipeline_mode = #tpu.pipeline_mode<synchronous>, transform_indices = @transform_4, window_bounds = array<i64: 512, 512>}]} {
    %get3A = arith.constant 0 : index
    %get3A_0 = arith.constant 0 : index
    %get3A_1 = vector.load %arg2[%get3A, %get3A_0] : memref<512x64xf32, #tpu.memory_space<vmem>>, vector<512x64xf32>
    %mul3A = arith.mulf %get3A_1, %get3A_1 : vector<512x64xf32>
    %reduce_sum3A = arith.constant dense<0.000000e+00> : vector<512xf32>
    %reduce_sum3A_2 = vector.multi_reduction <add>, %mul3A, %reduce_sum3A [1] : vector<512x64xf32> to vector<512xf32>
    %broadcast_in_dim3A = vector.shape_cast %reduce_sum3A_2 : vector<512xf32> to vector<512x1xf32>
    %sqrt3A = math.sqrt %broadcast_in_dim3A : vector<512x1xf32>
    %max3A = arith.constant 1.000000e-10 : f32
    %max3A_3 = vector.broadcast %max3A : f32 to vector<512x1xf32>
    %max3A_4 = arith.maximumf %sqrt3A, %max3A_3 : vector<512x1xf32>
    %div3A = vector.broadcast %max3A_4 : vector<512x1xf32> to vector<512x64xf32>
    %div3A_5 = arith.divf %get3A_1, %div3A : vector<512x64xf32>
    %get3A_6 = arith.constant 0 : index
    %get3A_7 = arith.constant 0 : index
    %get3A_8 = vector.load %arg1[%get3A_6, %get3A_7] : memref<2048x64xf32, #tpu.memory_space<vmem>>, vector<2048x64xf32>
    %dot_general3A = arith.constant dense<0.000000e+00> : vector<2048x512xf32>
    %dot_general3A_9 = tpu.matmul %get3A_8, %div3A_5, %dot_general3A {dimension_numbers = #tpu.dot_dimension_numbers<[1], [1], [0], [0], [0, 0, 1, 0], [], []>, transpose_lhs_hint = false} : vector<2048x64xf32>, vector<512x64xf32>, vector<2048x512xf32> -> vector<2048x512xf32>
    %swap3A = arith.constant 0 : index
    %swap3A_10 = arith.constant 0 : index
    %swap3A_11 = vector.load %arg3[%swap3A, %swap3A_10] : memref<2048x512xf32, #tpu.memory_space<vmem>>, vector<2048x512xf32>
    tpu.vector_store %arg3[%swap3A, %swap3A_10], %dot_general3A_9 {strides = array<i32>} : memref<2048x512xf32, #tpu.memory_space<vmem>>, vector<2048x512xf32>,
    %eq3A = arith.constant 0 : i32
    %eq3A_12 = arith.cmpi eq, %arg0, %eq3A : i32
    %convert_element_type3A = arith.extui %eq3A_12 : i1 to i32
    %cond3A = arith.constant 0 : i32
    %cond3A_13 = arith.cmpi ne, %convert_element_type3A, %cond3A : i32
    scf.if %cond3A_13 {
      %swap3A_14 = arith.constant 0 : index
      %swap3A_15 = arith.constant 0 : index
      %swap3A_16 = vector.load %arg4[%swap3A_14, %swap3A_15] : memref<512x64xf32, #tpu.memory_space<vmem>>, vector<512x64xf32>
      tpu.vector_store %arg4[%swap3A_14, %swap3A_15], %div3A_5 {strides = array<i32>} : memref<512x64xf32, #tpu.memory_space<vmem>>, vector<512x64xf32>,
      %dot_general3A_17 = arith.constant dense<0.000000e+00> : vector<512x512xf32>
      %dot_general3A_18 = tpu.matmul %div3A_5, %div3A_5, %dot_general3A_17 {dimension_numbers = #tpu.dot_dimension_numbers<[1], [1], [0], [0], [0, 0, 1, 0], [], []>, transpose_lhs_hint = false} : vector<512x64xf32>, vector<512x64xf32>, vector<512x512xf32> -> vector<512x512xf32>
      %swap3A_19 = arith.constant 0 : index
      %swap3A_20 = arith.constant 0 : index
      %swap3A_21 = vector.load %arg5[%swap3A_19, %swap3A_20] : memref<512x512xf32, #tpu.memory_space<vmem>>, vector<512x512xf32>
      tpu.vector_store %arg5[%swap3A_19, %swap3A_20], %dot_general3A_18 {strides = array<i32>} : memref<512x512xf32, #tpu.memory_space<vmem>>, vector<512x512xf32>,
    } else {
    }
    return
  }
  func.func @transform_0(%arg0: i32) -> (i32, i32) {
    %c0_i32 = arith.constant 0 : i32
    %c0_i32_0 = arith.constant 0 : i32
    return %arg0, %c0_i32 : i32, i32
  }
  func.func @transform_1(%arg0: i32) -> (i32, i32) {
    %c0_i32 = arith.constant 0 : i32
    %c0_i32_0 = arith.constant 0 : i32
    %c0_i32_1 = arith.constant 0 : i32
    return %c0_i32, %c0_i32_0 : i32, i32
  }
  func.func @transform_2(%arg0: i32) -> (i32, i32) {
    %c0_i32 = arith.constant 0 : i32
    %c0_i32_0 = arith.constant 0 : i32
    return %arg0, %c0_i32 : i32, i32
  }
  func.func @transform_3(%arg0: i32) -> (i32, i32) {
    %c0_i32 = arith.constant 0 : i32
    %c0_i32_0 = arith.constant 0 : i32
    %c0_i32_1 = arith.constant 0 : i32
    return %c0_i32, %c0_i32_0 : i32, i32
  }
  func.func @transform_4(%arg0: i32) -> (i32, i32) {
    %c0_i32 = arith.constant 0 : i32
    %c0_i32_0 = arith.constant 0 : i32
    %c0_i32_1 = arith.constant 0 : i32
    return %c0_i32, %c0_i32_0 : i32, i32
  }
}

module attributes {stable_mosaic.version = 14 : i64} {
  func.func @_recon_body(%arg0: i32, %arg1: memref<2048x64xf32, #tpu.memory_space<vmem>>, %arg2: memref<512x64xf32, #tpu.memory_space<vmem>>, %arg3: memref<5x1x2048xi32, #tpu.memory_space<vmem>>, %arg4: memref<5x1x2048xf32, #tpu.memory_space<vmem>>, %arg5: memref<2048x64xf32, #tpu.memory_space<vmem>>, %arg6: memref<1x1xf32, #tpu.memory_space<vmem>>) attributes {dimension_semantics = [#tpu.dimension_semantics<arbitrary>], iteration_bounds = array<i64: 8>, scalar_prefetch = 0 : i64, scratch_operands = 0 : i64, tpu.core_type = #tpu.core_type<tc>, window_params = [{transform_indices = @transform_0, window_bounds = array<i64: 2048, 64>}, {pipeline_mode = #tpu.pipeline_mode<synchronous>, transform_indices = @transform_1, window_bounds = array<i64: 512, 64>}, {transform_indices = @transform_2, window_bounds = array<i64: 5, 1, 2048>}, {transform_indices = @transform_3, window_bounds = array<i64: 5, 1, 2048>}, {transform_indices = @transform_4, window_bounds = array<i64: 2048, 64>}, {pipeline_mode = #tpu.pipeline_mode<synchronous>, transform_indices = @transform_5, window_bounds = array<i64: 1, 1>}]} {
    %get3A = arith.constant 0 : index
    %get3A_0 = arith.constant 0 : index
    %get3A_1 = vector.load %arg1[%get3A, %get3A_0] : memref<2048x64xf32, #tpu.memory_space<vmem>>, vector<2048x64xf32>
    %broadcast_in_dim3A = arith.constant 0.000000e+00 : f32
    %broadcast_in_dim3A_2 = vector.broadcast %broadcast_in_dim3A : f32 to vector<2048x512xf32>
    %iota3A = tpu.iota {dimensions = array<i32: 1>} : vector<2048x512xi32>
    %get3A_3 = arith.constant 0 : index
    %get3A_4 = arith.constant 0 : index
    %get3A_5 = arith.constant 0 : index
    %get3A_6 = vector.load %arg3[%get3A_3, %get3A_4, %get3A_5] : memref<5x1x2048xi32, #tpu.memory_space<vmem>>, vector<1x1x2048xi32>
    %get3A_7 = vector.shape_cast %get3A_6 : vector<1x1x2048xi32> to vector<2048xi32>
    %broadcast_in_dim3A_8 = vector.shape_cast %get3A_7 : vector<2048xi32> to vector<2048x1xi32>
    %get3A_9 = arith.constant 0 : index
    %get3A_10 = arith.constant 0 : index
    %get3A_11 = arith.constant 0 : index
    %get3A_12 = vector.load %arg4[%get3A_9, %get3A_10, %get3A_11] : memref<5x1x2048xf32, #tpu.memory_space<vmem>>, vector<1x1x2048xf32>
    %get3A_13 = vector.shape_cast %get3A_12 : vector<1x1x2048xf32> to vector<2048xf32>
    %broadcast_in_dim3A_14 = vector.shape_cast %get3A_13 : vector<2048xf32> to vector<2048x1xf32>
    %eq3A = vector.broadcast %broadcast_in_dim3A_8 : vector<2048x1xi32> to vector<2048x512xi32>
    %eq3A_15 = arith.cmpi eq, %iota3A, %eq3A : vector<2048x512xi32>
    %jit3A = arith.constant 0.000000e+00 : f32
    %broadcast_in_dim3A_16 = vector.shape_cast %broadcast_in_dim3A_14 : vector<2048x1xf32> to vector<2048x1xf32>
    %broadcast_in_dim3A_17 = vector.broadcast %broadcast_in_dim3A_16 : vector<2048x1xf32> to vector<2048x512xf32>
    %broadcast_in_dim3A_18 = vector.broadcast %jit3A : f32 to vector<2048x512xf32>
    %select_n3A = arith.select %eq3A_15, %broadcast_in_dim3A_17, %broadcast_in_dim3A_18 : vector<2048x512xi1>, vector<2048x512xf32>
    %add3A = arith.addf %broadcast_in_dim3A_2, %select_n3A : vector<2048x512xf32>
    %get3A_19 = arith.constant 1 : index
    %get3A_20 = arith.constant 0 : index
    %get3A_21 = arith.constant 0 : index
    %get3A_22 = vector.load %arg3[%get3A_19, %get3A_20, %get3A_21] : memref<5x1x2048xi32, #tpu.memory_space<vmem>>, vector<1x1x2048xi32>
    %get3A_23 = vector.shape_cast %get3A_22 : vector<1x1x2048xi32> to vector<2048xi32>
    %broadcast_in_dim3A_24 = vector.shape_cast %get3A_23 : vector<2048xi32> to vector<2048x1xi32>
    %get3A_25 = arith.constant 1 : index
    %get3A_26 = arith.constant 0 : index
    %get3A_27 = arith.constant 0 : index
    %get3A_28 = vector.load %arg4[%get3A_25, %get3A_26, %get3A_27] : memref<5x1x2048xf32, #tpu.memory_space<vmem>>, vector<1x1x2048xf32>
    %get3A_29 = vector.shape_cast %get3A_28 : vector<1x1x2048xf32> to vector<2048xf32>
    %broadcast_in_dim3A_30 = vector.shape_cast %get3A_29 : vector<2048xf32> to vector<2048x1xf32>
    %eq3A_31 = vector.broadcast %broadcast_in_dim3A_24 : vector<2048x1xi32> to vector<2048x512xi32>
    %eq3A_32 = arith.cmpi eq, %iota3A, %eq3A_31 : vector<2048x512xi32>
    %jit3A_33 = arith.constant 0.000000e+00 : f32
    %broadcast_in_dim3A_34 = vector.shape_cast %broadcast_in_dim3A_30 : vector<2048x1xf32> to vector<2048x1xf32>
    %broadcast_in_dim3A_35 = vector.broadcast %broadcast_in_dim3A_34 : vector<2048x1xf32> to vector<2048x512xf32>
    %broadcast_in_dim3A_36 = vector.broadcast %jit3A_33 : f32 to vector<2048x512xf32>
    %select_n3A_37 = arith.select %eq3A_32, %broadcast_in_dim3A_35, %broadcast_in_dim3A_36 : vector<2048x512xi1>, vector<2048x512xf32>
    %add3A_38 = arith.addf %add3A, %select_n3A_37 : vector<2048x512xf32>
    %get3A_39 = arith.constant 2 : index
    %get3A_40 = arith.constant 0 : index
    %get3A_41 = arith.constant 0 : index
    %get3A_42 = vector.load %arg3[%get3A_39, %get3A_40, %get3A_41] : memref<5x1x2048xi32, #tpu.memory_space<vmem>>, vector<1x1x2048xi32>
    %get3A_43 = vector.shape_cast %get3A_42 : vector<1x1x2048xi32> to vector<2048xi32>
    %broadcast_in_dim3A_44 = vector.shape_cast %get3A_43 : vector<2048xi32> to vector<2048x1xi32>
    %get3A_45 = arith.constant 2 : index
    %get3A_46 = arith.constant 0 : index
    %get3A_47 = arith.constant 0 : index
    %get3A_48 = vector.load %arg4[%get3A_45, %get3A_46, %get3A_47] : memref<5x1x2048xf32, #tpu.memory_space<vmem>>, vector<1x1x2048xf32>
    %get3A_49 = vector.shape_cast %get3A_48 : vector<1x1x2048xf32> to vector<2048xf32>
    %broadcast_in_dim3A_50 = vector.shape_cast %get3A_49 : vector<2048xf32> to vector<2048x1xf32>
    %eq3A_51 = vector.broadcast %broadcast_in_dim3A_44 : vector<2048x1xi32> to vector<2048x512xi32>
    %eq3A_52 = arith.cmpi eq, %iota3A, %eq3A_51 : vector<2048x512xi32>
    %jit3A_53 = arith.constant 0.000000e+00 : f32
    %broadcast_in_dim3A_54 = vector.shape_cast %broadcast_in_dim3A_50 : vector<2048x1xf32> to vector<2048x1xf32>
    %broadcast_in_dim3A_55 = vector.broadcast %broadcast_in_dim3A_54 : vector<2048x1xf32> to vector<2048x512xf32>
    %broadcast_in_dim3A_56 = vector.broadcast %jit3A_53 : f32 to vector<2048x512xf32>
    %select_n3A_57 = arith.select %eq3A_52, %broadcast_in_dim3A_55, %broadcast_in_dim3A_56 : vector<2048x512xi1>, vector<2048x512xf32>
    %add3A_58 = arith.addf %add3A_38, %select_n3A_57 : vector<2048x512xf32>
    %get3A_59 = arith.constant 3 : index
    %get3A_60 = arith.constant 0 : index
    %get3A_61 = arith.constant 0 : index
    %get3A_62 = vector.load %arg3[%get3A_59, %get3A_60, %get3A_61] : memref<5x1x2048xi32, #tpu.memory_space<vmem>>, vector<1x1x2048xi32>
    %get3A_63 = vector.shape_cast %get3A_62 : vector<1x1x2048xi32> to vector<2048xi32>
    %broadcast_in_dim3A_64 = vector.shape_cast %get3A_63 : vector<2048xi32> to vector<2048x1xi32>
    %get3A_65 = arith.constant 3 : index
    %get3A_66 = arith.constant 0 : index
    %get3A_67 = arith.constant 0 : index
    %get3A_68 = vector.load %arg4[%get3A_65, %get3A_66, %get3A_67] : memref<5x1x2048xf32, #tpu.memory_space<vmem>>, vector<1x1x2048xf32>
    %get3A_69 = vector.shape_cast %get3A_68 : vector<1x1x2048xf32> to vector<2048xf32>
    %broadcast_in_dim3A_70 = vector.shape_cast %get3A_69 : vector<2048xf32> to vector<2048x1xf32>
    %eq3A_71 = vector.broadcast %broadcast_in_dim3A_64 : vector<2048x1xi32> to vector<2048x512xi32>
    %eq3A_72 = arith.cmpi eq, %iota3A, %eq3A_71 : vector<2048x512xi32>
    %jit3A_73 = arith.constant 0.000000e+00 : f32
    %broadcast_in_dim3A_74 = vector.shape_cast %broadcast_in_dim3A_70 : vector<2048x1xf32> to vector<2048x1xf32>
    %broadcast_in_dim3A_75 = vector.broadcast %broadcast_in_dim3A_74 : vector<2048x1xf32> to vector<2048x512xf32>
    %broadcast_in_dim3A_76 = vector.broadcast %jit3A_73 : f32 to vector<2048x512xf32>
    %select_n3A_77 = arith.select %eq3A_72, %broadcast_in_dim3A_75, %broadcast_in_dim3A_76 : vector<2048x512xi1>, vector<2048x512xf32>
    %add3A_78 = arith.addf %add3A_58, %select_n3A_77 : vector<2048x512xf32>
    %get3A_79 = arith.constant 4 : index
    %get3A_80 = arith.constant 0 : index
    %get3A_81 = arith.constant 0 : index
    %get3A_82 = vector.load %arg3[%get3A_79, %get3A_80, %get3A_81] : memref<5x1x2048xi32, #tpu.memory_space<vmem>>, vector<1x1x2048xi32>
    %get3A_83 = vector.shape_cast %get3A_82 : vector<1x1x2048xi32> to vector<2048xi32>
    %broadcast_in_dim3A_84 = vector.shape_cast %get3A_83 : vector<2048xi32> to vector<2048x1xi32>
    %get3A_85 = arith.constant 4 : index
    %get3A_86 = arith.constant 0 : index
    %get3A_87 = arith.constant 0 : index
    %get3A_88 = vector.load %arg4[%get3A_85, %get3A_86, %get3A_87] : memref<5x1x2048xf32, #tpu.memory_space<vmem>>, vector<1x1x2048xf32>
    %get3A_89 = vector.shape_cast %get3A_88 : vector<1x1x2048xf32> to vector<2048xf32>
    %broadcast_in_dim3A_90 = vector.shape_cast %get3A_89 : vector<2048xf32> to vector<2048x1xf32>
    %eq3A_91 = vector.broadcast %broadcast_in_dim3A_84 : vector<2048x1xi32> to vector<2048x512xi32>
    %eq3A_92 = arith.cmpi eq, %iota3A, %eq3A_91 : vector<2048x512xi32>
    %jit3A_93 = arith.constant 0.000000e+00 : f32
    %broadcast_in_dim3A_94 = vector.shape_cast %broadcast_in_dim3A_90 : vector<2048x1xf32> to vector<2048x1xf32>
    %broadcast_in_dim3A_95 = vector.broadcast %broadcast_in_dim3A_94 : vector<2048x1xf32> to vector<2048x512xf32>
    %broadcast_in_dim3A_96 = vector.broadcast %jit3A_93 : f32 to vector<2048x512xf32>
    %select_n3A_97 = arith.select %eq3A_92, %broadcast_in_dim3A_95, %broadcast_in_dim3A_96 : vector<2048x512xi1>, vector<2048x512xf32>
    %add3A_98 = arith.addf %add3A_78, %select_n3A_97 : vector<2048x512xf32>
    %get3A_99 = arith.constant 0 : index
    %get3A_100 = arith.constant 0 : index
    %get3A_101 = vector.load %arg2[%get3A_99, %get3A_100] : memref<512x64xf32, #tpu.memory_space<vmem>>, vector<512x64xf32>
    %dot_general3A = arith.constant dense<0.000000e+00> : vector<2048x64xf32>
    %dot_general3A_102 = tpu.matmul %add3A_98, %get3A_101, %dot_general3A {dimension_numbers = #tpu.dot_dimension_numbers<[1], [0], [0], [1], [0, 0, 1, 1], [], []>, transpose_lhs_hint = false} : vector<2048x512xf32>, vector<512x64xf32>, vector<2048x64xf32> -> vector<2048x64xf32>
    %sub3A = arith.subf %dot_general3A_102, %get3A_1 : vector<2048x64xf32>
    %add3A_103 = arith.addf %get3A_1, %sub3A : vector<2048x64xf32>
    %swap3A = arith.constant 0 : index
    %swap3A_104 = arith.constant 0 : index
    %swap3A_105 = vector.load %arg5[%swap3A, %swap3A_104] : memref<2048x64xf32, #tpu.memory_space<vmem>>, vector<2048x64xf32>
    tpu.vector_store %arg5[%swap3A, %swap3A_104], %add3A_103 {strides = array<i32>} : memref<2048x64xf32, #tpu.memory_space<vmem>>, vector<2048x64xf32>,
    %eq3A_106 = arith.constant 0 : i32
    %eq3A_107 = arith.cmpi eq, %arg0, %eq3A_106 : i32
    %convert_element_type3A = arith.extui %eq3A_107 : i1 to i32
    %cond3A = arith.constant 0 : i32
    %cond3A_108 = arith.cmpi ne, %convert_element_type3A, %cond3A : i32
    scf.if %cond3A_108 {
      %broadcast_in_dim3A_126 = arith.constant 0.000000e+00 : f32
      %broadcast_in_dim3A_127 = vector.broadcast %broadcast_in_dim3A_126 : f32 to vector<1x1xf32>
      %swap3A_128 = arith.constant 0 : index
      %swap3A_129 = arith.constant 0 : index
      %swap3A_130 = vector.load %arg6[%swap3A_128, %swap3A_129] : memref<1x1xf32, #tpu.memory_space<vmem>>, vector<1x1xf32>
      tpu.vector_store %arg6[%swap3A_128, %swap3A_129], %broadcast_in_dim3A_127 {strides = array<i32>} : memref<1x1xf32, #tpu.memory_space<vmem>>, vector<1x1xf32>,
    } else {
    }
    %get3A_109 = arith.constant 0 : index
    %get3A_110 = arith.constant 0 : index
    %get3A_111 = vector.load %arg6[%get3A_109, %get3A_110] : memref<1x1xf32, #tpu.memory_space<vmem>>, vector<1x1xf32>
    %mul3A = arith.mulf %sub3A, %sub3A : vector<2048x64xf32>
    %reduce_sum3A = vector.shape_cast %mul3A : vector<2048x64xf32> to vector<1x2048x64xf32>
    %reduce_sum3A_112 = arith.constant dense<0.000000e+00> : vector<1xf32>
    %reduce_sum3A_113 = vector.multi_reduction <add>, %reduce_sum3A, %reduce_sum3A_112 [1, 2] : vector<1x2048x64xf32> to vector<1xf32>
    %reduce_sum3A_114 = vector.shape_cast %reduce_sum3A_113 : vector<1xf32> to vector<1x1x1xf32>
    %reduce_sum3A_115 = vector.extract %reduce_sum3A_114[0, 0, 0] : f32 from vector<1x1x1xf32>
    %broadcast_in_dim3A_116 = vector.broadcast %reduce_sum3A_115 : f32 to vector<1x1xf32>
    %add3A_117 = arith.addf %get3A_111, %broadcast_in_dim3A_116 : vector<1x1xf32>
    %swap3A_118 = arith.constant 0 : index
    %swap3A_119 = arith.constant 0 : index
    %swap3A_120 = vector.load %arg6[%swap3A_118, %swap3A_119] : memref<1x1xf32, #tpu.memory_space<vmem>>, vector<1x1xf32>
    tpu.vector_store %arg6[%swap3A_118, %swap3A_119], %add3A_117 {strides = array<i32>} : memref<1x1xf32, #tpu.memory_space<vmem>>, vector<1x1xf32>,
    %eq3A_121 = arith.constant 7 : i32
    %eq3A_122 = arith.cmpi eq, %arg0, %eq3A_121 : i32
    %convert_element_type3A_123 = arith.extui %eq3A_122 : i1 to i32
    %cond3A_124 = arith.constant 0 : i32
    %cond3A_125 = arith.cmpi ne, %convert_element_type3A_123, %cond3A_124 : i32
    scf.if %cond3A_125 {
      %get3A_126 = arith.constant 0 : index
      %get3A_127 = arith.constant 0 : index
      %get3A_128 = vector.load %arg6[%get3A_126, %get3A_127] : memref<1x1xf32, #tpu.memory_space<vmem>>, vector<1x1xf32>
      %div3A = arith.constant 0x49800000 : f32
      %div3A_129 = vector.broadcast %div3A : f32 to vector<1x1xf32>
      %div3A_130 = arith.divf %get3A_128, %div3A_129 : vector<1x1xf32>
      %mul3A_131 = arith.constant 2.500000e-01 : f32
      %mul3A_132 = vector.broadcast %mul3A_131 : f32 to vector<1x1xf32>
      %mul3A_133 = arith.mulf %mul3A_132, %div3A_130 : vector<1x1xf32>
      %add3A_134 = arith.addf %div3A_130, %mul3A_133 : vector<1x1xf32>
      %swap3A_135 = arith.constant 0 : index
      %swap3A_136 = arith.constant 0 : index
      %swap3A_137 = vector.load %arg6[%swap3A_135, %swap3A_136] : memref<1x1xf32, #tpu.memory_space<vmem>>, vector<1x1xf32>
      tpu.vector_store %arg6[%swap3A_135, %swap3A_136], %add3A_134 {strides = array<i32>} : memref<1x1xf32, #tpu.memory_space<vmem>>, vector<1x1xf32>,
    } else {
    }
    return
  }
  func.func @transform_0(%arg0: i32) -> (i32, i32) {
    %c0_i32 = arith.constant 0 : i32
    %c0_i32_0 = arith.constant 0 : i32
    return %arg0, %c0_i32 : i32, i32
  }
  func.func @transform_1(%arg0: i32) -> (i32, i32) {
    %c0_i32 = arith.constant 0 : i32
    %c0_i32_0 = arith.constant 0 : i32
    %c0_i32_1 = arith.constant 0 : i32
    return %c0_i32, %c0_i32_0 : i32, i32
  }
  func.func @transform_2(%arg0: i32) -> (i32, i32, i32) {
    %c0_i32 = arith.constant 0 : i32
    %c0_i32_0 = arith.constant 0 : i32
    %c0_i32_1 = arith.constant 0 : i32
    return %c0_i32, %c0_i32_0, %arg0 : i32, i32, i32
  }
  func.func @transform_3(%arg0: i32) -> (i32, i32, i32) {
    %c0_i32 = arith.constant 0 : i32
    %c0_i32_0 = arith.constant 0 : i32
    %c0_i32_1 = arith.constant 0 : i32
    return %c0_i32, %c0_i32_0, %arg0 : i32, i32, i32
  }
  func.func @transform_4(%arg0: i32) -> (i32, i32) {
    %c0_i32 = arith.constant 0 : i32
    %c0_i32_0 = arith.constant 0 : i32
    return %arg0, %c0_i32 : i32, i32
  }
  func.func @transform_5(%arg0: i32) -> (i32, i32) {
    %c0_i32 = arith.constant 0 : i32
    %c0_i32_0 = arith.constant 0 : i32
    %c0_i32_1 = arith.constant 0 : i32
    return %c0_i32, %c0_i32_0 : i32, i32
  }
}

</mosaic_0001>

<sc_bundles>
// kernel: kernel.5.cloned.1.call-start
scs
__scs_entry_jumppad:
0x0: {  	(pc) =	sbr.rel $0x88, $3  }
0x1: {  	(tag) =	ssettag $0x0;
	lr =	simm.s32 $0x1  }
0x2: {  	[smem:$0x3F9F] =	sst lr;
	_ =	strace $0xD0000000  }
0x3: {  	_ = 	snop  }
0x4: {  	_ = 	snop  }
0x5: {  	_ = 	snop  }
0x6: {  	_ = 	snop  }
0x7: {  	_ = 	snop  }
__scs_overlays_trampoline_lowered:
0x8: {  	[smem:$0x3FAE] =	sst s0  }
0x9: {  	[smem:$0x3FAF] =	sst s1  }
0xa: {  	[smem:$0x3FB0] =	sst s2  }
0xb: {  	[smem:$0x3FB1] =	sst s3  }
0xc: {  	[smem:$0x3FB2] =	sst s4  }
0xd: {  	[smem:$0x3FB3] =	sst s5  }
0xe: {  	[smem:$0x3FB4] =	sst s6  }
0xf: {  	[smem:$0x3FB5] =	sst s7  }
0x10: {  	[smem:$0x3FB6] =	sst s8  }
0x11: {  	[smem:$0x3FB7] =	sst s9;
	s0 =	simm.s32 @!p0 $0x0  }
0x12: {  	s1 =	sld [smem:$0x3F9D];
	s0 =	simm.s32 @p0 $0x1  }
0x13: {  	[smem:$0x3FB8] =	sst s0;
	s0 =	simm.s32 @!p1 $0x0  }
0x14: {  	s2 =	sld [smem:$0x3F9C];
	s0 =	simm.s32 @p1 $0x1  }
0x15: {  	[smem:$0x3FB9] =	sst s0;
	s0 =	simm.s32 @!p2 $0x0  }
0x16: {  	s3 =	sld [smem:$0x3FDB];
	s0 =	simm.s32 @p2 $0x1  }
0x17: {  	s4 =	simm.s32 $0x1BF5;
	[smem:$0x3FBB] =	sst s0  }
0x18: {  	s0 =	sld [smem:$0x3F9E];
	_ =	swait.ge [sflag:s4], $0x0  }
0x19: {  	s7 =	sld [smem:$0x3F9F]  }
0x1a: {  	s8 =	sadd.s32 $0xFFFFE003, lr  }
0x1b: {  	s9 =	sadd.s32 $0xFFFFFEF7, lr;
	s5 =	simm.s32 $0xFFFFFFFF;
	p2 =	slt.u32 s8, $0xFFFFF086  }
0x1c: {  	p1 =	slt.u32 s9, $0xF7A;
	s5 =	simm.s32 @!p2 $0x0  }
0x1d: {  	s5 =	simm.s32 @p1 $0x1;
	p0 =	seq.s32 s7, s2  }
0x1e: {  	s7 =	smul.u32 @!p0 $0xF7A, s2;
	p2 =	seq.s32 @!p0 s5, $0x0  }
0x1f: {  	s9 =	smul.u32 $0xF7A, s1;
	s8 =	simm.s32 @!p0 $0x1BF5;
	p2 =	por !p2, p0  }
0x20: {  	[sflag:s8] =	ssyncset.s32 @!p0 $0xFFFFF086;
	s6 =	sadd.s32 @!p0 s3, s7;
	s7 =	simm.s32 @!p0 $0x108  }
0x21: {  	s3 =	sadd.s32 s3, s9;
	s6 =	sadd.s32 @!p0 $0x88, s6;
	s7 =	simm.s32 @p2 $0x1082  }
0x22: {  	[simem:s7], [sflag:s8] =	dma.local @!p0 [hbm:s6], $0xF7A  }
0x23: {  	s9 =	sor.u32 $0xD0000000, s2;
	s6 =	simm.s32 $0x108;
	_ =	swait.ge @!p0 [sflag:s8], $0x0  }
0x24: {  	s3 =	sadd.s32 $0x88, s3;
	s6 =	simm.s32 @!p1 $0x1082;
	[sflag:s4] =	ssyncset.s32 $0xFFFFF086  }
0x25: {  	[simem:s6], [sflag:s4] =	dma.local [hbm:s3], $0xF7A  }
0x26: {  	[smem:$0x3F9F] =	sst s1;
	(tag) =	ssettag s2;
	_ =	strace s9  }
0x27: {  	s1 =	sld [smem:$0x3FAF]  }
0x28: {  	s2 =	sld [smem:$0x3FB0]  }
0x29: {  	s4 =	sld [smem:$0x3FB2]  }
0x2a: {  	p0 =	seq.s32 s5, $0x0;
	s5 =	sld [smem:$0x3FB3]  }
0x2b: {  	s6 =	sld [smem:$0x3FB4]  }
0x2c: {  	s7 =	sld [smem:$0x3FB5]  }
0x2d: {  	s3 =	simm.s32 $0x108;
	s8 =	sld [smem:$0x3FB6]  }
0x2e: {  	s3 =	simm.s32 @!p0 $0x1082;
	s9 =	sld [smem:$0x3FB7]  }
0x2f: {  	lr =	sadd.s32 s0, s3;
	s0 =	sld [smem:$0x3FAE]  }
0x30: {  	s3 =	sld [smem:$0x3FB1]  }
0x31: {  	[smem:$0x3FBA] =	sst s10  }
0x32: {  	s10 =	sld [smem:$0x3FB8];
	_ =	sdelay $0x3  }
0x33: {  	p0 =	seq.s32 s10, $0x1;
	s10 =	sld [smem:$0x3FBA];
	_ =	sdelay $0x3  }
0x34: {  	[smem:$0x3FBA] =	sst s10  }
0x35: {  	s10 =	sld [smem:$0x3FB9];
	_ =	sdelay $0x3  }
0x36: {  	p1 =	seq.s32 s10, $0x1;
	s10 =	sld [smem:$0x3FBA];
	_ =	sdelay $0x3  }
0x37: {  	[smem:$0x3FBA] =	sst s10  }
0x38: {  	s10 =	sld [smem:$0x3FBB]  }
0x39: {  	_ = 	snop;
	(pc) =	sbr.ind lr, $3  }
0x3a: {  	_ = 	snop  }
0x3b: {  	_ = 	snop  }
0x3c: {  	p2 =	seq.s32 s10, $0x1;
	s10 =	sld [smem:$0x3FBA]  }
0x3d: {  	_ =	shalt  }
0x3e: {  	_ =	shalt  }
0x3f: {  	_ =	shalt  }
0x40: {  	_ =	shalt  }
0x41: {  	_ =	shalt  }
0x42: {  	_ =	shalt  }
0x43: {  	_ =	shalt  }
0x44: {  	_ =	shalt  }
0x45: {  	_ =	shalt  }
0x46: {  	_ =	shalt  }
0x47: {  	_ =	shalt  }
0x48: {  	_ =	shalt  }
0x49: {  	_ =	shalt  }
0x4a: {  	_ =	shalt  }
0x4b: {  	_ =	shalt  }
0x4c: {  	_ =	shalt  }
0x4d: {  	_ =	shalt  }
0x4e: {  	_ =	shalt  }
0x4f: {  	_ =	shalt  }
0x50: {  	_ =	shalt  }
0x51: {  	_ =	shalt  }
0x52: {  	_ =	shalt  }
0x53: {  	_ =	shalt  }
0x54: {  	_ =	shalt  }
0x55: {  	_ =	shalt  }
0x56: {  	_ =	shalt  }
0x57: {  	_ =	shalt  }
0x58: {  	_ =	shalt  }
0x59: {  	_ =	shalt  }
0x5a: {  	_ =	shalt  }
0x5b: {  	_ =	shalt  }
0x5c: {  	_ =	shalt  }
0x5d: {  	_ =	shalt  }
0x5e: {  	_ =	shalt  }
0x5f: {  	_ =	shalt  }
0x60: {  	_ =	shalt  }
0x61: {  	_ =	shalt  }
0x62: {  	_ =	shalt  }
0x63: {  	_ =	shalt  }
0x64: {  	_ =	shalt  }
0x65: {  	_ =	shalt  }
0x66: {  	_ =	shalt  }
0x67: {  	_ =	shalt  }
0x68: {  	_ =	shalt  }
0x69: {  	_ =	shalt  }
0x6a: {  	_ =	shalt  }
0x6b: {  	_ =	shalt  }
0x6c: {  	_ =	shalt  }
0x6d: {  	_ =	shalt  }
0x6e: {  	_ =	shalt  }
0x6f: {  	_ =	shalt  }
0x70: {  	_ =	shalt  }
0x71: {  	_ =	shalt  }
0x72: {  	_ =	shalt  }
0x73: {  	_ =	shalt  }
0x74: {  	_ =	shalt  }
0x75: {  	_ =	shalt  }
0x76: {  	_ =	shalt  }
0x77: {  	_ =	shalt  }
0x78: {  	_ =	shalt  }
0x79: {  	_ =	shalt  }
0x7a: {  	_ =	shalt  }
0x7b: {  	_ =	shalt  }
0x7c: {  	_ =	shalt  }
0x7d: {  	_ =	shalt  }
0x7e: {  	_ =	shalt  }
0x7f: {  	_ =	shalt  }
0x80: {  	_ =	shalt  }
0x81: {  	_ =	shalt  }
0x82: {  	_ =	shalt  }
0x83: {  	_ =	shalt  }
0x84: {  	_ =	shalt  }
0x85: {  	_ =	shalt  }
0x86: {  	_ =	shalt  }
0x87: {  	_ =	shalt  }
.Lfunc_end0:
.L_simem_size_0:
called_computation_lowered:
.L_overlay_start_0:
0x88: {  	s2 =	sld [smem:$0x3FD9]  }
0x89: {  	s3 =	sld [smem:$0x3FFE];
	_ =	sdelay $0x1  }
0x8a: {  	s1 =	srdreg.scid  }
0x8b: {  	s0 =	sand.u32 $0x1, s1  }
0x8c: {  	s14 =	sshll.u32 s0, $0xA;
	s2 =	sadd.s32 s3, s2  }
0x8d: {  	s2 =	sadd.s32 s2, s14  }
0x8e: {  	[smem:$0x3FC6] =	sst s2  }
0x8f: {  	_ = 	snop  }
0x90: {  	s2 =	sld [smem:$0x3FD0];
	_ =	sdelay $0x2  }
0x91: {  	s15 =	simm.s32 $0xA;
	s4 =	simm.s32 $0x10  }
0x92: {  	[smem:s4], [sflag:s15] =	dma.local [hbm:s2], $0x1  }
0x93: {  	_ =	swait.eq [sflag:s15], $0x1  }
0x94: {  	s16 =	sld [smem:$0x10];
	[sflag:s15] =	ssyncset.done $0x0  }
0x95: {  	s17 =	sld [smem:$0x12];
	[sflag:s15] =	ssyncadd.s32 $0xFFFFFFFF  }
0x96: {  	s18 =	sld [smem:$0x13];
	(tm) =	ssettm $0x1  }
0x97: {  	s5 =	sld [smem:$0x3FFB];
	_ =	sdelay $0x3  }
0x98: {  	_ =	strace s5  }
0x99: {  	s5 =	sld [smem:$0x3FFC];
	_ =	sdelay $0x3  }
0x9a: {  	_ =	strace s5  }
0x9b: {  	s5 =	sld [smem:$0x3FFD];
	_ =	sdelay $0x3  }
0x9c: {  	_ =	strace s5  }
0x9d: {  	_ =	strace $0x8FFFFFFF  }
0x9e: {  	s19 =	sld [smem:$0x3FDB];
	_ =	sdelay $0x1  }
0x9f: {  	s6 =	simm.s32 $_scs_section_size  }
0xa0: {  	s7 =	simm.s32 $_size__tile_overlayer_lowered;
	s8 =	simm.s32 $_tile_overlayer_lowered  }
0xa1: {  	s22 =	simm.s32 $0x1BFF;
	s21 =	sshll.u32 s8, $0x1;
	s5 =	sadd.s32 s6, s19  }
0xa2: {  	s9 =	simm.s32 $0x0;
	s20 =	sshll.u32 s7, $0x1;
	s7 =	sadd.s32 s21, s5  }
0xa3: {  	[timem:s9], [sflag:s22] =	dma.local [hbm:s7], s20  }
0xa4: {  	_ =	swait.ge [sflag:s22], s20  }
0xa5: {  	s6 =	ssub.s32 $0x0, s20;
	[sflag:s22] =	ssyncset.done $0x0  }
0xa6: {  	[sflag:s22] =	ssyncadd.s32 s6;
	_ =	sdelay $0x1  }
0xa7: {  	s23 =	simm.s32 $0x1B8B  }
0xa8: {  	_ =	swait.ge [sflag:s23], $0x1  }
0xa9: {  	[sflag:s23] =	ssyncset.done $0x0  }
0xaa: {  	s25 =	simm.s32 $0x1B8E;
	s24 =	sld [smem:$0x3FFE];
	[sflag:s23] =	ssyncadd.s32 $0xFFFFFFFF  }
0xab: {  	s26 =	simm.s32 $execute0_lowered;
	[smem:$0x3FD2] =	sst s25  }
0xac: {  	s7 =	sshll.u32 s26, $0x1;
	_ =	strace $0x80000046;
	[dreg:$0x1] =	wrdreg $0xFFFFFFFF  }
0xad: {  	s28 =	simm.s32 $_size_execute0_lowered;
	s5 =	sadd.s32 s5, s7;
	[dreg:$0x0] =	wrdreg $0x0  }
0xae: {  	s7 =	sshll.u32 s28, $0x1;
	[dreg:$0x2] =	wrdreg s5  }
0xaf: {  	[dreg:$0x3] =	wrdreg s7  }
0xb0: {  	[dreg:$0x4] =	wrdreg $0xC0  }
0xb1: {  	_ =	task [dreg:s9], $0x5FFFF  }
0xb2: {  	[dreg:$0x1] =	wrdreg $0xFFFFFFFF  }
0xb3: {  	[dreg:$0x0] =	wrdreg $0x60  }
0xb4: {  	[dreg:$0x2] =	wrdreg s18  }
0xb5: {  	[dreg:$0x3] =	wrdreg s24  }
0xb6: {  	[dreg:$0x4] =	wrdreg s17  }
0xb7: {  	[dreg:$0x5] =	wrdreg s16  }
0xb8: {  	[dreg:$0x6] =	wrdreg $0x9  }
0xb9: {  	_ =	task.clear_ibuf [dreg:s9], $0x7FFFF;
	_ =	strace $0x90000046  }
0xba: {  	s29 =	simm.s32 $0x9;
	_ =	strace $0x80000048  }
0xbb: {  	_ =	swait.ge [sflag:s29], $0x1  }
0xbc: {  	[sflag:s29] =	ssyncadd.s32 $0xFFFFFFFF  }
0xbd: {  	_ =	strace $0x90000048  }
0xbe: {  	_ =	sfence  }
0xbf: {  	s30 =	sld [smem:$0x0];
	_ =	sdelay $0x2  }
0xc0: {  	s31 =	sshll.u32 s1, $0xD;
	s1 =	sshrl.u32 s1, $0x2  }
0xc1: {  	s3 =	sand.u32 $0x4000, s31;
	s1 =	sadd.s32 s1, s30  }
0xc2: {  	s0 =	sor.u32 s3, s0;
	s1 =	sshll.u32 s1, $0x11  }
0xc3: {  	s0 =	sor.u32 s1, s0  }
0xc4: {  	s0 =	sadd.s32 $0x8F2B, s0  }
0xc5: {  	[sflag:s0] =	ssyncadd.remote.s32 $0x1  }
0xc6: {  	_ =	sfence.sel $0xFFFF  }
0xc7: {  	[dreg:$0x0] =	wrdreg $0xFFFFFFFF;
	(pc) =	sbr.abs _section_cstart, $3  }
0xc8: {  	[dreg:$0x1] =	wrdreg $0xFFFFFFFF  }
0xc9: {  	_ =	task.clear_ibuf [dreg:s9], $0x2FFFF;
	_ =	strace $0x9FFFFFFF  }
0xca: {  	(tm) =	ssettm $0x7FFFFFFF  }
0xcb: {  	_ =	shalt  }
tec
execute0_lowered:
.L_overlay_start_1:
0x0: {  	(tag) =	ssettag $0x1  }
0x1: {  	v0 =	vimm.s32 $0x1380;
	vm14 =	vcmask $0x300  }
0x2: {  	vm13 =	vcmask $0x704;
	vm12 =	vcmask $0xB08;
	v0 =	vsel vm14, $0x0, v0  }
0x3: {  	vm11 =	vcmask $0xF0C;
	vm10 =	vcmask $0x1310;
	v0 =	vsel vm13, $0x80, v0  }
0x4: {  	vm9 =	vcmask $0x1714;
	vm8 =	vcmask $0x1B18;
	v0 =	vsel vm12, $0x100, v0  }
0x5: {  	vm7 =	vcmask $0x1F1C;
	vm6 =	vcmask $0x2320;
	v0 =	vsel vm11, $0x180, v0  }
0x6: {  	vm5 =	vcmask $0x2724;
	vm4 =	vcmask $0x2B28;
	v0 =	vsel vm10, $0x200, v0  }
0x7: {  	vm3 =	vcmask $0x2F2C;
	vm2 =	vcmask $0x3330;
	v0 =	vsel vm9, $0x280, v0  }
0x8: {  	vm1 =	vcmask $0x3734;
	vm0 =	vcmask $0x3B38;
	v0 =	vsel vm8, $0x300, v0  }
0x9: {  	v63 =	vimm.s32 $0x3380;
	v6 =	vimm.s32 $0x5380;
	v0 =	vsel vm7, $0x380, v0  }
0xa: {  	v7 =	vimm.s32 $0x7380;
	v6 =	vsel vm14, $0x4000, v6;
	v0 =	vsel vm6, $0x1000, v0  }
0xb: {  	v7 =	vsel vm14, $0x6000, v7;
	v6 =	vsel vm13, $0x4080, v6;
	v1 =	vsel vm5, $0x1080, v0  }
0xc: {  	v7 =	vsel vm13, $0x6080, v7;
	v6 =	vsel vm12, $0x4100, v6;
	v2 =	vsel vm4, $0x1100, v1  }
0xd: {  	v7 =	vsel vm12, $0x6100, v7;
	v6 =	vsel vm11, $0x4180, v6;
	v2 =	vsel vm3, $0x1180, v2  }
0xe: {  	v7 =	vsel vm11, $0x6180, v7;
	v6 =	vsel vm10, $0x4200, v6;
	v2 =	vsel vm2, $0x1200, v2  }
0xf: {  	v7 =	vsel vm10, $0x6200, v7;
	v6 =	vsel vm9, $0x4280, v6;
	v5 =	vsel vm1, $0x1280, v2  }
0x10: {  	v7 =	vsel vm9, $0x6280, v7;
	v59 =	vsel vm0, $0x1300, v5;
	v5 =	vsel vm14, $0x2000, v63  }
0x11: {  	v6 =	vsel vm8, $0x4300, v6;
	v7 =	vsel vm8, $0x6300, v7;
	v5 =	vsel vm13, $0x2080, v5  }
0x12: {  	v6 =	vsel vm7, $0x4380, v6;
	v7 =	vsel vm7, $0x6380, v7;
	v5 =	vsel vm12, $0x2100, v5  }
0x13: {  	v6 =	vsel vm6, $0x5000, v6;
	v7 =	vsel vm6, $0x7000, v7;
	v5 =	vsel vm11, $0x2180, v5  }
0x14: {  	s0 =	rddreg [dreg:$0x0];
	v0 =	vlaneseq.u32;
	v6 =	vsel vm5, $0x5080, v6;
	v5 =	vsel vm10, $0x2200, v5  }
0x15: {  	s1 =	rddreg [dreg:$0x1];
	v7 =	vsel vm5, $0x7080, v7;
	v3 =	vshrl.u32 v0, $0x3;
	v5 =	vsel vm9, $0x2280, v5  }
0x16: {  	s2 =	rddreg [dreg:$0x2];
	s3 =	srdreg.scid;
	v4 =	vand.u32 $0x7, v0;
	v7 =	vsel vm4, $0x7100, v7;
	v5 =	vsel vm8, $0x2300, v5  }
0x17: {  	s6 =	stileid.u32;
	s5 =	rddreg [dreg:$0x3];
	v6 =	vsel vm4, $0x5100, v6;
	v7 =	vsel vm3, $0x7180, v7;
	v5 =	vsel vm7, $0x2380, v5  }
0x18: {  	s8 =	simm.s32 $0x1;
	s4 =	sand.u32 $0x1, s3;
	s6 =	sshll.u32 s6, $0x1;
	v7 =	vsel vm2, $0x7200, v7;
	v2 =	vmul.u32 $0x1000, v3;
	v5 =	vsel vm6, $0x3000, v5  }
0x19: {  	s9 =	simm.s32 $0x2;
	s3 =	simm.s32 $0x0;
	s6 =	sor.u32 s4, s6;
	v58 =	vmul.u32 $0x80, v4;
	v7 =	vsel vm1, $0x7280, v7;
	v5 =	vsel vm5, $0x3080, v5  }
0x1a: {  	[smem:$0x7FF] =	sst s3;
	s4 =	ssub.s32 $0x2, s4;
	s7 =	sshll.u32 s6, $0xF;
	v6 =	vsel vm3, $0x5180, v6;
	[tilespmem:$0x1FFA0] =	vst v2;
	v2 =	vsel vm0, $0x7300, v7;
	v5 =	vsel vm4, $0x3100, v5  }
0x1b: {  	s29 =	sshrl.u32 s4, $0x1;
	s30 =	sshll.u32 s6, $0x9;
	v6 =	vsel vm2, $0x5200, v6;
	_ =	strace $0x80000047;
	[tilespmem:$0x1FFB0] =	vst v2;
	v5 =	vsel vm3, $0x3180, v5  }
0x1c: {  	s1 =	sadd.s32 s7, s1;
	s7 =	ssub.s32 s4, s29;
	s2 =	sadd.s32 s2, s30;
	v6 =	vsel vm1, $0x5280, v6;
	[tilespmem:$0x1FFC0] =	vst v58;
	v5 =	vsel vm2, $0x3200, v5  }
0x1d: {  	s4 =	sadd.s32 $0x1C00, s1;
	s1 =	sadd.s32 s5, s30;
	v61 =	vsel vm0, $0x5300, v6;
	[dreg:$0x5] =	wrdreg s2;
	[tilespmem:$0x1FFD0] =	vst v59;
	v5 =	vsel vm1, $0x3280, v5  }
0x1e: {  	s10 =	simm.s32 $0xF000;
	s31 =	smax.u32 s7, $0x1;
	[dreg:$0x6] =	wrdreg s1;
	[tilespmem:$0x1FFF0] =	vst v61;
	v60 =	vsel vm0, $0x3300, v5  }
0x1f: {  	s11 =	simm.s32 $0x4000;
	s13 =	simm.s32 $0x0;
	v1 =	vor.u32 $0x80000000, v0;
	[dreg:$0x7] =	wrdreg s31;
	[tilespmem:$0x1FFE0] =	vst v60  }
.LBB2_1:
0x20: {  	[tilespmem:s3], [sflag:$0x1] =	stream.linear.gather [hbm4b:s4+s3], $0x2000, $0x38;
	[tilespmem:$0x10000] =	vst v63  }
0x21: {  	p0 =	por $0x0, $0x0;
	s16 =	simm.s32 $0x0  }
.LBB2_2:
0x22: {  	s1 =	simm.s32 $0x1;
	s17 =	sand.u32 $0x1, s16;
	_ =	swait.ge [sflag:s8], $0x2000  }
0x23: {  	s14 =	sadd.s32 $0x1, s16;
	p1 =	seq.s32 s16, $0x1F;
	s23 =	simm.s32 $0x0  }
0x24: {  	s1 =	simm.s32 @!p0 $0x0;
	[sflag:s8] =	ssyncset.done $0x0;
	s2 =	sshll.u32 @!p1 s17, $0xD  }
0x25: {  	s5 =	sshll.u32 @!p1 s14, $0xA;
	s6 =	simm.s32 @!p1 $0x0;
	s1 =	sshll.u32 s1, $0xF  }
0x26: {  	[sflag:s8] =	ssyncadd.s32 $0xFFFFE000;
	s2 =	sxor.u32 @!p1 $0x2000, s2;
	s5 =	sadd.s32 @!p1 s5, s4  }
0x27: {  	[tilespmem:s2], [sflag:$0x1] =	stream.linear.gather @!p1 [hbm4b:s5+s6], $0x2000, $0x38;
	[tilespmem:$0x10000] =	vst v63  }
0x28: {  	s18 =	simm.s32 $0x0;
	s21 =	simm.s32 $0x0;
	s15 =	sshrl.u32 s1, $0x2  }
0x29: {  	v8 =	vimm.s32 $0x0;
	s22 =	simm.s32 $0x0;
	v10 =	vimm.s32 $0x0;
	s19 =	sadd.s32 $0x40, s15;
	s20 =	sadd.s32 $0xF0, s15  }
.LBB2_3:
0x2a: {  	s1 =	sshll.u32 s22, $0x2;
	s2 =	sand.u32 $0x3, s21  }
0x2b: {  	s1 =	sand.u32 $0xFFFFC000, s1;
	s2 =	sshll.u32 s2, $0xA  }
0x2c: {  	s2 =	sor.u32 s2, s1  }
0x2d: {  	s2 =	sshrl.u32 s2, $0x2  }
0x2e: {  	s2 =	sadd.s32 s2, s19  }
0x2f: {  	v9 =	vld [tilespmem:s2+$0xFFFFFFC0];
	_ =	sdelay $0x1  }
0x30: {  	v11 =	vld [tilespmem:s2+$0xFFFFFFD0];
	_ =	sdelay $0x1  }
0x31: {  	v12 =	vld [tilespmem:s2+$0xFFFFFFE0]  }
0x32: {  	v13 =	vimm.f32 $-1.000000000e+00;
	v9 =	vand.u32 $0x7FFFFFFF, v9  }
0x33: {  	v14 =	vld [tilespmem:s2+$0xFFFFFFF0];
	vm0 =	vgt.f32 v9, v13  }
0x34: {  	v11 =	vand.u32 $0x7FFFFFFF, v11;
	v9 =	vsel vm0, v9, v13  }
0x35: {  	vm1 =	vgt.f32 v11, v9  }
0x36: {  	v13 =	vld [tilespmem:s2+$0x0];
	v9 =	vsel vm1, v11, v9;
	v11 =	vand.u32 $0x7FFFFFFF, v12  }
0x37: {  	vm2 =	vgt.f32 v11, v9  }
0x38: {  	s26 =	simm.s32 $0x0;
	v15 =	vld [tilespmem:s2+$0x10];
	v9 =	vsel vm2, v11, v9;
	v11 =	vand.u32 $0x7FFFFFFF, v14  }
0x39: {  	s5 =	sand.u32 $0x7, s18;
	s28 =	simm.s32 $0x1;
	s29 =	sshll.u32 s23, $0x9;
	v12 =	vsel vm0, s26, v8;
	vm0 =	vgt.f32 v11, v9  }
0x3a: {  	s6 =	sshll.u32 s23, $0x7;
	s25 =	simm.s32 $0x2;
	s30 =	simm.s32 $0x3;
	v12 =	vsel vm1, s28, v12;
	v9 =	vsel vm0, v11, v9;
	v11 =	vld [tilespmem:s2+$0x20]  }
0x3b: {  	s31 =	simm.s32 $0x4;
	s5 =	sshll.u32 s5, $0x9;
	s12 =	sand.u32 $0x1000, s29;
	v12 =	vsel vm2, s25, v12;
	v13 =	vand.u32 $0x7FFFFFFF, v13  }
0x3c: {  	s24 =	sand.u32 $0x300, s6;
	s6 =	simm.s32 $0x17;
	s1 =	sor.u32 s5, s1;
	v16 =	vsel vm0, s30, v12;
	v12 =	vld [tilespmem:s2+$0x30];
	vm1 =	vgt.f32 v13, v9  }
0x3d: {  	s5 =	simm.s32 $0x7;
	s1 =	sshrl.u32 s1, $0x2;
	v15 =	vand.u32 $0x7FFFFFFF, v15;
	s25 =	sadd.s32 $0x400, s2;
	v14 =	vsel vm1, v13, v9  }
0x3e: {  	s1 =	sadd.s32 s1, s20;
	s26 =	simm.s32 $0x5;
	s2 =	simm.s32 $0xF;
	v9 =	vsel vm1, s31, v16;
	v13 =	vld [tilespmem:s25+$0xFFFFFFC0];
	vm0 =	vgt.f32 v15, v14  }
.LBB2_4:
0x3f: {  	p1 =	sne.s32 s6, $0x1F;
	v14 =	vsel vm0, v15, v14;
	v9 =	vsel vm0, s26, v9;
	v11 =	vand.u32 $0x7FFFFFFF, v11  }
0x40: {  	s26 =	sadd.s32 $0xFFFFFFFF, s5;
	v15 =	vld [tilespmem:s25+$0xFFFFFFD0];
	vm0 =	vgt.f32 v11, v14  }
0x41: {  	v11 =	vsel vm0, v11, v14;
	v9 =	vsel vm0, s26, v9;
	v12 =	vand.u32 $0x7FFFFFFF, v12  }
0x42: {  	v14 =	vld [tilespmem:s25+$0xFFFFFFE0];
	vm0 =	vgt.f32 v12, v11  }
0x43: {  	v13 =	vand.u32 $0x7FFFFFFF, v13;
	v11 =	vsel vm0, v12, v11;
	v9 =	vsel vm0, s5, v9;
	s5 =	smov.u32 s2;
	s2 =	smov.u32 s6  }
0x44: {  	s26 =	sadd.s32 $0xFFFFFFF9, s5;
	vm0 =	vgt.f32 v13, v11;
	v12 =	vld [tilespmem:s25+$0xFFFFFFF0]  }
0x45: {  	v11 =	vsel vm0, v13, v11;
	v9 =	vsel vm0, s26, v9;
	v13 =	vand.u32 $0x7FFFFFFF, v15  }
0x46: {  	s26 =	sadd.s32 $0xFFFFFFFA, s5;
	vm0 =	vgt.f32 v13, v11;
	v15 =	vld [tilespmem:s25+$0x0]  }
0x47: {  	v11 =	vsel vm0, v13, v11;
	v9 =	vsel vm0, s26, v9;
	v13 =	vand.u32 $0x7FFFFFFF, v14  }
0x48: {  	s26 =	sadd.s32 $0xFFFFFFFB, s5;
	vm0 =	vgt.f32 v13, v11;
	v16 =	vld [tilespmem:s25+$0x10]  }
0x49: {  	v13 =	vsel vm0, v13, v11;
	v9 =	vsel vm0, s26, v9;
	v12 =	vand.u32 $0x7FFFFFFF, v12  }
.Ltmp0:
0x4a: {  	s26 =	sadd.s32 $0xFFFFFFFC, s5;
	vm0 =	vgt.f32 v12, v13;
	v11 =	vld [tilespmem:s25+$0x20];
	(pc) =	sbr.rel @p1 .LBB2_4-.Ltmp0, $4  }
0x4b: {  	v13 =	vsel vm0, v12, v13;
	v9 =	vsel vm0, s26, v9;
	v14 =	vand.u32 $0x7FFFFFFF, v15  }
0x4c: {  	s26 =	sadd.s32 $0xFFFFFFFD, s5;
	vm0 =	vgt.f32 v14, v13;
	v12 =	vld [tilespmem:s25+$0x30]  }
0x4d: {  	s25 =	sadd.s32 $0x400, s25;
	v14 =	vsel vm0, v14, v13;
	v9 =	vsel vm0, s26, v9;
	v15 =	vand.u32 $0x7FFFFFFF, v16  }
0x4e: {  	s6 =	sadd.s32 $0x8, s6;
	s26 =	sadd.s32 $0xFFFFFFFE, s5;
	v13 =	vld [tilespmem:s25+$0xFFFFFFC0];
	vm0 =	vgt.f32 v15, v14  }
0x4f: {  	v14 =	vsel vm0, v15, v14;
	v11 =	vand.u32 $0x7FFFFFFF, v11  }
0x50: {  	v15 =	vld [tilespmem:s25+$0xFFFFFFD0];
	vm1 =	vgt.f32 v11, v14  }
0x51: {  	v11 =	vsel vm1, v11, v14;
	v12 =	vand.u32 $0x7FFFFFFF, v12  }
0x52: {  	v14 =	vld [tilespmem:s25+$0xFFFFFFE0];
	vm2 =	vgt.f32 v12, v11  }
0x53: {  	v13 =	vand.u32 $0x7FFFFFFF, v13;
	v11 =	vsel vm2, v12, v11  }
0x54: {  	v12 =	vld [tilespmem:s25+$0xFFFFFFF0];
	vm3 =	vgt.f32 v13, v11  }
0x55: {  	v11 =	vsel vm3, v13, v11;
	v13 =	vand.u32 $0x7FFFFFFF, v15  }
0x56: {  	v15 =	vld [tilespmem:s25+$0x0];
	vm4 =	vgt.f32 v13, v11  }
0x57: {  	v11 =	vsel vm4, v13, v11;
	v13 =	vand.u32 $0x7FFFFFFF, v14  }
0x58: {  	v14 =	vld [tilespmem:s25+$0x10];
	vm5 =	vgt.f32 v13, v11  }
0x59: {  	v12 =	vand.u32 $0x7FFFFFFF, v12;
	v11 =	vsel vm5, v13, v11  }
0x5a: {  	v13 =	vld [tilespmem:s25+$0x20];
	vm6 =	vgt.f32 v12, v11  }
0x5b: {  	v11 =	vsel vm6, v12, v11;
	v12 =	vand.u32 $0x7FFFFFFF, v15  }
0x5c: {  	v15 =	vld [tilespmem:s25+$0x30];
	vm7 =	vgt.f32 v12, v11  }
0x5d: {  	v11 =	vsel vm7, v12, v11;
	v12 =	vand.u32 $0x7FFFFFFF, v14  }
0x5e: {  	vm8 =	vgt.f32 v12, v11  }
0x5f: {  	v11 =	vsel vm8, v12, v11;
	v12 =	vand.u32 $0x7FFFFFFF, v13  }
0x60: {  	vm9 =	vgt.f32 v12, v11  }
0x61: {  	v9 =	vsel vm0, s26, v9;
	s6 =	sadd.s32 $0xFFFFFFFF, s5;
	v11 =	vsel vm9, v12, v11;
	v12 =	vand.u32 $0x7FFFFFFF, v15  }
0x62: {  	v9 =	vsel vm1, s6, v9;
	vm0 =	vgt.f32 v12, v11  }
0x63: {  	s30 =	sadd.s32 $0xFFFFFFF9, s2;
	v9 =	vsel vm2, s5, v9;
	v11 =	vsel vm0, v12, v11  }
0x64: {  	s31 =	sadd.s32 $0xFFFFFFFA, s2;
	v9 =	vsel vm3, s30, v9;
	(xrf0) =	vmax.scan.msk.f32 $0xffff, v11  }
0x65: {  	s6 =	sadd.s32 $0xFFFFFFFB, s2;
	v9 =	vsel vm4, s31, v9  }
0x66: {  	s7 =	sadd.s32 $0xFFFFFFFC, s2;
	v9 =	vsel vm5, s6, v9  }
0x67: {  	v9 =	vsel vm6, s7, v9;
	s25 =	sadd.s32 $0xFFFFFFFD, s2  }
0x68: {  	s26 =	sadd.s32 $0xFFFFFFFE, s2;
	v9 =	vsel vm7, s25, v9  }
0x69: {  	s29 =	sadd.s32 $0xFFFFFFFF, s2;
	v9 =	vsel vm8, s26, v9  }
0x6a: {  	v9 =	vsel vm9, s29, v9;
	v12, _, _ =	vpop (xrf0)  }
0x6b: {  	v9 =	vsel vm0, s2, v9;
	v12 =	vbroadcast v12, $0xF  }
0x6c: {  	v9 =	vshll.u32 v9, $0x4  }
0x6d: {  	v9 =	vxor.u32 v1, v9;
	vm0 =	veq.f32 v11, v12  }
0x6e: {  	v9 =	vnsel vm0, $0x80000200, v9  }
0x6f: {  	(xrf0) =	vmin.scan.msk.u32 $0xffff, v9;
	_ =	sdelay $0x5  }
0x70: {  	v9, _, _ =	vpop (xrf0)  }
0x71: {  	(v2sf) =	vpush v9, $0xF;
	_ =	sdelay $0xe  }
0x72: {  	s2 =	spop (v2sf)  }
0x73: {  	s30 =	sshll.u32 s2, $0x9;
	s31 =	sshll.u32 s2, $0x7  }
0x74: {  	s5 =	sand.u32 $0xFFFFF000, s30;
	s6 =	sand.u32 $0x380, s31  }
0x75: {  	s5 =	sor.u32 s6, s5  }
0x76: {  	s12 =	sor.u32 $0x4000, s12;
	s5 =	sshrl.u32 s5, $0x3  }
0x77: {  	s7 =	sadd.s32 s24, s12;
	s5 =	sadd.s32 s0, s5  }
0x78: {  	[tilespmem:s7], [sflag:$0x2] =	stream.linear.gather [hbm4b:s5+s3], $0x80, $0x38;
	[tilespmem:$0x10000] =	vst v63  }
0x79: {  	s29 =	sadd.s32 $0x400, s7;
	s26 =	sadd.s32 $0x80, s5  }
0x7a: {  	[tilespmem:s29], [sflag:$0x2] =	stream.linear.gather [hbm4b:s26+s3], $0x80, $0x38;
	[tilespmem:$0x10000] =	vst v63  }
0x7b: {  	s31 =	sadd.s32 $0x800, s7;
	s30 =	sadd.s32 $0x100, s5  }
0x7c: {  	[tilespmem:s31], [sflag:$0x2] =	stream.linear.gather [hbm4b:s30+s3], $0x80, $0x38;
	[tilespmem:$0x10000] =	vst v63  }
0x7d: {  	s6 =	sadd.s32 $0xC00, s7;
	s5 =	sadd.s32 $0x180, s5  }
0x7e: {  	[tilespmem:s6], [sflag:$0x2] =	stream.linear.gather [hbm4b:s5+s3], $0x80, $0x38;
	[tilespmem:$0x10000] =	vst v63  }
0x7f: {  	v9 =	vld [tilespmem:s1+$0xFFFFFF90];
	_ =	sdelay $0x1  }
0x80: {  	v11 =	vld [tilespmem:s1+$0xFFFFFFA0];
	_ =	sdelay $0x1  }
0x81: {  	v12 =	vld [tilespmem:s1+$0xFFFFFFB0]  }
0x82: {  	v13 =	vimm.f32 $-1.000000000e+00;
	v9 =	vand.u32 $0x7FFFFFFF, v9  }
0x83: {  	vm0 =	vgt.f32 v9, v13  }
0x84: {  	v14 =	vld [tilespmem:s1+$0xFFFFFFC0];
	v11 =	vand.u32 $0x7FFFFFFF, v11;
	v9 =	vsel vm0, v9, v13  }
0x85: {  	vm1 =	vgt.f32 v11, v9  }
0x86: {  	v9 =	vsel vm1, v11, v9;
	v11 =	vand.u32 $0x7FFFFFFF, v12  }
0x87: {  	v13 =	vld [tilespmem:s1+$0xFFFFFFD0];
	vm2 =	vgt.f32 v11, v9  }
0x88: {  	s7 =	simm.s32 $0x0;
	v9 =	vsel vm2, v11, v9;
	v11 =	vimm.s32 $0x0  }
0x89: {  	s25 =	simm.s32 $0x1;
	v15 =	vld [tilespmem:s1+$0xFFFFFFE0];
	v12 =	vand.u32 $0x7FFFFFFF, v14;
	v11 =	vsel vm0, s7, v11  }
0x8a: {  	s29 =	simm.s32 $0x2;
	vm0 =	vgt.f32 v12, v9;
	v11 =	vsel vm1, s25, v11  }
0x8b: {  	v9 =	vsel vm0, v12, v9;
	v12 =	vsel vm2, s29, v11;
	v11 =	vld [tilespmem:s1+$0xFFFFFFF0]  }
0x8c: {  	s24 =	sor.u32 $0x1, s23;
	s30 =	simm.s32 $0x3;
	v13 =	vand.u32 $0x7FFFFFFF, v13  }
0x8d: {  	s28 =	simm.s32 $0x5;
	s26 =	sshll.u32 s24, $0x7;
	vm1 =	vgt.f32 v13, v9;
	v16 =	vsel vm0, s30, v12;
	v12 =	vld [tilespmem:s1+$0x0]  }
0x8e: {  	s31 =	simm.s32 $0x4;
	v15 =	vand.u32 $0x7FFFFFFF, v15;
	s25 =	sand.u32 $0x380, s26;
	s26 =	sadd.s32 $0x400, s1;
	v14 =	vsel vm1, v13, v9  }
0x8f: {  	s5 =	simm.s32 $0x7;
	s6 =	simm.s32 $0x17;
	s1 =	simm.s32 $0xF;
	v13 =	vld [tilespmem:s26+$0xFFFFFF90];
	v9 =	vsel vm1, s31, v16;
	vm0 =	vgt.f32 v15, v14  }
.LBB2_6:
0x90: {  	p1 =	sne.s32 s6, $0x1F;
	v14 =	vsel vm0, v15, v14;
	v9 =	vsel vm0, s28, v9;
	v11 =	vand.u32 $0x7FFFFFFF, v11  }
0x91: {  	s28 =	sadd.s32 $0xFFFFFFFF, s5;
	v15 =	vld [tilespmem:s26+$0xFFFFFFA0];
	vm0 =	vgt.f32 v11, v14  }
0x92: {  	v11 =	vsel vm0, v11, v14;
	v9 =	vsel vm0, s28, v9;
	v12 =	vand.u32 $0x7FFFFFFF, v12  }
0x93: {  	v14 =	vld [tilespmem:s26+$0xFFFFFFB0];
	vm0 =	vgt.f32 v12, v11  }
0x94: {  	v13 =	vand.u32 $0x7FFFFFFF, v13;
	v11 =	vsel vm0, v12, v11;
	v9 =	vsel vm0, s5, v9;
	s5 =	smov.u32 s1;
	s1 =	smov.u32 s6  }
0x95: {  	s28 =	sadd.s32 $0xFFFFFFF9, s5;
	vm0 =	vgt.f32 v13, v11;
	v12 =	vld [tilespmem:s26+$0xFFFFFFC0]  }
0x96: {  	v11 =	vsel vm0, v13, v11;
	v9 =	vsel vm0, s28, v9;
	v13 =	vand.u32 $0x7FFFFFFF, v15  }
0x97: {  	s28 =	sadd.s32 $0xFFFFFFFA, s5;
	vm0 =	vgt.f32 v13, v11;
	v15 =	vld [tilespmem:s26+$0xFFFFFFD0]  }
0x98: {  	v11 =	vsel vm0, v13, v11;
	v9 =	vsel vm0, s28, v9;
	v13 =	vand.u32 $0x7FFFFFFF, v14  }
0x99: {  	s28 =	sadd.s32 $0xFFFFFFFB, s5;
	vm0 =	vgt.f32 v13, v11;
	v16 =	vld [tilespmem:s26+$0xFFFFFFE0]  }
0x9a: {  	v13 =	vsel vm0, v13, v11;
	v9 =	vsel vm0, s28, v9;
	v12 =	vand.u32 $0x7FFFFFFF, v12  }
.Ltmp1:
0x9b: {  	s28 =	sadd.s32 $0xFFFFFFFC, s5;
	vm0 =	vgt.f32 v12, v13;
	v11 =	vld [tilespmem:s26+$0xFFFFFFF0];
	(pc) =	sbr.rel @p1 .LBB2_6-.Ltmp1, $4  }
0x9c: {  	v13 =	vsel vm0, v12, v13;
	v9 =	vsel vm0, s28, v9;
	v14 =	vand.u32 $0x7FFFFFFF, v15  }
0x9d: {  	s28 =	sadd.s32 $0xFFFFFFFD, s5;
	vm0 =	vgt.f32 v14, v13;
	v12 =	vld [tilespmem:s26+$0x0]  }
0x9e: {  	s26 =	sadd.s32 $0x400, s26;
	v14 =	vsel vm0, v14, v13;
	v9 =	vsel vm0, s28, v9;
	v15 =	vand.u32 $0x7FFFFFFF, v16  }
0x9f: {  	s6 =	sadd.s32 $0x8, s6;
	s28 =	sadd.s32 $0xFFFFFFFE, s5;
	v13 =	vld [tilespmem:s26+$0xFFFFFF90];
	vm0 =	vgt.f32 v15, v14  }
0xa0: {  	v14 =	vsel vm0, v15, v14;
	v11 =	vand.u32 $0x7FFFFFFF, v11  }
0xa1: {  	v46 =	vld [tilespmem:s26+$0xFFFFFFA0];
	vm1 =	vgt.f32 v11, v14  }
0xa2: {  	v11 =	vsel vm1, v11, v14;
	v12 =	vand.u32 $0x7FFFFFFF, v12  }
0xa3: {  	v47 =	vld [tilespmem:s26+$0xFFFFFFB0];
	vm2 =	vgt.f32 v12, v11  }
0xa4: {  	v13 =	vand.u32 $0x7FFFFFFF, v13;
	v11 =	vsel vm2, v12, v11  }
0xa5: {  	v48 =	vld [tilespmem:s26+$0xFFFFFFC0];
	vm3 =	vgt.f32 v13, v11  }
0xa6: {  	v49 =	vand.u32 $0x7FFFFFFF, v46;
	v11 =	vsel vm3, v13, v11  }
0xa7: {  	v50 =	vld [tilespmem:s26+$0xFFFFFFD0];
	vm4 =	vgt.f32 v49, v11  }
0xa8: {  	v51 =	vand.u32 $0x7FFFFFFF, v47;
	v11 =	vsel vm4, v49, v11  }
0xa9: {  	v52 =	vld [tilespmem:s26+$0xFFFFFFE0];
	vm5 =	vgt.f32 v51, v11  }
0xaa: {  	v12 =	vand.u32 $0x7FFFFFFF, v48;
	v11 =	vsel vm5, v51, v11  }
0xab: {  	v53 =	vld [tilespmem:s26+$0xFFFFFFF0];
	vm6 =	vgt.f32 v12, v11  }
0xac: {  	v54 =	vand.u32 $0x7FFFFFFF, v50;
	v11 =	vsel vm6, v12, v11  }
0xad: {  	v55 =	vld [tilespmem:s26+$0x0];
	vm7 =	vgt.f32 v54, v11  }
0xae: {  	v56 =	vand.u32 $0x7FFFFFFF, v52;
	v11 =	vsel vm7, v54, v11  }
0xaf: {  	vm8 =	vgt.f32 v56, v11  }
0xb0: {  	v57 =	vand.u32 $0x7FFFFFFF, v53;
	v11 =	vsel vm8, v56, v11  }
0xb1: {  	vm9 =	vgt.f32 v57, v11  }
0xb2: {  	v9 =	vsel vm0, s28, v9;
	s6 =	sadd.s32 $0xFFFFFFFF, s5;
	v62 =	vand.u32 $0x7FFFFFFF, v55;
	v11 =	vsel vm9, v57, v11  }
0xb3: {  	v9 =	vsel vm1, s6, v9;
	vm12 =	vgt.f32 v62, v11  }
0xb4: {  	s31 =	sadd.s32 $0xFFFFFFF9, s1;
	v9 =	vsel vm2, s5, v9;
	v11 =	vsel vm12, v62, v11  }
0xb5: {  	s6 =	sadd.s32 $0xFFFFFFFA, s1;
	v9 =	vsel vm3, s31, v9;
	(xrf0) =	vmax.scan.msk.f32 $0xffff, v11  }
0xb6: {  	s7 =	sadd.s32 $0xFFFFFFFB, s1;
	v9 =	vsel vm4, s6, v9  }
0xb7: {  	s26 =	sadd.s32 $0xFFFFFFFC, s1;
	v9 =	vsel vm5, s7, v9  }
0xb8: {  	s28 =	sadd.s32 $0xFFFFFFFD, s1;
	v9 =	vsel vm6, s26, v9  }
0xb9: {  	s29 =	sadd.s32 $0xFFFFFFFE, s1;
	v9 =	vsel vm7, s28, v9  }
0xba: {  	s30 =	sadd.s32 $0xFFFFFFFF, s1;
	v9 =	vsel vm8, s29, v9  }
0xbb: {  	v9 =	vsel vm9, s30, v9;
	v63, _, _ =	vpop (xrf0)  }
0xbc: {  	v9 =	vsel vm12, s1, v9;
	v12 =	vbroadcast v63, $0xF  }
0xbd: {  	v9 =	vshll.u32 v9, $0x4  }
0xbe: {  	v9 =	vxor.u32 v1, v9;
	vm13 =	veq.f32 v11, v12  }
0xbf: {  	v9 =	vnsel vm13, $0x80000200, v9  }
0xc0: {  	(xrf0) =	vmin.scan.msk.u32 $0xffff, v9;
	_ =	sdelay $0x5  }
0xc1: {  	v9, _, _ =	vpop (xrf0)  }
0xc2: {  	(v2sf) =	vpush v9, $0xF;
	_ =	sdelay $0xe  }
0xc3: {  	s31 =	spop (v2sf)  }
0xc4: {  	s6 =	sshll.u32 s31, $0x9;
	s7 =	sshll.u32 s31, $0x7  }
0xc5: {  	s5 =	sand.u32 $0xFFFFF000, s6;
	s6 =	sand.u32 $0x380, s7  }
0xc6: {  	s5 =	sor.u32 s6, s5  }
0xc7: {  	s2 =	sxor.u32 $0x80000000, s2;
	p1 =	slt.u32 s23, $0xE;
	s5 =	sshrl.u32 s5, $0x3  }
0xc8: {  	s22 =	sadd.s32 $0x400, s22;
	s26 =	sadd.s32 s25, s12;
	s5 =	sadd.s32 s0, s5  }
0xc9: {  	[tilespmem:s26], [sflag:$0x2] =	stream.linear.gather [hbm4b:s5+s3], $0x80, $0x38;
	[tilespmem:$0x10000] =	vst v63  }
0xca: {  	s21 =	sadd.s32 $0x1, s21;
	s25 =	sadd.s32 $0x400, s26;
	s28 =	sadd.s32 $0x80, s5  }
0xcb: {  	[tilespmem:s25], [sflag:$0x2] =	stream.linear.gather [hbm4b:s28+s3], $0x80, $0x38;
	[tilespmem:$0x10000] =	vst v63  }
.Ltmp2:
0xcc: {  	s18 =	sadd.s32 $0x2, s18;
	s30 =	sadd.s32 $0x800, s26;
	(pc) =	sbr.rel @p1 .LBB2_3-.Ltmp2, $4  }
0xcd: {  	v9 =	vmov s23;
	s1 =	sxor.u32 $0x80000000, s31;
	s31 =	sadd.s32 $0x2, s23;
	s29 =	sadd.s32 $0x100, s5  }
0xce: {  	vm14 =	veq.s32 v9, v0;
	v9 =	vmov s24;
	[tilespmem:s30], [sflag:$0x2] =	stream.linear.gather [hbm4b:s29+s3], $0x80, $0x38;
	[tilespmem:$0x10000] =	vst v63  }
0xcf: {  	v10 =	vsel vm14, s2, v10;
	vm15 =	veq.s32 v9, v0;
	s23 =	smov.u32 s31;
	s6 =	sadd.s32 $0xC00, s26;
	s5 =	sadd.s32 $0x180, s5  }
0xd0: {  	v10 =	vsel vm15, s1, v10;
	[tilespmem:s6], [sflag:$0x2] =	stream.linear.gather [hbm4b:s5+s3], $0x80, $0x38;
	[tilespmem:$0x10000] =	vst v63  }
0xd1: {  	v2 =	vld [tilespmem:$0x1FFA0];
	_ =	sdelay $0x3  }
0xd2: {  	s1 =	sshll.u32 s17, $0xD;
	v8 =	vshll.u32 v10, $0x3  }
0xd3: {  	v8 =	vand.u32 $0xFFFFFC00, v8;
	v3 =	vor.u32 s1, v2  }
0xd4: {  	v11 =	vand.u32 $0x7F, v10;
	v8 =	vadd.s32 v3, v8  }
0xd5: {  	v8 =	vor.u32 v11, v8  }
0xd6: {  	v8 =	vor.u32 v58, v8;
	_ =	sdelay $0x3  }
0xd7: {  	s18 =	simm.s32 $0x0  }
0xd8: {  	v2 =	vld.idx.msk [tilespmem:v8+s18+$0x0], $0xffff  }
0xd9: {  	s17 =	sshll.u32 s16, $0x4;
	s31 =	sshll.u32 s16, $0x7  }
0xda: {  	s2 =	sand.u32 $0x70, s17;
	s21 =	sand.u32 $0xC00, s31  }
0xdb: {  	s16 =	sor.u32 s2, s21  }
0xdc: {  	[tilespmem:s16+$0xE000] =	vst v10  }
0xdd: {  	[tilespmem:s16+$0xF000] =	vst v2  }
0xde: {  	_ =	swait.ge [sflag:s9], $0x2000  }
0xdf: {  	s22 =	simm.s32 $0x0;
	[sflag:s9] =	ssyncset.done $0x0  }
0xe0: {  	s23 =	simm.s32 $0x0;
	s24 =	simm.s32 $0x0;
	v11 =	vimm.s32 $0x0;
	v10 =	vimm.s32 $0x0;
	[sflag:s9] =	ssyncadd.s32 $0xFFFFE000  }
.LBB2_9:
0xe1: {  	s1 =	sor.u32 s17, s18  }
0xe2: {  	v12 =	vmov s1  }
0xe3: {  	s26 =	sshll.u32 s24, $0x2;
	s2 =	sand.u32 $0x3, s23;
	v13 =	vshll.u32 v12, $0x3  }
0xe4: {  	s1 =	sand.u32 $0xFFFFC000, s26;
	s2 =	sshll.u32 s2, $0xA;
	v12 =	vand.u32 $0x7E, v12;
	v13 =	vand.u32 $0xC00, v13  }
0xe5: {  	s2 =	sor.u32 s2, s1;
	v12 =	vor.u32 v12, v13  }
0xe6: {  	s2 =	sshrl.u32 s2, $0x2  }
0xe7: {  	s5 =	sadd.s32 $0x4040, s2  }
0xe8: {  	s6 =	sadd.s32 s2, s19;
	v13 =	vld [tilespmem:s5+$0xFFFFFFC0]  }
0xe9: {  	v14 =	vld [tilespmem:s6+$0xFFFFFFC0]  }
0xea: {  	v12 =	vld.idx.msk [tilespmem:v12+s10+$0x0], $0xffff  }
0xeb: {  	v15 =	vld [tilespmem:s5+$0xFFFFFFD0]  }
0xec: {  	v16 =	vld [tilespmem:s6+$0xFFFFFFD0]  }
0xed: {  	v17 =	vld [tilespmem:s5+$0xFFFFFFE0]  }
0xee: {  	v18 =	vld [tilespmem:s6+$0xFFFFFFE0]  }
0xef: {  	v23 =	vld [tilespmem:s5+$0x10];
	v13 =	vmul.f32 v13, v12  }
0xf0: {  	v19 =	vld [tilespmem:s5+$0xFFFFFFF0]  }
0xf1: {  	v13 =	vsub.f32 v14, v13;
	v14 =	vmul.f32 v15, v12;
	v15 =	vld [tilespmem:s5+$0x0]  }
0xf2: {  	v20 =	vld [tilespmem:s6+$0xFFFFFFF0];
	v17 =	vmul.f32 v17, v12  }
0xf3: {  	v22 =	vimm.f32 $-1.000000000e+00;
	v21 =	vld [tilespmem:s6+$0x0];
	v14 =	vsub.f32 v16, v14;
	v13 =	vand.u32 $0x7FFFFFFF, v13  }
0xf4: {  	s31 =	sand.u32 $0x7, s22;
	v24 =	vld [tilespmem:s6+$0x10];
	v23 =	vmul.f32 v23, v12;
	v16 =	vsub.f32 v18, v17;
	vm0 =	vgt.f32 v13, v22  }
0xf5: {  	s12 =	simm.s32 $0x0;
	s7 =	sshll.u32 s18, $0x9;
	s2 =	sshll.u32 s31, $0x9;
	v25 =	vld [tilespmem:s5+$0x20];
	v17 =	vmul.f32 v19, v12;
	v13 =	vsel vm0, v13, v22;
	v19 =	vand.u32 $0x7FFFFFFF, v14  }
0xf6: {  	s25 =	simm.s32 $0x1;
	s28 =	simm.s32 $0x2;
	s1 =	sor.u32 s2, s1;
	v18 =	vsel vm0, s12, v11;
	v14 =	vld [tilespmem:s6+$0x20];
	vm0 =	vgt.f32 v19, v13;
	v15 =	vmul.f32 v15, v12  }
0xf7: {  	s31 =	sshll.u32 s18, $0x7;
	s1 =	sshrl.u32 s1, $0x2;
	v17 =	vsub.f32 v20, v17;
	v22 =	vand.u32 $0x7FFFFFFF, v16;
	v16 =	vld [tilespmem:s5+$0x30];
	s5 =	sadd.s32 $0x400, s5;
	v13 =	vsel vm0, v19, v13  }
0xf8: {  	s30 =	simm.s32 $0x17;
	s29 =	sand.u32 $0x300, s31;
	s26 =	sadd.s32 $0x40F0, s1;
	v20 =	vsel vm0, s25, v18;
	v18 =	vld [tilespmem:s5+$0xFFFFFFC0];
	vm0 =	vgt.f32 v22, v13;
	v19 =	vsub.f32 v21, v15  }
0xf9: {  	s2 =	sadd.s32 s1, s20;
	s1 =	simm.s32 $0xF;
	v15 =	vld [tilespmem:s6+$0x30];
	v21 =	vsel vm0, v22, v13;
	v13 =	vsel vm0, s28, v20;
	v22 =	vand.u32 $0x7FFFFFFF, v17;
	s28 =	sadd.s32 $0x400, s6  }
0xfa: {  	s12 =	sand.u32 $0x1000, s7;
	s25 =	simm.s32 $0x7;
	s6 =	simm.s32 $0x3;
	v20 =	vsub.f32 v24, v23;
	v23 =	vmul.f32 v25, v12;
	v17 =	vld [tilespmem:s28+$0xFFFFFFC0];
	vm0 =	vgt.f32 v22, v21  }
.LBB2_10:
0xfb: {  	p1 =	sne.s32 s30, $0x1F;
	v24 =	vld [tilespmem:s5+$0xFFFFFFD0];
	v21 =	vsel vm0, v22, v21;
	v13 =	vsel vm0, s6, v13;
	v19 =	vand.u32 $0x7FFFFFFF, v19  }
0xfc: {  	s6 =	sadd.s32 $0xFFFFFFFD, s25;
	v22 =	vld [tilespmem:s28+$0xFFFFFFD0];
	vm0 =	vgt.f32 v19, v21;
	v14 =	vsub.f32 v14, v23;
	v16 =	vmul.f32 v16, v12  }
0xfd: {  	v20 =	vand.u32 $0x7FFFFFFF, v20;
	v23 =	vld [tilespmem:s5+$0xFFFFFFE0];
	v19 =	vsel vm0, v19, v21;
	v13 =	vsel vm0, s6, v13  }
0xfe: {  	s6 =	sadd.s32 $0xFFFFFFFE, s25;
	v18 =	vmul.f32 v18, v12;
	v21 =	vld [tilespmem:s28+$0xFFFFFFE0];
	vm0 =	vgt.f32 v20, v19;
	v15 =	vsub.f32 v15, v16  }
0xff: {  	v14 =	vand.u32 $0x7FFFFFFF, v14;
	v16 =	vld [tilespmem:s5+$0xFFFFFFF0];
	v19 =	vsel vm0, v20, v19;
	v13 =	vsel vm0, s6, v13  }
0x100: {  	s6 =	sadd.s32 $0xFFFFFFFF, s25;
	v17 =	vsub.f32 v17, v18;
	v18 =	vmul.f32 v24, v12;
	v20 =	vld [tilespmem:s28+$0xFFFFFFF0];
	vm0 =	vgt.f32 v14, v19  }
0x101: {  	v15 =	vand.u32 $0x7FFFFFFF, v15;
	v24 =	vld [tilespmem:s5+$0x0];
	v14 =	vsel vm0, v14, v19;
	v13 =	vsel vm0, s6, v13  }
0x102: {  	v18 =	vsub.f32 v22, v18;
	v19 =	vmul.f32 v23, v12;
	v22 =	vld [tilespmem:s28+$0x0];
	vm0 =	vgt.f32 v15, v14  }
0x103: {  	v17 =	vand.u32 $0x7FFFFFFF, v17;
	v23 =	vld [tilespmem:s5+$0x10];
	v14 =	vsel vm0, v15, v14;
	v13 =	vsel vm0, s25, v13;
	s25 =	smov.u32 s1;
	s1 =	smov.u32 s30  }
0x104: {  	s6 =	sadd.s32 $0xFFFFFFF9, s25;
	vm0 =	vgt.f32 v17, v14;
	v15 =	vsub.f32 v21, v19;
	v16 =	vmul.f32 v16, v12;
	v25 =	vld [tilespmem:s28+$0x10]  }
0x105: {  	v18 =	vand.u32 $0x7FFFFFFF, v18;
	v17 =	vsel vm0, v17, v14;
	v13 =	vsel vm0, s6, v13;
	v26 =	vld [tilespmem:s5+$0x20]  }
.Ltmp3:
0x106: {  	s6 =	sadd.s32 $0xFFFFFFFA, s25;
	vm0 =	vgt.f32 v18, v17;
	v20 =	vsub.f32 v20, v16;
	v19 =	vmul.f32 v24, v12;
	v14 =	vld [tilespmem:s28+$0x20];
	(pc) =	sbr.rel @p1 .LBB2_10-.Ltmp3, $4  }
0x107: {  	v21 =	vand.u32 $0x7FFFFFFF, v15;
	v17 =	vsel vm0, v18, v17;
	v13 =	vsel vm0, s6, v13;
	v16 =	vld [tilespmem:s5+$0x30]  }
0x108: {  	s6 =	sadd.s32 $0xFFFFFFFB, s25;
	s5 =	sadd.s32 $0x400, s5;
	vm0 =	vgt.f32 v21, v17;
	v19 =	vsub.f32 v22, v19;
	v23 =	vmul.f32 v23, v12;
	v15 =	vld [tilespmem:s28+$0x30]  }
0x109: {  	v22 =	vand.u32 $0x7FFFFFFF, v20;
	s28 =	sadd.s32 $0x400, s28;
	v18 =	vld [tilespmem:s5+$0xFFFFFFC0];
	v21 =	vsel vm0, v21, v17;
	v13 =	vsel vm0, s6, v13  }
0x10a: {  	s30 =	sadd.s32 $0x8, s30;
	s6 =	sadd.s32 $0xFFFFFFFC, s25;
	v17 =	vld [tilespmem:s28+$0xFFFFFFC0];
	vm0 =	vgt.f32 v22, v21;
	v20 =	vsub.f32 v25, v23;
	v23 =	vmul.f32 v26, v12  }
0x10b: {  	v21 =	vsel vm0, v22, v21;
	v19 =	vand.u32 $0x7FFFFFFF, v19  }
0x10c: {  	v22 =	vld [tilespmem:s5+$0xFFFFFFD0];
	vm1 =	vgt.f32 v19, v21;
	v14 =	vsub.f32 v14, v23  }
0x10d: {  	v16 =	vmul.f32 v16, v12;
	v23 =	vld [tilespmem:s5+$0xFFFFFFE0];
	v20 =	vand.u32 $0x7FFFFFFF, v20;
	v19 =	vsel vm1, v19, v21  }
0x10e: {  	v21 =	vld [tilespmem:s28+$0xFFFFFFD0];
	v18 =	vmul.f32 v18, v12;
	vm2 =	vgt.f32 v20, v19  }
0x10f: {  	v24 =	vld [tilespmem:s28+$0xFFFFFFE0];
	v15 =	vsub.f32 v15, v16;
	v14 =	vand.u32 $0x7FFFFFFF, v14;
	v16 =	vsel vm2, v20, v19  }
0x110: {  	v19 =	vld [tilespmem:s5+$0xFFFFFFF0];
	v17 =	vsub.f32 v17, v18;
	vm3 =	vgt.f32 v14, v16  }
0x111: {  	v20 =	vld [tilespmem:s5+$0x0];
	v18 =	vmul.f32 v22, v12;
	v15 =	vand.u32 $0x7FFFFFFF, v15;
	v14 =	vsel vm3, v14, v16  }
0x112: {  	v16 =	vld [tilespmem:s28+$0xFFFFFFF0];
	v22 =	vmul.f32 v23, v12;
	vm4 =	vgt.f32 v15, v14  }
0x113: {  	v18 =	vsub.f32 v21, v18;
	v21 =	vld [tilespmem:s28+$0x0];
	v17 =	vand.u32 $0x7FFFFFFF, v17;
	v14 =	vsel vm4, v15, v14  }
0x114: {  	v15 =	vld [tilespmem:s5+$0x10];
	v22 =	vsub.f32 v24, v22;
	vm5 =	vgt.f32 v17, v14  }
0x115: {  	v19 =	vmul.f32 v19, v12;
	v14 =	vsel vm5, v17, v14;
	v17 =	vand.u32 $0x7FFFFFFF, v18;
	v18 =	vld [tilespmem:s5+$0x20]  }
0x116: {  	v23 =	vld [tilespmem:s28+$0x10];
	v20 =	vmul.f32 v20, v12;
	vm6 =	vgt.f32 v17, v14  }
0x117: {  	v16 =	vsub.f32 v16, v19;
	v19 =	vld [tilespmem:s28+$0x20];
	v14 =	vsel vm6, v17, v14;
	v17 =	vand.u32 $0x7FFFFFFF, v22  }
0x118: {  	v22 =	vld [tilespmem:s5+$0x30];
	v20 =	vsub.f32 v21, v20;
	vm7 =	vgt.f32 v17, v14  }
0x119: {  	v15 =	vmul.f32 v15, v12;
	v16 =	vand.u32 $0x7FFFFFFF, v16;
	v14 =	vsel vm7, v17, v14  }
0x11a: {  	v17 =	vld [tilespmem:s28+$0x30];
	vm8 =	vgt.f32 v16, v14;
	v18 =	vmul.f32 v18, v12  }
0x11b: {  	v15 =	vsub.f32 v23, v15;
	v14 =	vsel vm8, v16, v14;
	v16 =	vand.u32 $0x7FFFFFFF, v20  }
0x11c: {  	v18 =	vsub.f32 v19, v18;
	vm9 =	vgt.f32 v16, v14  }
0x11d: {  	v12 =	vmul.f32 v22, v12;
	v15 =	vand.u32 $0x7FFFFFFF, v15;
	v14 =	vsel vm9, v16, v14  }
0x11e: {  	v13 =	vsel vm0, s6, v13;
	vm0 =	vgt.f32 v15, v14  }
0x11f: {  	s31 =	sadd.s32 $0xFFFFFFFD, s25;
	v12 =	vsub.f32 v17, v12;
	v14 =	vsel vm0, v15, v14;
	v15 =	vand.u32 $0x7FFFFFFF, v18  }
0x120: {  	s6 =	sadd.s32 $0xFFFFFFFE, s25;
	v13 =	vsel vm1, s31, v13;
	vm1 =	vgt.f32 v15, v14  }
0x121: {  	s7 =	sadd.s32 $0xFFFFFFFF, s25;
	v13 =	vsel vm2, s6, v13;
	v12 =	vand.u32 $0x7FFFFFFF, v12;
	v14 =	vsel vm1, v15, v14  }
0x122: {  	v13 =	vsel vm3, s7, v13;
	vm2 =	vgt.f32 v12, v14  }
0x123: {  	s31 =	sadd.s32 $0xFFFFFFF9, s1;
	v13 =	vsel vm4, s25, v13;
	v12 =	vsel vm2, v12, v14  }
0x124: {  	s6 =	sadd.s32 $0xFFFFFFFA, s1;
	v13 =	vsel vm5, s31, v13;
	(xrf0) =	vmax.scan.msk.f32 $0xffff, v12  }
0x125: {  	s7 =	sadd.s32 $0xFFFFFFFB, s1;
	v13 =	vsel vm6, s6, v13  }
0x126: {  	s25 =	sadd.s32 $0xFFFFFFFC, s1;
	v13 =	vsel vm7, s7, v13  }
0x127: {  	s31 =	sadd.s32 $0xFFFFFFFD, s1;
	v13 =	vsel vm8, s25, v13  }
0x128: {  	s6 =	sadd.s32 $0xFFFFFFFE, s1;
	v13 =	vsel vm9, s31, v13  }
0x129: {  	s7 =	sadd.s32 $0xFFFFFFFF, s1;
	v13 =	vsel vm0, s6, v13  }
0x12a: {  	v13 =	vsel vm1, s7, v13;
	v14, _, _ =	vpop (xrf0)  }
0x12b: {  	v13 =	vsel vm2, s1, v13;
	v14 =	vbroadcast v14, $0xF  }
0x12c: {  	v13 =	vshll.u32 v13, $0x4  }
0x12d: {  	vm0 =	veq.f32 v12, v14;
	v12 =	vxor.u32 v1, v13  }
0x12e: {  	v12 =	vnsel vm0, $0x80000200, v12  }
0x12f: {  	(xrf0) =	vmin.scan.msk.u32 $0xffff, v12;
	_ =	sdelay $0x5  }
0x130: {  	v12, _, _ =	vpop (xrf0)  }
0x131: {  	(v2sf) =	vpush v12, $0xF;
	_ =	sdelay $0xe  }
0x132: {  	s1 =	spop (v2sf)  }
0x133: {  	s25 =	sshll.u32 s1, $0x9;
	s31 =	sshll.u32 s1, $0x7  }
0x134: {  	s5 =	sand.u32 $0xFFFFF000, s25;
	s6 =	sand.u32 $0x380, s31  }
0x135: {  	s25 =	sor.u32 $0x1, s18;
	s5 =	sor.u32 s6, s5  }
0x136: {  	s28 =	sor.u32 $0x6000, s12;
	s7 =	sor.u32 s17, s25;
	s5 =	sshrl.u32 s5, $0x3  }
0x137: {  	s12 =	sadd.s32 s29, s28;
	v12 =	vmov s7;
	s5 =	sadd.s32 s0, s5  }
0x138: {  	v13 =	vshll.u32 v12, $0x3;
	[tilespmem:s12], [sflag:$0x2] =	stream.linear.gather [hbm4b:s5+s3], $0x80, $0x38;
	[tilespmem:$0x10000] =	vst v63  }
0x139: {  	s29 =	sadd.s32 $0x400, s12;
	v12 =	vand.u32 $0x7F, v12;
	s31 =	sadd.s32 $0x80, s5;
	v13 =	vand.u32 $0xC00, v13  }
0x13a: {  	v12 =	vor.u32 v12, v13;
	[tilespmem:s29], [sflag:$0x2] =	stream.linear.gather [hbm4b:s31+s3], $0x80, $0x38;
	[tilespmem:$0x10000] =	vst v63  }
0x13b: {  	s7 =	sadd.s32 $0x100, s5;
	s29 =	sadd.s32 $0x800, s12  }
0x13c: {  	[tilespmem:s29], [sflag:$0x2] =	stream.linear.gather [hbm4b:s7+s3], $0x80, $0x38;
	[tilespmem:$0x10000] =	vst v63  }
0x13d: {  	s5 =	sadd.s32 $0x180, s5;
	s31 =	sadd.s32 $0xC00, s12  }
0x13e: {  	[tilespmem:s31], [sflag:$0x2] =	stream.linear.gather [hbm4b:s5+s3], $0x80, $0x38;
	[tilespmem:$0x10000] =	vst v63  }
0x13f: {  	v12 =	vld.idx.msk [tilespmem:v12+s10+$0x0], $0xffff  }
0x140: {  	v13 =	vld [tilespmem:s26+$0xFFFFFF90]  }
0x141: {  	v14 =	vld [tilespmem:s2+$0xFFFFFF90]  }
0x142: {  	v15 =	vld [tilespmem:s26+$0xFFFFFFA0]  }
0x143: {  	v16 =	vld [tilespmem:s2+$0xFFFFFFA0]  }
0x144: {  	v17 =	vld [tilespmem:s26+$0xFFFFFFB0]  }
0x145: {  	v18 =	vld [tilespmem:s2+$0xFFFFFFB0]  }
0x146: {  	v19 =	vld [tilespmem:s26+$0xFFFFFFC0];
	v13 =	vmul.f32 v13, v12  }
0x147: {  	v63 =	vld [tilespmem:s26+$0xFFFFFFE0]  }
0x148: {  	v13 =	vsub.f32 v14, v13;
	v14 =	vmul.f32 v15, v12;
	v15 =	vld [tilespmem:s26+$0xFFFFFFD0]  }
0x149: {  	v21 =	vimm.f32 $-1.000000000e+00;
	v20 =	vld [tilespmem:s2+$0xFFFFFFC0];
	v17 =	vmul.f32 v17, v12  }
0x14a: {  	v23 =	vimm.s32 $0x0;
	v22 =	vld [tilespmem:s2+$0xFFFFFFD0];
	v14 =	vsub.f32 v16, v14;
	v13 =	vand.u32 $0x7FFFFFFF, v13  }
0x14b: {  	s7 =	simm.s32 $0x0;
	v25 =	vld [tilespmem:s2+$0xFFFFFFE0];
	v16 =	vsub.f32 v18, v17;
	v17 =	vmul.f32 v19, v12;
	vm0 =	vgt.f32 v13, v21  }
0x14c: {  	v13 =	vsel vm0, v13, v21;
	v18 =	vsel vm0, s7, v23;
	v19 =	vand.u32 $0x7FFFFFFF, v14;
	v23 =	vld [tilespmem:s26+$0xFFFFFFF0]  }
0x14d: {  	v24 =	vmul.f32 v63, v12;
	v14 =	vld [tilespmem:s2+$0xFFFFFFF0];
	vm0 =	vgt.f32 v19, v13;
	v15 =	vmul.f32 v15, v12  }
0x14e: {  	s12 =	simm.s32 $0x1;
	s5 =	sadd.s32 $0x400, s26;
	v17 =	vsub.f32 v20, v17;
	v21 =	vand.u32 $0x7FFFFFFF, v16;
	v16 =	vld [tilespmem:s26+$0x0];
	v13 =	vsel vm0, v19, v13  }
0x14f: {  	s30 =	simm.s32 $0x17;
	s29 =	simm.s32 $0x2;
	v20 =	vsel vm0, s12, v18;
	v18 =	vld [tilespmem:s5+$0xFFFFFF90];
	vm0 =	vgt.f32 v21, v13;
	v19 =	vsub.f32 v22, v15  }
0x150: {  	s6 =	simm.s32 $0x3;
	s31 =	sshll.u32 s25, $0x7;
	v15 =	vld [tilespmem:s2+$0x0];
	v22 =	vand.u32 $0x7FFFFFFF, v17;
	v21 =	vsel vm0, v21, v13;
	v13 =	vsel vm0, s29, v20;
	s29 =	sadd.s32 $0x400, s2  }
0x151: {  	s26 =	simm.s32 $0x7;
	s12 =	sand.u32 $0x380, s31;
	s2 =	simm.s32 $0xF;
	v20 =	vsub.f32 v25, v24;
	v17 =	vld [tilespmem:s29+$0xFFFFFF90];
	vm0 =	vgt.f32 v22, v21;
	v23 =	vmul.f32 v23, v12  }
.LBB2_12:
0x152: {  	p1 =	sne.s32 s30, $0x1F;
	v24 =	vld [tilespmem:s5+$0xFFFFFFA0];
	v21 =	vsel vm0, v22, v21;
	v13 =	vsel vm0, s6, v13;
	v19 =	vand.u32 $0x7FFFFFFF, v19  }
0x153: {  	s6 =	sadd.s32 $0xFFFFFFFD, s26;
	v22 =	vld [tilespmem:s29+$0xFFFFFFA0];
	vm0 =	vgt.f32 v19, v21;
	v14 =	vsub.f32 v14, v23;
	v16 =	vmul.f32 v16, v12  }
0x154: {  	v20 =	vand.u32 $0x7FFFFFFF, v20;
	v23 =	vld [tilespmem:s5+$0xFFFFFFB0];
	v19 =	vsel vm0, v19, v21;
	v13 =	vsel vm0, s6, v13  }
0x155: {  	s6 =	sadd.s32 $0xFFFFFFFE, s26;
	v18 =	vmul.f32 v18, v12;
	v21 =	vld [tilespmem:s29+$0xFFFFFFB0];
	vm0 =	vgt.f32 v20, v19;
	v15 =	vsub.f32 v15, v16  }
0x156: {  	v14 =	vand.u32 $0x7FFFFFFF, v14;
	v16 =	vld [tilespmem:s5+$0xFFFFFFC0];
	v19 =	vsel vm0, v20, v19;
	v13 =	vsel vm0, s6, v13  }
0x157: {  	s6 =	sadd.s32 $0xFFFFFFFF, s26;
	v17 =	vsub.f32 v17, v18;
	v18 =	vmul.f32 v24, v12;
	v20 =	vld [tilespmem:s29+$0xFFFFFFC0];
	vm0 =	vgt.f32 v14, v19  }
0x158: {  	v15 =	vand.u32 $0x7FFFFFFF, v15;
	v24 =	vld [tilespmem:s5+$0xFFFFFFD0];
	v14 =	vsel vm0, v14, v19;
	v13 =	vsel vm0, s6, v13  }
0x159: {  	v18 =	vsub.f32 v22, v18;
	v19 =	vmul.f32 v23, v12;
	v22 =	vld [tilespmem:s29+$0xFFFFFFD0];
	vm0 =	vgt.f32 v15, v14  }
0x15a: {  	v17 =	vand.u32 $0x7FFFFFFF, v17;
	v23 =	vld [tilespmem:s5+$0xFFFFFFE0];
	v14 =	vsel vm0, v15, v14;
	v13 =	vsel vm0, s26, v13;
	s26 =	smov.u32 s2;
	s2 =	smov.u32 s30  }
0x15b: {  	s6 =	sadd.s32 $0xFFFFFFF9, s26;
	vm0 =	vgt.f32 v17, v14;
	v15 =	vsub.f32 v21, v19;
	v16 =	vmul.f32 v16, v12;
	v25 =	vld [tilespmem:s29+$0xFFFFFFE0]  }
0x15c: {  	v18 =	vand.u32 $0x7FFFFFFF, v18;
	v17 =	vsel vm0, v17, v14;
	v13 =	vsel vm0, s6, v13;
	v26 =	vld [tilespmem:s5+$0xFFFFFFF0]  }
.Ltmp4:
0x15d: {  	s6 =	sadd.s32 $0xFFFFFFFA, s26;
	vm0 =	vgt.f32 v18, v17;
	v20 =	vsub.f32 v20, v16;
	v19 =	vmul.f32 v24, v12;
	v14 =	vld [tilespmem:s29+$0xFFFFFFF0];
	(pc) =	sbr.rel @p1 .LBB2_12-.Ltmp4, $4  }
0x15e: {  	v21 =	vand.u32 $0x7FFFFFFF, v15;
	v17 =	vsel vm0, v18, v17;
	v13 =	vsel vm0, s6, v13;
	v16 =	vld [tilespmem:s5+$0x0]  }
0x15f: {  	s6 =	sadd.s32 $0xFFFFFFFB, s26;
	s5 =	sadd.s32 $0x400, s5;
	vm0 =	vgt.f32 v21, v17;
	v19 =	vsub.f32 v22, v19;
	v23 =	vmul.f32 v23, v12;
	v15 =	vld [tilespmem:s29+$0x0]  }
0x160: {  	v22 =	vand.u32 $0x7FFFFFFF, v20;
	s29 =	sadd.s32 $0x400, s29;
	v18 =	vld [tilespmem:s5+$0xFFFFFF90];
	v21 =	vsel vm0, v21, v17;
	v13 =	vsel vm0, s6, v13  }
0x161: {  	s30 =	sadd.s32 $0x8, s30;
	s6 =	sadd.s32 $0xFFFFFFFC, s26;
	v17 =	vld [tilespmem:s29+$0xFFFFFF90];
	vm0 =	vgt.f32 v22, v21;
	v20 =	vsub.f32 v25, v23;
	v23 =	vmul.f32 v26, v12  }
0x162: {  	v21 =	vsel vm0, v22, v21;
	v19 =	vand.u32 $0x7FFFFFFF, v19  }
0x163: {  	v35 =	vld [tilespmem:s5+$0xFFFFFFA0];
	vm1 =	vgt.f32 v19, v21;
	v14 =	vsub.f32 v14, v23  }
0x164: {  	v36 =	vld [tilespmem:s5+$0xFFFFFFB0];
	v16 =	vmul.f32 v16, v12;
	v20 =	vand.u32 $0x7FFFFFFF, v20;
	v19 =	vsel vm1, v19, v21  }
0x165: {  	v37 =	vld [tilespmem:s29+$0xFFFFFFA0];
	v18 =	vmul.f32 v18, v12;
	vm2 =	vgt.f32 v20, v19  }
0x166: {  	v39 =	vld [tilespmem:s5+$0xFFFFFFC0];
	v15 =	vsub.f32 v15, v16;
	v14 =	vand.u32 $0x7FFFFFFF, v14;
	v38 =	vsel vm2, v20, v19  }
0x167: {  	v24 =	vld [tilespmem:s29+$0xFFFFFFB0];
	v17 =	vsub.f32 v17, v18;
	vm3 =	vgt.f32 v14, v38  }
0x168: {  	v41 =	vld [tilespmem:s5+$0xFFFFFFD0];
	v40 =	vmul.f32 v35, v12;
	v15 =	vand.u32 $0x7FFFFFFF, v15;
	v14 =	vsel vm3, v14, v38  }
0x169: {  	v42 =	vld [tilespmem:s29+$0xFFFFFFC0];
	v43 =	vmul.f32 v36, v12;
	vm4 =	vgt.f32 v15, v14  }
0x16a: {  	v44 =	vld [tilespmem:s29+$0xFFFFFFD0];
	v18 =	vsub.f32 v37, v40;
	v17 =	vand.u32 $0x7FFFFFFF, v17;
	v14 =	vsel vm4, v15, v14  }
0x16b: {  	v45 =	vld [tilespmem:s5+$0xFFFFFFE0];
	v19 =	vmul.f32 v39, v12;
	vm5 =	vgt.f32 v17, v14  }
0x16c: {  	v47 =	vld [tilespmem:s5+$0xFFFFFFF0];
	v22 =	vsub.f32 v24, v43;
	v46 =	vand.u32 $0x7FFFFFFF, v18;
	v14 =	vsel vm5, v17, v14  }
0x16d: {  	v48 =	vld [tilespmem:s29+$0xFFFFFFE0];
	v20 =	vmul.f32 v41, v12;
	vm6 =	vgt.f32 v46, v14  }
0x16e: {  	v51 =	vld [tilespmem:s5+$0x0];
	v16 =	vsub.f32 v42, v19;
	v50 =	vand.u32 $0x7FFFFFFF, v22;
	v14 =	vsel vm6, v46, v14  }
0x16f: {  	v49 =	vld [tilespmem:s29+$0xFFFFFFF0];
	v20 =	vsub.f32 v44, v20;
	vm7 =	vgt.f32 v50, v14  }
0x170: {  	v15 =	vmul.f32 v45, v12;
	v16 =	vand.u32 $0x7FFFFFFF, v16;
	v14 =	vsel vm7, v50, v14  }
0x171: {  	v52 =	vld [tilespmem:s29+$0x0];
	v18 =	vmul.f32 v47, v12;
	vm8 =	vgt.f32 v16, v14  }
0x172: {  	v53 =	vand.u32 $0x7FFFFFFF, v20;
	v15 =	vsub.f32 v48, v15;
	v14 =	vsel vm8, v16, v14  }
0x173: {  	v54 =	vmul.f32 v51, v12;
	vm9 =	vgt.f32 v53, v14  }
0x174: {  	v18 =	vsub.f32 v49, v18;
	v15 =	vand.u32 $0x7FFFFFFF, v15;
	v14 =	vsel vm9, v53, v14  }
0x175: {  	v13 =	vsel vm0, s6, v13;
	vm10 =	vgt.f32 v15, v14  }
0x176: {  	s30 =	sadd.s32 $0xFFFFFFFD, s26;
	v12 =	vsub.f32 v52, v54;
	v55 =	vand.u32 $0x7FFFFFFF, v18;
	v14 =	vsel vm10, v15, v14  }
0x177: {  	s31 =	sadd.s32 $0xFFFFFFFE, s26;
	v13 =	vsel vm1, s30, v13;
	vm11 =	vgt.f32 v55, v14  }
0x178: {  	s6 =	sadd.s32 $0xFFFFFFFF, s26;
	v13 =	vsel vm2, s31, v13;
	v12 =	vand.u32 $0x7FFFFFFF, v12;
	v14 =	vsel vm11, v55, v14  }
0x179: {  	v13 =	vsel vm3, s6, v13;
	vm12 =	vgt.f32 v12, v14  }
0x17a: {  	s7 =	sadd.s32 $0xFFFFFFF9, s2;
	v13 =	vsel vm4, s26, v13;
	v12 =	vsel vm12, v12, v14  }
0x17b: {  	s26 =	sadd.s32 $0xFFFFFFFA, s2;
	v13 =	vsel vm5, s7, v13;
	(xrf0) =	vmax.scan.msk.f32 $0xffff, v12  }
0x17c: {  	s29 =	sadd.s32 $0xFFFFFFFB, s2;
	v13 =	vsel vm6, s26, v13  }
0x17d: {  	s30 =	sadd.s32 $0xFFFFFFFC, s2;
	v13 =	vsel vm7, s29, v13  }
0x17e: {  	s31 =	sadd.s32 $0xFFFFFFFD, s2;
	v13 =	vsel vm8, s30, v13  }
0x17f: {  	s6 =	sadd.s32 $0xFFFFFFFE, s2;
	v13 =	vsel vm9, s31, v13  }
0x180: {  	s7 =	sadd.s32 $0xFFFFFFFF, s2;
	v13 =	vsel vm10, s6, v13  }
0x181: {  	v13 =	vsel vm11, s7, v13;
	v56, _, _ =	vpop (xrf0)  }
0x182: {  	v13 =	vsel vm12, s2, v13;
	v14 =	vbroadcast v56, $0xF  }
0x183: {  	v13 =	vshll.u32 v13, $0x4  }
0x184: {  	v57 =	vxor.u32 v1, v13;
	vm13 =	veq.f32 v12, v14  }
0x185: {  	v12 =	vnsel vm13, $0x80000200, v57  }
0x186: {  	(xrf0) =	vmin.scan.msk.u32 $0xffff, v12;
	_ =	sdelay $0x5  }
0x187: {  	v12, _, _ =	vpop (xrf0)  }
0x188: {  	(v2sf) =	vpush v12, $0xF;
	_ =	sdelay $0xe  }
0x189: {  	s2 =	spop (v2sf)  }
0x18a: {  	s26 =	sshll.u32 s2, $0x9;
	s29 =	sshll.u32 s2, $0x7  }
0x18b: {  	s5 =	sand.u32 $0xFFFFF000, s26;
	s6 =	sand.u32 $0x380, s29  }
0x18c: {  	s5 =	sor.u32 s6, s5  }
0x18d: {  	s1 =	sxor.u32 $0x80000000, s1;
	p1 =	slt.u32 s18, $0xE;
	s5 =	sshrl.u32 s5, $0x3  }
0x18e: {  	s24 =	sadd.s32 $0x400, s24;
	s30 =	sadd.s32 s12, s28;
	s5 =	sadd.s32 s0, s5  }
0x18f: {  	[tilespmem:s30], [sflag:$0x2] =	stream.linear.gather [hbm4b:s5+s3], $0x80, $0x38;
	[tilespmem:$0x10000] =	vst v63  }
0x190: {  	s23 =	sadd.s32 $0x1, s23;
	s7 =	sadd.s32 $0x400, s30;
	s31 =	sadd.s32 $0x80, s5  }
0x191: {  	[tilespmem:s7], [sflag:$0x2] =	stream.linear.gather [hbm4b:s31+s3], $0x80, $0x38;
	[tilespmem:$0x10000] =	vst v63  }
.Ltmp5:
0x192: {  	s22 =	sadd.s32 $0x2, s22;
	s29 =	sadd.s32 $0x800, s30;
	(pc) =	sbr.rel @p1 .LBB2_9-.Ltmp5, $4  }
0x193: {  	v62 =	vmov s18;
	s6 =	sadd.s32 $0xC00, s30;
	s28 =	sadd.s32 $0x100, s5;
	s31 =	sadd.s32 $0x2, s18  }
0x194: {  	v63 =	vmov s25;
	vm14 =	veq.s32 v62, v0;
	[tilespmem:s29], [sflag:$0x2] =	stream.linear.gather [hbm4b:s28+s3], $0x80, $0x38;
	[tilespmem:$0x10000] =	vst v63  }
0x195: {  	vm15 =	veq.s32 v63, v0;
	v10 =	vsel vm14, s1, v10;
	s5 =	sadd.s32 $0x180, s5;
	s30 =	sxor.u32 $0x80000000, s2;
	s18 =	smov.u32 s31  }
0x196: {  	v10 =	vsel vm15, s30, v10;
	[tilespmem:s6], [sflag:$0x2] =	stream.linear.gather [hbm4b:s5+s3], $0x80, $0x38;
	[tilespmem:$0x10000] =	vst v63  }
0x197: {  	v11 =	vshll.u32 v10, $0x3  }
0x198: {  	v11 =	vand.u32 $0xFFFFFC00, v11  }
0x199: {  	v12 =	vand.u32 $0x7F, v10;
	v13 =	vadd.s32 v3, v11  }
0x19a: {  	v13 =	vor.u32 v12, v13  }
0x19b: {  	v11 =	vor.u32 v12, v11;
	v13 =	vor.u32 v58, v13  }
0x19c: {  	v11 =	vadd.s32 v59, v11;
	_ =	sdelay $0x2  }
0x19d: {  	s22 =	simm.s32 $0x0;
	s1 =	sor.u32 $0xE080, s16  }
0x19e: {  	v12 =	vld.idx.msk [tilespmem:v13+s22+$0x0], $0xffff;
	[tilespmem:s1+$0x0] =	vst v10  }
0x19f: {  	v10 =	vld.idx.msk [tilespmem:v11+s11+$0x0], $0xffff;
	_ =	sdelay $0x4  }
0x1a0: {  	v11 =	vmul.f32 v10, v10;
	_ =	sdelay $0x1  }
0x1a1: {  	v11 =	vsub.f32 $1.000000000e+00, v11;
	_ =	sdelay $0x1  }
0x1a2: {  	v6 =	vmax.f32 v11, $9.999999960e-13  }
0x1a3: {  	(erf) = vrcp.f32 v6;
	_ =	sdelay $0x5  }
0x1a4: {  	v11 =	vmul.f32 v10, v2;
	_ =	sdelay $0x1  }
0x1a5: {  	v5 =	vsub.f32 v12, v11  }
0x1a6: {  	v7 =	vpop (erf)  }
0x1a7: {  	v4 =	vmul.f32 v7, v5;
	_ =	sdelay $0x1  }
0x1a8: {  	v15 =	vmul.f32 v4, v10;
	_ =	sdelay $0x1  }
0x1a9: {  	s31 =	sor.u32 $0xF080, s16;
	v15 =	vsub.f32 v2, v15  }
0x1aa: {  	[tilespmem:s31+$0x0] =	vst v4  }
0x1ab: {  	[tilespmem:s16+$0xF000] =	vst v15  }
0x1ac: {  	_ =	swait.ge [sflag:s9], $0x2000  }
0x1ad: {  	s18 =	sor.u32 $0x80, s16;
	s23 =	simm.s32 $0x0;
	[sflag:s9] =	ssyncset.done $0x0  }
0x1ae: {  	v16 =	vimm.s32 $0x0;
	s24 =	simm.s32 $0x0;
	s25 =	simm.s32 $0x0;
	v15 =	vimm.s32 $0x0;
	[sflag:s9] =	ssyncadd.s32 $0xFFFFE000  }
.LBB2_15:
0x1af: {  	s1 =	sor.u32 s17, s22;
	s6 =	sshll.u32 s25, $0x2;
	s2 =	sand.u32 $0x3, s24  }
0x1b0: {  	v17 =	vmov s1;
	s1 =	sand.u32 $0xFFFFC000, s6;
	s2 =	sshll.u32 s2, $0xA  }
0x1b1: {  	s2 =	sor.u32 s2, s1  }
0x1b2: {  	s2 =	sshrl.u32 s2, $0x2  }
0x1b3: {  	s5 =	sadd.s32 $0x6000, s2  }
0x1b4: {  	v24 =	vld [tilespmem:s5+$0x70]  }
0x1b5: {  	v20 =	vld [tilespmem:s5+$0xFFFFE060]  }
0x1b6: {  	v21 =	vld [tilespmem:s5+$0x60]  }
0x1b7: {  	v18 =	vshll.u32 v17, $0x3;
	v22 =	vld [tilespmem:s5+$0xFFFFE050]  }
0x1b8: {  	v17 =	vand.u32 $0x7E, v17;
	v18 =	vand.u32 $0xC00, v18;
	v23 =	vld [tilespmem:s5+$0x50]  }
0x1b9: {  	v17 =	vor.u32 v17, v18;
	v25 =	vld [tilespmem:s5+$0xFFFFE040]  }
0x1ba: {  	v19 =	vor.u32 $0x80, v17;
	v26 =	vld [tilespmem:s5+$0x40]  }
0x1bb: {  	v27 =	vld [tilespmem:s5+$0xFFFFE030]  }
0x1bc: {  	v29 =	vld [tilespmem:s5+$0xFFFFE000]  }
0x1bd: {  	v30 =	vld [tilespmem:s5+$0x0]  }
0x1be: {  	v18 =	vld.idx.msk [tilespmem:v17+s10+$0x0], $0xffff  }
0x1bf: {  	v17 =	vld.idx.msk [tilespmem:v19+s10+$0x0], $0xffff  }
0x1c0: {  	v19 =	vld [tilespmem:s5+$0xFFFFE070]  }
0x1c1: {  	v31 =	vld [tilespmem:s5+$0xFFFFE010]  }
0x1c2: {  	v28 =	vld [tilespmem:s5+$0xFFFFE020]  }
0x1c3: {  	v32 =	vld [tilespmem:s5+$0x10]  }
0x1c4: {  	s12 =	sadd.s32 s2, s19;
	v33 =	vld [tilespmem:s5+$0x20];
	v35 =	vmul.f32 v20, v18;
	v20 =	vmul.f32 v29, v18  }
0x1c5: {  	v37 =	vmul.f32 v22, v18;
	v34 =	vmul.f32 v19, v18;
	v19 =	vld [tilespmem:s12+$0xFFFFFFC0]  }
0x1c6: {  	v22 =	vmul.f32 v31, v18;
	v29 =	vmul.f32 v30, v17;
	v30 =	vld [tilespmem:s5+$0x30]  }
0x1c7: {  	v28 =	vmul.f32 v28, v18;
	v36 =	vmul.f32 v21, v17;
	v21 =	vld [tilespmem:s12+$0xFFFFFFD0]  }
0x1c8: {  	v31 =	vld [tilespmem:s12+$0xFFFFFFE0];
	v25 =	vmul.f32 v25, v18;
	v20 =	vadd.f32 v29, v20;
	v29 =	vmul.f32 v32, v17  }
0x1c9: {  	v55 =	vimm.f32 $-1.000000000e+00;
	v38 =	vld [tilespmem:s12+$0x30];
	v54 =	vmul.f32 v33, v17;
	v23 =	vmul.f32 v23, v17  }
0x1ca: {  	v56 =	vld [tilespmem:s12+$0x0];
	v62 =	vmul.f32 v24, v17;
	v19 =	vsub.f32 v19, v20;
	v20 =	vadd.f32 v29, v22  }
0x1cb: {  	s30 =	sadd.s32 $0x400, s5;
	v28 =	vadd.f32 v54, v28;
	v57 =	vadd.f32 v23, v37;
	v29 =	vld [tilespmem:s12+$0xFFFFFFF0];
	v22 =	vmul.f32 v27, v18  }
0x1cc: {  	v24 =	vld [tilespmem:s30+$0x40];
	v27 =	vmul.f32 v30, v17;
	v19 =	vand.u32 $0x7FFFFFFF, v19;
	v20 =	vsub.f32 v21, v20  }
0x1cd: {  	v23 =	vld [tilespmem:s30+$0x50];
	v28 =	vsub.f32 v31, v28;
	v21 =	vmul.f32 v26, v17;
	vm0 =	vgt.f32 v19, v55  }
0x1ce: {  	v26 =	vadd.f32 v27, v22;
	v27 =	vld [tilespmem:s12+$0x10];
	v31 =	vsel vm0, v19, v55;
	v20 =	vand.u32 $0x7FFFFFFF, v20  }
0x1cf: {  	v30 =	vld [tilespmem:s12+$0x20];
	v25 =	vadd.f32 v21, v25;
	vm1 =	vgt.f32 v20, v31  }
0x1d0: {  	s7 =	simm.s32 $0x0;
	v28 =	vand.u32 $0x7FFFFFFF, v28;
	v22 =	vld [tilespmem:s30+$0xFFFFE070];
	v26 =	vsub.f32 v29, v26;
	v29 =	vsel vm1, v20, v31  }
0x1d1: {  	v19 =	vld [tilespmem:s30+$0x70];
	v31 =	vsel vm0, s7, v16;
	s7 =	simm.s32 $0x1;
	v32 =	vsub.f32 v56, v25;
	vm0 =	vgt.f32 v28, v29  }
0x1d2: {  	s26 =	sand.u32 $0x7, s23;
	v21 =	vld [tilespmem:s30+$0xFFFFE060];
	v31 =	vsel vm1, s7, v31;
	v28 =	vsel vm0, v28, v29;
	v29 =	vand.u32 $0x7FFFFFFF, v26  }
0x1d3: {  	s6 =	sshll.u32 s26, $0x9;
	s26 =	simm.s32 $0x2;
	v20 =	vld [tilespmem:s30+$0x60];
	v33 =	vsub.f32 v27, v57;
	v27 =	vadd.f32 v36, v35;
	vm1 =	vgt.f32 v29, v28  }
0x1d4: {  	s1 =	sor.u32 s6, s1;
	v25 =	vld [tilespmem:s30+$0xFFFFE050];
	v31 =	vsel vm0, s26, v31;
	v28 =	vsel vm1, v29, v28;
	v29 =	vand.u32 $0x7FFFFFFF, v32  }
0x1d5: {  	s6 =	simm.s32 $0x3;
	s1 =	sshrl.u32 s1, $0x2;
	v26 =	vld [tilespmem:s30+$0xFFFFE040];
	v35 =	vsub.f32 v30, v27;
	v33 =	vand.u32 $0x7FFFFFFF, v33;
	vm0 =	vgt.f32 v29, v28  }
0x1d6: {  	s29 =	simm.s32 $0x7;
	s28 =	simm.s32 $0xF;
	s31 =	sadd.s32 $0x6080, s1;
	v27 =	vld [tilespmem:s30+$0xFFFFE030];
	v30 =	vsel vm1, s6, v31;
	v31 =	vadd.f32 v62, v34;
	v28 =	vsel vm0, v29, v28  }
0x1d7: {  	s5 =	sshll.u32 s22, $0x9;
	s7 =	sshll.u32 s22, $0x7;
	s6 =	simm.s32 $0x4;
	v34 =	vand.u32 $0x7FFFFFFF, v35;
	v29 =	vld [tilespmem:s30+$0xFFFFE020];
	vm1 =	vgt.f32 v33, v28  }
0x1d8: {  	s26 =	sadd.s32 s1, s20;
	s2 =	sand.u32 $0x300, s7;
	s7 =	simm.s32 $0x5;
	v63 =	vsel vm0, s6, v30;
	v30 =	vld [tilespmem:s30+$0xFFFFE000];
	v32 =	vsub.f32 v38, v31;
	v33 =	vsel vm1, v33, v28  }
0x1d9: {  	s1 =	sand.u32 $0x1000, s5;
	s5 =	simm.s32 $0x17;
	v31 =	vld [tilespmem:s30+$0x0];
	s6 =	simm.s32 $0x6;
	v28 =	vsel vm1, s7, v63;
	vm0 =	vgt.f32 v34, v33  }
.LBB2_16:
0x1da: {  	p1 =	sne.s32 s5, $0x1F;
	v35 =	vld [tilespmem:s30+$0xFFFFE010];
	v33 =	vsel vm0, v34, v33;
	v28 =	vsel vm0, s6, v28;
	v32 =	vand.u32 $0x7FFFFFFF, v32  }
0x1db: {  	v36 =	vmul.f32 v22, v18;
	v34 =	vld [tilespmem:s30+$0x10];
	vm0 =	vgt.f32 v32, v33  }
0x1dc: {  	v37 =	vmul.f32 v19, v17;
	s12 =	sadd.s32 $0x400, s12;
	v22 =	vld [tilespmem:s30+$0x20];
	v19 =	vsel vm0, v32, v33;
	v28 =	vsel vm0, s29, v28;
	s29 =	smov.u32 s28;
	s28 =	smov.u32 s5  }
0x1dd: {  	v38 =	vmul.f32 v20, v17;
	v33 =	vmul.f32 v21, v18;
	v32 =	vld [tilespmem:s12+$0xFFFFFFC0]  }
0x1de: {  	v20 =	vmul.f32 v30, v18;
	v21 =	vmul.f32 v31, v17;
	v30 =	vld [tilespmem:s30+$0x30]  }
0x1df: {  	v25 =	vmul.f32 v25, v18;
	v23 =	vmul.f32 v23, v17;
	v31 =	vld [tilespmem:s12+$0xFFFFFFD0]  }
0x1e0: {  	v20 =	vadd.f32 v21, v20;
	v21 =	vmul.f32 v35, v18;
	v34 =	vmul.f32 v34, v17;
	v35 =	vld [tilespmem:s12+$0xFFFFFFE0]  }
0x1e1: {  	v29 =	vmul.f32 v29, v18;
	v22 =	vmul.f32 v22, v17;
	v39 =	vld [tilespmem:s12+$0x30]  }
0x1e2: {  	v26 =	vmul.f32 v26, v18;
	v20 =	vsub.f32 v32, v20;
	v21 =	vadd.f32 v34, v21;
	v32 =	vld [tilespmem:s12+$0xFFFFFFF0]  }
0x1e3: {  	v27 =	vmul.f32 v27, v18;
	v22 =	vadd.f32 v22, v29;
	v29 =	vmul.f32 v30, v17;
	v30 =	vld [tilespmem:s12+$0x20]  }
0x1e4: {  	v24 =	vmul.f32 v24, v17;
	v20 =	vand.u32 $0x7FFFFFFF, v20;
	v21 =	vsub.f32 v31, v21;
	v31 =	vld [tilespmem:s12+$0x0]  }
0x1e5: {  	s6 =	sadd.s32 $0xFFFFFFF9, s29;
	s30 =	sadd.s32 $0x400, s30;
	vm0 =	vgt.f32 v20, v19;
	v34 =	vsub.f32 v35, v22;
	v27 =	vadd.f32 v29, v27;
	v29 =	vld [tilespmem:s12+$0x10]  }
0x1e6: {  	v22 =	vld [tilespmem:s30+$0xFFFFE070];
	v20 =	vsel vm0, v20, v19;
	v28 =	vsel vm0, s6, v28;
	v35 =	vand.u32 $0x7FFFFFFF, v21  }
0x1e7: {  	v24 =	vadd.f32 v24, v26;
	s6 =	sadd.s32 $0xFFFFFFFA, s29;
	v19 =	vld [tilespmem:s30+$0x70];
	vm0 =	vgt.f32 v35, v20;
	v27 =	vsub.f32 v32, v27  }
0x1e8: {  	v32 =	vand.u32 $0x7FFFFFFF, v34;
	v21 =	vld [tilespmem:s30+$0xFFFFE060];
	v26 =	vsel vm0, v35, v20;
	v28 =	vsel vm0, s6, v28  }
0x1e9: {  	s6 =	sadd.s32 $0xFFFFFFFB, s29;
	v20 =	vld [tilespmem:s30+$0x60];
	vm0 =	vgt.f32 v32, v26;
	v24 =	vsub.f32 v31, v24;
	v31 =	vadd.f32 v23, v25  }
0x1ea: {  	v27 =	vand.u32 $0x7FFFFFFF, v27;
	v25 =	vld [tilespmem:s30+$0xFFFFE050];
	v32 =	vsel vm0, v32, v26;
	v28 =	vsel vm0, s6, v28  }
0x1eb: {  	s6 =	sadd.s32 $0xFFFFFFFC, s29;
	v23 =	vld [tilespmem:s30+$0x50];
	vm0 =	vgt.f32 v27, v32;
	v29 =	vsub.f32 v29, v31;
	v31 =	vadd.f32 v38, v33  }
0x1ec: {  	v33 =	vand.u32 $0x7FFFFFFF, v24;
	v26 =	vld [tilespmem:s30+$0xFFFFE040];
	v32 =	vsel vm0, v27, v32;
	v28 =	vsel vm0, s6, v28  }
.Ltmp6:
0x1ed: {  	s6 =	sadd.s32 $0xFFFFFFFD, s29;
	v24 =	vld [tilespmem:s30+$0x40];
	vm0 =	vgt.f32 v33, v32;
	v31 =	vsub.f32 v30, v31;
	v30 =	vadd.f32 v37, v36;
	(pc) =	sbr.rel @p1 .LBB2_16-.Ltmp6, $4  }
0x1ee: {  	v34 =	vand.u32 $0x7FFFFFFF, v29;
	v27 =	vld [tilespmem:s30+$0xFFFFE030];
	v33 =	vsel vm0, v33, v32;
	v28 =	vsel vm0, s6, v28  }
0x1ef: {  	s6 =	sadd.s32 $0xFFFFFFFE, s29;
	v29 =	vld [tilespmem:s30+$0xFFFFE020];
	vm0 =	vgt.f32 v34, v33;
	v32 =	vsub.f32 v39, v30  }
0x1f0: {  	v30 =	vld [tilespmem:s30+$0xFFFFE000];
	v33 =	vsel vm0, v34, v33;
	v28 =	vsel vm0, s6, v28;
	v34 =	vand.u32 $0x7FFFFFFF, v31  }
0x1f1: {  	s5 =	sadd.s32 $0x8, s5;
	s6 =	sadd.s32 $0xFFFFFFFF, s29;
	v31 =	vld [tilespmem:s30+$0x0];
	vm0 =	vgt.f32 v34, v33  }
0x1f2: {  	_ = 	snop  }
0x1f3: {  	v35 =	vld [tilespmem:s30+$0xFFFFE010]  }
0x1f4: {  	v36 =	vld [tilespmem:s30+$0x10]  }
0x1f5: {  	v37 =	vld [tilespmem:s30+$0x20];
	s5 =	sadd.s32 $0x400, s12  }
0x1f6: {  	v38 =	vld [tilespmem:s5+$0xFFFFFFC0];
	v30 =	vmul.f32 v30, v18;
	v31 =	vmul.f32 v31, v17  }
0x1f7: {  	v33 =	vsel vm0, v34, v33;
	v32 =	vand.u32 $0x7FFFFFFF, v32;
	v42 =	vld [tilespmem:s30+$0x30];
	v22 =	vmul.f32 v22, v18  }
0x1f8: {  	v21 =	vmul.f32 v21, v18;
	v25 =	vmul.f32 v25, v18;
	v30 =	vadd.f32 v31, v30;
	v31 =	vld [tilespmem:s5+$0xFFFFFFD0]  }
0x1f9: {  	vm1 =	vgt.f32 v32, v33;
	v43 =	vmul.f32 v35, v18;
	v44 =	vmul.f32 v36, v17  }
0x1fa: {  	v26 =	vmul.f32 v26, v18;
	v45 =	vld [tilespmem:s5+$0xFFFFFFE0];
	v32 =	vsel vm1, v32, v33;
	v29 =	vmul.f32 v29, v18  }
0x1fb: {  	v37 =	vmul.f32 v37, v17;
	v33 =	vadd.f32 v44, v43;
	v30 =	vsub.f32 v38, v30  }
0x1fc: {  	v46 =	vld [tilespmem:s5+$0xFFFFFFF0];
	v18 =	vmul.f32 v27, v18;
	v27 =	vmul.f32 v42, v17  }
0x1fd: {  	v29 =	vadd.f32 v37, v29;
	v30 =	vand.u32 $0x7FFFFFFF, v30;
	v31 =	vsub.f32 v31, v33  }
0x1fe: {  	v24 =	vmul.f32 v24, v17;
	v47 =	vld [tilespmem:s5+$0x0];
	v18 =	vadd.f32 v27, v18;
	vm2 =	vgt.f32 v30, v32  }
0x1ff: {  	v29 =	vsub.f32 v45, v29;
	v27 =	vsel vm2, v30, v32;
	v30 =	vand.u32 $0x7FFFFFFF, v31  }
0x200: {  	v23 =	vmul.f32 v23, v17;
	v24 =	vadd.f32 v24, v26;
	v31 =	vld [tilespmem:s5+$0x10];
	vm3 =	vgt.f32 v30, v27  }
0x201: {  	v26 =	vld [tilespmem:s5+$0x20];
	v18 =	vsub.f32 v46, v18;
	v29 =	vand.u32 $0x7FFFFFFF, v29;
	v27 =	vsel vm3, v30, v27  }
0x202: {  	v20 =	vmul.f32 v20, v17;
	v23 =	vadd.f32 v23, v25;
	vm4 =	vgt.f32 v29, v27  }
0x203: {  	v24 =	vsub.f32 v47, v24;
	v18 =	vand.u32 $0x7FFFFFFF, v18;
	v25 =	vsel vm4, v29, v27  }
0x204: {  	v20 =	vadd.f32 v20, v21;
	v17 =	vmul.f32 v19, v17;
	v19 =	vld [tilespmem:s5+$0x30];
	vm5 =	vgt.f32 v18, v25  }
0x205: {  	v21 =	vsub.f32 v31, v23;
	v23 =	vand.u32 $0x7FFFFFFF, v24;
	v18 =	vsel vm5, v18, v25  }
0x206: {  	v20 =	vsub.f32 v26, v20;
	vm6 =	vgt.f32 v23, v18  }
0x207: {  	v17 =	vadd.f32 v17, v22;
	v21 =	vand.u32 $0x7FFFFFFF, v21;
	v18 =	vsel vm6, v23, v18  }
0x208: {  	vm7 =	vgt.f32 v21, v18  }
0x209: {  	v17 =	vsub.f32 v19, v17;
	v19 =	vand.u32 $0x7FFFFFFF, v20;
	v18 =	vsel vm7, v21, v18  }
0x20a: {  	vm8 =	vgt.f32 v19, v18  }
0x20b: {  	v17 =	vand.u32 $0x7FFFFFFF, v17;
	v18 =	vsel vm8, v19, v18  }
0x20c: {  	v19 =	vsel vm0, s6, v28;
	vm0 =	vgt.f32 v17, v18  }
0x20d: {  	s6 =	sadd.s32 $0xFFFFFFF9, s28;
	v19 =	vsel vm1, s29, v19;
	v17 =	vsel vm0, v17, v18  }
0x20e: {  	s7 =	sadd.s32 $0xFFFFFFFA, s28;
	v18 =	vsel vm2, s6, v19;
	(xrf0) =	vmax.scan.msk.f32 $0xffff, v17  }
0x20f: {  	s12 =	sadd.s32 $0xFFFFFFFB, s28;
	v18 =	vsel vm3, s7, v18  }
0x210: {  	s6 =	sadd.s32 $0xFFFFFFFC, s28;
	v18 =	vsel vm4, s12, v18  }
0x211: {  	s7 =	sadd.s32 $0xFFFFFFFD, s28;
	v18 =	vsel vm5, s6, v18  }
0x212: {  	s12 =	sadd.s32 $0xFFFFFFFE, s28;
	v18 =	vsel vm6, s7, v18  }
0x213: {  	s6 =	sadd.s32 $0xFFFFFFFF, s28;
	v18 =	vsel vm7, s12, v18  }
0x214: {  	v18 =	vsel vm8, s6, v18;
	v19, _, _ =	vpop (xrf0)  }
0x215: {  	v18 =	vsel vm0, s28, v18;
	v19 =	vbroadcast v19, $0xF  }
0x216: {  	v18 =	vshll.u32 v18, $0x4  }
0x217: {  	vm0 =	veq.f32 v17, v19;
	v17 =	vxor.u32 v1, v18  }
0x218: {  	v17 =	vnsel vm0, $0x80000200, v17  }
0x219: {  	(xrf0) =	vmin.scan.msk.u32 $0xffff, v17;
	_ =	sdelay $0x5  }
0x21a: {  	v17, _, _ =	vpop (xrf0)  }
0x21b: {  	(v2sf) =	vpush v17, $0xF;
	_ =	sdelay $0xe  }
0x21c: {  	s28 =	spop (v2sf)  }
0x21d: {  	s7 =	sshll.u32 s28, $0x9;
	s12 =	sshll.u32 s28, $0x7  }
0x21e: {  	s5 =	sand.u32 $0xFFFFF000, s7;
	s6 =	sand.u32 $0x380, s12  }
0x21f: {  	s29 =	sor.u32 $0x1, s22;
	s5 =	sor.u32 s6, s5  }
0x220: {  	s30 =	sor.u32 $0x8000, s1;
	s6 =	sor.u32 s17, s29;
	s5 =	sshrl.u32 s5, $0x3  }
0x221: {  	s2 =	sadd.s32 s2, s30;
	v17 =	vmov s6;
	s1 =	sadd.s32 s0, s5  }
0x222: {  	v18 =	vshll.u32 v17, $0x3;
	[tilespmem:s2], [sflag:$0x2] =	stream.linear.gather [hbm4b:s1+s3], $0x80, $0x38;
	[tilespmem:$0x10000] =	vst v63  }
0x223: {  	s12 =	sadd.s32 $0x400, s2;
	v17 =	vand.u32 $0x7F, v17;
	s7 =	sadd.s32 $0x80, s1;
	v18 =	vand.u32 $0xC00, v18  }
0x224: {  	v17 =	vor.u32 v17, v18;
	[tilespmem:s12], [sflag:$0x2] =	stream.linear.gather [hbm4b:s7+s3], $0x80, $0x38;
	[tilespmem:$0x10000] =	vst v63  }
0x225: {  	s7 =	sadd.s32 $0x100, s1;
	s12 =	sadd.s32 $0x800, s2;
	v19 =	vor.u32 $0x80, v17  }
0x226: {  	[tilespmem:s12], [sflag:$0x2] =	stream.linear.gather [hbm4b:s7+s3], $0x80, $0x38;
	[tilespmem:$0x10000] =	vst v63  }
0x227: {  	s1 =	sadd.s32 $0x180, s1;
	s2 =	sadd.s32 $0xC00, s2  }
0x228: {  	[tilespmem:s2], [sflag:$0x2] =	stream.linear.gather [hbm4b:s1+s3], $0x80, $0x38;
	[tilespmem:$0x10000] =	vst v63  }
0x229: {  	v18 =	vld.idx.msk [tilespmem:v17+s10+$0x0], $0xffff  }
0x22a: {  	v17 =	vld.idx.msk [tilespmem:v19+s10+$0x0], $0xffff  }
0x22b: {  	v19 =	vld [tilespmem:s31+$0xFFFFE070]  }
0x22c: {  	v24 =	vld [tilespmem:s31+$0x70]  }
0x22d: {  	v20 =	vld [tilespmem:s31+$0xFFFFE060]  }
0x22e: {  	v21 =	vld [tilespmem:s31+$0x60]  }
0x22f: {  	v22 =	vld [tilespmem:s31+$0xFFFFE050]  }
0x230: {  	v23 =	vld [tilespmem:s31+$0x50]  }
0x231: {  	v25 =	vld [tilespmem:s31+$0xFFFFE040]  }
0x232: {  	v26 =	vld [tilespmem:s31+$0x40]  }
0x233: {  	v28 =	vld [tilespmem:s31+$0xFFFFE020]  }
0x234: {  	v29 =	vld [tilespmem:s31+$0xFFFFE000]  }
0x235: {  	v30 =	vld [tilespmem:s31+$0x0]  }
0x236: {  	v31 =	vld [tilespmem:s31+$0xFFFFE010]  }
0x237: {  	v48 =	vld [tilespmem:s31+$0x10]  }
0x238: {  	v49 =	vld [tilespmem:s31+$0x20]  }
0x239: {  	v27 =	vld [tilespmem:s31+$0xFFFFE030];
	v50 =	vmul.f32 v19, v18;
	v51 =	vmul.f32 v20, v18  }
0x23a: {  	v19 =	vld [tilespmem:s26+$0xFFFFFF90];
	v20 =	vmul.f32 v29, v18;
	v29 =	vmul.f32 v30, v17  }
0x23b: {  	v30 =	vld [tilespmem:s31+$0x30];
	v52 =	vmul.f32 v21, v17;
	v53 =	vmul.f32 v22, v18  }
0x23c: {  	v21 =	vld [tilespmem:s26+$0xFFFFFFA0];
	v22 =	vmul.f32 v31, v18;
	v28 =	vmul.f32 v28, v18  }
0x23d: {  	v31 =	vld [tilespmem:s26+$0xFFFFFFB0];
	v33 =	vmul.f32 v49, v17;
	v20 =	vadd.f32 v29, v20;
	v29 =	vmul.f32 v48, v17  }
0x23e: {  	v54 =	vimm.f32 $-1.000000000e+00;
	v55 =	vld [tilespmem:s26+$0x0];
	v25 =	vmul.f32 v25, v18;
	v23 =	vmul.f32 v23, v17  }
0x23f: {  	v56 =	vld [tilespmem:s26+$0xFFFFFFD0];
	v62 =	vmul.f32 v24, v17;
	v19 =	vsub.f32 v19, v20;
	v20 =	vadd.f32 v29, v22  }
0x240: {  	s31 =	sadd.s32 $0x400, s31;
	v28 =	vadd.f32 v33, v28;
	v57 =	vadd.f32 v23, v53;
	v29 =	vld [tilespmem:s26+$0xFFFFFFC0];
	v22 =	vmul.f32 v27, v18  }
0x241: {  	v24 =	vld [tilespmem:s31+$0x40];
	v27 =	vmul.f32 v30, v17;
	v19 =	vand.u32 $0x7FFFFFFF, v19;
	v20 =	vsub.f32 v21, v20  }
0x242: {  	v23 =	vld [tilespmem:s31+$0x50];
	v28 =	vsub.f32 v31, v28;
	v21 =	vmul.f32 v26, v17;
	vm0 =	vgt.f32 v19, v54  }
0x243: {  	v26 =	vadd.f32 v27, v22;
	v27 =	vld [tilespmem:s26+$0xFFFFFFE0];
	v31 =	vsel vm0, v19, v54;
	v20 =	vand.u32 $0x7FFFFFFF, v20  }
0x244: {  	v39 =	vimm.s32 $0x0;
	v30 =	vld [tilespmem:s26+$0xFFFFFFF0];
	v25 =	vadd.f32 v21, v25;
	vm1 =	vgt.f32 v20, v31  }
0x245: {  	s6 =	simm.s32 $0x0;
	v22 =	vld [tilespmem:s31+$0xFFFFE070];
	v28 =	vand.u32 $0x7FFFFFFF, v28;
	v26 =	vsub.f32 v29, v26;
	v29 =	vsel vm1, v20, v31  }
0x246: {  	s7 =	simm.s32 $0x1;
	v19 =	vld [tilespmem:s31+$0x70];
	v31 =	vsel vm0, s6, v39;
	v33 =	vsub.f32 v56, v25;
	vm0 =	vgt.f32 v28, v29  }
0x247: {  	v21 =	vld [tilespmem:s31+$0xFFFFE060];
	v31 =	vsel vm1, s7, v31;
	v28 =	vsel vm0, v28, v29;
	v29 =	vand.u32 $0x7FFFFFFF, v26  }
0x248: {  	s12 =	simm.s32 $0x2;
	v20 =	vld [tilespmem:s31+$0x60];
	v32 =	vsub.f32 v27, v57;
	v27 =	vadd.f32 v52, v51;
	vm1 =	vgt.f32 v29, v28  }
0x249: {  	v25 =	vld [tilespmem:s31+$0xFFFFE050];
	v31 =	vsel vm0, s12, v31;
	v28 =	vsel vm1, v29, v28;
	v29 =	vand.u32 $0x7FFFFFFF, v33  }
0x24a: {  	s2 =	simm.s32 $0x3;
	v26 =	vld [tilespmem:s31+$0xFFFFE040];
	v35 =	vsub.f32 v30, v27;
	v32 =	vand.u32 $0x7FFFFFFF, v32;
	vm0 =	vgt.f32 v29, v28  }
0x24b: {  	v27 =	vld [tilespmem:s31+$0xFFFFE030];
	v30 =	vsel vm1, s2, v31;
	v31 =	vadd.f32 v62, v50;
	v28 =	vsel vm0, v29, v28  }
0x24c: {  	s5 =	sshll.u32 s29, $0x7;
	s6 =	simm.s32 $0x4;
	v34 =	vand.u32 $0x7FFFFFFF, v35;
	v29 =	vld [tilespmem:s31+$0xFFFFE020];
	vm1 =	vgt.f32 v32, v28  }
0x24d: {  	s1 =	sand.u32 $0x380, s5;
	s5 =	simm.s32 $0x17;
	s7 =	simm.s32 $0x5;
	v63 =	vsel vm0, s6, v30;
	v30 =	vld [tilespmem:s31+$0xFFFFE000];
	v33 =	vsel vm1, v32, v28;
	v32 =	vsub.f32 v55, v31  }
0x24e: {  	s12 =	simm.s32 $0x7;
	s2 =	simm.s32 $0xF;
	s6 =	simm.s32 $0x6;
	v28 =	vsel vm1, s7, v63;
	v31 =	vld [tilespmem:s31+$0x0];
	vm0 =	vgt.f32 v34, v33  }
.LBB2_18:
0x24f: {  	p1 =	sne.s32 s5, $0x1F;
	v35 =	vld [tilespmem:s31+$0xFFFFE010];
	v33 =	vsel vm0, v34, v33;
	v28 =	vsel vm0, s6, v28;
	v32 =	vand.u32 $0x7FFFFFFF, v32  }
0x250: {  	v36 =	vmul.f32 v22, v18;
	v34 =	vld [tilespmem:s31+$0x10];
	vm0 =	vgt.f32 v32, v33  }
0x251: {  	v37 =	vmul.f32 v19, v17;
	s26 =	sadd.s32 $0x400, s26;
	v22 =	vld [tilespmem:s31+$0x20];
	v19 =	vsel vm0, v32, v33;
	v28 =	vsel vm0, s12, v28;
	s12 =	smov.u32 s2;
	s2 =	smov.u32 s5  }
0x252: {  	v38 =	vmul.f32 v20, v17;
	v33 =	vmul.f32 v21, v18;
	v32 =	vld [tilespmem:s26+$0xFFFFFF90]  }
0x253: {  	v20 =	vmul.f32 v30, v18;
	v21 =	vmul.f32 v31, v17;
	v30 =	vld [tilespmem:s31+$0x30]  }
0x254: {  	v25 =	vmul.f32 v25, v18;
	v23 =	vmul.f32 v23, v17;
	v31 =	vld [tilespmem:s26+$0xFFFFFFA0]  }
0x255: {  	v20 =	vadd.f32 v21, v20;
	v21 =	vmul.f32 v35, v18;
	v34 =	vmul.f32 v34, v17;
	v35 =	vld [tilespmem:s26+$0xFFFFFFB0]  }
0x256: {  	v29 =	vmul.f32 v29, v18;
	v22 =	vmul.f32 v22, v17;
	v39 =	vld [tilespmem:s26+$0x0]  }
0x257: {  	v26 =	vmul.f32 v26, v18;
	v20 =	vsub.f32 v32, v20;
	v21 =	vadd.f32 v34, v21;
	v32 =	vld [tilespmem:s26+$0xFFFFFFC0]  }
0x258: {  	v27 =	vmul.f32 v27, v18;
	v22 =	vadd.f32 v22, v29;
	v29 =	vmul.f32 v30, v17;
	v30 =	vld [tilespmem:s26+$0xFFFFFFF0]  }
0x259: {  	v24 =	vmul.f32 v24, v17;
	v20 =	vand.u32 $0x7FFFFFFF, v20;
	v21 =	vsub.f32 v31, v21;
	v31 =	vld [tilespmem:s26+$0xFFFFFFD0]  }
0x25a: {  	s6 =	sadd.s32 $0xFFFFFFF9, s12;
	s31 =	sadd.s32 $0x400, s31;
	vm0 =	vgt.f32 v20, v19;
	v34 =	vsub.f32 v35, v22;
	v27 =	vadd.f32 v29, v27;
	v29 =	vld [tilespmem:s26+$0xFFFFFFE0]  }
0x25b: {  	v22 =	vld [tilespmem:s31+$0xFFFFE070];
	v20 =	vsel vm0, v20, v19;
	v28 =	vsel vm0, s6, v28;
	v35 =	vand.u32 $0x7FFFFFFF, v21  }
0x25c: {  	v24 =	vadd.f32 v24, v26;
	s6 =	sadd.s32 $0xFFFFFFFA, s12;
	v19 =	vld [tilespmem:s31+$0x70];
	vm0 =	vgt.f32 v35, v20;
	v27 =	vsub.f32 v32, v27  }
0x25d: {  	v32 =	vand.u32 $0x7FFFFFFF, v34;
	v21 =	vld [tilespmem:s31+$0xFFFFE060];
	v26 =	vsel vm0, v35, v20;
	v28 =	vsel vm0, s6, v28  }
0x25e: {  	s6 =	sadd.s32 $0xFFFFFFFB, s12;
	v20 =	vld [tilespmem:s31+$0x60];
	vm0 =	vgt.f32 v32, v26;
	v24 =	vsub.f32 v31, v24;
	v31 =	vadd.f32 v23, v25  }
0x25f: {  	v27 =	vand.u32 $0x7FFFFFFF, v27;
	v25 =	vld [tilespmem:s31+$0xFFFFE050];
	v32 =	vsel vm0, v32, v26;
	v28 =	vsel vm0, s6, v28  }
0x260: {  	s6 =	sadd.s32 $0xFFFFFFFC, s12;
	v23 =	vld [tilespmem:s31+$0x50];
	vm0 =	vgt.f32 v27, v32;
	v29 =	vsub.f32 v29, v31;
	v31 =	vadd.f32 v38, v33  }
0x261: {  	v33 =	vand.u32 $0x7FFFFFFF, v24;
	v26 =	vld [tilespmem:s31+$0xFFFFE040];
	v32 =	vsel vm0, v27, v32;
	v28 =	vsel vm0, s6, v28  }
.Ltmp7:
0x262: {  	s6 =	sadd.s32 $0xFFFFFFFD, s12;
	v24 =	vld [tilespmem:s31+$0x40];
	vm0 =	vgt.f32 v33, v32;
	v31 =	vsub.f32 v30, v31;
	v30 =	vadd.f32 v37, v36;
	(pc) =	sbr.rel @p1 .LBB2_18-.Ltmp7, $4  }
0x263: {  	v34 =	vand.u32 $0x7FFFFFFF, v29;
	v27 =	vld [tilespmem:s31+$0xFFFFE030];
	v33 =	vsel vm0, v33, v32;
	v28 =	vsel vm0, s6, v28  }
0x264: {  	s6 =	sadd.s32 $0xFFFFFFFE, s12;
	v29 =	vld [tilespmem:s31+$0xFFFFE020];
	vm0 =	vgt.f32 v34, v33;
	v32 =	vsub.f32 v39, v30  }
0x265: {  	v30 =	vld [tilespmem:s31+$0xFFFFE000];
	v33 =	vsel vm0, v34, v33;
	v28 =	vsel vm0, s6, v28;
	v34 =	vand.u32 $0x7FFFFFFF, v31  }
0x266: {  	s5 =	sadd.s32 $0x8, s5;
	s6 =	sadd.s32 $0xFFFFFFFF, s12;
	v31 =	vld [tilespmem:s31+$0x0];
	vm0 =	vgt.f32 v34, v33  }
0x267: {  	v35 =	vld [tilespmem:s31+$0xFFFFE010]  }
0x268: {  	v36 =	vld [tilespmem:s31+$0x10]  }
0x269: {  	v37 =	vld [tilespmem:s31+$0x20];
	s5 =	sadd.s32 $0x400, s26  }
0x26a: {  	v33 =	vsel vm0, v34, v33;
	v22 =	vmul.f32 v22, v18;
	v38 =	vld [tilespmem:s5+$0xFFFFFF90]  }
0x26b: {  	v32 =	vand.u32 $0x7FFFFFFF, v32;
	v45 =	vld [tilespmem:s31+$0x30];
	v30 =	vmul.f32 v30, v18;
	v31 =	vmul.f32 v31, v17  }
0x26c: {  	v21 =	vmul.f32 v21, v18;
	v25 =	vmul.f32 v25, v18;
	vm1 =	vgt.f32 v32, v33;
	v46 =	vld [tilespmem:s5+$0xFFFFFFA0]  }
0x26d: {  	v47 =	vmul.f32 v35, v18;
	v48 =	vmul.f32 v36, v17;
	v30 =	vadd.f32 v31, v30  }
0x26e: {  	v26 =	vmul.f32 v26, v18;
	v49 =	vld [tilespmem:s5+$0xFFFFFFB0];
	v32 =	vsel vm1, v32, v33;
	v29 =	vmul.f32 v29, v18  }
0x26f: {  	v37 =	vmul.f32 v37, v17;
	v33 =	vadd.f32 v48, v47;
	v30 =	vsub.f32 v38, v30  }
0x270: {  	v50 =	vld [tilespmem:s5+$0xFFFFFFC0];
	v18 =	vmul.f32 v27, v18;
	v51 =	vmul.f32 v45, v17  }
0x271: {  	v29 =	vadd.f32 v37, v29;
	v31 =	vsub.f32 v46, v33;
	v30 =	vand.u32 $0x7FFFFFFF, v30  }
0x272: {  	v24 =	vmul.f32 v24, v17;
	v52 =	vld [tilespmem:s5+$0xFFFFFFD0];
	v18 =	vadd.f32 v51, v18;
	vm2 =	vgt.f32 v30, v32  }
0x273: {  	v29 =	vsub.f32 v49, v29;
	v54 =	vand.u32 $0x7FFFFFFF, v31;
	v53 =	vsel vm2, v30, v32  }
0x274: {  	v23 =	vmul.f32 v23, v17;
	v55 =	vld [tilespmem:s5+$0xFFFFFFE0];
	v24 =	vadd.f32 v24, v26;
	vm3 =	vgt.f32 v54, v53  }
0x275: {  	v56 =	vld [tilespmem:s5+$0xFFFFFFF0];
	v18 =	vsub.f32 v50, v18;
	v29 =	vand.u32 $0x7FFFFFFF, v29;
	v27 =	vsel vm3, v54, v53  }
0x276: {  	v20 =	vmul.f32 v20, v17;
	v23 =	vadd.f32 v23, v25;
	vm4 =	vgt.f32 v29, v27  }
0x277: {  	v24 =	vsub.f32 v52, v24;
	v18 =	vand.u32 $0x7FFFFFFF, v18;
	v57 =	vsel vm4, v29, v27  }
0x278: {  	v20 =	vadd.f32 v20, v21;
	v17 =	vmul.f32 v19, v17;
	v19 =	vld [tilespmem:s5+$0x0];
	vm5 =	vgt.f32 v18, v57  }
0x279: {  	v62 =	vsub.f32 v55, v23;
	v63 =	vand.u32 $0x7FFFFFFF, v24;
	v18 =	vsel vm5, v18, v57  }
0x27a: {  	v20 =	vsub.f32 v56, v20;
	vm6 =	vgt.f32 v63, v18  }
0x27b: {  	v17 =	vadd.f32 v17, v22;
	v21 =	vand.u32 $0x7FFFFFFF, v62;
	v18 =	vsel vm6, v63, v18  }
0x27c: {  	vm7 =	vgt.f32 v21, v18  }
0x27d: {  	v17 =	vsub.f32 v19, v17;
	v19 =	vand.u32 $0x7FFFFFFF, v20;
	v18 =	vsel vm7, v21, v18  }
0x27e: {  	vm8 =	vgt.f32 v19, v18  }
0x27f: {  	v17 =	vand.u32 $0x7FFFFFFF, v17;
	v18 =	vsel vm8, v19, v18  }
0x280: {  	v19 =	vsel vm0, s6, v28;
	vm12 =	vgt.f32 v17, v18  }
0x281: {  	s6 =	sadd.s32 $0xFFFFFFF9, s2;
	v19 =	vsel vm1, s12, v19;
	v17 =	vsel vm12, v17, v18  }
0x282: {  	s7 =	sadd.s32 $0xFFFFFFFA, s2;
	v18 =	vsel vm2, s6, v19;
	(xrf0) =	vmax.scan.msk.f32 $0xffff, v17  }
0x283: {  	s12 =	sadd.s32 $0xFFFFFFFB, s2;
	v18 =	vsel vm3, s7, v18  }
0x284: {  	s26 =	sadd.s32 $0xFFFFFFFC, s2;
	v18 =	vsel vm4, s12, v18  }
0x285: {  	s31 =	sadd.s32 $0xFFFFFFFD, s2;
	v18 =	vsel vm5, s26, v18  }
0x286: {  	s6 =	sadd.s32 $0xFFFFFFFE, s2;
	v18 =	vsel vm6, s31, v18  }
0x287: {  	s7 =	sadd.s32 $0xFFFFFFFF, s2;
	v18 =	vsel vm7, s6, v18  }
0x288: {  	v18 =	vsel vm8, s7, v18;
	v19, _, _ =	vpop (xrf0)  }
0x289: {  	v18 =	vsel vm12, s2, v18;
	v19 =	vbroadcast v19, $0xF  }
0x28a: {  	v18 =	vshll.u32 v18, $0x4  }
0x28b: {  	vm13 =	veq.f32 v17, v19;
	v17 =	vxor.u32 v1, v18  }
0x28c: {  	v17 =	vnsel vm13, $0x80000200, v17  }
0x28d: {  	(xrf0) =	vmin.scan.msk.u32 $0xffff, v17;
	_ =	sdelay $0x5  }
0x28e: {  	v17, _, _ =	vpop (xrf0)  }
0x28f: {  	(v2sf) =	vpush v17, $0xF;
	_ =	sdelay $0xe  }
0x290: {  	s2 =	spop (v2sf)  }
0x291: {  	s12 =	sshll.u32 s2, $0x9;
	s26 =	sshll.u32 s2, $0x7  }
0x292: {  	s5 =	sand.u32 $0xFFFFF000, s12;
	s6 =	sand.u32 $0x380, s26  }
0x293: {  	s5 =	sor.u32 s6, s5  }
0x294: {  	s1 =	sadd.s32 s1, s30;
	s28 =	sxor.u32 $0x80000000, s28;
	s5 =	sshrl.u32 s5, $0x3  }
0x295: {  	p1 =	slt.u32 s22, $0xE;
	s25 =	sadd.s32 $0x400, s25;
	s5 =	sadd.s32 s0, s5  }
0x296: {  	[tilespmem:s1], [sflag:$0x2] =	stream.linear.gather [hbm4b:s5+s3], $0x80, $0x38;
	[tilespmem:$0x10000] =	vst v63  }
0x297: {  	s24 =	sadd.s32 $0x1, s24;
	s7 =	sadd.s32 $0x400, s1;
	s31 =	sadd.s32 $0x80, s5  }
0x298: {  	[tilespmem:s7], [sflag:$0x2] =	stream.linear.gather [hbm4b:s31+s3], $0x80, $0x38;
	[tilespmem:$0x10000] =	vst v63  }
.Ltmp8:
0x299: {  	s23 =	sadd.s32 $0x2, s23;
	s30 =	sxor.u32 $0x80000000, s2;
	(pc) =	sbr.rel @p1 .LBB2_15-.Ltmp8, $4  }
0x29a: {  	v17 =	vmov s22;
	s26 =	sadd.s32 $0x800, s1;
	s12 =	sadd.s32 $0x100, s5;
	s31 =	sadd.s32 $0x2, s22  }
0x29b: {  	vm14 =	veq.s32 v17, v0;
	v17 =	vmov s29;
	[tilespmem:s26], [sflag:$0x2] =	stream.linear.gather [hbm4b:s12+s3], $0x80, $0x38;
	[tilespmem:$0x10000] =	vst v63  }
0x29c: {  	v15 =	vsel vm14, s28, v15;
	vm15 =	veq.s32 v17, v0;
	s5 =	sadd.s32 $0x180, s5;
	s1 =	sadd.s32 $0xC00, s1;
	s22 =	smov.u32 s31  }
0x29d: {  	v15 =	vsel vm15, s30, v15;
	[tilespmem:s1], [sflag:$0x2] =	stream.linear.gather [hbm4b:s5+s3], $0x80, $0x38;
	[tilespmem:$0x10000] =	vst v63  }
0x29e: {  	v16 =	vshll.u32 v15, $0x3  }
0x29f: {  	v16 =	vand.u32 $0xFFFFFC00, v16  }
0x2a0: {  	v17 =	vand.u32 $0x7F, v15;
	v18 =	vadd.s32 v3, v16  }
0x2a1: {  	v18 =	vor.u32 v17, v18  }
0x2a2: {  	v16 =	vor.u32 v17, v16;
	v18 =	vor.u32 v58, v18  }
0x2a3: {  	v17 =	vadd.s32 v59, v16;
	_ =	sdelay $0x1  }
0x2a4: {  	v16 =	vadd.s32 v60, v16  }
0x2a5: {  	s23 =	simm.s32 $0x0;
	s1 =	sor.u32 $0xE100, s16  }
0x2a6: {  	v18 =	vld.idx.msk [tilespmem:v18+s23+$0x0], $0xffff;
	[tilespmem:s1+$0x0] =	vst v15  }
0x2a7: {  	v15 =	vld.idx.msk [tilespmem:v17+s11+$0x0], $0xffff;
	_ =	sdelay $0x1  }
0x2a8: {  	v16 =	vld.idx.msk [tilespmem:v16+s11+$0x0], $0xffff;
	_ =	sdelay $0x2  }
0x2a9: {  	v17 =	vmul.f32 v15, v10;
	_ =	sdelay $0x1  }
0x2aa: {  	v16 =	vsub.f32 v16, v17;
	_ =	sdelay $0x1  }
0x2ab: {  	v16 =	vmul.f32 v16, v7;
	_ =	sdelay $0x1  }
0x2ac: {  	v17 =	vmul.f32 v16, v16;
	_ =	sdelay $0x1  }
0x2ad: {  	v19 =	vmul.f32 v15, v15;
	v17 =	vmul.f32 v17, v6;
	_ =	sdelay $0x1  }
0x2ae: {  	v17 =	vadd.f32 v17, v19;
	_ =	sdelay $0x1  }
0x2af: {  	v17 =	vsub.f32 $1.000000000e+00, v17;
	_ =	sdelay $0x1  }
0x2b0: {  	v11 =	vmax.f32 v17, $9.999999960e-13  }
0x2b1: {  	(erf) = vrcp.f32 v11;
	_ =	sdelay $0x3  }
0x2b2: {  	v17 =	vmul.f32 v15, v2;
	_ =	sdelay $0x1  }
0x2b3: {  	v17 =	vsub.f32 v18, v17;
	v18 =	vmul.f32 v16, v5;
	_ =	sdelay $0x1  }
0x2b4: {  	v9 =	vsub.f32 v17, v18  }
0x2b5: {  	v12 =	vpop (erf)  }
0x2b6: {  	v8 =	vmul.f32 v12, v9;
	_ =	sdelay $0x1  }
0x2b7: {  	v21 =	vmul.f32 v8, v16;
	_ =	sdelay $0x1  }
0x2b8: {  	v21 =	vsub.f32 v4, v21;
	_ =	sdelay $0x1  }
0x2b9: {  	v22 =	vmul.f32 v21, v10;
	_ =	sdelay $0x1  }
0x2ba: {  	v23 =	vmul.f32 v8, v15;
	v22 =	vsub.f32 v2, v22  }
0x2bb: {  	s31 =	sor.u32 $0xF100, s16  }
0x2bc: {  	[tilespmem:s31+$0x0] =	vst v8;
	v22 =	vsub.f32 v22, v23  }
0x2bd: {  	[tilespmem:s18+$0xF000] =	vst v21  }
0x2be: {  	[tilespmem:s16+$0xF000] =	vst v22  }
0x2bf: {  	_ =	swait.ge [sflag:s9], $0x2000  }
0x2c0: {  	s22 =	sor.u32 $0x100, s16;
	s24 =	simm.s32 $0x0;
	[sflag:s9] =	ssyncset.done $0x0  }
0x2c1: {  	s25 =	simm.s32 $0x0;
	s26 =	simm.s32 $0x0;
	v21 =	vimm.s32 $0x0;
	v22 =	vimm.s32 $0x0;
	[sflag:s9] =	ssyncadd.s32 $0xFFFFE000  }
.LBB2_21:
0x2c2: {  	s1 =	sor.u32 s17, s23;
	s5 =	sshll.u32 s26, $0x2;
	s2 =	sand.u32 $0x3, s25  }
0x2c3: {  	v23 =	vmov s1;
	s1 =	sand.u32 $0xFFFFC000, s5;
	s2 =	sshll.u32 s2, $0xA  }
0x2c4: {  	s2 =	sor.u32 s2, s1  }
0x2c5: {  	s5 =	sshrl.u32 s2, $0x2  }
0x2c6: {  	s2 =	sadd.s32 $0x6040, s5  }
0x2c7: {  	v27 =	vld [tilespmem:s2+$0x2020]  }
0x2c8: {  	v28 =	vld [tilespmem:s2+$0xFFFFE030]  }
0x2c9: {  	v29 =	vld [tilespmem:s2+$0x30]  }
0x2ca: {  	v30 =	vld [tilespmem:s2+$0x2010]  }
0x2cb: {  	v31 =	vld [tilespmem:s2+$0xFFFFE020]  }
0x2cc: {  	v32 =	vld [tilespmem:s2+$0x20]  }
0x2cd: {  	v33 =	vld [tilespmem:s2+$0x2000]  }
0x2ce: {  	v34 =	vld [tilespmem:s2+$0xFFFFE010]  }
0x2cf: {  	v35 =	vld [tilespmem:s2+$0x10]  }
0x2d0: {  	v36 =	vld [tilespmem:s2+$0xFFFFE000]  }
0x2d1: {  	v24 =	vshll.u32 v23, $0x3;
	v37 =	vld [tilespmem:s2+$0x0]  }
0x2d2: {  	v23 =	vand.u32 $0x7E, v23;
	v24 =	vand.u32 $0xC00, v24;
	v38 =	vld [tilespmem:s2+$0x1FE0]  }
0x2d3: {  	v23 =	vor.u32 v23, v24;
	v39 =	vld [tilespmem:s2+$0xFFFFDFF0]  }
0x2d4: {  	v40 =	vld [tilespmem:s2+$0xFFFFDFE0]  }
0x2d5: {  	v41 =	vld [tilespmem:s2+$0x1FC0]  }
0x2d6: {  	v42 =	vld [tilespmem:s2+$0xFFFFDFC0]  }
0x2d7: {  	v24 =	vor.u32 $0x80, v23;
	v43 =	vld [tilespmem:s2+$0xFFFFFFC0]  }
0x2d8: {  	v25 =	vld.idx.msk [tilespmem:v23+s10+$0x0], $0xffff  }
0x2d9: {  	v26 =	vor.u32 $0x100, v23;
	v44 =	vld [tilespmem:s2+$0xFFFFDFD0]  }
0x2da: {  	v45 =	vld [tilespmem:s2+$0xFFFFFFD0]  }
0x2db: {  	v46 =	vld [tilespmem:s2+$0xFFFFFFE0]  }
0x2dc: {  	v24 =	vld.idx.msk [tilespmem:v24+s10+$0x0], $0xffff  }
0x2dd: {  	v47 =	vld [tilespmem:s2+$0x1FD0];
	v28 =	vmul.f32 v28, v25  }
0x2de: {  	v23 =	vld.idx.msk [tilespmem:v26+s10+$0x0], $0xffff;
	v31 =	vmul.f32 v31, v25;
	v42 =	vmul.f32 v42, v25  }
0x2df: {  	s28 =	sadd.s32 s5, s19;
	v48 =	vld [tilespmem:s2+$0xFFFFFFF0];
	v34 =	vmul.f32 v34, v25;
	v36 =	vmul.f32 v36, v25  }
0x2e0: {  	v49 =	vld [tilespmem:s28+$0xFFFFFFC0];
	v44 =	vmul.f32 v44, v25;
	v40 =	vmul.f32 v40, v25  }
0x2e1: {  	v51 =	vld [tilespmem:s2+$0x1FF0];
	v39 =	vmul.f32 v39, v25;
	v29 =	vmul.f32 v29, v24  }
0x2e2: {  	v52 =	vld [tilespmem:s28+$0xFFFFFFD0];
	v32 =	vmul.f32 v32, v24;
	v43 =	vmul.f32 v43, v24  }
0x2e3: {  	v50 =	vimm.f32 $-1.000000000e+00;
	v53 =	vld [tilespmem:s28+$0xFFFFFFE0];
	v33 =	vmul.f32 v33, v23;
	v38 =	vmul.f32 v38, v23  }
0x2e4: {  	v55 =	vld [tilespmem:s28+$0xFFFFFFF0];
	v41 =	vmul.f32 v41, v23;
	v45 =	vmul.f32 v45, v24;
	v42 =	vadd.f32 v43, v42  }
0x2e5: {  	v57 =	vld [tilespmem:s28+$0x0];
	v46 =	vmul.f32 v46, v24;
	v54 =	vmul.f32 v47, v23;
	v31 =	vadd.f32 v32, v31  }
0x2e6: {  	s29 =	sadd.s32 $0x400, s2;
	v26 =	vld [tilespmem:s2+$0x2030];
	v56 =	vmul.f32 v48, v24;
	v44 =	vadd.f32 v45, v44;
	v41 =	vadd.f32 v41, v42  }
0x2e7: {  	v37 =	vmul.f32 v37, v24;
	v48 =	vld [tilespmem:s29+$0x2020];
	v28 =	vadd.f32 v29, v28;
	v29 =	vadd.f32 v46, v40  }
0x2e8: {  	v35 =	vmul.f32 v35, v24;
	v46 =	vld [tilespmem:s28+$0x20];
	v44 =	vadd.f32 v54, v44;
	v41 =	vsub.f32 v49, v41  }
0x2e9: {  	v63 =	vmul.f32 v51, v23;
	v62 =	vadd.f32 v56, v39;
	v39 =	vld [tilespmem:s28+$0x10];
	v36 =	vadd.f32 v37, v36  }
0x2ea: {  	v32 =	vld [tilespmem:s29+$0xFFFFE020];
	v29 =	vadd.f32 v38, v29;
	v43 =	vsub.f32 v52, v44;
	v41 =	vand.u32 $0x7FFFFFFF, v41  }
0x2eb: {  	v34 =	vadd.f32 v35, v34;
	v35 =	vld [tilespmem:s29+$0x2000];
	v40 =	vadd.f32 v63, v62;
	vm0 =	vgt.f32 v41, v50  }
0x2ec: {  	v37 =	vld [tilespmem:s29+$0xFFFFE010];
	v29 =	vsub.f32 v53, v29;
	v43 =	vand.u32 $0x7FFFFFFF, v43;
	v41 =	vsel vm0, v41, v50  }
0x2ed: {  	v30 =	vmul.f32 v30, v23;
	v45 =	vld [tilespmem:s29+$0xFFFFFFC0];
	v33 =	vadd.f32 v33, v36;
	vm1 =	vgt.f32 v43, v41  }
0x2ee: {  	v42 =	vld [tilespmem:s28+$0x30];
	v53 =	vsub.f32 v55, v40;
	v29 =	vand.u32 $0x7FFFFFFF, v29;
	v54 =	vsel vm1, v43, v41  }
0x2ef: {  	v27 =	vmul.f32 v27, v23;
	v30 =	vadd.f32 v30, v34;
	v34 =	vld [tilespmem:s29+$0x20];
	vm10 =	vgt.f32 v29, v54  }
0x2f0: {  	v44 =	vld [tilespmem:s29+$0x2030];
	v33 =	vsub.f32 v57, v33;
	v57 =	vand.u32 $0x7FFFFFFF, v53;
	v29 =	vsel vm10, v29, v54  }
0x2f1: {  	v26 =	vmul.f32 v26, v23;
	v27 =	vadd.f32 v27, v31;
	v49 =	vld [tilespmem:s29+$0xFFFFE030];
	vm11 =	vgt.f32 v57, v29  }
0x2f2: {  	v52 =	vld [tilespmem:s29+$0x30];
	v30 =	vsub.f32 v39, v30;
	v31 =	vand.u32 $0x7FFFFFFF, v33;
	v29 =	vsel vm11, v57, v29  }
0x2f3: {  	s6 =	simm.s32 $0x0;
	v26 =	vadd.f32 v26, v28;
	v55 =	vld [tilespmem:s29+$0x2010];
	v27 =	vsub.f32 v46, v27;
	vm12 =	vgt.f32 v31, v29  }
0x2f4: {  	s7 =	simm.s32 $0x1;
	v40 =	vld [tilespmem:s29+$0xFFFFDFF0];
	v56 =	vsel vm0, s6, v22;
	s6 =	sand.u32 $0x7, s24;
	v28 =	vsel vm12, v31, v29;
	v29 =	vand.u32 $0x7FFFFFFF, v30  }
0x2f5: {  	s12 =	simm.s32 $0x2;
	v39 =	vld [tilespmem:s29+$0xFFFFE000];
	v26 =	vsub.f32 v42, v26;
	v62 =	vsel vm1, s7, v56;
	s7 =	sshll.u32 s6, $0x9;
	vm13 =	vgt.f32 v29, v28  }
0x2f6: {  	s5 =	simm.s32 $0x3;
	v33 =	vld [tilespmem:s29+$0x10];
	v27 =	vand.u32 $0x7FFFFFFF, v27;
	s1 =	sor.u32 s7, s1;
	v63 =	vsel vm10, s12, v62;
	v28 =	vsel vm13, v29, v28  }
0x2f7: {  	v42 =	vld [tilespmem:s29+$0xFFFFDFE0];
	v36 =	vmul.f32 v49, v25;
	s12 =	simm.s32 $0x4;
	s7 =	sshrl.u32 s1, $0x2;
	v31 =	vsel vm11, s5, v63;
	vm14 =	vgt.f32 v27, v28  }
0x2f8: {  	v41 =	vld [tilespmem:s29+$0x1FE0];
	s6 =	simm.s32 $0x5;
	s1 =	sadd.s32 $0x4000, s7;
	v29 =	vsel vm12, s12, v31;
	v27 =	vsel vm14, v27, v28;
	v28 =	vand.u32 $0x7FFFFFFF, v26  }
0x2f9: {  	v38 =	vmul.f32 v52, v24;
	v43 =	vld [tilespmem:s29+$0x1FC0];
	s2 =	sadd.s32 s7, s20;
	s12 =	simm.s32 $0x6;
	v29 =	vsel vm13, s6, v29;
	s6 =	sshll.u32 s23, $0x9;
	vm15 =	vgt.f32 v28, v27  }
0x2fa: {  	s7 =	simm.s32 $0x7;
	v30 =	vld [tilespmem:s29+$0x0];
	v29 =	vsel vm14, s12, v29;
	v26 =	vmul.f32 v44, v23;
	s30 =	sand.u32 $0x1000, s6;
	s6 =	sshll.u32 s23, $0x7;
	v31 =	vsel vm15, v28, v27  }
0x2fb: {  	s5 =	simm.s32 $0x17;
	v44 =	vld [tilespmem:s29+$0xFFFFDFC0];
	s12 =	simm.s32 $0xF;
	s31 =	sand.u32 $0x300, s6;
	v27 =	vmul.f32 v48, v23;
	v28 =	vsel vm15, s7, v29;
	v29 =	vmul.f32 v55, v23  }
.LBB2_22:
0x2fc: {  	p1 =	sne.s32 s5, $0x1F;
	v46 =	vld [tilespmem:s29+$0xFFFFDFD0];
	v32 =	vmul.f32 v32, v25;
	v34 =	vmul.f32 v34, v24  }
0x2fd: {  	v35 =	vmul.f32 v35, v23;
	v37 =	vmul.f32 v37, v25;
	v47 =	vld [tilespmem:s29+$0xFFFFFFD0]  }
0x2fe: {  	v39 =	vmul.f32 v39, v25;
	v33 =	vmul.f32 v33, v24;
	v48 =	vld [tilespmem:s29+$0xFFFFFFE0]  }
0x2ff: {  	v41 =	vmul.f32 v41, v23;
	v40 =	vmul.f32 v40, v25;
	v49 =	vld [tilespmem:s29+$0x1FD0]  }
0x300: {  	s28 =	sadd.s32 $0x400, s28;
	v44 =	vmul.f32 v44, v25;
	v45 =	vmul.f32 v45, v24;
	v50 =	vld [tilespmem:s29+$0xFFFFFFF0]  }
0x301: {  	v42 =	vmul.f32 v42, v25;
	v43 =	vmul.f32 v43, v23;
	v51 =	vld [tilespmem:s28+$0xFFFFFFC0]  }
0x302: {  	v44 =	vadd.f32 v45, v44;
	v45 =	vmul.f32 v46, v25;
	v46 =	vmul.f32 v47, v24;
	v47 =	vld [tilespmem:s29+$0x1FF0]  }
0x303: {  	v36 =	vadd.f32 v38, v36;
	v34 =	vadd.f32 v34, v32;
	v52 =	vld [tilespmem:s28+$0xFFFFFFD0];
	v48 =	vmul.f32 v48, v24  }
0x304: {  	v32 =	vadd.f32 v43, v44;
	v38 =	vadd.f32 v46, v45;
	v43 =	vmul.f32 v49, v23;
	v44 =	vld [tilespmem:s28+$0xFFFFFFE0]  }
0x305: {  	v33 =	vadd.f32 v33, v37;
	v42 =	vadd.f32 v48, v42;
	v45 =	vmul.f32 v50, v24;
	v46 =	vld [tilespmem:s28+$0x30]  }
0x306: {  	v30 =	vmul.f32 v30, v24;
	v32 =	vsub.f32 v51, v32;
	v37 =	vadd.f32 v43, v38;
	v38 =	vld [tilespmem:s28+$0xFFFFFFF0]  }
0x307: {  	v41 =	vadd.f32 v41, v42;
	v40 =	vadd.f32 v45, v40;
	v42 =	vmul.f32 v47, v23;
	v43 =	vld [tilespmem:s28+$0x20]  }
0x308: {  	v30 =	vadd.f32 v30, v39;
	v32 =	vand.u32 $0x7FFFFFFF, v32;
	v37 =	vsub.f32 v52, v37;
	v45 =	vld [tilespmem:s28+$0x0]  }
0x309: {  	s6 =	sadd.s32 $0xFFFFFFF9, s12;
	s29 =	sadd.s32 $0x400, s29;
	vm0 =	vgt.f32 v32, v31;
	v39 =	vsub.f32 v44, v41;
	v40 =	vadd.f32 v42, v40;
	v41 =	vld [tilespmem:s28+$0x10]  }
0x30a: {  	v44 =	vld [tilespmem:s29+$0x2030];
	v31 =	vsel vm0, v32, v31;
	v28 =	vsel vm0, s6, v28;
	v32 =	vand.u32 $0x7FFFFFFF, v37  }
0x30b: {  	v30 =	vadd.f32 v35, v30;
	s6 =	sadd.s32 $0xFFFFFFFA, s12;
	v47 =	vld [tilespmem:s29+$0x2020];
	vm0 =	vgt.f32 v32, v31;
	v37 =	vsub.f32 v38, v40  }
0x30c: {  	v38 =	vld [tilespmem:s29+$0xFFFFE030];
	v31 =	vsel vm0, v32, v31;
	v28 =	vsel vm0, s6, v28;
	v32 =	vand.u32 $0x7FFFFFFF, v39  }
0x30d: {  	v29 =	vadd.f32 v29, v33;
	s6 =	sadd.s32 $0xFFFFFFFB, s12;
	v48 =	vld [tilespmem:s29+$0x30];
	vm0 =	vgt.f32 v32, v31;
	v30 =	vsub.f32 v45, v30  }
0x30e: {  	v33 =	vand.u32 $0x7FFFFFFF, v37;
	v49 =	vld [tilespmem:s29+$0x2010];
	v31 =	vsel vm0, v32, v31;
	v28 =	vsel vm0, s6, v28  }
0x30f: {  	v27 =	vadd.f32 v27, v34;
	s6 =	sadd.s32 $0xFFFFFFFC, s12;
	v29 =	vsub.f32 v41, v29;
	v32 =	vld [tilespmem:s29+$0xFFFFE020];
	vm0 =	vgt.f32 v33, v31  }
0x310: {  	v30 =	vand.u32 $0x7FFFFFFF, v30;
	v34 =	vld [tilespmem:s29+$0x20];
	v31 =	vsel vm0, v33, v31;
	v28 =	vsel vm0, s6, v28  }
0x311: {  	v26 =	vadd.f32 v26, v36;
	v27 =	vsub.f32 v43, v27;
	s6 =	sadd.s32 $0xFFFFFFFD, s12;
	v35 =	vld [tilespmem:s29+$0x2000];
	vm0 =	vgt.f32 v30, v31  }
0x312: {  	v29 =	vand.u32 $0x7FFFFFFF, v29;
	v37 =	vld [tilespmem:s29+$0xFFFFE010];
	v30 =	vsel vm0, v30, v31;
	v28 =	vsel vm0, s6, v28  }
0x313: {  	v26 =	vsub.f32 v46, v26;
	s6 =	sadd.s32 $0xFFFFFFFE, s12;
	v33 =	vld [tilespmem:s29+$0x10];
	vm0 =	vgt.f32 v29, v30  }
0x314: {  	v27 =	vand.u32 $0x7FFFFFFF, v27;
	v39 =	vld [tilespmem:s29+$0xFFFFE000];
	v29 =	vsel vm0, v29, v30;
	v28 =	vsel vm0, s6, v28  }
0x315: {  	s6 =	sadd.s32 $0xFFFFFFFF, s12;
	v30 =	vld [tilespmem:s29+$0x0];
	vm0 =	vgt.f32 v27, v29  }
0x316: {  	v26 =	vand.u32 $0x7FFFFFFF, v26;
	v41 =	vld [tilespmem:s29+$0x1FE0];
	v27 =	vsel vm0, v27, v29;
	v28 =	vsel vm0, s6, v28  }
.Ltmp9:
0x317: {  	v40 =	vld [tilespmem:s29+$0xFFFFDFF0];
	vm0 =	vgt.f32 v26, v27;
	(pc) =	sbr.rel @p1 .LBB2_22-.Ltmp9, $4  }
0x318: {  	v42 =	vld [tilespmem:s29+$0xFFFFDFE0];
	v31 =	vsel vm0, v26, v27;
	v28 =	vsel vm0, s12, v28;
	s12 =	smov.u32 s5  }
0x319: {  	v26 =	vmul.f32 v44, v23;
	v43 =	vld [tilespmem:s29+$0x1FC0]  }
0x31a: {  	v36 =	vmul.f32 v38, v25;
	v27 =	vmul.f32 v47, v23;
	v44 =	vld [tilespmem:s29+$0xFFFFDFC0]  }
0x31b: {  	v38 =	vmul.f32 v48, v24;
	v29 =	vmul.f32 v49, v23;
	s5 =	sadd.s32 $0x8, s5;
	v45 =	vld [tilespmem:s29+$0xFFFFFFC0]  }
0x31c: {  	v46 =	vld [tilespmem:s29+$0xFFFFDFD0]  }
0x31d: {  	v32 =	vmul.f32 v32, v25;
	v47 =	vld [tilespmem:s29+$0xFFFFFFD0]  }
0x31e: {  	v34 =	vmul.f32 v34, v24;
	v35 =	vmul.f32 v35, v23;
	v48 =	vld [tilespmem:s29+$0xFFFFFFE0]  }
0x31f: {  	v37 =	vmul.f32 v37, v25;
	v39 =	vmul.f32 v39, v25;
	v49 =	vld [tilespmem:s29+$0x1FD0]  }
0x320: {  	v50 =	vld [tilespmem:s29+$0xFFFFFFF0];
	s5 =	sadd.s32 $0x400, s28;
	v44 =	vmul.f32 v44, v25;
	v45 =	vmul.f32 v45, v24  }
0x321: {  	v41 =	vmul.f32 v41, v23;
	v51 =	vld [tilespmem:s5+$0xFFFFFFC0];
	v43 =	vmul.f32 v43, v23  }
0x322: {  	v62 =	vld [tilespmem:s29+$0x1FF0];
	v56 =	vmul.f32 v46, v25;
	v57 =	vmul.f32 v47, v24;
	v44 =	vadd.f32 v45, v44  }
0x323: {  	v42 =	vmul.f32 v42, v25;
	v52 =	vld [tilespmem:s5+$0xFFFFFFD0];
	v48 =	vmul.f32 v48, v24  }
0x324: {  	v54 =	vld [tilespmem:s5+$0xFFFFFFE0];
	v53 =	vmul.f32 v49, v23;
	v63 =	vadd.f32 v57, v56;
	v43 =	vadd.f32 v43, v44  }
0x325: {  	v33 =	vmul.f32 v33, v24;
	v25 =	vmul.f32 v40, v25;
	v55 =	vadd.f32 v48, v42  }
0x326: {  	v56 =	vmul.f32 v50, v24;
	v44 =	vadd.f32 v53, v63;
	v43 =	vsub.f32 v51, v43  }
0x327: {  	v23 =	vmul.f32 v62, v23;
	v57 =	vld [tilespmem:s5+$0xFFFFFFF0];
	v24 =	vmul.f32 v30, v24;
	v30 =	vadd.f32 v41, v55  }
0x328: {  	v25 =	vadd.f32 v56, v25;
	v63 =	vsub.f32 v52, v44;
	v62 =	vand.u32 $0x7FFFFFFF, v43  }
0x329: {  	v47 =	vld [tilespmem:s5+$0x0];
	v24 =	vadd.f32 v24, v39;
	v30 =	vsub.f32 v54, v30;
	vm0 =	vgt.f32 v62, v31  }
0x32a: {  	v48 =	vld [tilespmem:s5+$0x10];
	v23 =	vadd.f32 v23, v25;
	v25 =	vsel vm0, v62, v31;
	v31 =	vand.u32 $0x7FFFFFFF, v63  }
0x32b: {  	v33 =	vadd.f32 v33, v37;
	v24 =	vadd.f32 v35, v24;
	vm1 =	vgt.f32 v31, v25  }
0x32c: {  	v49 =	vld [tilespmem:s5+$0x20];
	v23 =	vsub.f32 v57, v23;
	v30 =	vand.u32 $0x7FFFFFFF, v30;
	v25 =	vsel vm1, v31, v25  }
0x32d: {  	v29 =	vadd.f32 v29, v33;
	v31 =	vadd.f32 v34, v32;
	vm2 =	vgt.f32 v30, v25  }
0x32e: {  	v24 =	vsub.f32 v47, v24;
	v23 =	vand.u32 $0x7FFFFFFF, v23;
	v25 =	vsel vm2, v30, v25  }
0x32f: {  	v50 =	vld [tilespmem:s5+$0x30];
	v29 =	vsub.f32 v48, v29;
	v27 =	vadd.f32 v27, v31;
	vm3 =	vgt.f32 v23, v25  }
0x330: {  	v24 =	vand.u32 $0x7FFFFFFF, v24;
	v30 =	vadd.f32 v38, v36;
	v23 =	vsel vm3, v23, v25  }
0x331: {  	v25 =	vsub.f32 v49, v27;
	vm4 =	vgt.f32 v24, v23  }
0x332: {  	v26 =	vadd.f32 v26, v30;
	v23 =	vsel vm4, v24, v23;
	v24 =	vand.u32 $0x7FFFFFFF, v29  }
0x333: {  	vm5 =	vgt.f32 v24, v23  }
0x334: {  	v26 =	vsub.f32 v50, v26;
	v23 =	vsel vm5, v24, v23;
	v24 =	vand.u32 $0x7FFFFFFF, v25  }
0x335: {  	vm6 =	vgt.f32 v24, v23  }
0x336: {  	v23 =	vsel vm6, v24, v23;
	v24 =	vand.u32 $0x7FFFFFFF, v26  }
0x337: {  	vm7 =	vgt.f32 v24, v23  }
0x338: {  	s7 =	sadd.s32 $0xFFFFFFF9, s12;
	v23 =	vsel vm7, v24, v23  }
0x339: {  	s6 =	sadd.s32 $0xFFFFFFFA, s12;
	v24 =	vsel vm0, s7, v28;
	(xrf0) =	vmax.scan.msk.f32 $0xffff, v23  }
0x33a: {  	s7 =	sadd.s32 $0xFFFFFFFB, s12;
	v24 =	vsel vm1, s6, v24  }
0x33b: {  	s6 =	sadd.s32 $0xFFFFFFFC, s12;
	v24 =	vsel vm2, s7, v24  }
0x33c: {  	s7 =	sadd.s32 $0xFFFFFFFD, s12;
	v24 =	vsel vm3, s6, v24  }
0x33d: {  	s6 =	sadd.s32 $0xFFFFFFFE, s12;
	v24 =	vsel vm4, s7, v24  }
0x33e: {  	s7 =	sadd.s32 $0xFFFFFFFF, s12;
	v24 =	vsel vm5, s6, v24  }
0x33f: {  	v24 =	vsel vm6, s7, v24;
	v25, _, _ =	vpop (xrf0)  }
0x340: {  	v24 =	vsel vm7, s12, v24;
	v25 =	vbroadcast v25, $0xF  }
0x341: {  	v24 =	vshll.u32 v24, $0x4  }
0x342: {  	vm7 =	veq.f32 v23, v25;
	v23 =	vxor.u32 v1, v24  }
0x343: {  	v23 =	vnsel vm7, $0x80000200, v23  }
0x344: {  	(xrf0) =	vmin.scan.msk.u32 $0xffff, v23;
	_ =	sdelay $0x5  }
0x345: {  	v23, _, _ =	vpop (xrf0)  }
0x346: {  	(v2sf) =	vpush v23, $0xF;
	_ =	sdelay $0xe  }
0x347: {  	s28 =	spop (v2sf)  }
0x348: {  	s12 =	sshll.u32 s28, $0x9;
	s6 =	sshll.u32 s28, $0x7  }
0x349: {  	s5 =	sand.u32 $0xFFFFF000, s12;
	s6 =	sand.u32 $0x380, s6  }
0x34a: {  	s29 =	sor.u32 $0x1, s23;
	s5 =	sor.u32 s6, s5  }
0x34b: {  	s30 =	sor.u32 $0xA000, s30;
	s7 =	sor.u32 s17, s29;
	s5 =	sshrl.u32 s5, $0x3  }
0x34c: {  	v23 =	vmov s7;
	s12 =	sadd.s32 s31, s30;
	s31 =	simm.s32 $0x0;
	s5 =	sadd.s32 s0, s5  }
0x34d: {  	v24 =	vshll.u32 v23, $0x3;
	[tilespmem:s12], [sflag:$0x2] =	stream.linear.gather [hbm4b:s5+s31], $0x80, $0x38;
	[tilespmem:$0x10000] =	vst v63  }
0x34e: {  	v23 =	vand.u32 $0x7F, v23;
	v24 =	vand.u32 $0xC00, v24;
	s7 =	sadd.s32 $0x400, s12;
	s6 =	sadd.s32 $0x80, s5  }
0x34f: {  	v23 =	vor.u32 v23, v24;
	[tilespmem:s7], [sflag:$0x2] =	stream.linear.gather [hbm4b:s6+s31], $0x80, $0x38;
	[tilespmem:$0x10000] =	vst v63  }
0x350: {  	v24 =	vor.u32 $0x80, v23;
	s6 =	sadd.s32 $0x100, s5;
	s7 =	sadd.s32 $0x800, s12  }
0x351: {  	v28 =	vor.u32 $0x100, v23;
	[tilespmem:s7], [sflag:$0x2] =	stream.linear.gather [hbm4b:s6+s31], $0x80, $0x38;
	[tilespmem:$0x10000] =	vst v63  }
0x352: {  	v27 =	vmov s1;
	s5 =	sadd.s32 $0x180, s5;
	s7 =	sadd.s32 $0xC00, s12  }
0x353: {  	[tilespmem:s7], [sflag:$0x2] =	stream.linear.gather [hbm4b:s5+s31], $0x80, $0x38;
	[tilespmem:$0x10000] =	vst v63  }
0x354: {  	v26 =	vld.idx.msk [tilespmem:v23+s10+$0x0], $0xffff  }
0x355: {  	v25 =	vld.idx.msk [tilespmem:v24+s10+$0x0], $0xffff  }
0x356: {  	s12 =	simm.s32 $0x0;
	v24 =	vld.idx.msk [tilespmem:v28+s10+$0x0], $0xffff  }
0x357: {  	v28 =	vld.idx.msk [tilespmem:v27+s12+$0x40F0 ss:$0x1], $0xffff  }
0x358: {  	v29 =	vld.idx.msk [tilespmem:v27+s12+$0x40E0 ss:$0x1], $0xffff  }
0x359: {  	v30 =	vld.idx.msk [tilespmem:v27+s12+$0xF0 ss:$0x1], $0xffff  }
0x35a: {  	v31 =	vld.idx.msk [tilespmem:v27+s12+$0x20F0 ss:$0x1], $0xffff  }
0x35b: {  	v51 =	vld.idx.msk [tilespmem:v27+s12+$0x40D0 ss:$0x1], $0xffff  }
0x35c: {  	v33 =	vld.idx.msk [tilespmem:v27+s12+$0xE0 ss:$0x1], $0xffff  }
0x35d: {  	v34 =	vld.idx.msk [tilespmem:v27+s12+$0x20E0 ss:$0x1], $0xffff  }
0x35e: {  	v52 =	vld.idx.msk [tilespmem:v27+s12+$0x40C0 ss:$0x1], $0xffff  }
0x35f: {  	v53 =	vld.idx.msk [tilespmem:v27+s12+$0xD0 ss:$0x1], $0xffff  }
0x360: {  	v37 =	vld.idx.msk [tilespmem:v27+s12+$0x20D0 ss:$0x1], $0xffff  }
0x361: {  	v54 =	vld.idx.msk [tilespmem:v27+s12+$0xC0 ss:$0x1], $0xffff  }
0x362: {  	v39 =	vld.idx.msk [tilespmem:v27+s12+$0x20C0 ss:$0x1], $0xffff  }
0x363: {  	v55 =	vld.idx.msk [tilespmem:v27+s12+$0x40A0 ss:$0x1], $0xffff  }
0x364: {  	v41 =	vld.idx.msk [tilespmem:v27+s12+$0xB0 ss:$0x1], $0xffff  }
0x365: {  	v42 =	vld.idx.msk [tilespmem:v27+s12+$0xA0 ss:$0x1], $0xffff  }
0x366: {  	v43 =	vld.idx.msk [tilespmem:v27+s12+$0x4080 ss:$0x1], $0xffff  }
0x367: {  	v44 =	vld.idx.msk [tilespmem:v27+s12+$0x80 ss:$0x1], $0xffff  }
0x368: {  	v56 =	vld.idx.msk [tilespmem:v27+s12+$0x2080 ss:$0x1], $0xffff;
	v28 =	vmul.f32 v28, v24  }
0x369: {  	v63 =	vld.idx.msk [tilespmem:v27+s12+$0x90 ss:$0x1], $0xffff;
	v29 =	vmul.f32 v29, v24;
	v30 =	vmul.f32 v30, v26  }
0x36a: {  	v23 =	vmov s2;
	v62 =	vld.idx.msk [tilespmem:v27+s12+$0x20A0 ss:$0x1], $0xffff;
	v48 =	vmul.f32 v51, v24;
	v31 =	vmul.f32 v31, v25  }
0x36b: {  	v50 =	vld.idx.msk [tilespmem:v27+s12+$0x20B0 ss:$0x1], $0xffff;
	v33 =	vmul.f32 v33, v26;
	v34 =	vmul.f32 v34, v25  }
0x36c: {  	v57 =	vld.idx.msk [tilespmem:v27+s12+$0x2090 ss:$0x1], $0xffff;
	v36 =	vmul.f32 v53, v26;
	v38 =	vmul.f32 v54, v26  }
0x36d: {  	s1 =	simm.s32 $0x400;
	v49 =	vld.idx.msk [tilespmem:v27+s12+$0x4090 ss:$0x1], $0xffff;
	v40 =	vmul.f32 v55, v24;
	v44 =	vmul.f32 v44, v26  }
0x36e: {  	v46 =	vld.idx.msk [tilespmem:v27+s1+$0x80 ss:$0x1], $0xffff;
	v45 =	vmul.f32 v56, v25;
	v41 =	vmul.f32 v41, v26  }
0x36f: {  	v51 =	vld.idx.msk [tilespmem:v23+s12+$0xFFFFFF90 ss:$0x1], $0xffff;
	v43 =	vmul.f32 v43, v24;
	v42 =	vmul.f32 v42, v26  }
0x370: {  	v53 =	vld.idx.msk [tilespmem:v27+s12+$0x40B0 ss:$0x1], $0xffff;
	v32 =	vmul.f32 v62, v25;
	v50 =	vmul.f32 v50, v25;
	v44 =	vadd.f32 v45, v44  }
0x371: {  	v55 =	vld.idx.msk [tilespmem:v23+s12+$0xFFFFFFA0 ss:$0x1], $0xffff;
	v45 =	vmul.f32 v63, v26;
	v63 =	vmul.f32 v57, v25;
	v34 =	vadd.f32 v34, v33  }
0x372: {  	v47 =	vld.idx.msk [tilespmem:v23+s12+$0xFFFFFFB0 ss:$0x1], $0xffff;
	v37 =	vmul.f32 v37, v25;
	v31 =	vadd.f32 v31, v30;
	v30 =	vadd.f32 v32, v42  }
0x373: {  	v56 =	vld.idx.msk [tilespmem:v23+s12+$0x0 ss:$0x1], $0xffff;
	v49 =	vmul.f32 v49, v24;
	v62 =	vadd.f32 v43, v44;
	v63 =	vadd.f32 v63, v45  }
0x374: {  	v39 =	vmul.f32 v39, v25;
	v42 =	vld.idx.msk [tilespmem:v23+s12+$0xFFFFFFF0 ss:$0x1], $0xffff;
	v32 =	vadd.f32 v50, v41;
	v37 =	vadd.f32 v37, v36  }
0x375: {  	v35 =	vmul.f32 v52, v24;
	v36 =	vld.idx.msk [tilespmem:v27+s1+$0xE0 ss:$0x1], $0xffff;
	v33 =	vsub.f32 v51, v62;
	v43 =	vadd.f32 v49, v63  }
0x376: {  	v52 =	vimm.f32 $-1.000000000e+00;
	v38 =	vadd.f32 v39, v38;
	v45 =	vld.idx.msk [tilespmem:v23+s12+$0xFFFFFFC0 ss:$0x1], $0xffff;
	v30 =	vadd.f32 v40, v30  }
0x377: {  	v44 =	vld.idx.msk [tilespmem:v23+s12+$0xFFFFFFD0 ss:$0x1], $0xffff;
	v57 =	vmul.f32 v53, v24;
	v33 =	vand.u32 $0x7FFFFFFF, v33;
	v43 =	vsub.f32 v55, v43  }
0x378: {  	v40 =	vld.idx.msk [tilespmem:v23+s12+$0xFFFFFFE0 ss:$0x1], $0xffff;
	v50 =	vadd.f32 v35, v38;
	v62 =	vsub.f32 v47, v30;
	vm8 =	vgt.f32 v33, v52  }
0x379: {  	v35 =	vld.idx.msk [tilespmem:v27+s1+$0x40D0 ss:$0x1], $0xffff;
	v41 =	vadd.f32 v57, v32;
	v63 =	vsel vm8, v33, v52;
	v43 =	vand.u32 $0x7FFFFFFF, v43  }
0x37a: {  	v54 =	vimm.s32 $0x0;
	v38 =	vld.idx.msk [tilespmem:v27+s1+$0x20E0 ss:$0x1], $0xffff;
	v28 =	vadd.f32 v28, v31;
	vm9 =	vgt.f32 v43, v63  }
0x37b: {  	v31 =	vld.idx.msk [tilespmem:v27+s1+$0x20C0 ss:$0x1], $0xffff;
	v39 =	vand.u32 $0x7FFFFFFF, v62;
	v51 =	vsub.f32 v45, v41;
	v52 =	vsel vm9, v43, v63  }
0x37c: {  	v37 =	vadd.f32 v48, v37;
	v29 =	vadd.f32 v29, v34;
	v49 =	vld.idx.msk [tilespmem:v27+s1+$0x40F0 ss:$0x1], $0xffff;
	vm10 =	vgt.f32 v39, v52  }
0x37d: {  	v30 =	vld.idx.msk [tilespmem:v27+s1+$0x40E0 ss:$0x1], $0xffff;
	v44 =	vsub.f32 v44, v50;
	v45 =	vand.u32 $0x7FFFFFFF, v51;
	v41 =	vsel vm10, v39, v52  }
0x37e: {  	v32 =	vld.idx.msk [tilespmem:v27+s1+$0xF0 ss:$0x1], $0xffff;
	v29 =	vsub.f32 v42, v29;
	v53 =	vsel vm8, s31, v54;
	vm11 =	vgt.f32 v45, v41  }
0x37f: {  	v42 =	vld.idx.msk [tilespmem:v27+s1+$0xB0 ss:$0x1], $0xffff;
	v54 =	vsub.f32 v40, v37;
	v44 =	vand.u32 $0x7FFFFFFF, v44;
	v41 =	vsel vm11, v45, v41  }
0x380: {  	s5 =	simm.s32 $0x1;
	v33 =	vld.idx.msk [tilespmem:v27+s1+$0x20F0 ss:$0x1], $0xffff;
	vm12 =	vgt.f32 v44, v41  }
0x381: {  	s6 =	simm.s32 $0x2;
	v40 =	vld.idx.msk [tilespmem:v27+s1+$0xD0 ss:$0x1], $0xffff;
	v43 =	vsel vm9, s5, v53;
	v34 =	vand.u32 $0x7FFFFFFF, v54;
	v55 =	vsel vm12, v44, v41  }
0x382: {  	s7 =	simm.s32 $0x3;
	v28 =	vsub.f32 v56, v28;
	v37 =	vld.idx.msk [tilespmem:v27+s1+$0x20D0 ss:$0x1], $0xffff;
	v43 =	vsel vm10, s6, v43;
	vm13 =	vgt.f32 v34, v55  }
0x383: {  	s12 =	simm.s32 $0x4;
	v29 =	vand.u32 $0x7FFFFFFF, v29;
	v39 =	vld.idx.msk [tilespmem:v27+s1+$0x40C0 ss:$0x1], $0xffff;
	v57 =	vsel vm11, s7, v43;
	v34 =	vsel vm13, v34, v55  }
0x384: {  	s5 =	simm.s32 $0x5;
	v43 =	vld.idx.msk [tilespmem:v27+s1+$0x40A0 ss:$0x1], $0xffff;
	v44 =	vsel vm12, s12, v57;
	vm14 =	vgt.f32 v29, v34  }
0x385: {  	v28 =	vand.u32 $0x7FFFFFFF, v28;
	s6 =	simm.s32 $0x6;
	v45 =	vld.idx.msk [tilespmem:v27+s1+$0x4080 ss:$0x1], $0xffff;
	v62 =	vsel vm13, s5, v44;
	v29 =	vsel vm14, v29, v34  }
0x386: {  	s7 =	sshll.u32 s29, $0x7;
	v41 =	vld.idx.msk [tilespmem:v27+s1+$0xC0 ss:$0x1], $0xffff;
	s12 =	simm.s32 $0x7;
	v63 =	vsel vm14, s6, v62;
	vm15 =	vgt.f32 v28, v29  }
0x387: {  	s2 =	sand.u32 $0x380, s7;
	v44 =	vld.idx.msk [tilespmem:v27+s1+$0xA0 ss:$0x1], $0xffff;
	s5 =	simm.s32 $0x2000;
	v34 =	vsel vm15, v28, v29;
	v29 =	vsel vm15, s12, v63;
	v28 =	vmul.f32 v49, v24  }
.LBB2_24:
0x388: {  	p1 =	sne.s32 s5, $0x3000;
	v47 =	vld.idx.msk [tilespmem:v27+s1+$0x2080 ss:$0x1], $0xffff;
	v48 =	vmul.f32 v30, v24;
	v30 =	vmul.f32 v32, v26  }
0x389: {  	v49 =	vmul.f32 v35, v24;
	v33 =	vmul.f32 v33, v25;
	v32 =	vld.idx.msk [tilespmem:v27+s1+$0x90 ss:$0x1], $0xffff  }
0x38a: {  	v36 =	vmul.f32 v36, v26;
	v38 =	vmul.f32 v38, v25;
	v35 =	vld.idx.msk [tilespmem:v27+s1+$0x2090 ss:$0x1], $0xffff  }
0x38b: {  	v39 =	vmul.f32 v39, v24;
	v40 =	vmul.f32 v40, v26;
	v50 =	vld.idx.msk [tilespmem:v27+s1+$0x20A0 ss:$0x1], $0xffff  }
0x38c: {  	v41 =	vmul.f32 v41, v26;
	v37 =	vmul.f32 v37, v25;
	v51 =	vld.idx.msk [tilespmem:v27+s1+$0x4090 ss:$0x1], $0xffff  }
0x38d: {  	v43 =	vmul.f32 v43, v24;
	v42 =	vmul.f32 v42, v26;
	v52 =	vld.idx.msk [tilespmem:v27+s1+$0x20B0 ss:$0x1], $0xffff  }
0x38e: {  	v46 =	vmul.f32 v46, v26;
	v47 =	vmul.f32 v47, v25;
	v53 =	vld.idx.msk [tilespmem:v23+s1+$0xFFFFFF90 ss:$0x1], $0xffff  }
0x38f: {  	v44 =	vmul.f32 v44, v26;
	v45 =	vmul.f32 v45, v24;
	v54 =	vld.idx.msk [tilespmem:v27+s1+$0x40B0 ss:$0x1], $0xffff  }
0x390: {  	v32 =	vmul.f32 v32, v26;
	v46 =	vadd.f32 v47, v46;
	v35 =	vmul.f32 v35, v25;
	v47 =	vld.idx.msk [tilespmem:v23+s1+$0xFFFFFFA0 ss:$0x1], $0xffff  }
0x391: {  	v56 =	vadd.f32 v38, v36;
	v57 =	vadd.f32 v33, v30;
	v50 =	vmul.f32 v50, v25;
	v55 =	vld.idx.msk [tilespmem:v23+s1+$0xFFFFFFB0 ss:$0x1], $0xffff  }
0x392: {  	v30 =	vadd.f32 v45, v46;
	v32 =	vadd.f32 v35, v32;
	v33 =	vmul.f32 v51, v24;
	v45 =	vld.idx.msk [tilespmem:v23+s1+$0x0 ss:$0x1], $0xffff  }
0x393: {  	v37 =	vadd.f32 v37, v40;
	v35 =	vadd.f32 v50, v44;
	v38 =	vmul.f32 v52, v25;
	v36 =	vld.idx.msk [tilespmem:v23+s1+$0xFFFFFFC0 ss:$0x1], $0xffff  }
0x394: {  	v31 =	vmul.f32 v31, v25;
	v30 =	vsub.f32 v53, v30;
	v32 =	vadd.f32 v33, v32;
	v44 =	vld.idx.msk [tilespmem:v23+s1+$0xFFFFFFF0 ss:$0x1], $0xffff  }
0x395: {  	v33 =	vadd.f32 v43, v35;
	v35 =	vadd.f32 v38, v42;
	v38 =	vmul.f32 v54, v24;
	v40 =	vld.idx.msk [tilespmem:v23+s1+$0xFFFFFFD0 ss:$0x1], $0xffff  }
0x396: {  	v31 =	vadd.f32 v31, v41;
	v42 =	vand.u32 $0x7FFFFFFF, v30;
	v32 =	vsub.f32 v47, v32;
	v41 =	vld.idx.msk [tilespmem:v23+s1+$0xFFFFFFE0 ss:$0x1], $0xffff;
	s1 =	sshra.s32 s5, $0x2  }
0x397: {  	s31 =	sadd.s32 $0x8, s31;
	vm0 =	vgt.f32 v42, v34;
	v43 =	vsub.f32 v55, v33;
	v33 =	vadd.f32 v38, v35;
	v47 =	vld.idx.msk [tilespmem:v27+s1+$0x40F0 ss:$0x1], $0xffff  }
0x398: {  	v34 =	vsel vm0, v42, v34;
	v29 =	vsel vm0, s31, v29;
	v35 =	vand.u32 $0x7FFFFFFF, v32;
	v30 =	vld.idx.msk [tilespmem:v27+s1+$0x40E0 ss:$0x1], $0xffff  }
0x399: {  	s6 =	sadd.s32 $0x1, s31;
	v31 =	vadd.f32 v39, v31;
	vm0 =	vgt.f32 v35, v34;
	v38 =	vsub.f32 v36, v33;
	v32 =	vld.idx.msk [tilespmem:v27+s1+$0xF0 ss:$0x1], $0xffff  }
0x39a: {  	v39 =	vand.u32 $0x7FFFFFFF, v43;
	v34 =	vsel vm0, v35, v34;
	v29 =	vsel vm0, s6, v29;
	v33 =	vld.idx.msk [tilespmem:v27+s1+$0x20F0 ss:$0x1], $0xffff  }
0x39b: {  	v37 =	vadd.f32 v49, v37;
	s6 =	sadd.s32 $0x2, s31;
	vm0 =	vgt.f32 v39, v34;
	v31 =	vsub.f32 v40, v31;
	v35 =	vld.idx.msk [tilespmem:v27+s1+$0x40D0 ss:$0x1], $0xffff  }
0x39c: {  	v40 =	vand.u32 $0x7FFFFFFF, v38;
	v34 =	vsel vm0, v39, v34;
	v29 =	vsel vm0, s6, v29;
	v36 =	vld.idx.msk [tilespmem:v27+s1+$0xE0 ss:$0x1], $0xffff  }
0x39d: {  	s6 =	sadd.s32 $0x3, s31;
	v41 =	vsub.f32 v41, v37;
	v37 =	vadd.f32 v48, v56;
	vm0 =	vgt.f32 v40, v34;
	v38 =	vld.idx.msk [tilespmem:v27+s1+$0x20E0 ss:$0x1], $0xffff  }
0x39e: {  	v31 =	vand.u32 $0x7FFFFFFF, v31;
	v34 =	vsel vm0, v40, v34;
	v29 =	vsel vm0, s6, v29;
	v39 =	vld.idx.msk [tilespmem:v27+s1+$0x40C0 ss:$0x1], $0xffff  }
0x39f: {  	v28 =	vadd.f32 v28, v57;
	s6 =	sadd.s32 $0x4, s31;
	v42 =	vsub.f32 v44, v37;
	vm0 =	vgt.f32 v31, v34;
	v40 =	vld.idx.msk [tilespmem:v27+s1+$0xD0 ss:$0x1], $0xffff  }
0x3a0: {  	v43 =	vand.u32 $0x7FFFFFFF, v41;
	v34 =	vsel vm0, v31, v34;
	v29 =	vsel vm0, s6, v29;
	v37 =	vld.idx.msk [tilespmem:v27+s1+$0x20D0 ss:$0x1], $0xffff  }
0x3a1: {  	v28 =	vsub.f32 v45, v28;
	s6 =	sadd.s32 $0x5, s31;
	vm0 =	vgt.f32 v43, v34;
	v41 =	vld.idx.msk [tilespmem:v27+s1+$0xC0 ss:$0x1], $0xffff  }
0x3a2: {  	v44 =	vand.u32 $0x7FFFFFFF, v42;
	v34 =	vsel vm0, v43, v34;
	v29 =	vsel vm0, s6, v29;
	v31 =	vld.idx.msk [tilespmem:v27+s1+$0x20C0 ss:$0x1], $0xffff  }
.Ltmp10:
0x3a3: {  	s6 =	sadd.s32 $0x6, s31;
	vm0 =	vgt.f32 v44, v34;
	v43 =	vld.idx.msk [tilespmem:v27+s1+$0x40A0 ss:$0x1], $0xffff;
	(pc) =	sbr.rel @p1 .LBB2_24-.Ltmp10, $4  }
0x3a4: {  	v28 =	vand.u32 $0x7FFFFFFF, v28;
	v34 =	vsel vm0, v44, v34;
	v29 =	vsel vm0, s6, v29;
	v42 =	vld.idx.msk [tilespmem:v27+s1+$0xB0 ss:$0x1], $0xffff  }
0x3a5: {  	s6 =	sadd.s32 $0x7, s31;
	vm0 =	vgt.f32 v28, v34;
	v44 =	vld.idx.msk [tilespmem:v27+s1+$0xA0 ss:$0x1], $0xffff  }
0x3a6: {  	v34 =	vsel vm0, v28, v34;
	v29 =	vsel vm0, s6, v29;
	v45 =	vld.idx.msk [tilespmem:v27+s1+$0x4080 ss:$0x1], $0xffff  }
0x3a7: {  	s5 =	sadd.s32 $0x1000, s5;
	v28 =	vmul.f32 v47, v24;
	v46 =	vld.idx.msk [tilespmem:v27+s1+$0x80 ss:$0x1], $0xffff  }
0x3a8: {  	_ =	sdelay $0x3  }
0x3a9: {  	v47 =	vld.idx.msk [tilespmem:v27+s1+$0x2080 ss:$0x1], $0xffff;
	v30 =	vmul.f32 v30, v24  }
0x3aa: {  	v32 =	vmul.f32 v32, v26;
	v48 =	vld.idx.msk [tilespmem:v27+s1+$0x90 ss:$0x1], $0xffff;
	v35 =	vmul.f32 v35, v24  }
0x3ab: {  	v33 =	vmul.f32 v33, v25;
	v49 =	vld.idx.msk [tilespmem:v27+s1+$0x2090 ss:$0x1], $0xffff;
	v36 =	vmul.f32 v36, v26  }
0x3ac: {  	v38 =	vmul.f32 v38, v25;
	v50 =	vld.idx.msk [tilespmem:v27+s1+$0x20A0 ss:$0x1], $0xffff;
	v39 =	vmul.f32 v39, v24  }
0x3ad: {  	v40 =	vmul.f32 v40, v26;
	v51 =	vld.idx.msk [tilespmem:v27+s1+$0x4090 ss:$0x1], $0xffff;
	v41 =	vmul.f32 v41, v26  }
0x3ae: {  	v52 =	vld.idx.msk [tilespmem:v27+s1+$0x20B0 ss:$0x1], $0xffff;
	v46 =	vmul.f32 v46, v26;
	v47 =	vmul.f32 v47, v25  }
0x3af: {  	v43 =	vmul.f32 v43, v24;
	v53 =	vld.idx.msk [tilespmem:v23+s1+$0xFFFFFF90 ss:$0x1], $0xffff;
	v45 =	vmul.f32 v45, v24  }
0x3b0: {  	v27 =	vld.idx.msk [tilespmem:v27+s1+$0x40B0 ss:$0x1], $0xffff;
	v55 =	vmul.f32 v48, v26;
	v56 =	vmul.f32 v49, v25;
	v46 =	vadd.f32 v47, v46  }
0x3b1: {  	v44 =	vmul.f32 v44, v26;
	v49 =	vld.idx.msk [tilespmem:v23+s1+$0xFFFFFFA0 ss:$0x1], $0xffff;
	v50 =	vmul.f32 v50, v25  }
0x3b2: {  	v57 =	vmul.f32 v51, v24;
	v47 =	vadd.f32 v56, v55;
	v45 =	vadd.f32 v45, v46  }
0x3b3: {  	v62 =	vmul.f32 v42, v26;
	v52 =	vmul.f32 v52, v25;
	v63 =	vadd.f32 v50, v44;
	v46 =	vld.idx.msk [tilespmem:v23+s1+$0xFFFFFFB0 ss:$0x1], $0xffff  }
0x3b4: {  	v37 =	vmul.f32 v37, v25;
	v47 =	vadd.f32 v57, v47;
	v45 =	vsub.f32 v53, v45  }
0x3b5: {  	v54 =	vld.idx.msk [tilespmem:v23+s1+$0xFFFFFFC0 ss:$0x1], $0xffff;
	v55 =	vmul.f32 v31, v25;
	v26 =	vadd.f32 v52, v62;
	v57 =	vmul.f32 v27, v24  }
0x3b6: {  	v56 =	vadd.f32 v43, v63;
	v63 =	vand.u32 $0x7FFFFFFF, v45;
	v45 =	vsub.f32 v49, v47  }
0x3b7: {  	v62 =	vld.idx.msk [tilespmem:v23+s1+$0xFFFFFFD0 ss:$0x1], $0xffff;
	v25 =	vadd.f32 v55, v41;
	v24 =	vadd.f32 v57, v26;
	vm0 =	vgt.f32 v63, v34  }
0x3b8: {  	v31 =	vsub.f32 v46, v56;
	v47 =	vsel vm0, v63, v34;
	v49 =	vand.u32 $0x7FFFFFFF, v45  }
0x3b9: {  	v37 =	vadd.f32 v37, v40;
	v50 =	vld.idx.msk [tilespmem:v23+s1+$0xFFFFFFE0 ss:$0x1], $0xffff;
	v25 =	vadd.f32 v39, v25;
	vm1 =	vgt.f32 v49, v47  }
0x3ba: {  	v51 =	vld.idx.msk [tilespmem:v23+s1+$0xFFFFFFF0 ss:$0x1], $0xffff;
	v24 =	vsub.f32 v54, v24;
	v31 =	vand.u32 $0x7FFFFFFF, v31;
	v26 =	vsel vm1, v49, v47  }
0x3bb: {  	v52 =	vadd.f32 v38, v36;
	v53 =	vadd.f32 v35, v37;
	vm2 =	vgt.f32 v31, v26  }
0x3bc: {  	v25 =	vsub.f32 v62, v25;
	v24 =	vand.u32 $0x7FFFFFFF, v24;
	v26 =	vsel vm2, v31, v26  }
0x3bd: {  	v23 =	vld.idx.msk [tilespmem:v23+s1+$0x0 ss:$0x1], $0xffff;
	v30 =	vadd.f32 v30, v52;
	v54 =	vadd.f32 v33, v32;
	vm3 =	vgt.f32 v24, v26  }
0x3be: {  	v27 =	vsub.f32 v50, v53;
	v25 =	vand.u32 $0x7FFFFFFF, v25;
	v24 =	vsel vm3, v24, v26  }
0x3bf: {  	v55 =	vsub.f32 v51, v30;
	vm4 =	vgt.f32 v25, v24  }
0x3c0: {  	v28 =	vadd.f32 v28, v54;
	v56 =	vand.u32 $0x7FFFFFFF, v27;
	v24 =	vsel vm4, v25, v24  }
0x3c1: {  	vm5 =	vgt.f32 v56, v24  }
0x3c2: {  	v57 =	vand.u32 $0x7FFFFFFF, v55;
	v23 =	vsub.f32 v23, v28;
	v24 =	vsel vm5, v56, v24  }
0x3c3: {  	vm6 =	vgt.f32 v57, v24  }
0x3c4: {  	v23 =	vand.u32 $0x7FFFFFFF, v23;
	v24 =	vsel vm6, v57, v24  }
0x3c5: {  	vm7 =	vgt.f32 v23, v24  }
0x3c6: {  	s1 =	sadd.s32 $0x8, s31;
	v23 =	vsel vm7, v23, v24  }
0x3c7: {  	s5 =	sadd.s32 $0x1, s1;
	v62 =	vsel vm0, s1, v29;
	(xrf0) =	vmax.scan.msk.f32 $0xffff, v23  }
0x3c8: {  	s7 =	sadd.s32 $0x2, s1;
	v24 =	vsel vm1, s5, v62  }
0x3c9: {  	s12 =	sadd.s32 $0x3, s1;
	v24 =	vsel vm2, s7, v24  }
0x3ca: {  	s31 =	sadd.s32 $0x4, s1;
	v24 =	vsel vm3, s12, v24  }
0x3cb: {  	s6 =	sadd.s32 $0x5, s1;
	v24 =	vsel vm4, s31, v24  }
0x3cc: {  	s7 =	sadd.s32 $0x6, s1;
	v24 =	vsel vm5, s6, v24  }
0x3cd: {  	s1 =	sadd.s32 $0x7, s1;
	v24 =	vsel vm6, s7, v24;
	v63, _, _ =	vpop (xrf0)  }
0x3ce: {  	v24 =	vsel vm7, s1, v24;
	v25 =	vbroadcast v63, $0xF  }
0x3cf: {  	v24 =	vshll.u32 v24, $0x4  }
0x3d0: {  	vm13 =	veq.f32 v23, v25;
	v23 =	vxor.u32 v1, v24  }
0x3d1: {  	v23 =	vnsel vm13, $0x80000200, v23  }
0x3d2: {  	(xrf0) =	vmin.scan.msk.u32 $0xffff, v23;
	_ =	sdelay $0x5  }
0x3d3: {  	v23, _, _ =	vpop (xrf0)  }
0x3d4: {  	(v2sf) =	vpush v23, $0xF;
	_ =	sdelay $0xe  }
0x3d5: {  	s1 =	spop (v2sf)  }
0x3d6: {  	s12 =	sshll.u32 s1, $0x9;
	s6 =	sshll.u32 s1, $0x7  }
0x3d7: {  	s5 =	sand.u32 $0xFFFFF000, s12;
	s6 =	sand.u32 $0x380, s6  }
0x3d8: {  	s5 =	sor.u32 s6, s5  }
0x3d9: {  	s2 =	sadd.s32 s2, s30;
	s30 =	sxor.u32 $0x80000000, s28;
	s5 =	sshrl.u32 s5, $0x3  }
0x3da: {  	p1 =	slt.u32 s23, $0xE;
	s26 =	sadd.s32 $0x400, s26;
	s5 =	sadd.s32 s0, s5  }
0x3db: {  	[tilespmem:s2], [sflag:$0x2] =	stream.linear.gather [hbm4b:s5+s3], $0x80, $0x38;
	[tilespmem:$0x10000] =	vst v63  }
0x3dc: {  	s25 =	sadd.s32 $0x1, s25;
	s7 =	sadd.s32 $0x400, s2;
	s31 =	sadd.s32 $0x80, s5  }
0x3dd: {  	[tilespmem:s7], [sflag:$0x2] =	stream.linear.gather [hbm4b:s31+s3], $0x80, $0x38;
	[tilespmem:$0x10000] =	vst v63  }
.Ltmp11:
0x3de: {  	s24 =	sadd.s32 $0x2, s24;
	s1 =	sxor.u32 $0x80000000, s1;
	(pc) =	sbr.rel @p1 .LBB2_21-.Ltmp11, $4  }
0x3df: {  	v23 =	vmov s23;
	s12 =	sadd.s32 $0x800, s2;
	s7 =	sadd.s32 $0x100, s5;
	s31 =	sadd.s32 $0x2, s23  }
0x3e0: {  	vm14 =	veq.s32 v23, v0;
	v23 =	vmov s29;
	[tilespmem:s12], [sflag:$0x2] =	stream.linear.gather [hbm4b:s7+s3], $0x80, $0x38;
	[tilespmem:$0x10000] =	vst v63  }
0x3e1: {  	v21 =	vsel vm14, s30, v21;
	vm15 =	veq.s32 v23, v0;
	s2 =	sadd.s32 $0xC00, s2;
	s5 =	sadd.s32 $0x180, s5;
	s23 =	smov.u32 s31  }
0x3e2: {  	v21 =	vsel vm15, s1, v21;
	[tilespmem:s2], [sflag:$0x2] =	stream.linear.gather [hbm4b:s5+s3], $0x80, $0x38;
	[tilespmem:$0x10000] =	vst v63  }
0x3e3: {  	v22 =	vshll.u32 v21, $0x3  }
0x3e4: {  	v22 =	vand.u32 $0xFFFFFC00, v22  }
0x3e5: {  	v23 =	vand.u32 $0x7F, v21;
	v24 =	vadd.s32 v3, v22  }
0x3e6: {  	v24 =	vor.u32 v23, v24  }
0x3e7: {  	v22 =	vor.u32 v23, v22;
	v24 =	vor.u32 v58, v24  }
0x3e8: {  	v23 =	vadd.s32 v59, v22;
	_ =	sdelay $0x1  }
0x3e9: {  	s1 =	sor.u32 s21, s17;
	v25 =	vadd.s32 v60, v22  }
0x3ea: {  	s20 =	simm.s32 $0x0;
	s19 =	sor.u32 $0x180, s1  }
0x3eb: {  	v24 =	vld.idx.msk [tilespmem:v24+s20+$0x0], $0xffff;
	[tilespmem:s19+$0xE000] =	vst v21  }
0x3ec: {  	v21 =	vld.idx.msk [tilespmem:v23+s11+$0x0], $0xffff;
	_ =	sdelay $0x1  }
0x3ed: {  	v23 =	vld.idx.msk [tilespmem:v25+s11+$0x0], $0xffff  }
0x3ee: {  	v22 =	vadd.s32 v61, v22;
	_ =	sdelay $0x1  }
0x3ef: {  	v25 =	vmul.f32 v21, v10;
	_ =	sdelay $0x1  }
0x3f0: {  	v23 =	vsub.f32 v23, v25  }
0x3f1: {  	v25 =	vld.idx.msk [tilespmem:v22+s11+$0x0], $0xffff  }
0x3f2: {  	v22 =	vmul.f32 v23, v7;
	_ =	sdelay $0x1  }
0x3f3: {  	v23 =	vmul.f32 v21, v15;
	v26 =	vmul.f32 v22, v6;
	_ =	sdelay $0x1  }
0x3f4: {  	v23 =	vsub.f32 v25, v23;
	v25 =	vmul.f32 v26, v16;
	_ =	sdelay $0x1  }
0x3f5: {  	v23 =	vsub.f32 v23, v25;
	_ =	sdelay $0x1  }
0x3f6: {  	v25 =	vmul.f32 v22, v22;
	v23 =	vmul.f32 v23, v12  }
0x3f7: {  	v26 =	vmul.f32 v21, v21  }
0x3f8: {  	v25 =	vmul.f32 v25, v6;
	v27 =	vmul.f32 v23, v23;
	_ =	sdelay $0x1  }
0x3f9: {  	v25 =	vadd.f32 v25, v26;
	v26 =	vmul.f32 v27, v11;
	_ =	sdelay $0x1  }
0x3fa: {  	v25 =	vadd.f32 v26, v25;
	_ =	sdelay $0x1  }
0x3fb: {  	v25 =	vsub.f32 $1.000000000e+00, v25;
	_ =	sdelay $0x1  }
0x3fc: {  	[tilespmem:$0x1FED0] =	vst v3;
	v3 =	vmax.f32 v25, $9.999999960e-13  }
0x3fd: {  	(erf) = vrcp.f32 v3;
	_ =	sdelay $0x1  }
0x3fe: {  	v25 =	vmul.f32 v21, v2;
	_ =	sdelay $0x1  }
0x3ff: {  	v24 =	vsub.f32 v24, v25;
	v25 =	vmul.f32 v22, v5;
	_ =	sdelay $0x1  }
0x400: {  	v24 =	vsub.f32 v24, v25;
	v25 =	vmul.f32 v23, v9;
	_ =	sdelay $0x1  }
0x401: {  	[tilespmem:$0x1FF20] =	vst v3;
	v3 =	vsub.f32 v24, v25  }
0x402: {  	v63 =	vpop (erf)  }
0x403: {  	v24 =	vmul.f32 v63, v3;
	_ =	sdelay $0x1  }
0x404: {  	v28 =	vmul.f32 v24, v23;
	_ =	sdelay $0x1  }
0x405: {  	v28 =	vsub.f32 v8, v28;
	_ =	sdelay $0x1  }
0x406: {  	v29 =	vmul.f32 v28, v16  }
0x407: {  	[tilespmem:$0x1FEE0] =	vst v7  }
0x408: {  	[tilespmem:$0x1FEF0] =	vst v12;
	v30 =	vmul.f32 v24, v22;
	v29 =	vsub.f32 v4, v29  }
0x409: {  	[tilespmem:$0x1FF00] =	vst v6  }
0x40a: {  	[tilespmem:$0x1FF10] =	vst v11;
	v29 =	vsub.f32 v29, v30  }
0x40b: {  	[tilespmem:$0x1FF30] =	vst v5  }
0x40c: {  	[tilespmem:$0x1FF40] =	vst v9;
	v30 =	vmul.f32 v29, v10  }
0x40d: {  	[tilespmem:$0x1FF70] =	vst v8  }
0x40e: {  	[tilespmem:$0x1FF80] =	vst v4;
	v31 =	vmul.f32 v28, v15;
	v30 =	vsub.f32 v2, v30  }
0x40f: {  	[tilespmem:$0x1FF90] =	vst v2  }
0x410: {  	[tilespmem:$0x1FF50] =	vst v3;
	v30 =	vsub.f32 v30, v31;
	v31 =	vmul.f32 v24, v21  }
0x411: {  	[tilespmem:$0x1FF60] =	vst v63  }
0x412: {  	[tilespmem:s22+$0xF000] =	vst v28;
	v30 =	vsub.f32 v30, v31  }
0x413: {  	[tilespmem:s18+$0xF000] =	vst v29  }
0x414: {  	[tilespmem:s16+$0xF000] =	vst v30  }
0x415: {  	[tilespmem:s19+$0xF000] =	vst v24  }
0x416: {  	s21 =	sadd.s32 $0x80, s15;
	_ =	swait.ge [sflag:s9], $0x2000  }
0x417: {  	s23 =	simm.s32 $0x0;
	s24 =	simm.s32 $0x0;
	[sflag:s9] =	ssyncset.done $0x0  }
0x418: {  	s25 =	simm.s32 $0x0;
	s26 =	simm.s32 $0x0;
	v28 =	vimm.s32 $0x0;
	v29 =	vimm.s32 $0x0;
	[sflag:s9] =	ssyncadd.s32 $0xFFFFE000  }
.LBB2_27:
0x419: {  	s1 =	sor.u32 s17, s26  }
0x41a: {  	v30 =	vmov s1  }
0x41b: {  	v31 =	vshll.u32 v30, $0x3  }
0x41c: {  	s7 =	sshll.u32 s25, $0x2;
	s2 =	sand.u32 $0x3, s24;
	v30 =	vand.u32 $0x7E, v30;
	v31 =	vand.u32 $0xC00, v31  }
0x41d: {  	s1 =	sand.u32 $0xFFFFC000, s7;
	s2 =	sshll.u32 s2, $0xA;
	v31 =	vor.u32 v30, v31  }
0x41e: {  	s2 =	sor.u32 s2, s1;
	v32 =	vor.u32 $0x80, v31  }
0x41f: {  	s2 =	sshrl.u32 s2, $0x2;
	v33 =	vor.u32 $0x100, v31  }
0x420: {  	s5 =	sadd.s32 $0x4000, s2;
	v34 =	vor.u32 $0x180, v31  }
0x421: {  	v30 =	vmov s5  }
0x422: {  	v31 =	vld.idx.msk [tilespmem:v31+s10+$0x0], $0xffff  }
0x423: {  	v37 =	vld.idx.msk [tilespmem:v32+s10+$0x0], $0xffff  }
0x424: {  	v36 =	vld.idx.msk [tilespmem:v33+s10+$0x0], $0xffff  }
0x425: {  	s12 =	simm.s32 $0x0;
	v35 =	vld.idx.msk [tilespmem:v34+s10+$0x0], $0xffff  }
0x426: {  	v6 =	vld.idx.msk [tilespmem:v30+s12+$0x6070 ss:$0x1], $0xffff  }
0x427: {  	v7 =	vld.idx.msk [tilespmem:v30+s12+$0x6060 ss:$0x1], $0xffff  }
0x428: {  	v38 =	vld.idx.msk [tilespmem:v30+s12+$0x4070 ss:$0x1], $0xffff  }
0x429: {  	v39 =	vld.idx.msk [tilespmem:v30+s12+$0x6050 ss:$0x1], $0xffff  }
0x42a: {  	v40 =	vld.idx.msk [tilespmem:v30+s12+$0x4060 ss:$0x1], $0xffff  }
0x42b: {  	v41 =	vld.idx.msk [tilespmem:v30+s12+$0x70 ss:$0x1], $0xffff  }
0x42c: {  	v42 =	vld.idx.msk [tilespmem:v30+s12+$0x2070 ss:$0x1], $0xffff  }
0x42d: {  	v43 =	vld.idx.msk [tilespmem:v30+s12+$0x6040 ss:$0x1], $0xffff  }
0x42e: {  	v44 =	vld.idx.msk [tilespmem:v30+s12+$0x4050 ss:$0x1], $0xffff  }
0x42f: {  	v45 =	vld.idx.msk [tilespmem:v30+s12+$0x60 ss:$0x1], $0xffff  }
0x430: {  	v46 =	vld.idx.msk [tilespmem:v30+s12+$0x2060 ss:$0x1], $0xffff  }
0x431: {  	v47 =	vld.idx.msk [tilespmem:v30+s12+$0x4040 ss:$0x1], $0xffff  }
0x432: {  	v48 =	vld.idx.msk [tilespmem:v30+s12+$0x50 ss:$0x1], $0xffff  }
0x433: {  	v49 =	vld.idx.msk [tilespmem:v30+s12+$0x2050 ss:$0x1], $0xffff  }
0x434: {  	v50 =	vld.idx.msk [tilespmem:v30+s12+$0x6020 ss:$0x1], $0xffff  }
0x435: {  	v51 =	vld.idx.msk [tilespmem:v30+s12+$0x40 ss:$0x1], $0xffff  }
0x436: {  	v52 =	vld.idx.msk [tilespmem:v30+s12+$0x2040 ss:$0x1], $0xffff  }
0x437: {  	v53 =	vld.idx.msk [tilespmem:v30+s12+$0x30 ss:$0x1], $0xffff  }
0x438: {  	v54 =	vld.idx.msk [tilespmem:v30+s12+$0x2030 ss:$0x1], $0xffff  }
0x439: {  	v55 =	vld.idx.msk [tilespmem:v30+s12+$0x20 ss:$0x1], $0xffff  }
0x43a: {  	v56 =	vld.idx.msk [tilespmem:v30+s12+$0x2020 ss:$0x1], $0xffff  }
0x43b: {  	v57 =	vld.idx.msk [tilespmem:v30+s12+$0x4000 ss:$0x1], $0xffff  }
0x43c: {  	v58 =	vld.idx.msk [tilespmem:v30+s12+$0x0 ss:$0x1], $0xffff  }
0x43d: {  	v59 =	vld.idx.msk [tilespmem:v30+s12+$0x2000 ss:$0x1], $0xffff  }
0x43e: {  	v60 =	vld.idx.msk [tilespmem:v30+s12+$0x10 ss:$0x1], $0xffff  }
0x43f: {  	v61 =	vld.idx.msk [tilespmem:v30+s12+$0x2010 ss:$0x1], $0xffff  }
0x440: {  	v62 =	vld.idx.msk [tilespmem:v30+s12+$0x6000 ss:$0x1], $0xffff;
	v63 =	vmul.f32 v6, v35;
	v34 =	vmul.f32 v7, v35  }
0x441: {  	s2 =	sadd.s32 s2, s15;
	v33 =	vld.idx.msk [tilespmem:v30+s12+$0x4010 ss:$0x1], $0xffff;
	v41 =	vmul.f32 v41, v31;
	v42 =	vmul.f32 v42, v37  }
0x442: {  	v32 =	vmov s2;
	v2 =	vld.idx.msk [tilespmem:v30+s12+$0x4020 ss:$0x1], $0xffff;
	s2 =	simm.s32 $0x400;
	v48 =	vmul.f32 v48, v31;
	v49 =	vmul.f32 v49, v37  }
0x443: {  	v5 =	vld.idx.msk [tilespmem:v30+s2+$0x6050 ss:$0x1], $0xffff;
	v45 =	vmul.f32 v45, v31;
	v46 =	vmul.f32 v46, v37  }
0x444: {  	v4 =	vld.idx.msk [tilespmem:v30+s2+$0x6040 ss:$0x1], $0xffff;
	v58 =	vmul.f32 v58, v31;
	v59 =	vmul.f32 v59, v37  }
0x445: {  	v7 =	vimm.f32 $-1.000000000e+00;
	v6 =	vld.idx.msk [tilespmem:v30+s12+$0x6010 ss:$0x1], $0xffff;
	v51 =	vmul.f32 v51, v31;
	v52 =	vmul.f32 v52, v37  }
0x446: {  	v55 =	vmul.f32 v55, v31;
	v56 =	vmul.f32 v56, v37;
	v41 =	vadd.f32 v42, v41;
	v42 =	vld.idx.msk [tilespmem:v30+s12+$0x4030 ss:$0x1], $0xffff  }
0x447: {  	v53 =	vmul.f32 v53, v31;
	v54 =	vmul.f32 v54, v37;
	v48 =	vadd.f32 v49, v48;
	v49 =	vld.idx.msk [tilespmem:v32+s12+$0x0 ss:$0x1], $0xffff  }
0x448: {  	v38 =	vmul.f32 v38, v36;
	v57 =	vmul.f32 v57, v36;
	v45 =	vadd.f32 v46, v45;
	v46 =	vld.idx.msk [tilespmem:v30+s12+$0x6030 ss:$0x1], $0xffff  }
0x449: {  	v60 =	vmul.f32 v60, v31;
	v61 =	vmul.f32 v61, v37;
	v58 =	vadd.f32 v59, v58;
	v59 =	vld.idx.msk [tilespmem:v32+s12+$0x10 ss:$0x1], $0xffff  }
0x44a: {  	v39 =	vmul.f32 v39, v35;
	v62 =	vmul.f32 v62, v35;
	v51 =	vadd.f32 v52, v51;
	v52 =	vld.idx.msk [tilespmem:v32+s12+$0x20 ss:$0x1], $0xffff  }
0x44b: {  	v40 =	vmul.f32 v40, v36;
	v33 =	vmul.f32 v33, v36;
	v55 =	vadd.f32 v56, v55;
	v56 =	vld.idx.msk [tilespmem:v32+s12+$0x70 ss:$0x1], $0xffff  }
0x44c: {  	v43 =	vmul.f32 v43, v35;
	v53 =	vadd.f32 v54, v53;
	v54 =	vld.idx.msk [tilespmem:v32+s12+$0x30 ss:$0x1], $0xffff;
	v60 =	vadd.f32 v61, v60  }
0x44d: {  	v2 =	vmul.f32 v2, v36;
	v44 =	vmul.f32 v44, v36;
	v61 =	vld.idx.msk [tilespmem:v32+s12+$0x40 ss:$0x1], $0xffff;
	v57 =	vadd.f32 v57, v58  }
0x44e: {  	v50 =	vmul.f32 v50, v35;
	v58 =	vld.idx.msk [tilespmem:v32+s12+$0x60 ss:$0x1], $0xffff;
	v33 =	vadd.f32 v33, v60;
	v45 =	vadd.f32 v40, v45  }
0x44f: {  	v60 =	vld.idx.msk [tilespmem:v30+s2+$0x6070 ss:$0x1], $0xffff;
	v2 =	vadd.f32 v2, v55;
	v55 =	vmul.f32 v47, v36;
	v44 =	vadd.f32 v44, v48  }
0x450: {  	v47 =	vld.idx.msk [tilespmem:v30+s2+$0x2060 ss:$0x1], $0xffff;
	v38 =	vadd.f32 v38, v41;
	v6 =	vmul.f32 v6, v35;
	v57 =	vadd.f32 v62, v57  }
0x451: {  	v48 =	vld.idx.msk [tilespmem:v30+s2+$0x6020 ss:$0x1], $0xffff;
	v41 =	vmul.f32 v5, v35;
	v2 =	vadd.f32 v50, v2;
	v39 =	vadd.f32 v39, v44  }
0x452: {  	v62 =	vld.idx.msk [tilespmem:v32+s12+$0x50 ss:$0x1], $0xffff;
	v40 =	vmul.f32 v42, v36;
	v6 =	vadd.f32 v6, v33;
	v49 =	vsub.f32 v49, v57  }
0x453: {  	v45 =	vadd.f32 v34, v45;
	v34 =	vld.idx.msk [tilespmem:v30+s2+$0x50 ss:$0x1], $0xffff;
	v46 =	vmul.f32 v46, v35;
	v33 =	vadd.f32 v55, v51  }
0x454: {  	v50 =	vld.idx.msk [tilespmem:v30+s2+$0x2050 ss:$0x1], $0xffff;
	v40 =	vadd.f32 v40, v53;
	v6 =	vsub.f32 v59, v6;
	v53 =	vand.u32 $0x7FFFFFFF, v49  }
0x455: {  	v42 =	vld.idx.msk [tilespmem:v30+s2+$0x6060 ss:$0x1], $0xffff;
	v2 =	vsub.f32 v52, v2;
	v43 =	vadd.f32 v43, v33;
	vm0 =	vgt.f32 v53, v7  }
0x456: {  	v51 =	vld.idx.msk [tilespmem:v30+s2+$0x2040 ss:$0x1], $0xffff;
	v40 =	vadd.f32 v46, v40;
	v6 =	vand.u32 $0x7FFFFFFF, v6;
	v7 =	vsel vm0, v53, v7  }
0x457: {  	v38 =	vadd.f32 v63, v38;
	v57 =	vld.idx.msk [tilespmem:v30+s2+$0x4070 ss:$0x1], $0xffff;
	v2 =	vand.u32 $0x7FFFFFFF, v2;
	vm1 =	vgt.f32 v6, v7  }
0x458: {  	v59 =	vld.idx.msk [tilespmem:v30+s2+$0x2070 ss:$0x1], $0xffff;
	v43 =	vsub.f32 v61, v43;
	v40 =	vsub.f32 v54, v40;
	v6 =	vsel vm1, v6, v7  }
0x459: {  	v33 =	vld.idx.msk [tilespmem:v30+s2+$0x60 ss:$0x1], $0xffff;
	v39 =	vsub.f32 v62, v39;
	v61 =	vsub.f32 v58, v45;
	vm10 =	vgt.f32 v2, v6  }
0x45a: {  	v49 =	vld.idx.msk [tilespmem:v30+s2+$0x4060 ss:$0x1], $0xffff;
	v58 =	vsub.f32 v56, v38;
	v52 =	vand.u32 $0x7FFFFFFF, v40;
	v2 =	vsel vm10, v2, v6  }
0x45b: {  	v46 =	vld.idx.msk [tilespmem:v30+s2+$0x70 ss:$0x1], $0xffff;
	v38 =	vmul.f32 v60, v35;
	v55 =	vsel vm0, s20, v29;
	vm11 =	vgt.f32 v52, v2  }
0x45c: {  	v54 =	vand.u32 $0x7FFFFFFF, v43;
	v62 =	vand.u32 $0x7FFFFFFF, v39;
	v7 =	vld.idx.msk [tilespmem:v30+s2+$0x4050 ss:$0x1], $0xffff;
	v2 =	vsel vm11, v52, v2  }
0x45d: {  	s30 =	simm.s32 $0x1;
	v56 =	vld.idx.msk [tilespmem:v30+s2+$0x20 ss:$0x1], $0xffff;
	v45 =	vand.u32 $0x7FFFFFFF, v61;
	v63 =	vand.u32 $0x7FFFFFFF, v58;
	vm12 =	vgt.f32 v54, v2  }
0x45e: {  	s31 =	simm.s32 $0x2;
	v60 =	vld.idx.msk [tilespmem:v30+s2+$0x0 ss:$0x1], $0xffff;
	v53 =	vsel vm1, s30, v55;
	v59 =	vmul.f32 v59, v37;
	v2 =	vsel vm12, v54, v2  }
0x45f: {  	s6 =	simm.s32 $0x3;
	v40 =	vld.idx.msk [tilespmem:v30+s2+$0x4040 ss:$0x1], $0xffff;
	v49 =	vmul.f32 v49, v36;
	v55 =	vsel vm10, s31, v53;
	vm13 =	vgt.f32 v62, v2  }
0x460: {  	s7 =	simm.s32 $0x4;
	v53 =	vld.idx.msk [tilespmem:v30+s2+$0x40 ss:$0x1], $0xffff;
	v58 =	vmul.f32 v46, v31;
	v44 =	vsel vm11, s6, v55;
	s6 =	sand.u32 $0x7, s23;
	v2 =	vsel vm13, v62, v2  }
0x461: {  	s12 =	simm.s32 $0x5;
	v55 =	vld.idx.msk [tilespmem:v30+s2+$0x30 ss:$0x1], $0xffff;
	s6 =	sshll.u32 s6, $0x9;
	v46 =	vmul.f32 v7, v36;
	v39 =	vsel vm12, s7, v44;
	vm14 =	vgt.f32 v45, v2  }
0x462: {  	s30 =	simm.s32 $0x6;
	v52 =	vld.idx.msk [tilespmem:v30+s2+$0x2030 ss:$0x1], $0xffff;
	s1 =	sor.u32 s6, s1;
	v44 =	vmul.f32 v4, v35;
	v61 =	vsel vm13, s12, v39;
	v2 =	vsel vm14, v45, v2  }
0x463: {  	s28 =	simm.s32 $0x2000;
	s31 =	simm.s32 $0x7;
	v54 =	vld.idx.msk [tilespmem:v30+s2+$0x2020 ss:$0x1], $0xffff;
	s1 =	sshrl.u32 s1, $0x2;
	v39 =	vmul.f32 v42, v35;
	v62 =	vsel vm14, s30, v61;
	vm15 =	vgt.f32 v63, v2  }
0x464: {  	s12 =	sadd.s32 $0x4000, s1;
	s29 =	sadd.s32 s1, s21;
	s1 =	simm.s32 $0x0;
	v45 =	vmul.f32 v57, v36;
	v57 =	vld.idx.msk [tilespmem:v30+s2+$0x4000 ss:$0x1], $0xffff;
	v43 =	vsel vm15, v63, v2;
	v42 =	vsel vm15, s31, v62  }
.LBB2_28:
0x465: {  	p1 =	sne.s32 s28, $0x3000;
	v2 =	vld.idx.msk [tilespmem:v30+s2+$0x2000 ss:$0x1], $0xffff;
	v4 =	vmul.f32 v33, v31;
	v5 =	vmul.f32 v47, v37  }
0x466: {  	v7 =	vmul.f32 v34, v31;
	v33 =	vmul.f32 v50, v37;
	v6 =	vld.idx.msk [tilespmem:v30+s2+$0x10 ss:$0x1], $0xffff  }
0x467: {  	v47 =	vmul.f32 v48, v35;
	v48 =	vmul.f32 v53, v31;
	v34 =	vld.idx.msk [tilespmem:v30+s2+$0x2010 ss:$0x1], $0xffff  }
0x468: {  	v53 =	vmul.f32 v55, v31;
	v51 =	vmul.f32 v51, v37;
	v50 =	vld.idx.msk [tilespmem:v30+s2+$0x6000 ss:$0x1], $0xffff  }
0x469: {  	v52 =	vmul.f32 v52, v37;
	v56 =	vmul.f32 v56, v31;
	v55 =	vld.idx.msk [tilespmem:v30+s2+$0x4010 ss:$0x1], $0xffff  }
0x46a: {  	v54 =	vmul.f32 v54, v37;
	v57 =	vmul.f32 v57, v36;
	v61 =	vld.idx.msk [tilespmem:v30+s2+$0x4020 ss:$0x1], $0xffff  }
0x46b: {  	v58 =	vadd.f32 v59, v58;
	v60 =	vmul.f32 v60, v31;
	v2 =	vmul.f32 v2, v37;
	v62 =	vld.idx.msk [tilespmem:v30+s2+$0x6010 ss:$0x1], $0xffff  }
0x46c: {  	v7 =	vadd.f32 v33, v7;
	v4 =	vadd.f32 v5, v4;
	v6 =	vmul.f32 v6, v31;
	v59 =	vld.idx.msk [tilespmem:v30+s2+$0x4030 ss:$0x1], $0xffff  }
0x46d: {  	v2 =	vadd.f32 v2, v60;
	v33 =	vmul.f32 v34, v37;
	v34 =	vadd.f32 v51, v48;
	v5 =	vld.idx.msk [tilespmem:v32+s2+$0x0 ss:$0x1], $0xffff  }
0x46e: {  	v51 =	vadd.f32 v52, v53;
	v48 =	vmul.f32 v50, v35;
	v50 =	vadd.f32 v54, v56;
	v52 =	vld.idx.msk [tilespmem:v30+s2+$0x6030 ss:$0x1], $0xffff  }
0x46f: {  	v2 =	vadd.f32 v57, v2;
	v6 =	vadd.f32 v33, v6;
	v33 =	vmul.f32 v55, v36;
	v53 =	vld.idx.msk [tilespmem:v32+s2+$0x10 ss:$0x1], $0xffff  }
0x470: {  	v45 =	vadd.f32 v45, v58;
	v4 =	vadd.f32 v49, v4;
	v55 =	vmul.f32 v61, v36;
	v54 =	vld.idx.msk [tilespmem:v32+s2+$0x20 ss:$0x1], $0xffff  }
0x471: {  	v2 =	vadd.f32 v48, v2;
	v6 =	vadd.f32 v33, v6;
	v33 =	vmul.f32 v62, v35;
	v48 =	vld.idx.msk [tilespmem:v32+s2+$0x70 ss:$0x1], $0xffff  }
0x472: {  	v7 =	vadd.f32 v46, v7;
	v49 =	vadd.f32 v55, v50;
	v55 =	vmul.f32 v59, v36;
	v50 =	vld.idx.msk [tilespmem:v32+s2+$0x30 ss:$0x1], $0xffff  }
0x473: {  	v2 =	vsub.f32 v5, v2;
	v5 =	vadd.f32 v33, v6;
	v6 =	vmul.f32 v40, v36;
	v33 =	vld.idx.msk [tilespmem:v32+s2+$0x60 ss:$0x1], $0xffff  }
0x474: {  	v40 =	vadd.f32 v47, v49;
	v46 =	vadd.f32 v55, v51;
	v47 =	vmul.f32 v52, v35;
	v49 =	vld.idx.msk [tilespmem:v32+s2+$0x40 ss:$0x1], $0xffff  }
0x475: {  	v2 =	vand.u32 $0x7FFFFFFF, v2;
	v5 =	vsub.f32 v53, v5;
	v6 =	vadd.f32 v6, v34;
	v34 =	vld.idx.msk [tilespmem:v32+s2+$0x50 ss:$0x1], $0xffff;
	s2 =	sshra.s32 s28, $0x2  }
0x476: {  	s1 =	sadd.s32 $0x8, s1;
	vm0 =	vgt.f32 v2, v43;
	v40 =	vsub.f32 v54, v40;
	v46 =	vadd.f32 v47, v46;
	v56 =	vld.idx.msk [tilespmem:v30+s2+$0x6070 ss:$0x1], $0xffff  }
0x477: {  	v2 =	vsel vm0, v2, v43;
	v42 =	vsel vm0, s1, v42;
	v5 =	vand.u32 $0x7FFFFFFF, v5;
	v54 =	vld.idx.msk [tilespmem:v30+s2+$0x6060 ss:$0x1], $0xffff  }
0x478: {  	s5 =	sadd.s32 $0x1, s1;
	v6 =	vadd.f32 v44, v6;
	vm0 =	vgt.f32 v5, v2;
	v43 =	vsub.f32 v50, v46;
	v57 =	vld.idx.msk [tilespmem:v30+s2+$0x4070 ss:$0x1], $0xffff  }
0x479: {  	v40 =	vand.u32 $0x7FFFFFFF, v40;
	v2 =	vsel vm0, v5, v2;
	v5 =	vsel vm0, s5, v42;
	v44 =	vld.idx.msk [tilespmem:v30+s2+$0x6050 ss:$0x1], $0xffff  }
0x47a: {  	v7 =	vadd.f32 v41, v7;
	s5 =	sadd.s32 $0x2, s1;
	vm0 =	vgt.f32 v40, v2;
	v6 =	vsub.f32 v49, v6;
	v46 =	vld.idx.msk [tilespmem:v30+s2+$0x4060 ss:$0x1], $0xffff  }
0x47b: {  	v2 =	vsel vm0, v40, v2;
	v5 =	vsel vm0, s5, v5;
	v40 =	vand.u32 $0x7FFFFFFF, v43;
	v58 =	vld.idx.msk [tilespmem:v30+s2+$0x70 ss:$0x1], $0xffff  }
0x47c: {  	v4 =	vadd.f32 v39, v4;
	s5 =	sadd.s32 $0x3, s1;
	v7 =	vsub.f32 v34, v7;
	vm0 =	vgt.f32 v40, v2;
	v59 =	vld.idx.msk [tilespmem:v30+s2+$0x2070 ss:$0x1], $0xffff  }
0x47d: {  	v6 =	vand.u32 $0x7FFFFFFF, v6;
	v2 =	vsel vm0, v40, v2;
	v5 =	vsel vm0, s5, v5;
	v61 =	vld.idx.msk [tilespmem:v30+s2+$0x6040 ss:$0x1], $0xffff  }
0x47e: {  	v4 =	vsub.f32 v33, v4;
	v34 =	vadd.f32 v38, v45;
	s5 =	sadd.s32 $0x4, s1;
	vm0 =	vgt.f32 v6, v2;
	v62 =	vld.idx.msk [tilespmem:v30+s2+$0x4050 ss:$0x1], $0xffff  }
0x47f: {  	v2 =	vsel vm0, v6, v2;
	v5 =	vsel vm0, s5, v5;
	v6 =	vand.u32 $0x7FFFFFFF, v7;
	v33 =	vld.idx.msk [tilespmem:v30+s2+$0x60 ss:$0x1], $0xffff  }
0x480: {  	s5 =	sadd.s32 $0x5, s1;
	v7 =	vsub.f32 v48, v34;
	vm0 =	vgt.f32 v6, v2;
	v47 =	vld.idx.msk [tilespmem:v30+s2+$0x2060 ss:$0x1], $0xffff  }
0x481: {  	v4 =	vand.u32 $0x7FFFFFFF, v4;
	v2 =	vsel vm0, v6, v2;
	v5 =	vsel vm0, s5, v5;
	v40 =	vld.idx.msk [tilespmem:v30+s2+$0x4040 ss:$0x1], $0xffff  }
0x482: {  	s5 =	sadd.s32 $0x6, s1;
	vm0 =	vgt.f32 v4, v2;
	v34 =	vld.idx.msk [tilespmem:v30+s2+$0x50 ss:$0x1], $0xffff  }
0x483: {  	v2 =	vsel vm0, v4, v2;
	v4 =	vsel vm0, s5, v5;
	v5 =	vand.u32 $0x7FFFFFFF, v7;
	v50 =	vld.idx.msk [tilespmem:v30+s2+$0x2050 ss:$0x1], $0xffff  }
0x484: {  	s5 =	sadd.s32 $0x7, s1;
	vm0 =	vgt.f32 v5, v2;
	v48 =	vld.idx.msk [tilespmem:v30+s2+$0x6020 ss:$0x1], $0xffff  }
0x485: {  	v43 =	vsel vm0, v5, v2;
	v42 =	vsel vm0, s5, v4;
	v53 =	vld.idx.msk [tilespmem:v30+s2+$0x40 ss:$0x1], $0xffff  }
0x486: {  	v51 =	vld.idx.msk [tilespmem:v30+s2+$0x2040 ss:$0x1], $0xffff  }
0x487: {  	v55 =	vld.idx.msk [tilespmem:v30+s2+$0x30 ss:$0x1], $0xffff  }
.Ltmp12:
0x488: {  	v38 =	vmul.f32 v56, v35;
	v52 =	vld.idx.msk [tilespmem:v30+s2+$0x2030 ss:$0x1], $0xffff;
	(pc) =	sbr.rel @p1 .LBB2_28-.Ltmp12, $4  }
0x489: {  	v39 =	vmul.f32 v54, v35;
	v45 =	vmul.f32 v57, v36;
	v56 =	vld.idx.msk [tilespmem:v30+s2+$0x20 ss:$0x1], $0xffff  }
0x48a: {  	v41 =	vmul.f32 v44, v35;
	v49 =	vmul.f32 v46, v36;
	v54 =	vld.idx.msk [tilespmem:v30+s2+$0x2020 ss:$0x1], $0xffff  }
0x48b: {  	v58 =	vmul.f32 v58, v31;
	v59 =	vmul.f32 v59, v37;
	v57 =	vld.idx.msk [tilespmem:v30+s2+$0x4000 ss:$0x1], $0xffff  }
0x48c: {  	s28 =	sadd.s32 $0x1000, s28;
	v44 =	vmul.f32 v61, v35;
	v46 =	vmul.f32 v62, v36;
	v60 =	vld.idx.msk [tilespmem:v30+s2+$0x0 ss:$0x1], $0xffff  }
0x48d: {  	_ =	sdelay $0x3  }
0x48e: {  	v2 =	vld.idx.msk [tilespmem:v30+s2+$0x2000 ss:$0x1], $0xffff  }
0x48f: {  	v4 =	vld.idx.msk [tilespmem:v30+s2+$0x10 ss:$0x1], $0xffff  }
0x490: {  	v5 =	vld.idx.msk [tilespmem:v30+s2+$0x2010 ss:$0x1], $0xffff  }
0x491: {  	v6 =	vld.idx.msk [tilespmem:v30+s2+$0x6000 ss:$0x1], $0xffff  }
0x492: {  	v7 =	vld.idx.msk [tilespmem:v30+s2+$0x4010 ss:$0x1], $0xffff  }
0x493: {  	v61 =	vld.idx.msk [tilespmem:v30+s2+$0x4020 ss:$0x1], $0xffff  }
0x494: {  	v62 =	vld.idx.msk [tilespmem:v30+s2+$0x6010 ss:$0x1], $0xffff  }
0x495: {  	v63 =	vld.idx.msk [tilespmem:v30+s2+$0x4030 ss:$0x1], $0xffff  }
0x496: {  	v3 =	vld.idx.msk [tilespmem:v32+s2+$0x0 ss:$0x1], $0xffff  }
0x497: {  	v12 =	vld.idx.msk [tilespmem:v30+s2+$0x6030 ss:$0x1], $0xffff  }
0x498: {  	v14 =	vld.idx.msk [tilespmem:v32+s2+$0x10 ss:$0x1], $0xffff  }
0x499: {  	v18 =	vld.idx.msk [tilespmem:v32+s2+$0x20 ss:$0x1], $0xffff  }
0x49a: {  	s28 =	sor.u32 $0x1, s26;
	v20 =	vld.idx.msk [tilespmem:v32+s2+$0x70 ss:$0x1], $0xffff  }
0x49b: {  	v11 =	vld.idx.msk [tilespmem:v32+s2+$0x30 ss:$0x1], $0xffff;
	s5 =	sor.u32 s17, s28  }
0x49c: {  	v19 =	vld.idx.msk [tilespmem:v32+s2+$0x60 ss:$0x1], $0xffff;
	v9 =	vmov s5  }
0x49d: {  	v25 =	vld.idx.msk [tilespmem:v32+s2+$0x40 ss:$0x1], $0xffff;
	v30 =	vshll.u32 v9, $0x3  }
0x49e: {  	v8 =	vld.idx.msk [tilespmem:v32+s2+$0x50 ss:$0x1], $0xffff;
	v32 =	vmov s12;
	v9 =	vand.u32 $0x7F, v9;
	v30 =	vand.u32 $0xC00, v30  }
0x49f: {  	v9 =	vor.u32 v9, v30  }
0x4a0: {  	v30 =	vor.u32 $0x80, v9  }
0x4a1: {  	v17 =	vmul.f32 v34, v31;
	v50 =	vmul.f32 v50, v37;
	v13 =	vor.u32 $0x100, v9  }
0x4a2: {  	s2 =	simm.s32 $0x0;
	v26 =	vor.u32 $0x180, v9  }
0x4a3: {  	v17 =	vadd.f32 v50, v17;
	v50 =	vld.idx.msk [tilespmem:v32+s2+$0x40E0 ss:$0x1], $0xffff  }
0x4a4: {  	v27 =	vmul.f32 v33, v31;
	v54 =	vmul.f32 v54, v37;
	v33 =	vld.idx.msk [tilespmem:v9+s10+$0x0], $0xffff  }
0x4a5: {  	v4 =	vmul.f32 v4, v31;
	v2 =	vmul.f32 v2, v37;
	v34 =	vld.idx.msk [tilespmem:v30+s10+$0x0], $0xffff  }
0x4a6: {  	v9 =	vmul.f32 v53, v31;
	v53 =	vmul.f32 v55, v31;
	v30 =	vld.idx.msk [tilespmem:v13+s10+$0x0], $0xffff  }
0x4a7: {  	v55 =	vmul.f32 v56, v31;
	v56 =	vmul.f32 v60, v31;
	v31 =	vld.idx.msk [tilespmem:v26+s10+$0x0], $0xffff  }
0x4a8: {  	v5 =	vmul.f32 v5, v37;
	v6 =	vmul.f32 v6, v35;
	v13 =	vadd.f32 v59, v58;
	v58 =	vld.idx.msk [tilespmem:v32+s2+$0x60F0 ss:$0x1], $0xffff  }
0x4a9: {  	v26 =	vmul.f32 v47, v37;
	v47 =	vmul.f32 v51, v37;
	v51 =	vld.idx.msk [tilespmem:v32+s2+$0x40F0 ss:$0x1], $0xffff  }
0x4aa: {  	v12 =	vmul.f32 v12, v35;
	v59 =	vmul.f32 v48, v35;
	v48 =	vld.idx.msk [tilespmem:v32+s2+$0x40D0 ss:$0x1], $0xffff  }
0x4ab: {  	v4 =	vadd.f32 v5, v4;
	v60 =	vmul.f32 v57, v36;
	v2 =	vadd.f32 v2, v56;
	v56 =	vld.idx.msk [tilespmem:v32+s2+$0x60E0 ss:$0x1], $0xffff  }
0x4ac: {  	v26 =	vadd.f32 v26, v27;
	v9 =	vadd.f32 v47, v9;
	v27 =	vmul.f32 v52, v37;
	v47 =	vld.idx.msk [tilespmem:v32+s2+$0x60D0 ss:$0x1], $0xffff  }
0x4ad: {  	v57 =	vmul.f32 v62, v35;
	v37 =	vadd.f32 v54, v55;
	v52 =	vld.idx.msk [tilespmem:v32+s2+$0xF0 ss:$0x1], $0xffff;
	v54 =	vimm.f32 $-1.000000000e+00  }
0x4ae: {  	v55 =	vld.idx.msk [tilespmem:v32+s2+$0x20B0 ss:$0x1], $0xffff;
	v2 =	vadd.f32 v60, v2;
	v60 =	vmul.f32 v7, v36;
	v7 =	vadd.f32 v27, v53  }
0x4af: {  	v27 =	vmul.f32 v61, v36;
	v26 =	vadd.f32 v49, v26;
	v49 =	vld.idx.msk [tilespmem:v32+s2+$0x60C0 ss:$0x1], $0xffff;
	v61 =	vmul.f32 v40, v36  }
0x4b0: {  	v40 =	vld.idx.msk [tilespmem:v32+s2+$0x40C0 ss:$0x1], $0xffff;
	v2 =	vadd.f32 v6, v2;
	v4 =	vadd.f32 v60, v4;
	v60 =	vmul.f32 v63, v36  }
0x4b1: {  	v53 =	vld.idx.msk [tilespmem:v32+s2+$0x4090 ss:$0x1], $0xffff;
	v50 =	vmul.f32 v50, v30;
	v48 =	vmul.f32 v48, v30;
	v27 =	vadd.f32 v27, v37  }
0x4b2: {  	v6 =	vld.idx.msk [tilespmem:v32+s2+$0x20F0 ss:$0x1], $0xffff;
	v37 =	vmov s29;
	v2 =	vsub.f32 v3, v2;
	v3 =	vadd.f32 v57, v4  }
0x4b3: {  	v63 =	vld.idx.msk [tilespmem:v32+s2+$0x20C0 ss:$0x1], $0xffff;
	v7 =	vadd.f32 v60, v7;
	v4 =	vadd.f32 v61, v9;
	v60 =	vimm.s32 $0x0  }
0x4b4: {  	v9 =	vld.idx.msk [tilespmem:v32+s2+$0xD0 ss:$0x1], $0xffff;
	v47 =	vmul.f32 v47, v31;
	v62 =	vadd.f32 v59, v27;
	v3 =	vsub.f32 v14, v3  }
0x4b5: {  	v57 =	vld.idx.msk [tilespmem:v32+s2+$0x2090 ss:$0x1], $0xffff;
	v2 =	vand.u32 $0x7FFFFFFF, v2;
	v7 =	vadd.f32 v12, v7;
	v12 =	vadd.f32 v46, v17  }
0x4b6: {  	v61 =	vld.idx.msk [tilespmem:v32+s2+$0x6090 ss:$0x1], $0xffff;
	v4 =	vadd.f32 v44, v4;
	v49 =	vmul.f32 v49, v31;
	vm0 =	vgt.f32 v2, v43  }
0x4b7: {  	v27 =	vld.idx.msk [tilespmem:v32+s2+$0xE0 ss:$0x1], $0xffff;
	v5 =	vsub.f32 v18, v62;
	v6 =	vmul.f32 v6, v34;
	v2 =	vsel vm0, v2, v43  }
0x4b8: {  	s1 =	sadd.s32 $0x8, s1;
	v59 =	vld.idx.msk [tilespmem:v32+s2+$0x40A0 ss:$0x1], $0xffff;
	v3 =	vand.u32 $0x7FFFFFFF, v3;
	v7 =	vsub.f32 v11, v7;
	v11 =	vadd.f32 v45, v13  }
0x4b9: {  	v17 =	vld.idx.msk [tilespmem:v32+s2+$0x20D0 ss:$0x1], $0xffff;
	v4 =	vsub.f32 v25, v4;
	v12 =	vadd.f32 v41, v12;
	v18 =	vsel vm0, s1, v42  }
0x4ba: {  	v14 =	vld.idx.msk [tilespmem:v32+s2+$0x20E0 ss:$0x1], $0xffff;
	v25 =	vadd.f32 v39, v26;
	vm1 =	vgt.f32 v3, v2;
	v9 =	vmul.f32 v9, v33  }
0x4bb: {  	s7 =	sadd.s32 $0x1, s1;
	v62 =	vld.idx.msk [tilespmem:v32+s2+$0x40B0 ss:$0x1], $0xffff;
	v2 =	vsel vm1, v3, v2;
	v3 =	vand.u32 $0x7FFFFFFF, v5;
	v8 =	vsub.f32 v8, v12  }
0x4bc: {  	v13 =	vld.idx.msk [tilespmem:v32+s2+$0xC0 ss:$0x1], $0xffff;
	v12 =	vsel vm1, s7, v18;
	v18 =	vsub.f32 v19, v25;
	v27 =	vmul.f32 v27, v33  }
0x4bd: {  	s29 =	simm.s32 $0x400;
	v26 =	vld.idx.msk [tilespmem:v32+s2+$0xB0 ss:$0x1], $0xffff;
	v11 =	vadd.f32 v38, v11;
	v38 =	vmul.f32 v57, v34;
	v43 =	vmul.f32 v59, v30  }
0x4be: {  	v45 =	vld.idx.msk [tilespmem:v32+s29+$0x60F0 ss:$0x1], $0xffff;
	v57 =	vmul.f32 v61, v31;
	vm2 =	vgt.f32 v3, v2;
	v17 =	vmul.f32 v17, v34  }
0x4bf: {  	s12 =	sadd.s32 $0x2, s1;
	v41 =	vld.idx.msk [tilespmem:v32+s29+$0x40C0 ss:$0x1], $0xffff;
	v14 =	vmul.f32 v14, v34;
	v2 =	vsel vm2, v3, v2;
	v3 =	vand.u32 $0x7FFFFFFF, v7  }
0x4c0: {  	v5 =	vld.idx.msk [tilespmem:v32+s2+$0x60A0 ss:$0x1], $0xffff;
	v12 =	vsel vm2, s12, v12;
	v11 =	vsub.f32 v20, v11;
	v7 =	vmul.f32 v63, v34  }
0x4c1: {  	v19 =	vld.idx.msk [tilespmem:v32+s2+$0xA0 ss:$0x1], $0xffff;
	v42 =	vmul.f32 v62, v30;
	vm15 =	vgt.f32 v3, v2;
	v9 =	vadd.f32 v17, v9  }
0x4c2: {  	v25 =	vld.idx.msk [tilespmem:v32+s2+$0x4080 ss:$0x1], $0xffff;
	v13 =	vmul.f32 v13, v33;
	v2 =	vsel vm15, v3, v2;
	v3 =	vand.u32 $0x7FFFFFFF, v4  }
0x4c3: {  	s31 =	sadd.s32 $0x3, s1;
	v20 =	vld.idx.msk [tilespmem:v32+s2+$0x2080 ss:$0x1], $0xffff;
	v14 =	vadd.f32 v14, v27;
	v26 =	vmul.f32 v26, v33;
	vm4 =	vgt.f32 v3, v2  }
0x4c4: {  	v17 =	vld.idx.msk [tilespmem:v37+s2+$0x0 ss:$0x1], $0xffff;
	v12 =	vsel vm15, s31, v12;
	v2 =	vsel vm4, v3, v2;
	v3 =	vand.u32 $0x7FFFFFFF, v8  }
0x4c5: {  	v27 =	vld.idx.msk [tilespmem:v32+s2+$0x60B0 ss:$0x1], $0xffff;
	v4 =	vmul.f32 v55, v34;
	v55 =	vmul.f32 v53, v30;
	vm5 =	vgt.f32 v3, v2  }
0x4c6: {  	v19 =	vmul.f32 v19, v33;
	v2 =	vsel vm5, v3, v2;
	v3 =	vand.u32 $0x7FFFFFFF, v18;
	v18 =	vld.idx.msk [tilespmem:v32+s2+$0x80 ss:$0x1], $0xffff  }
0x4c7: {  	v7 =	vadd.f32 v7, v13;
	v25 =	vmul.f32 v25, v30;
	v8 =	vld.idx.msk [tilespmem:v32+s2+$0x20A0 ss:$0x1], $0xffff;
	vm6 =	vgt.f32 v3, v2  }
0x4c8: {  	s6 =	sadd.s32 $0x4, s1;
	v4 =	vadd.f32 v4, v26;
	v2 =	vsel vm6, v3, v2;
	v3 =	vand.u32 $0x7FFFFFFF, v11;
	v11 =	vld.idx.msk [tilespmem:v32+s2+$0x90 ss:$0x1], $0xffff  }
0x4c9: {  	v14 =	vadd.f32 v50, v14;
	v12 =	vsel vm4, s6, v12;
	v26 =	vld.idx.msk [tilespmem:v37+s2+$0x30 ss:$0x1], $0xffff;
	vm7 =	vgt.f32 v3, v2  }
0x4ca: {  	s7 =	sadd.s32 $0x5, s1;
	v4 =	vadd.f32 v42, v4;
	v27 =	vmul.f32 v27, v31;
	v35 =	vsel vm7, v3, v2;
	v2 =	vld.idx.msk [tilespmem:v32+s2+$0x6080 ss:$0x1], $0xffff  }
0x4cb: {  	s12 =	sadd.s32 $0x6, s1;
	v53 =	vld.idx.msk [tilespmem:v32+s29+$0xD0 ss:$0x1], $0xffff;
	v20 =	vmul.f32 v20, v34;
	v12 =	vsel vm5, s7, v12;
	v18 =	vmul.f32 v18, v33  }
0x4cc: {  	v13 =	vld.idx.msk [tilespmem:v37+s2+$0x20 ss:$0x1], $0xffff;
	v9 =	vadd.f32 v48, v9;
	v12 =	vsel vm6, s12, v12;
	v4 =	vadd.f32 v27, v4  }
0x4cd: {  	s1 =	sadd.s32 $0x7, s1;
	v48 =	vld.idx.msk [tilespmem:v32+s29+$0x60A0 ss:$0x1], $0xffff;
	v8 =	vmul.f32 v8, v34;
	v18 =	vadd.f32 v20, v18;
	v11 =	vmul.f32 v11, v33  }
0x4ce: {  	v36 =	vsel vm7, s1, v12;
	v12 =	vmul.f32 v56, v31;
	v56 =	vld.idx.msk [tilespmem:v37+s2+$0x40 ss:$0x1], $0xffff;
	v4 =	vsub.f32 v26, v4  }
0x4cf: {  	v26 =	vld.idx.msk [tilespmem:v32+s29+$0x60C0 ss:$0x1], $0xffff;
	v2 =	vmul.f32 v2, v31;
	v18 =	vadd.f32 v25, v18;
	v11 =	vadd.f32 v38, v11  }
0x4d0: {  	v3 =	vmul.f32 v58, v31;
	v58 =	vmul.f32 v52, v33;
	v8 =	vadd.f32 v8, v19;
	v20 =	vld.idx.msk [tilespmem:v37+s2+$0x10 ss:$0x1], $0xffff  }
0x4d1: {  	v63 =	vmul.f32 v51, v30;
	v52 =	vld.idx.msk [tilespmem:v32+s29+$0x20E0 ss:$0x1], $0xffff;
	v2 =	vadd.f32 v2, v18;
	v11 =	vadd.f32 v55, v11  }
0x4d2: {  	v19 =	vld.idx.msk [tilespmem:v37+s2+$0x70 ss:$0x1], $0xffff;
	v6 =	vadd.f32 v6, v58;
	v58 =	vmul.f32 v40, v30;
	v8 =	vadd.f32 v43, v8  }
0x4d3: {  	v5 =	vmul.f32 v5, v31;
	v40 =	vld.idx.msk [tilespmem:v32+s29+$0x60D0 ss:$0x1], $0xffff;
	v2 =	vsub.f32 v17, v2;
	v11 =	vadd.f32 v57, v11  }
0x4d4: {  	v9 =	vadd.f32 v47, v9;
	v4 =	vand.u32 $0x7FFFFFFF, v4;
	v43 =	vld.idx.msk [tilespmem:v32+s29+$0x60E0 ss:$0x1], $0xffff;
	v7 =	vadd.f32 v58, v7  }
0x4d5: {  	v58 =	vld.idx.msk [tilespmem:v32+s29+$0xB0 ss:$0x1], $0xffff;
	v5 =	vadd.f32 v5, v8;
	v2 =	vand.u32 $0x7FFFFFFF, v2;
	v8 =	vsub.f32 v20, v11  }
0x4d6: {  	v12 =	vadd.f32 v12, v14;
	v6 =	vadd.f32 v63, v6;
	v25 =	vld.idx.msk [tilespmem:v37+s2+$0x60 ss:$0x1], $0xffff;
	vm8 =	vgt.f32 v2, v54  }
0x4d7: {  	v18 =	vld.idx.msk [tilespmem:v37+s2+$0x50 ss:$0x1], $0xffff;
	v5 =	vsub.f32 v13, v5;
	v2 =	vsel vm8, v2, v54;
	v8 =	vand.u32 $0x7FFFFFFF, v8  }
0x4d8: {  	v38 =	vmul.f32 v45, v31;
	v7 =	vadd.f32 v49, v7;
	v49 =	vld.idx.msk [tilespmem:v32+s29+$0xE0 ss:$0x1], $0xffff;
	vm9 =	vgt.f32 v8, v2  }
0x4d9: {  	v3 =	vadd.f32 v3, v6;
	v13 =	vld.idx.msk [tilespmem:v32+s29+$0x20F0 ss:$0x1], $0xffff;
	v5 =	vand.u32 $0x7FFFFFFF, v5;
	v2 =	vsel vm9, v8, v2  }
0x4da: {  	v44 =	vmul.f32 v26, v31;
	v55 =	vld.idx.msk [tilespmem:v32+s29+$0xC0 ss:$0x1], $0xffff;
	v42 =	vmul.f32 v40, v31;
	vm10 =	vgt.f32 v5, v2  }
0x4db: {  	v7 =	vsub.f32 v56, v7;
	v56 =	vld.idx.msk [tilespmem:v32+s29+$0x20C0 ss:$0x1], $0xffff;
	v3 =	vsub.f32 v19, v3;
	v2 =	vsel vm10, v5, v2  }
0x4dc: {  	s30 =	simm.s32 $0x0;
	v39 =	vmul.f32 v43, v31;
	v17 =	vld.idx.msk [tilespmem:v32+s29+$0x40F0 ss:$0x1], $0xffff;
	v9 =	vsub.f32 v18, v9;
	vm11 =	vgt.f32 v4, v2  }
0x4dd: {  	v57 =	vld.idx.msk [tilespmem:v32+s29+$0x20B0 ss:$0x1], $0xffff;
	v27 =	vsel vm8, s30, v60;
	v60 =	vand.u32 $0x7FFFFFFF, v7;
	v2 =	vsel vm11, v4, v2  }
0x4de: {  	s31 =	simm.s32 $0x1;
	v61 =	vsub.f32 v25, v12;
	v3 =	vand.u32 $0x7FFFFFFF, v3;
	v11 =	vld.idx.msk [tilespmem:v32+s29+$0x40E0 ss:$0x1], $0xffff;
	vm12 =	vgt.f32 v60, v2  }
0x4df: {  	s2 =	simm.s32 $0x2;
	v20 =	vld.idx.msk [tilespmem:v32+s29+$0xF0 ss:$0x1], $0xffff;
	v62 =	vand.u32 $0x7FFFFFFF, v9;
	v59 =	vsel vm9, s31, v27;
	v2 =	vsel vm12, v60, v2  }
0x4e0: {  	s5 =	simm.s32 $0x3;
	v63 =	vand.u32 $0x7FFFFFFF, v61;
	v8 =	vld.idx.msk [tilespmem:v32+s29+$0x40D0 ss:$0x1], $0xffff;
	v5 =	vsel vm10, s2, v59;
	vm13 =	vgt.f32 v62, v2  }
0x4e1: {  	s6 =	simm.s32 $0x4;
	v61 =	vld.idx.msk [tilespmem:v32+s29+$0x4080 ss:$0x1], $0xffff;
	v51 =	vmul.f32 v13, v34;
	v5 =	vsel vm11, s5, v5;
	v2 =	vsel vm13, v62, v2  }
0x4e2: {  	s7 =	simm.s32 $0x5;
	v54 =	vld.idx.msk [tilespmem:v32+s29+$0x20D0 ss:$0x1], $0xffff;
	v45 =	vmul.f32 v17, v30;
	v5 =	vsel vm12, s6, v5;
	vm14 =	vgt.f32 v63, v2  }
0x4e3: {  	s12 =	simm.s32 $0x6;
	v46 =	vmul.f32 v11, v30;
	v59 =	vld.idx.msk [tilespmem:v32+s29+$0x20A0 ss:$0x1], $0xffff;
	v5 =	vsel vm13, s7, v5;
	v2 =	vsel vm14, v63, v2  }
0x4e4: {  	s31 =	simm.s32 $0x7;
	v50 =	vmul.f32 v20, v33;
	v60 =	vld.idx.msk [tilespmem:v32+s29+$0xA0 ss:$0x1], $0xffff;
	v4 =	vsel vm14, s12, v5;
	vm15 =	vgt.f32 v3, v2  }
0x4e5: {  	s1 =	simm.s32 $0x2000;
	v47 =	vmul.f32 v8, v30;
	v62 =	vld.idx.msk [tilespmem:v32+s29+$0x80 ss:$0x1], $0xffff;
	v43 =	vsel vm15, v3, v2;
	v40 =	vsel vm15, s31, v4  }
.LBB2_30:
0x4e6: {  	p1 =	sne.s32 s1, $0x3000;
	v2 =	vld.idx.msk [tilespmem:v32+s29+$0x2080 ss:$0x1], $0xffff;
	v3 =	vmul.f32 v49, v33;
	v4 =	vmul.f32 v52, v34  }
0x4e7: {  	v6 =	vmul.f32 v53, v33;
	v7 =	vmul.f32 v54, v34;
	v5 =	vld.idx.msk [tilespmem:v32+s29+$0x90 ss:$0x1], $0xffff  }
0x4e8: {  	v9 =	vmul.f32 v48, v31;
	v11 =	vmul.f32 v55, v33;
	v8 =	vld.idx.msk [tilespmem:v32+s29+$0x2090 ss:$0x1], $0xffff  }
0x4e9: {  	v13 =	vmul.f32 v58, v33;
	v14 =	vmul.f32 v56, v34;
	v12 =	vld.idx.msk [tilespmem:v32+s29+$0x6080 ss:$0x1], $0xffff  }
0x4ea: {  	v19 =	vmul.f32 v57, v34;
	v18 =	vmul.f32 v60, v33;
	v17 =	vld.idx.msk [tilespmem:v32+s29+$0x4090 ss:$0x1], $0xffff  }
0x4eb: {  	v25 =	vmul.f32 v59, v34;
	v20 =	vmul.f32 v61, v30;
	v26 =	vld.idx.msk [tilespmem:v32+s29+$0x40A0 ss:$0x1], $0xffff  }
0x4ec: {  	v49 =	vadd.f32 v51, v50;
	v27 =	vmul.f32 v62, v33;
	v2 =	vmul.f32 v2, v34;
	v48 =	vld.idx.msk [tilespmem:v32+s29+$0x6090 ss:$0x1], $0xffff  }
0x4ed: {  	v6 =	vadd.f32 v7, v6;
	v3 =	vadd.f32 v4, v3;
	v5 =	vmul.f32 v5, v33;
	v50 =	vld.idx.msk [tilespmem:v32+s29+$0x40B0 ss:$0x1], $0xffff  }
0x4ee: {  	v2 =	vadd.f32 v2, v27;
	v7 =	vmul.f32 v8, v34;
	v8 =	vadd.f32 v14, v11;
	v4 =	vld.idx.msk [tilespmem:v37+s29+$0x0 ss:$0x1], $0xffff  }
0x4ef: {  	v13 =	vadd.f32 v19, v13;
	v11 =	vmul.f32 v12, v31;
	v12 =	vadd.f32 v25, v18;
	v14 =	vld.idx.msk [tilespmem:v32+s29+$0x60B0 ss:$0x1], $0xffff  }
0x4f0: {  	v2 =	vadd.f32 v20, v2;
	v5 =	vadd.f32 v7, v5;
	v7 =	vmul.f32 v17, v30;
	v18 =	vld.idx.msk [tilespmem:v37+s29+$0x10 ss:$0x1], $0xffff  }
0x4f1: {  	v3 =	vadd.f32 v46, v3;
	v20 =	vadd.f32 v45, v49;
	v19 =	vmul.f32 v26, v30;
	v17 =	vld.idx.msk [tilespmem:v37+s29+$0x20 ss:$0x1], $0xffff  }
0x4f2: {  	v2 =	vadd.f32 v11, v2;
	v5 =	vadd.f32 v7, v5;
	v7 =	vmul.f32 v48, v31;
	v11 =	vld.idx.msk [tilespmem:v37+s29+$0x70 ss:$0x1], $0xffff  }
0x4f3: {  	v6 =	vadd.f32 v47, v6;
	v12 =	vadd.f32 v19, v12;
	v25 =	vmul.f32 v50, v30;
	v19 =	vld.idx.msk [tilespmem:v37+s29+$0x30 ss:$0x1], $0xffff  }
0x4f4: {  	v2 =	vsub.f32 v4, v2;
	v4 =	vadd.f32 v7, v5;
	v5 =	vmul.f32 v41, v30;
	v7 =	vld.idx.msk [tilespmem:v37+s29+$0x60 ss:$0x1], $0xffff  }
0x4f5: {  	v9 =	vadd.f32 v9, v12;
	v12 =	vadd.f32 v25, v13;
	v13 =	vmul.f32 v14, v31;
	v14 =	vld.idx.msk [tilespmem:v37+s29+$0x40 ss:$0x1], $0xffff  }
0x4f6: {  	v2 =	vand.u32 $0x7FFFFFFF, v2;
	v4 =	vsub.f32 v18, v4;
	v5 =	vadd.f32 v5, v8;
	v8 =	vld.idx.msk [tilespmem:v37+s29+$0x50 ss:$0x1], $0xffff;
	s29 =	sshra.s32 s1, $0x2  }
0x4f7: {  	s30 =	sadd.s32 $0x8, s30;
	vm0 =	vgt.f32 v2, v43;
	v9 =	vsub.f32 v17, v9;
	v12 =	vadd.f32 v13, v12;
	v18 =	vld.idx.msk [tilespmem:v32+s29+$0x60F0 ss:$0x1], $0xffff  }
0x4f8: {  	v2 =	vsel vm0, v2, v43;
	v17 =	vsel vm0, s30, v40;
	v4 =	vand.u32 $0x7FFFFFFF, v4;
	v13 =	vld.idx.msk [tilespmem:v32+s29+$0x60E0 ss:$0x1], $0xffff  }
0x4f9: {  	s2 =	sadd.s32 $0x1, s30;
	v5 =	vadd.f32 v44, v5;
	vm0 =	vgt.f32 v4, v2;
	v12 =	vsub.f32 v19, v12;
	v25 =	vld.idx.msk [tilespmem:v32+s29+$0x40F0 ss:$0x1], $0xffff  }
0x4fa: {  	v9 =	vand.u32 $0x7FFFFFFF, v9;
	v2 =	vsel vm0, v4, v2;
	v4 =	vsel vm0, s2, v17;
	v19 =	vld.idx.msk [tilespmem:v32+s29+$0x60D0 ss:$0x1], $0xffff  }
0x4fb: {  	v6 =	vadd.f32 v42, v6;
	s2 =	sadd.s32 $0x2, s30;
	vm0 =	vgt.f32 v9, v2;
	v5 =	vsub.f32 v14, v5;
	v17 =	vld.idx.msk [tilespmem:v32+s29+$0x40E0 ss:$0x1], $0xffff  }
0x4fc: {  	v2 =	vsel vm0, v9, v2;
	v4 =	vsel vm0, s2, v4;
	v9 =	vand.u32 $0x7FFFFFFF, v12;
	v14 =	vld.idx.msk [tilespmem:v32+s29+$0xF0 ss:$0x1], $0xffff  }
0x4fd: {  	v3 =	vadd.f32 v39, v3;
	s2 =	sadd.s32 $0x3, s30;
	v6 =	vsub.f32 v8, v6;
	vm0 =	vgt.f32 v9, v2;
	v12 =	vld.idx.msk [tilespmem:v32+s29+$0x20F0 ss:$0x1], $0xffff  }
0x4fe: {  	v5 =	vand.u32 $0x7FFFFFFF, v5;
	v2 =	vsel vm0, v9, v2;
	v4 =	vsel vm0, s2, v4;
	v8 =	vld.idx.msk [tilespmem:v32+s29+$0x60C0 ss:$0x1], $0xffff  }
0x4ff: {  	v3 =	vsub.f32 v7, v3;
	v7 =	vadd.f32 v38, v20;
	s2 =	sadd.s32 $0x4, s30;
	vm0 =	vgt.f32 v5, v2;
	v9 =	vld.idx.msk [tilespmem:v32+s29+$0x40D0 ss:$0x1], $0xffff  }
0x500: {  	v2 =	vsel vm0, v5, v2;
	v4 =	vsel vm0, s2, v4;
	v5 =	vand.u32 $0x7FFFFFFF, v6;
	v49 =	vld.idx.msk [tilespmem:v32+s29+$0xE0 ss:$0x1], $0xffff  }
0x501: {  	s2 =	sadd.s32 $0x5, s30;
	v6 =	vsub.f32 v11, v7;
	vm0 =	vgt.f32 v5, v2;
	v52 =	vld.idx.msk [tilespmem:v32+s29+$0x20E0 ss:$0x1], $0xffff  }
0x502: {  	v3 =	vand.u32 $0x7FFFFFFF, v3;
	v2 =	vsel vm0, v5, v2;
	v4 =	vsel vm0, s2, v4;
	v41 =	vld.idx.msk [tilespmem:v32+s29+$0x40C0 ss:$0x1], $0xffff  }
0x503: {  	s2 =	sadd.s32 $0x6, s30;
	vm0 =	vgt.f32 v3, v2;
	v53 =	vld.idx.msk [tilespmem:v32+s29+$0xD0 ss:$0x1], $0xffff  }
0x504: {  	v2 =	vsel vm0, v3, v2;
	v3 =	vsel vm0, s2, v4;
	v4 =	vand.u32 $0x7FFFFFFF, v6;
	v54 =	vld.idx.msk [tilespmem:v32+s29+$0x20D0 ss:$0x1], $0xffff  }
0x505: {  	s2 =	sadd.s32 $0x7, s30;
	vm0 =	vgt.f32 v4, v2;
	v48 =	vld.idx.msk [tilespmem:v32+s29+$0x60A0 ss:$0x1], $0xffff  }
0x506: {  	v43 =	vsel vm0, v4, v2;
	v40 =	vsel vm0, s2, v3;
	v55 =	vld.idx.msk [tilespmem:v32+s29+$0xC0 ss:$0x1], $0xffff  }
0x507: {  	v56 =	vld.idx.msk [tilespmem:v32+s29+$0x20C0 ss:$0x1], $0xffff  }
0x508: {  	v58 =	vld.idx.msk [tilespmem:v32+s29+$0xB0 ss:$0x1], $0xffff  }
.Ltmp13:
0x509: {  	v38 =	vmul.f32 v18, v31;
	v57 =	vld.idx.msk [tilespmem:v32+s29+$0x20B0 ss:$0x1], $0xffff;
	(pc) =	sbr.rel @p1 .LBB2_30-.Ltmp13, $4  }
0x50a: {  	v39 =	vmul.f32 v13, v31;
	v45 =	vmul.f32 v25, v30;
	v60 =	vld.idx.msk [tilespmem:v32+s29+$0xA0 ss:$0x1], $0xffff  }
0x50b: {  	v42 =	vmul.f32 v19, v31;
	v46 =	vmul.f32 v17, v30;
	v59 =	vld.idx.msk [tilespmem:v32+s29+$0x20A0 ss:$0x1], $0xffff  }
0x50c: {  	v50 =	vmul.f32 v14, v33;
	v51 =	vmul.f32 v12, v34;
	v61 =	vld.idx.msk [tilespmem:v32+s29+$0x4080 ss:$0x1], $0xffff  }
0x50d: {  	s1 =	sadd.s32 $0x1000, s1;
	v44 =	vmul.f32 v8, v31;
	v47 =	vmul.f32 v9, v30;
	v62 =	vld.idx.msk [tilespmem:v32+s29+$0x80 ss:$0x1], $0xffff  }
0x50e: {  	_ =	sdelay $0x3  }
0x50f: {  	v2 =	vld.idx.msk [tilespmem:v32+s29+$0x2080 ss:$0x1], $0xffff;
	v3 =	vmul.f32 v49, v33  }
0x510: {  	v4 =	vmul.f32 v52, v34;
	v5 =	vld.idx.msk [tilespmem:v32+s29+$0x90 ss:$0x1], $0xffff;
	v6 =	vmul.f32 v53, v33  }
0x511: {  	v7 =	vmul.f32 v54, v34;
	v8 =	vld.idx.msk [tilespmem:v32+s29+$0x2090 ss:$0x1], $0xffff;
	v9 =	vmul.f32 v55, v33  }
0x512: {  	v11 =	vld.idx.msk [tilespmem:v32+s29+$0x6080 ss:$0x1], $0xffff;
	v12 =	vmul.f32 v58, v33;
	v13 =	vmul.f32 v56, v34  }
0x513: {  	v14 =	vld.idx.msk [tilespmem:v32+s29+$0x4090 ss:$0x1], $0xffff;
	v18 =	vmul.f32 v57, v34;
	v53 =	vmul.f32 v41, v30  }
0x514: {  	v19 =	vld.idx.msk [tilespmem:v32+s29+$0x40A0 ss:$0x1], $0xffff;
	v20 =	vmul.f32 v62, v33;
	v2 =	vmul.f32 v2, v34  }
0x515: {  	v27 =	vld.idx.msk [tilespmem:v32+s29+$0x6090 ss:$0x1], $0xffff;
	v17 =	vmul.f32 v60, v33;
	v25 =	vmul.f32 v61, v30  }
0x516: {  	v62 =	vld.idx.msk [tilespmem:v32+s29+$0x40B0 ss:$0x1], $0xffff;
	v5 =	vmul.f32 v5, v33;
	v8 =	vmul.f32 v8, v34;
	v2 =	vadd.f32 v2, v20  }
0x517: {  	v63 =	vld.idx.msk [tilespmem:v37+s29+$0x0 ss:$0x1], $0xffff;
	v26 =	vmul.f32 v59, v34;
	v6 =	vadd.f32 v7, v6;
	v34 =	vmul.f32 v11, v31  }
0x518: {  	v11 =	vld.idx.msk [tilespmem:v32+s29+$0x60B0 ss:$0x1], $0xffff;
	v5 =	vadd.f32 v8, v5;
	v8 =	vmul.f32 v14, v30;
	v2 =	vadd.f32 v25, v2  }
0x519: {  	v9 =	vadd.f32 v13, v9;
	v13 =	vadd.f32 v26, v17;
	v17 =	vmul.f32 v19, v30;
	v14 =	vld.idx.msk [tilespmem:v37+s29+$0x10 ss:$0x1], $0xffff  }
0x51a: {  	v49 =	vmul.f32 v27, v31;
	v5 =	vadd.f32 v8, v5;
	v2 =	vadd.f32 v34, v2  }
0x51b: {  	v13 =	vadd.f32 v17, v13;
	v8 =	vadd.f32 v18, v12;
	v12 =	vld.idx.msk [tilespmem:v37+s29+$0x20 ss:$0x1], $0xffff;
	v17 =	vmul.f32 v62, v30  }
0x51c: {  	v18 =	vmul.f32 v48, v31;
	v52 =	vadd.f32 v49, v5;
	v2 =	vsub.f32 v63, v2  }
0x51d: {  	v3 =	vadd.f32 v4, v3;
	v19 =	vld.idx.msk [tilespmem:v37+s29+$0x30 ss:$0x1], $0xffff;
	v54 =	vadd.f32 v17, v8;
	v8 =	vmul.f32 v11, v31  }
0x51e: {  	v11 =	vadd.f32 v18, v13;
	v4 =	vsub.f32 v14, v52;
	v2 =	vand.u32 $0x7FFFFFFF, v2  }
0x51f: {  	v13 =	vld.idx.msk [tilespmem:v37+s29+$0x40 ss:$0x1], $0xffff;
	v5 =	vadd.f32 v53, v9;
	v7 =	vadd.f32 v8, v54;
	vm0 =	vgt.f32 v2, v43  }
0x520: {  	v9 =	vsub.f32 v12, v11;
	v4 =	vand.u32 $0x7FFFFFFF, v4;
	v2 =	vsel vm0, v2, v43  }
0x521: {  	v6 =	vadd.f32 v47, v6;
	v8 =	vld.idx.msk [tilespmem:v37+s29+$0x50 ss:$0x1], $0xffff;
	v5 =	vadd.f32 v44, v5;
	vm1 =	vgt.f32 v4, v2  }
0x522: {  	v7 =	vsub.f32 v19, v7;
	v55 =	vand.u32 $0x7FFFFFFF, v9;
	v2 =	vsel vm1, v4, v2  }
0x523: {  	v3 =	vadd.f32 v46, v3;
	v6 =	vadd.f32 v42, v6;
	v9 =	vld.idx.msk [tilespmem:v37+s29+$0x60 ss:$0x1], $0xffff;
	vm2 =	vgt.f32 v55, v2  }
0x524: {  	(xrf0) =	vmax.scan.msk.f32 $0xffff, v35;
	v5 =	vsub.f32 v13, v5;
	v56 =	vand.u32 $0x7FFFFFFF, v7;
	v2 =	vsel vm2, v55, v2  }
0x525: {  	v57 =	vadd.f32 v51, v50;
	v3 =	vadd.f32 v39, v3;
	vm3 =	vgt.f32 v56, v2  }
0x526: {  	v6 =	vsub.f32 v8, v6;
	v8 =	vld.idx.msk [tilespmem:v37+s29+$0x70 ss:$0x1], $0xffff;
	v58 =	vand.u32 $0x7FFFFFFF, v5;
	v2 =	vsel vm3, v56, v2  }
0x527: {  	v59 =	vadd.f32 v45, v57;
	vm4 =	vgt.f32 v58, v2  }
0x528: {  	v60 =	vand.u32 $0x7FFFFFFF, v6;
	v3 =	vsub.f32 v9, v3;
	v2 =	vsel vm4, v58, v2  }
0x529: {  	v5 =	vadd.f32 v38, v59;
	vm5 =	vgt.f32 v60, v2  }
0x52a: {  	v61, _, _ =	vpop (xrf0);
	v3 =	vand.u32 $0x7FFFFFFF, v3;
	v2 =	vsel vm5, v60, v2  }
0x52b: {  	v4 =	vbroadcast v61, $0xF;
	v5 =	vsub.f32 v8, v5;
	vm6 =	vgt.f32 v3, v2  }
0x52c: {  	v2 =	vsel vm6, v3, v2;
	v3 =	vshll.u32 v36, $0x4  }
0x52d: {  	vm7 =	veq.f32 v35, v4;
	v5 =	vand.u32 $0x7FFFFFFF, v5;
	v3 =	vxor.u32 v1, v3  }
0x52e: {  	vm12 =	vgt.f32 v5, v2;
	v3 =	vnsel vm7, $0x80000200, v3  }
0x52f: {  	s1 =	sadd.s32 $0x8, s30;
	v2 =	vsel vm12, v5, v2;
	(xrf0) =	vmin.scan.msk.u32 $0xffff, v3  }
0x530: {  	s2 =	sadd.s32 $0x1, s1;
	v3 =	vsel vm0, s1, v40;
	(xrf0) =	vmax.scan.msk.f32 $0xffff, v2  }
0x531: {  	s30 =	sadd.s32 $0x2, s1;
	v3 =	vsel vm1, s2, v3  }
0x532: {  	s31 =	sadd.s32 $0x3, s1;
	v3 =	vsel vm2, s30, v3  }
0x533: {  	s5 =	sadd.s32 $0x4, s1;
	v3 =	vsel vm3, s31, v3  }
0x534: {  	s6 =	sadd.s32 $0x5, s1;
	v3 =	vsel vm4, s5, v3  }
0x535: {  	s7 =	sadd.s32 $0x6, s1;
	v3 =	vsel vm5, s6, v3;
	v62, _, _ =	vpop (xrf0)  }
0x536: {  	s1 =	sadd.s32 $0x7, s1;
	v3 =	vsel vm6, s7, v3;
	v63, _, _ =	vpop (xrf0)  }
0x537: {  	v3 =	vsel vm12, s1, v3;
	v5 =	vbroadcast v63, $0xF  }
0x538: {  	v3 =	vshll.u32 v3, $0x4  }
0x539: {  	vm13 =	veq.f32 v2, v5;
	v2 =	vxor.u32 v1, v3  }
0x53a: {  	v2 =	vnsel vm13, $0x80000200, v2  }
0x53b: {  	(xrf0) =	vmin.scan.msk.u32 $0xffff, v2;
	_ =	sdelay $0x5  }
0x53c: {  	(v2sf) =	vpush v62, $0xF;
	v2, _, _ =	vpop (xrf0)  }
0x53d: {  	(v2sf) =	vpush v2, $0xF;
	_ =	sdelay $0xb  }
0x53e: {  	p1 =	slt.u32 s26, $0xE  }
.Ltmp14:
0x53f: {  	_ = 	snop;
	(pc) =	sbr.rel @p1 .LBB2_27-.Ltmp14, $4  }
0x540: {  	v2 =	vmov s26;
	s12 =	spop (v2sf)  }
0x541: {  	vm14 =	veq.s32 v2, v0;
	v2 =	vmov s28;
	s1 =	sxor.u32 $0x80000000, s12;
	s29 =	spop (v2sf)  }
0x542: {  	s25 =	sadd.s32 $0x400, s25;
	s31 =	sadd.s32 $0x2, s26;
	vm15 =	veq.s32 v2, v0;
	v3 =	vsel vm14, s1, v28;
	s30 =	sxor.u32 $0x80000000, s29  }
0x543: {  	s24 =	sadd.s32 $0x1, s24;
	s23 =	sadd.s32 $0x2, s23;
	s26 =	smov.u32 s31;
	v28 =	vsel vm15, s30, v3  }
0x544: {  	v4 =	vld [tilespmem:$0x1FED0];
	_ =	sdelay $0x1  }
0x545: {  	v58 =	vld [tilespmem:$0x1FFC0]  }
0x546: {  	v2 =	vshll.u32 v28, $0x3;
	v59 =	vld [tilespmem:$0x1FFD0]  }
0x547: {  	v2 =	vand.u32 $0xFFFFFC00, v2  }
0x548: {  	v3 =	vand.u32 $0x7F, v28;
	v60 =	vld [tilespmem:$0x1FFE0];
	v4 =	vadd.s32 v4, v2  }
0x549: {  	v4 =	vor.u32 v3, v4  }
0x54a: {  	v2 =	vor.u32 v3, v2;
	v4 =	vor.u32 v58, v4  }
0x54b: {  	v3 =	vadd.s32 v59, v2;
	_ =	sdelay $0x1  }
0x54c: {  	v5 =	vadd.s32 v60, v2  }
0x54d: {  	s1 =	sor.u32 $0xE200, s16;
	v61 =	vld [tilespmem:$0x1FFF0]  }
0x54e: {  	v4 =	vld.idx.msk [tilespmem:v4+s3+$0x0], $0xffff;
	[tilespmem:s1+$0x0] =	vst v28  }
0x54f: {  	v3 =	vld.idx.msk [tilespmem:v3+s11+$0x0], $0xffff;
	_ =	sdelay $0x1  }
0x550: {  	v5 =	vld.idx.msk [tilespmem:v5+s11+$0x0], $0xffff  }
0x551: {  	v32 =	vld [tilespmem:$0x1FFB0];
	v6 =	vadd.s32 v61, v2  }
0x552: {  	v33 =	vld [tilespmem:$0x1FEE0]  }
0x553: {  	v7 =	vmul.f32 v3, v10  }
0x554: {  	v9 =	vld [tilespmem:$0x1FF00]  }
0x555: {  	v5 =	vsub.f32 v5, v7  }
0x556: {  	v6 =	vld.idx.msk [tilespmem:v6+s11+$0x0], $0xffff  }
0x557: {  	v2 =	vadd.s32 v32, v2;
	v5 =	vmul.f32 v5, v33;
	_ =	sdelay $0x1  }
0x558: {  	v34 =	vmul.f32 v3, v15;
	v8 =	vmul.f32 v5, v9  }
0x559: {  	v36 =	vld [tilespmem:$0x1FEF0]  }
0x55a: {  	v11 =	vld [tilespmem:$0x1FF10];
	v6 =	vsub.f32 v6, v34;
	v35 =	vmul.f32 v8, v16  }
0x55b: {  	v2 =	vld.idx.msk [tilespmem:v2+s11+$0x0], $0xffff  }
0x55c: {  	v6 =	vsub.f32 v6, v35;
	_ =	sdelay $0x1  }
0x55d: {  	v37 =	vmul.f32 v3, v21;
	v6 =	vmul.f32 v6, v36;
	_ =	sdelay $0x1  }
0x55e: {  	v2 =	vsub.f32 v2, v37;
	v38 =	vmul.f32 v8, v22;
	v39 =	vmul.f32 v6, v11  }
0x55f: {  	v42 =	vld [tilespmem:$0x1FF60]  }
0x560: {  	v2 =	vsub.f32 v2, v38;
	v40 =	vmul.f32 v39, v23  }
0x561: {  	v41 =	vmul.f32 v5, v5  }
0x562: {  	v2 =	vsub.f32 v2, v40  }
0x563: {  	v47 =	vld [tilespmem:$0x1FF20];
	v43 =	vmul.f32 v3, v3;
	v7 =	vmul.f32 v41, v9  }
0x564: {  	v44 =	vmul.f32 v6, v6;
	v2 =	vmul.f32 v2, v42;
	_ =	sdelay $0x1  }
0x565: {  	v7 =	vadd.f32 v7, v43;
	v45 =	vmul.f32 v44, v11;
	v46 =	vmul.f32 v2, v2;
	_ =	sdelay $0x1  }
0x566: {  	v7 =	vadd.f32 v45, v7;
	v8 =	vmul.f32 v46, v47;
	_ =	sdelay $0x1  }
0x567: {  	v48 =	vld [tilespmem:$0x1FF90];
	v7 =	vadd.f32 v8, v7;
	_ =	sdelay $0x1  }
0x568: {  	v50 =	vld [tilespmem:$0x1FF30];
	v7 =	vsub.f32 $1.000000000e+00, v7;
	_ =	sdelay $0x1  }
0x569: {  	v51 =	vld [tilespmem:$0x1FF40];
	v7 =	vmax.f32 v7, $9.999999960e-13  }
0x56a: {  	v49 =	vmul.f32 v3, v48;
	(erf) = vrcp.f32 v7  }
0x56b: {  	v52 =	vld [tilespmem:$0x1FF50]  }
0x56c: {  	v4 =	vsub.f32 v4, v49;
	v7 =	vmul.f32 v5, v50;
	_ =	sdelay $0x1  }
0x56d: {  	v4 =	vsub.f32 v4, v7;
	v7 =	vmul.f32 v6, v51;
	_ =	sdelay $0x1  }
0x56e: {  	v4 =	vsub.f32 v4, v7;
	v7 =	vmul.f32 v2, v52;
	_ =	sdelay $0x1  }
0x56f: {  	v4 =	vsub.f32 v4, v7  }
0x570: {  	v53 =	vpop (erf)  }
0x571: {  	v4 =	vmul.f32 v53, v4;
	_ =	sdelay $0x1  }
0x572: {  	v2 =	vmul.f32 v4, v2  }
0x573: {  	v55 =	vld [tilespmem:$0x1FF70]  }
0x574: {  	v2 =	vsub.f32 v24, v2;
	_ =	sdelay $0x1  }
0x575: {  	v54 =	vmul.f32 v2, v23;
	_ =	sdelay $0x1  }
0x576: {  	v6 =	vmul.f32 v4, v6;
	v7 =	vsub.f32 v55, v54  }
0x577: {  	v56 =	vld [tilespmem:$0x1FF80]  }
0x578: {  	v6 =	vsub.f32 v7, v6;
	_ =	sdelay $0x1  }
0x579: {  	v7 =	vmul.f32 v6, v16;
	_ =	sdelay $0x1  }
0x57a: {  	v57 =	vmul.f32 v2, v22;
	v7 =	vsub.f32 v56, v7;
	_ =	sdelay $0x1  }
0x57b: {  	v5 =	vmul.f32 v4, v5;
	v7 =	vsub.f32 v7, v57;
	_ =	sdelay $0x1  }
0x57c: {  	v5 =	vsub.f32 v7, v5;
	_ =	sdelay $0x1  }
0x57d: {  	v7 =	vmul.f32 v5, v10;
	_ =	sdelay $0x1  }
0x57e: {  	v62 =	vmul.f32 v6, v15;
	v7 =	vsub.f32 v48, v7;
	_ =	sdelay $0x1  }
0x57f: {  	v63 =	vmul.f32 v2, v21;
	v7 =	vsub.f32 v7, v62;
	_ =	sdelay $0x1  }
0x580: {  	v3 =	vmul.f32 v4, v3;
	v7 =	vsub.f32 v7, v63  }
0x581: {  	p1 =	sne.s32 s14, $0x20  }
.Ltmp15:
0x582: {  	[tilespmem:s22+$0xF000] =	vst v6;
	v3 =	vsub.f32 v7, v3;
	(pc) =	sbr.rel @p1 .LBB2_2-.Ltmp15, $4  }
0x583: {  	[tilespmem:s18+$0xF000] =	vst v5  }
0x584: {  	[tilespmem:s16+$0xF000] =	vst v3  }
0x585: {  	s31 =	sor.u32 $0xF200, s16;
	[tilespmem:s19+$0xF000] =	vst v2  }
0x586: {  	p0 =	por !p0, !p0;
	s16 =	smov.u32 s14;
	[tilespmem:s31+$0x0] =	vst v4  }
0x587: {  	s1 =	rddreg [dreg:$0x5];
	s2 =	simm.s32 $0xE000  }
0x588: {  	[hbm4b:s1+s3] =	stream.linear.scatter [tilespmem:s2], [sflag:$0x1], $0x1000, $0x38;
	[tilespmem:$0x10000] =	vst v63  }
0x589: {  	_ =	swait.ge [sflag:s8], $0x1000  }
0x58a: {  	[sflag:s8] =	ssyncset.done $0x0  }
0x58b: {  	s30 =	rddreg [dreg:$0x6];
	[sflag:s8] =	ssyncadd.s32 $0xFFFFF000  }
0x58c: {  	[hbm4b:s30+s3] =	stream.linear.scatter [tilespmem:s10], [sflag:$0x1], $0x1000, $0x38;
	[tilespmem:$0x10000] =	vst v63  }
0x58d: {  	_ =	swait.ge [sflag:s8], $0x1000  }
0x58e: {  	s13 =	sadd.s32 $0x1, s13;
	s31 =	rddreg [dreg:$0x7]  }
0x58f: {  	p0 =	sne.s32 s13, s31  }
.Ltmp16:
0x590: {  	_ = 	snop;
	(pc) =	sbr.rel @p0 .LBB2_1-.Ltmp16, $3  }
0x591: {  	_ =	sdelay $0x1  }
0x592: {  	[sflag:s8] =	ssyncset.done $0x0  }
0x593: {  	[sflag:s8] =	ssyncadd.s32 $0xFFFFF000  }
0x594: {  	_ =	sfence.sel $0x180000  }
0x595: {  	[bflag:$0x0] =	sbarrier.arrive $0xFFFF  }
0x596: {  	_ =	strace $0x90000047  }
0x597: {  	s0 =	stileid.u32;
	[bflag:$0x2] =	sbarrier.arrive $0xFFFF  }
0x598: {  	p0 =	sne.s32 s0, $0x0;
	s0 =	rddreg [dreg:$0x4]  }
0x599: {  	s0 =	sadd.s32 @!p0 $0x100000, s0  }
0x59a: {  	[sflag:s0] =	ssyncadd.tile.s32 @!p0 $0x1;
	_ =	shalt  }
.Lfunc_end2:
_tile_overlayer_lowered:
.L_overlay_start_2:
0x59b: {  	(tag) =	ssettag $0x2  }
0x59c: {  	s0 =	rddreg [dreg:$0x0];
	s2 =	stileid.u32  }
0x59d: {  	s1 =	rddreg [dreg:$0x1];
	p0 =	sne.s32 s2, $0x0  }
0x59e: {  	s3 =	rddreg [dreg:$0x2];
	[bflag:$0x3] =	sbarrier.arrive $0xFFFF;
	s2 =	simm.s32 @!p0 $0x1C03  }
0x59f: {  	[timem:s3], [sflag:s2] =	dma.local @!p0 [hbm:s0], s1  }
0x5a0: {  	s0 =	simm.s32 @!p0 $0x3  }
0x5a1: {  	_ =	swait.ge @!p0 [sflag:s0], s1  }
0x5a2: {  	s1 =	ssub.s32 @!p0 $0x0, s1;
	[sflag:s0] =	ssyncset.done @!p0 $0x0  }
0x5a3: {  	[sflag:s0] =	ssyncadd.s32 @!p0 s1  }
0x5a4: {  	[bflag:$0x3] =	sbarrier.arrive $0xFFFF  }
0x5a5: {  	_ =	shalt  }

</sc_bundles>
